<compile_context>
chip_gen: v7x
topology: tpu7x:2x2x1
jax: 0.10.2.dev20260603
libtpu: 0.0.44.dev20260713+nightly
codegen_flags: <defaults>
</compile_context>

<pallas_src>
import jax
import jax.numpy as jnp
from jax import lax
from jax.experimental import pallas as pl
from jax.experimental.pallas import tpu as pltpu
from jax.experimental.pallas import tpu_sc as plsc

_DIM = 64
_BW = 128
_LB = 8
_NW = 32
_NBLK = 25
_NTC = 7812
_HSTEPS = 123


def _repack_body(tt, tail, tbl2, inblk, stg, isem0, isem1, osem0, osem1,
                 dump):
    inblks = (inblk.at[0], inblk.at[1])
    stgs = (stg.at[0], stg.at[1])
    isems = (isem0, isem1)
    osems = (osem0, osem1)

    wid = lax.axis_index("s") * 2 + lax.axis_index("c")

    lane = lax.iota(jnp.int32, 16)
    rots = [lax.bitwise_and(lane + t, 15) for t in range(16)]
    lanehalf = lax.shift_right_logical(lane, 1)
    hvlane = lax.shift_left(lax.bitwise_and(lane, 1), 6)

    def fire_in_full(tc, buf):
        pltpu.async_copy(tt.at[:, pl.ds(tc * 128, 128)], inblks[buf],
                         isems[buf])

    def wait_in_full(buf):
        pltpu.make_async_copy(tt.at[:, pl.ds(0, 128)], inblks[buf],
                              isems[buf]).wait()

    def fire_out(tc, buf):
        pltpu.async_copy(stgs[buf], tbl2.at[pl.ds(tc * 64, 64)], osems[buf])

    def wait_out(buf):
        pltpu.make_async_copy(stgs[buf], dump, osems[buf]).wait()

    def pack(buf, nc0g_pow):
        def combo(i, carry):
            q16 = lax.shift_left(lax.shift_right_logical(i, nc0g_pow), 4)
            c0 = lax.shift_left(lax.bitwise_and(i, (1 << nc0g_pow) - 1), 4)
            cvec = c0 + lane
            rowv = lanehalf + lax.shift_right_logical(c0, 1)
            for t in range(16):
                dvec = q16 + rots[t]
                v = plsc.load_gather(inblks[buf], [dvec, cvec])
                plsc.store_scatter(stgs[buf], [rowv, hvlane + dvec], v)
            return carry
        lax.fori_loop(0, 4 << nc0g_pow, combo, 0)

    pltpu.async_copy(stgs[0], dump, osems[0])
    pltpu.async_copy(stgs[1], dump, osems[1])
    fire_in_full(wid, 0)

    def step(h, carry):
        for sub in range(2):
            j = 2 * h + sub
            buf = sub
            tcn = wid + 32 * (j + 1)
            tc = wid + 32 * j

            @pl.when(tcn < _NTC)
            def _():
                fire_in_full(tcn, 1 - buf)

            @pl.when(tc < _NTC)
            def _():
                wait_in_full(buf)
                wait_out(buf)
                pack(buf, 3)
                fire_out(tc, buf)
        return carry

    lax.fori_loop(0, _HSTEPS, step, 0)

    @pl.when(wid == 31)
    def _():
        pltpu.sync_copy(tail, inblks[0])
        wait_out(0)
        pack(0, 3)
        pltpu.async_copy(stgs[0], tbl2.at[pl.ds(_NTC * 64 - 32, 64)],
                         osems[0])

    wait_out(0)
    wait_out(1)


def _gather_body(tbl2, idx_hbm, out_hbm,
                 idxv, idx2v, hv64v, gbuf, sbuf, dump,
                 gsem0, gsem1, osem0, osem1):
    gbufs = (gbuf.at[0], gbuf.at[1])
    sbufs = (sbuf.at[0], sbuf.at[1])
    gsems = (gsem0, gsem1)
    osems = (osem0, osem1)

    wid = lax.axis_index("s") * 2 + lax.axis_index("c")
    b0 = wid * _BW

    lane = lax.iota(jnp.int32, 16)
    rots = [lax.bitwise_and(lane + t, 15) for t in range(16)]

    def load_idx_block(lb):
        pltpu.sync_copy(idx_hbm.at[pl.ds(lb * _LB, _LB), pl.ds(b0, _BW)], idxv)
        def prep(g, carry):
            r = g // 8
            c = (g % 8) * 16
            v = idxv[r, pl.ds(c, 16)]
            idx2v[r, pl.ds(c, 16)] = lax.shift_right_logical(v, 1)
            hv64v[r, pl.ds(c, 16)] = lax.shift_left(
                lax.bitwise_and(v, 1), 6)
            return carry
        lax.fori_loop(0, _LB * 8, prep, 0)

    def fire_gather(r, buf):
        pltpu.async_copy(tbl2.at[idx2v.at[r]], gbufs[buf], gsems[buf])

    def wait_gather(buf):
        pltpu.make_async_copy(tbl2.at[idx2v.at[0]], gbufs[buf],
                              gsems[buf]).wait()

    def fire_out(r, lb, buf):
        pltpu.async_copy(sbufs[buf],
                         out_hbm.at[lb * _LB + r, :, pl.ds(b0, _BW)],
                         osems[buf])

    def wait_out(buf):
        pltpu.make_async_copy(sbufs[buf], dump, osems[buf]).wait()

    def transpose_row(r, buf):
        def gk_step(i, carry):
            g16 = lax.shift_right_logical(i, 2) * 16
            k16 = lax.bitwise_and(i, 3) * 16
            rows = lane + g16
            hv = hv64v[r, pl.ds(g16, 16)]
            colbase = hv + k16
            for t in range(16):
                v = plsc.load_gather(gbufs[buf],
                                     [rows, colbase + rots[t]])
                plsc.store_scatter(sbufs[buf],
                                   [rots[t] + k16, rows], v)
            return carry

        lax.fori_loop(0, 32, gk_step, 0)

    pltpu.async_copy(sbufs[0], dump, osems[0])
    pltpu.async_copy(sbufs[1], dump, osems[1])

    def block(lb, carry):
        load_idx_block(lb)
        fire_gather(0, 0)
        fire_gather(1, 1)

        def two_rows(h, carry2):
            for sub in range(2):
                r = 2 * h + sub
                buf = sub
                wait_gather(buf)
                wait_out(buf)
                transpose_row(r, buf)
                fire_out(r, lb, buf)

                @pl.when(r + 2 < _LB)
                def _():
                    fire_gather(r + 2, buf)
            return carry2

        lax.fori_loop(0, _LB // 2, two_rows, 0)
        return carry

    lax.fori_loop(0, _NBLK, block, 0)
    wait_out(0)
    wait_out(1)


def kernel(inputs, table):
    seq, batch = inputs.shape
    vocab = table.shape[0]
    mesh = plsc.VectorSubcoreMesh(core_axis_name="c", subcore_axis_name="s")

    tt = jnp.transpose(table)
    tail = jnp.transpose(lax.slice(table, (vocab - 128, 0), (vocab, _DIM)))
    tbl2 = pl.kernel(
        _repack_body,
        out_type=jax.ShapeDtypeStruct((vocab // 2, 2 * _DIM), jnp.float32),
        mesh=mesh,
        compiler_params=pltpu.CompilerParams(needs_layout_passes=False),
        scratch_types=[
            pltpu.VMEM((2, _DIM, 128), jnp.float32),
            pltpu.VMEM((2, _DIM, 128), jnp.float32),
            pltpu.SemaphoreType.DMA,
            pltpu.SemaphoreType.DMA,
            pltpu.SemaphoreType.DMA,
            pltpu.SemaphoreType.DMA,
            pltpu.HBM((_DIM, 128), jnp.float32),
        ],
    )(tt, tail)

    out_t = pl.kernel(
        _gather_body,
        out_type=jax.ShapeDtypeStruct((seq, _DIM, batch), jnp.float32),
        mesh=mesh,
        compiler_params=pltpu.CompilerParams(needs_layout_passes=False),
        scratch_types=[
            pltpu.VMEM((_LB, _BW), jnp.int32),
            pltpu.VMEM((_LB, _BW), jnp.int32),
            pltpu.VMEM((_LB, _BW), jnp.int32),
            pltpu.VMEM((2, _BW, 2 * _DIM), jnp.float32),
            pltpu.VMEM((2, _DIM, _BW), jnp.float32),
            pltpu.HBM((_DIM, _BW), jnp.float32),
            pltpu.SemaphoreType.DMA,
            pltpu.SemaphoreType.DMA,
            pltpu.SemaphoreType.DMA,
            pltpu.SemaphoreType.DMA,
        ],
    )(tbl2, inputs)
    return out_t.transpose(0, 2, 1)

# --- scband reference (transcript-rebuilt; emitter-appended) ---
"""Pipeline reference for scband-embeddings-15753940041875 (READ-ONLY COPY).

The authoritative reference and input builder live on the scoring server;
editing this copy changes nothing except your own understanding.
"""

import jax, jax.numpy as jnp
import numpy as np

VOCAB = 1000000
DIM = 64
PAD = 0
L = 200
B = 4096

def setup_inputs(seed: int = 0) -> dict:
    key = jax.random.key(seed)
    k1, k2 = jax.random.split(key)
    inputs = jax.random.randint(k1, (L, B), 0, VOCAB, dtype=jnp.int32)
    table = jax.random.normal(k2, (VOCAB, DIM), dtype=jnp.float32)
    # nn.Embedding with padding_idx initializes that row to zero
    table = table.at[PAD].set(0.0)
    return {"inputs": inputs, "table": table}

def reference(inputs, table):
    # word lookup: [len, batch] -> [len, batch, embedding_size]
    emb = jnp.take(table, inputs, axis=0)
    # dropout in eval mode is identity
    return emb

if __name__ == "__main__":
    import jax
    _d = setup_inputs()
    print(jax.jit(kernel)(*tuple(_d.values())))

</pallas_src>

<mosaic_0001>
#map = affine_map<(d0, d1) -> (0, 0)>
module attributes {stable_mosaic.version = 14 : i64} {
  func.func @_repack_body(%arg0: i32, %arg1: i32, %arg2: memref<64x1000000xf32, #tpu.memory_space<hbm>>, %arg3: memref<64x128xf32, #tpu.memory_space<hbm>>, %arg4: memref<500000x128xf32, #tpu.memory_space<hbm>>, %arg5: memref<2x64x128xf32, #tpu.memory_space<vmem>>, %arg6: memref<2x64x128xf32, #tpu.memory_space<vmem>>, %arg7: memref<!tpu.dma_semaphore, #tpu.memory_space<semaphore_mem>>, %arg8: memref<!tpu.dma_semaphore, #tpu.memory_space<semaphore_mem>>, %arg9: memref<!tpu.dma_semaphore, #tpu.memory_space<semaphore_mem>>, %arg10: memref<!tpu.dma_semaphore, #tpu.memory_space<semaphore_mem>>, %arg11: memref<64x128xf32, #tpu.memory_space<hbm>>) attributes {dimension_semantics = [#tpu.dimension_semantics<core_parallel>, #tpu.dimension_semantics<subcore_parallel>], iteration_bounds = array<i64: 2, 16>, scalar_prefetch = 0 : i64, scratch_operands = 7 : i64, tpu.core_type = #tpu.core_type<sc_vector_subcore>, window_params = [{transform_indices = #map}, {transform_indices = #map}, {transform_indices = #map}]} {
    %mul3A = arith.constant 2 : i32
    %mul3A_0 = arith.muli %arg1, %mul3A : i32
    %add3A = arith.addi %mul3A_0, %arg0 : i32
    %iota3A = tpu.iota {dimensions = array<i32: 0>} : vector<16xi32>
    %add3A_1 = arith.constant 0 : i32
    %add3A_2 = vector.broadcast %add3A_1 : i32 to vector<16xi32>
    %add3A_3 = arith.addi %iota3A, %add3A_2 : vector<16xi32>
    %and3A = arith.constant 15 : i32
    %and3A_4 = vector.broadcast %and3A : i32 to vector<16xi32>
    %and3A_5 = arith.andi %add3A_3, %and3A_4 : vector<16xi32>
    %add3A_6 = arith.constant 1 : i32
    %add3A_7 = vector.broadcast %add3A_6 : i32 to vector<16xi32>
    %add3A_8 = arith.addi %iota3A, %add3A_7 : vector<16xi32>
    %and3A_9 = arith.constant 15 : i32
    %and3A_10 = vector.broadcast %and3A_9 : i32 to vector<16xi32>
    %and3A_11 = arith.andi %add3A_8, %and3A_10 : vector<16xi32>
    %add3A_12 = arith.constant 2 : i32
    %add3A_13 = vector.broadcast %add3A_12 : i32 to vector<16xi32>
    %add3A_14 = arith.addi %iota3A, %add3A_13 : vector<16xi32>
    %and3A_15 = arith.constant 15 : i32
    %and3A_16 = vector.broadcast %and3A_15 : i32 to vector<16xi32>
    %and3A_17 = arith.andi %add3A_14, %and3A_16 : vector<16xi32>
    %add3A_18 = arith.constant 3 : i32
    %add3A_19 = vector.broadcast %add3A_18 : i32 to vector<16xi32>
    %add3A_20 = arith.addi %iota3A, %add3A_19 : vector<16xi32>
    %and3A_21 = arith.constant 15 : i32
    %and3A_22 = vector.broadcast %and3A_21 : i32 to vector<16xi32>
    %and3A_23 = arith.andi %add3A_20, %and3A_22 : vector<16xi32>
    %add3A_24 = arith.constant 4 : i32
    %add3A_25 = vector.broadcast %add3A_24 : i32 to vector<16xi32>
    %add3A_26 = arith.addi %iota3A, %add3A_25 : vector<16xi32>
    %and3A_27 = arith.constant 15 : i32
    %and3A_28 = vector.broadcast %and3A_27 : i32 to vector<16xi32>
    %and3A_29 = arith.andi %add3A_26, %and3A_28 : vector<16xi32>
    %add3A_30 = arith.constant 5 : i32
    %add3A_31 = vector.broadcast %add3A_30 : i32 to vector<16xi32>
    %add3A_32 = arith.addi %iota3A, %add3A_31 : vector<16xi32>
    %and3A_33 = arith.constant 15 : i32
    %and3A_34 = vector.broadcast %and3A_33 : i32 to vector<16xi32>
    %and3A_35 = arith.andi %add3A_32, %and3A_34 : vector<16xi32>
    %add3A_36 = arith.constant 6 : i32
    %add3A_37 = vector.broadcast %add3A_36 : i32 to vector<16xi32>
    %add3A_38 = arith.addi %iota3A, %add3A_37 : vector<16xi32>
    %and3A_39 = arith.constant 15 : i32
    %and3A_40 = vector.broadcast %and3A_39 : i32 to vector<16xi32>
    %and3A_41 = arith.andi %add3A_38, %and3A_40 : vector<16xi32>
    %add3A_42 = arith.constant 7 : i32
    %add3A_43 = vector.broadcast %add3A_42 : i32 to vector<16xi32>
    %add3A_44 = arith.addi %iota3A, %add3A_43 : vector<16xi32>
    %and3A_45 = arith.constant 15 : i32
    %and3A_46 = vector.broadcast %and3A_45 : i32 to vector<16xi32>
    %and3A_47 = arith.andi %add3A_44, %and3A_46 : vector<16xi32>
    %add3A_48 = arith.constant 8 : i32
    %add3A_49 = vector.broadcast %add3A_48 : i32 to vector<16xi32>
    %add3A_50 = arith.addi %iota3A, %add3A_49 : vector<16xi32>
    %and3A_51 = arith.constant 15 : i32
    %and3A_52 = vector.broadcast %and3A_51 : i32 to vector<16xi32>
    %and3A_53 = arith.andi %add3A_50, %and3A_52 : vector<16xi32>
    %add3A_54 = arith.constant 9 : i32
    %add3A_55 = vector.broadcast %add3A_54 : i32 to vector<16xi32>
    %add3A_56 = arith.addi %iota3A, %add3A_55 : vector<16xi32>
    %and3A_57 = arith.constant 15 : i32
    %and3A_58 = vector.broadcast %and3A_57 : i32 to vector<16xi32>
    %and3A_59 = arith.andi %add3A_56, %and3A_58 : vector<16xi32>
    %add3A_60 = arith.constant 10 : i32
    %add3A_61 = vector.broadcast %add3A_60 : i32 to vector<16xi32>
    %add3A_62 = arith.addi %iota3A, %add3A_61 : vector<16xi32>
    %and3A_63 = arith.constant 15 : i32
    %and3A_64 = vector.broadcast %and3A_63 : i32 to vector<16xi32>
    %and3A_65 = arith.andi %add3A_62, %and3A_64 : vector<16xi32>
    %add3A_66 = arith.constant 11 : i32
    %add3A_67 = vector.broadcast %add3A_66 : i32 to vector<16xi32>
    %add3A_68 = arith.addi %iota3A, %add3A_67 : vector<16xi32>
    %and3A_69 = arith.constant 15 : i32
    %and3A_70 = vector.broadcast %and3A_69 : i32 to vector<16xi32>
    %and3A_71 = arith.andi %add3A_68, %and3A_70 : vector<16xi32>
    %add3A_72 = arith.constant 12 : i32
    %add3A_73 = vector.broadcast %add3A_72 : i32 to vector<16xi32>
    %add3A_74 = arith.addi %iota3A, %add3A_73 : vector<16xi32>
    %and3A_75 = arith.constant 15 : i32
    %and3A_76 = vector.broadcast %and3A_75 : i32 to vector<16xi32>
    %and3A_77 = arith.andi %add3A_74, %and3A_76 : vector<16xi32>
    %add3A_78 = arith.constant 13 : i32
    %add3A_79 = vector.broadcast %add3A_78 : i32 to vector<16xi32>
    %add3A_80 = arith.addi %iota3A, %add3A_79 : vector<16xi32>
    %and3A_81 = arith.constant 15 : i32
    %and3A_82 = vector.broadcast %and3A_81 : i32 to vector<16xi32>
    %and3A_83 = arith.andi %add3A_80, %and3A_82 : vector<16xi32>
    %add3A_84 = arith.constant 14 : i32
    %add3A_85 = vector.broadcast %add3A_84 : i32 to vector<16xi32>
    %add3A_86 = arith.addi %iota3A, %add3A_85 : vector<16xi32>
    %and3A_87 = arith.constant 15 : i32
    %and3A_88 = vector.broadcast %and3A_87 : i32 to vector<16xi32>
    %and3A_89 = arith.andi %add3A_86, %and3A_88 : vector<16xi32>
    %add3A_90 = arith.constant 15 : i32
    %add3A_91 = vector.broadcast %add3A_90 : i32 to vector<16xi32>
    %add3A_92 = arith.addi %iota3A, %add3A_91 : vector<16xi32>
    %and3A_93 = arith.constant 15 : i32
    %and3A_94 = vector.broadcast %and3A_93 : i32 to vector<16xi32>
    %and3A_95 = arith.andi %add3A_92, %and3A_94 : vector<16xi32>
    %shift_right_logical3A = arith.constant 1 : i32
    %shift_right_logical3A_96 = vector.broadcast %shift_right_logical3A : i32 to vector<16xi32>
    %shift_right_logical3A_97 = arith.shrui %iota3A, %shift_right_logical3A_96 : vector<16xi32>
    %and3A_98 = arith.constant 1 : i32
    %and3A_99 = vector.broadcast %and3A_98 : i32 to vector<16xi32>
    %and3A_100 = arith.andi %iota3A, %and3A_99 : vector<16xi32>
    %shift_left3A = arith.constant 6 : i32
    %shift_left3A_101 = vector.broadcast %shift_left3A : i32 to vector<16xi32>
    %shift_left3A_102 = arith.shli %and3A_100, %shift_left3A_101 : vector<16xi32>
    %dma_start3A = arith.constant 0 : i32
    %dma_start3A_103 = arith.constant 0 : i32
    %dma_start3A_104 = arith.constant 0 : i32
    %dma_start3A_105 = tpu.memref_slice %arg6[%dma_start3A, %dma_start3A_103, %dma_start3A_104] : memref<2x64x128xf32, #tpu.memory_space<vmem>> -> memref<1x64x128xf32, #tpu.memory_space<vmem>>
    %dma_start3A_106 = tpu.memref_squeeze %dma_start3A_105 : memref<1x64x128xf32, #tpu.memory_space<vmem>> -> memref<64x128xf32, #tpu.memory_space<vmem>>
    %dma_start3A_107 = arith.constant 0 : i32
    %dma_start3A_108 = arith.constant 0 : i32
    %dma_start3A_109 = tpu.memref_slice %arg6[%dma_start3A, %dma_start3A_107, %dma_start3A_108] : memref<2x64x128xf32, #tpu.memory_space<vmem>> -> memref<1x64x128xf32, #tpu.memory_space<vmem>>
    %dma_start3A_110 = tpu.memref_squeeze %dma_start3A_109 : memref<1x64x128xf32, #tpu.memory_space<vmem>> -> memref<64x128xf32, #tpu.memory_space<vmem>>
    tpu.enqueue_dma source(%dma_start3A_110 : memref<64x128xf32, #tpu.memory_space<vmem>>) target(%arg11 : memref<64x128xf32, #tpu.memory_space<hbm>>) target_semaphore(%arg9 : memref<!tpu.dma_semaphore, #tpu.memory_space<semaphore_mem>>)
    %dma_start3A_111 = arith.constant 1 : i32
    %dma_start3A_112 = arith.constant 0 : i32
    %dma_start3A_113 = arith.constant 0 : i32
    %dma_start3A_114 = tpu.memref_slice %arg6[%dma_start3A_111, %dma_start3A_112, %dma_start3A_113] : memref<2x64x128xf32, #tpu.memory_space<vmem>> -> memref<1x64x128xf32, #tpu.memory_space<vmem>>
    %dma_start3A_115 = tpu.memref_squeeze %dma_start3A_114 : memref<1x64x128xf32, #tpu.memory_space<vmem>> -> memref<64x128xf32, #tpu.memory_space<vmem>>
    %dma_start3A_116 = arith.constant 0 : i32
    %dma_start3A_117 = arith.constant 0 : i32
    %dma_start3A_118 = tpu.memref_slice %arg6[%dma_start3A_111, %dma_start3A_116, %dma_start3A_117] : memref<2x64x128xf32, #tpu.memory_space<vmem>> -> memref<1x64x128xf32, #tpu.memory_space<vmem>>
    %dma_start3A_119 = tpu.memref_squeeze %dma_start3A_118 : memref<1x64x128xf32, #tpu.memory_space<vmem>> -> memref<64x128xf32, #tpu.memory_space<vmem>>
    tpu.enqueue_dma source(%dma_start3A_119 : memref<64x128xf32, #tpu.memory_space<vmem>>) target(%arg11 : memref<64x128xf32, #tpu.memory_space<hbm>>) target_semaphore(%arg10 : memref<!tpu.dma_semaphore, #tpu.memory_space<semaphore_mem>>)
    %mul3A_120 = arith.constant 128 : i32
    %mul3A_121 = arith.muli %add3A, %mul3A_120 : i32
    %dma_start3A_122 = arith.constant 0 : i32
    %dma_start3A_123 = arith.constant 0 : i32
    %dma_start3A_124 = arith.constant 0 : i32
    %dma_start3A_125 = tpu.memref_slice %arg5[%dma_start3A_122, %dma_start3A_123, %dma_start3A_124] : memref<2x64x128xf32, #tpu.memory_space<vmem>> -> memref<1x64x128xf32, #tpu.memory_space<vmem>>
    %dma_start3A_126 = tpu.memref_squeeze %dma_start3A_125 : memref<1x64x128xf32, #tpu.memory_space<vmem>> -> memref<64x128xf32, #tpu.memory_space<vmem>>
    %dma_start3A_127 = arith.constant 0 : i32
    %dma_start3A_128 = tpu.memref_slice %arg2[%dma_start3A_127, %mul3A_121] : memref<64x1000000xf32, #tpu.memory_space<hbm>> -> memref<64x128xf32, #tpu.memory_space<hbm>>
    %dma_start3A_129 = arith.constant 0 : i32
    %dma_start3A_130 = arith.constant 0 : i32
    %dma_start3A_131 = tpu.memref_slice %arg5[%dma_start3A_122, %dma_start3A_129, %dma_start3A_130] : memref<2x64x128xf32, #tpu.memory_space<vmem>> -> memref<1x64x128xf32, #tpu.memory_space<vmem>>
    %dma_start3A_132 = tpu.memref_squeeze %dma_start3A_131 : memref<1x64x128xf32, #tpu.memory_space<vmem>> -> memref<64x128xf32, #tpu.memory_space<vmem>>
    %dma_start3A_133 = arith.constant 0 : i32
    %dma_start3A_134 = tpu.memref_slice %arg2[%dma_start3A_133, %mul3A_121] : memref<64x1000000xf32, #tpu.memory_space<hbm>> -> memref<64x128xf32, #tpu.memory_space<hbm>>
    tpu.enqueue_dma source(%dma_start3A_134 : memref<64x128xf32, #tpu.memory_space<hbm>>) target(%dma_start3A_132 : memref<64x128xf32, #tpu.memory_space<vmem>>) target_semaphore(%arg7 : memref<!tpu.dma_semaphore, #tpu.memory_space<semaphore_mem>>)
    %scan3A = arith.constant 0 : i32
    %scan3A_135 = arith.constant 1 : i32
    %scan3A_136 = arith.constant 0 : i32
    %scan3A_137 = arith.constant 0 : i32
    %scan3A_138 = arith.constant 1 : i32
    %scan3A_139 = arith.constant 0 : i32
    %scan3A_140 = arith.constant 123 : i32
    %scan3A_141 = arith.addi %scan3A_139, %scan3A_140 : i32
    %scan3A_142 = arith.constant 1 : i32
    scf.for %scan3A_165 = %scan3A_139 to %scan3A_141 step %scan3A_142  : i32 {
      %mul3A_166 = arith.constant 2 : i32
      %mul3A_167 = arith.muli %mul3A_166, %scan3A_165 : i32
      %add3A_168 = arith.constant 0 : i32
      %add3A_169 = arith.addi %mul3A_167, %add3A_168 : i32
      %add3A_170 = arith.constant 1 : i32
      %add3A_171 = arith.addi %add3A_169, %add3A_170 : i32
      %mul3A_172 = arith.constant 32 : i32
      %mul3A_173 = arith.muli %mul3A_172, %add3A_171 : i32
      %add3A_174 = arith.addi %add3A, %mul3A_173 : i32
      %mul3A_175 = arith.constant 32 : i32
      %mul3A_176 = arith.muli %mul3A_175, %add3A_169 : i32
      %add3A_177 = arith.addi %add3A, %mul3A_176 : i32
      %lt3A = arith.constant 7812 : i32
      %lt3A_178 = arith.cmpi slt, %add3A_174, %lt3A : i32
      %convert_element_type3A_179 = arith.extui %lt3A_178 : i1 to i32
      %cond3A_180 = arith.constant 0 : i32
      %cond3A_181 = arith.cmpi ne, %convert_element_type3A_179, %cond3A_180 : i32
      scf.if %cond3A_181 {
        %mul3A_209 = arith.constant 128 : i32
        %mul3A_210 = arith.muli %add3A_174, %mul3A_209 : i32
        %dma_start3A_211 = arith.constant 0 : i32
        %dma_start3A_212 = arith.constant 0 : i32
        %dma_start3A_213 = tpu.memref_slice %arg5[%scan3A_135, %dma_start3A_211, %dma_start3A_212] : memref<2x64x128xf32, #tpu.memory_space<vmem>> -> memref<1x64x128xf32, #tpu.memory_space<vmem>>
        %dma_start3A_214 = tpu.memref_squeeze %dma_start3A_213 : memref<1x64x128xf32, #tpu.memory_space<vmem>> -> memref<64x128xf32, #tpu.memory_space<vmem>>
        %dma_start3A_215 = arith.constant 0 : i32
        %dma_start3A_216 = tpu.memref_slice %arg2[%dma_start3A_215, %mul3A_210] : memref<64x1000000xf32, #tpu.memory_space<hbm>> -> memref<64x128xf32, #tpu.memory_space<hbm>>
        %dma_start3A_217 = arith.constant 0 : i32
        %dma_start3A_218 = arith.constant 0 : i32
        %dma_start3A_219 = tpu.memref_slice %arg5[%scan3A_135, %dma_start3A_217, %dma_start3A_218] : memref<2x64x128xf32, #tpu.memory_space<vmem>> -> memref<1x64x128xf32, #tpu.memory_space<vmem>>
        %dma_start3A_220 = tpu.memref_squeeze %dma_start3A_219 : memref<1x64x128xf32, #tpu.memory_space<vmem>> -> memref<64x128xf32, #tpu.memory_space<vmem>>
        %dma_start3A_221 = arith.constant 0 : i32
        %dma_start3A_222 = tpu.memref_slice %arg2[%dma_start3A_221, %mul3A_210] : memref<64x1000000xf32, #tpu.memory_space<hbm>> -> memref<64x128xf32, #tpu.memory_space<hbm>>
        tpu.enqueue_dma source(%dma_start3A_222 : memref<64x128xf32, #tpu.memory_space<hbm>>) target(%dma_start3A_220 : memref<64x128xf32, #tpu.memory_space<vmem>>) target_semaphore(%arg8 : memref<!tpu.dma_semaphore, #tpu.memory_space<semaphore_mem>>)
      } else {
      }
      %lt3A_182 = arith.constant 7812 : i32
      %lt3A_183 = arith.cmpi slt, %add3A_177, %lt3A_182 : i32
      %convert_element_type3A_184 = arith.extui %lt3A_183 : i1 to i32
      %cond3A_185 = arith.constant 0 : i32
      %cond3A_186 = arith.cmpi ne, %convert_element_type3A_184, %cond3A_185 : i32
      scf.if %cond3A_186 {
        %dma_wait3A_209 = arith.constant 0 : i32
        %dma_wait3A_210 = arith.constant 0 : i32
        %dma_wait3A_211 = tpu.memref_slice %arg5[%scan3A_136, %dma_wait3A_209, %dma_wait3A_210] : memref<2x64x128xf32, #tpu.memory_space<vmem>> -> memref<1x64x128xf32, #tpu.memory_space<vmem>>
        %dma_wait3A_212 = tpu.memref_squeeze %dma_wait3A_211 : memref<1x64x128xf32, #tpu.memory_space<vmem>> -> memref<64x128xf32, #tpu.memory_space<vmem>>
        %dma_wait3A_213 = arith.constant 0 : i32
        %dma_wait3A_214 = arith.constant 0 : i32
        %dma_wait3A_215 = tpu.memref_slice %arg2[%dma_wait3A_213, %dma_wait3A_214] : memref<64x1000000xf32, #tpu.memory_space<hbm>> -> memref<64x128xf32, #tpu.memory_space<hbm>>
        %dma_wait3A_216 = arith.constant 0 : i32
        %dma_wait3A_217 = arith.constant 0 : i32
        %dma_wait3A_218 = tpu.memref_slice %arg5[%scan3A_136, %dma_wait3A_216, %dma_wait3A_217] : memref<2x64x128xf32, #tpu.memory_space<vmem>> -> memref<1x64x128xf32, #tpu.memory_space<vmem>>
        %dma_wait3A_219 = tpu.memref_squeeze %dma_wait3A_218 : memref<1x64x128xf32, #tpu.memory_space<vmem>> -> memref<64x128xf32, #tpu.memory_space<vmem>>
        %dma_wait3A_220 = arith.constant 0 : i32
        %dma_wait3A_221 = arith.constant 0 : i32
        %dma_wait3A_222 = tpu.memref_slice %arg2[%dma_wait3A_220, %dma_wait3A_221] : memref<64x1000000xf32, #tpu.memory_space<hbm>> -> memref<64x128xf32, #tpu.memory_space<hbm>>
        tpu.wait_dma2 semaphore(%arg7 : memref<!tpu.dma_semaphore, #tpu.memory_space<semaphore_mem>>) src(%dma_wait3A_222 : memref<64x128xf32, #tpu.memory_space<hbm>>) dst(%dma_wait3A_219 : memref<64x128xf32, #tpu.memory_space<vmem>>)
        %dma_wait3A_223 = arith.constant 0 : i32
        %dma_wait3A_224 = arith.constant 0 : i32
        %dma_wait3A_225 = tpu.memref_slice %arg6[%scan3A_137, %dma_wait3A_223, %dma_wait3A_224] : memref<2x64x128xf32, #tpu.memory_space<vmem>> -> memref<1x64x128xf32, #tpu.memory_space<vmem>>
        %dma_wait3A_226 = tpu.memref_squeeze %dma_wait3A_225 : memref<1x64x128xf32, #tpu.memory_space<vmem>> -> memref<64x128xf32, #tpu.memory_space<vmem>>
        %dma_wait3A_227 = arith.constant 0 : i32
        %dma_wait3A_228 = arith.constant 0 : i32
        %dma_wait3A_229 = tpu.memref_slice %arg6[%scan3A_137, %dma_wait3A_227, %dma_wait3A_228] : memref<2x64x128xf32, #tpu.memory_space<vmem>> -> memref<1x64x128xf32, #tpu.memory_space<vmem>>
        %dma_wait3A_230 = tpu.memref_squeeze %dma_wait3A_229 : memref<1x64x128xf32, #tpu.memory_space<vmem>> -> memref<64x128xf32, #tpu.memory_space<vmem>>
        tpu.wait_dma2 semaphore(%arg9 : memref<!tpu.dma_semaphore, #tpu.memory_space<semaphore_mem>>) src(%dma_wait3A_230 : memref<64x128xf32, #tpu.memory_space<vmem>>) dst(%arg11 : memref<64x128xf32, #tpu.memory_space<hbm>>)
        %scan3A_231 = arith.constant 0 : i32
        %scan3A_232 = arith.constant 0 : i32
        %scan3A_233 = arith.constant 32 : i32
        %scan3A_234 = arith.addi %scan3A_232, %scan3A_233 : i32
        %scan3A_235 = arith.constant 1 : i32
        scf.for %scan3A_251 = %scan3A_232 to %scan3A_234 step %scan3A_235  : i32 {
          %shift_right_logical3A_252 = arith.constant 3 : i32
          %shift_right_logical3A_253 = arith.shrui %scan3A_251, %shift_right_logical3A_252 : i32
          %shift_left3A_254 = arith.constant 4 : i32
          %shift_left3A_255 = arith.shli %shift_right_logical3A_253, %shift_left3A_254 : i32
          %and3A_256 = arith.constant 7 : i32
          %and3A_257 = arith.andi %scan3A_251, %and3A_256 : i32
          %shift_left3A_258 = arith.constant 4 : i32
          %shift_left3A_259 = arith.shli %and3A_257, %shift_left3A_258 : i32
          %add3A_260 = vector.broadcast %shift_left3A_259 : i32 to vector<16xi32>
          %add3A_261 = arith.addi %add3A_260, %iota3A : vector<16xi32>
          %shift_right_logical3A_262 = arith.constant 1 : i32
          %shift_right_logical3A_263 = arith.shrui %shift_left3A_259, %shift_right_logical3A_262 : i32
          %add3A_264 = vector.broadcast %shift_right_logical3A_263 : i32 to vector<16xi32>
          %add3A_265 = arith.addi %shift_right_logical3A_97, %add3A_264 : vector<16xi32>
          %add3A_266 = vector.broadcast %shift_left3A_255 : i32 to vector<16xi32>
          %add3A_267 = arith.addi %add3A_266, %and3A_5 : vector<16xi32>
          %gather3A = arith.constant 0 : i32
          %gather3A_268 = arith.constant 0 : i32
          %gather3A_269 = tpu.memref_slice %arg5[%scan3A_136, %gather3A, %gather3A_268] : memref<2x64x128xf32, #tpu.memory_space<vmem>> -> memref<1x64x128xf32, #tpu.memory_space<vmem>>
          %gather3A_270 = tpu.memref_squeeze %gather3A_269 : memref<1x64x128xf32, #tpu.memory_space<vmem>> -> memref<64x128xf32, #tpu.memory_space<vmem>>
          %gather3A_271 = tpu.vector_load_idx %gather3A_270[%add3A_267, %add3A_261] : memref<64x128xf32, #tpu.memory_space<vmem>>[vector<16xi32>, vector<16xi32>], vector<16xf32>,
          %add3A_272 = arith.addi %shift_left3A_102, %add3A_267 : vector<16xi32>
          %scatter3A = arith.constant 0 : i32
          %scatter3A_273 = arith.constant 0 : i32
          %scatter3A_274 = tpu.memref_slice %arg6[%scan3A_137, %scatter3A, %scatter3A_273] : memref<2x64x128xf32, #tpu.memory_space<vmem>> -> memref<1x64x128xf32, #tpu.memory_space<vmem>>
          %scatter3A_275 = tpu.memref_squeeze %scatter3A_274 : memref<1x64x128xf32, #tpu.memory_space<vmem>> -> memref<64x128xf32, #tpu.memory_space<vmem>>
          tpu.vector_store_idx %scatter3A_275[%add3A_265, %add3A_272], %gather3A_271 : memref<64x128xf32, #tpu.memory_space<vmem>>[vector<16xi32>, vector<16xi32>], vector<16xf32>,
          %add3A_276 = vector.broadcast %shift_left3A_255 : i32 to vector<16xi32>
          %add3A_277 = arith.addi %add3A_276, %and3A_11 : vector<16xi32>
          %gather3A_278 = arith.constant 0 : i32
          %gather3A_279 = arith.constant 0 : i32
          %gather3A_280 = tpu.memref_slice %arg5[%scan3A_136, %gather3A_278, %gather3A_279] : memref<2x64x128xf32, #tpu.memory_space<vmem>> -> memref<1x64x128xf32, #tpu.memory_space<vmem>>
          %gather3A_281 = tpu.memref_squeeze %gather3A_280 : memref<1x64x128xf32, #tpu.memory_space<vmem>> -> memref<64x128xf32, #tpu.memory_space<vmem>>
          %gather3A_282 = tpu.vector_load_idx %gather3A_281[%add3A_277, %add3A_261] : memref<64x128xf32, #tpu.memory_space<vmem>>[vector<16xi32>, vector<16xi32>], vector<16xf32>,
          %add3A_283 = arith.addi %shift_left3A_102, %add3A_277 : vector<16xi32>
          %scatter3A_284 = arith.constant 0 : i32
          %scatter3A_285 = arith.constant 0 : i32
          %scatter3A_286 = tpu.memref_slice %arg6[%scan3A_137, %scatter3A_284, %scatter3A_285] : memref<2x64x128xf32, #tpu.memory_space<vmem>> -> memref<1x64x128xf32, #tpu.memory_space<vmem>>
          %scatter3A_287 = tpu.memref_squeeze %scatter3A_286 : memref<1x64x128xf32, #tpu.memory_space<vmem>> -> memref<64x128xf32, #tpu.memory_space<vmem>>
          tpu.vector_store_idx %scatter3A_287[%add3A_265, %add3A_283], %gather3A_282 : memref<64x128xf32, #tpu.memory_space<vmem>>[vector<16xi32>, vector<16xi32>], vector<16xf32>,
          %add3A_288 = vector.broadcast %shift_left3A_255 : i32 to vector<16xi32>
          %add3A_289 = arith.addi %add3A_288, %and3A_17 : vector<16xi32>
          %gather3A_290 = arith.constant 0 : i32
          %gather3A_291 = arith.constant 0 : i32
          %gather3A_292 = tpu.memref_slice %arg5[%scan3A_136, %gather3A_290, %gather3A_291] : memref<2x64x128xf32, #tpu.memory_space<vmem>> -> memref<1x64x128xf32, #tpu.memory_space<vmem>>
          %gather3A_293 = tpu.memref_squeeze %gather3A_292 : memref<1x64x128xf32, #tpu.memory_space<vmem>> -> memref<64x128xf32, #tpu.memory_space<vmem>>
          %gather3A_294 = tpu.vector_load_idx %gather3A_293[%add3A_289, %add3A_261] : memref<64x128xf32, #tpu.memory_space<vmem>>[vector<16xi32>, vector<16xi32>], vector<16xf32>,
          %add3A_295 = arith.addi %shift_left3A_102, %add3A_289 : vector<16xi32>
          %scatter3A_296 = arith.constant 0 : i32
          %scatter3A_297 = arith.constant 0 : i32
          %scatter3A_298 = tpu.memref_slice %arg6[%scan3A_137, %scatter3A_296, %scatter3A_297] : memref<2x64x128xf32, #tpu.memory_space<vmem>> -> memref<1x64x128xf32, #tpu.memory_space<vmem>>
          %scatter3A_299 = tpu.memref_squeeze %scatter3A_298 : memref<1x64x128xf32, #tpu.memory_space<vmem>> -> memref<64x128xf32, #tpu.memory_space<vmem>>
          tpu.vector_store_idx %scatter3A_299[%add3A_265, %add3A_295], %gather3A_294 : memref<64x128xf32, #tpu.memory_space<vmem>>[vector<16xi32>, vector<16xi32>], vector<16xf32>,
          %add3A_300 = vector.broadcast %shift_left3A_255 : i32 to vector<16xi32>
          %add3A_301 = arith.addi %add3A_300, %and3A_23 : vector<16xi32>
          %gather3A_302 = arith.constant 0 : i32
          %gather3A_303 = arith.constant 0 : i32
          %gather3A_304 = tpu.memref_slice %arg5[%scan3A_136, %gather3A_302, %gather3A_303] : memref<2x64x128xf32, #tpu.memory_space<vmem>> -> memref<1x64x128xf32, #tpu.memory_space<vmem>>
          %gather3A_305 = tpu.memref_squeeze %gather3A_304 : memref<1x64x128xf32, #tpu.memory_space<vmem>> -> memref<64x128xf32, #tpu.memory_space<vmem>>
          %gather3A_306 = tpu.vector_load_idx %gather3A_305[%add3A_301, %add3A_261] : memref<64x128xf32, #tpu.memory_space<vmem>>[vector<16xi32>, vector<16xi32>], vector<16xf32>,
          %add3A_307 = arith.addi %shift_left3A_102, %add3A_301 : vector<16xi32>
          %scatter3A_308 = arith.constant 0 : i32
          %scatter3A_309 = arith.constant 0 : i32
          %scatter3A_310 = tpu.memref_slice %arg6[%scan3A_137, %scatter3A_308, %scatter3A_309] : memref<2x64x128xf32, #tpu.memory_space<vmem>> -> memref<1x64x128xf32, #tpu.memory_space<vmem>>
          %scatter3A_311 = tpu.memref_squeeze %scatter3A_310 : memref<1x64x128xf32, #tpu.memory_space<vmem>> -> memref<64x128xf32, #tpu.memory_space<vmem>>
          tpu.vector_store_idx %scatter3A_311[%add3A_265, %add3A_307], %gather3A_306 : memref<64x128xf32, #tpu.memory_space<vmem>>[vector<16xi32>, vector<16xi32>], vector<16xf32>,
          %add3A_312 = vector.broadcast %shift_left3A_255 : i32 to vector<16xi32>
          %add3A_313 = arith.addi %add3A_312, %and3A_29 : vector<16xi32>
          %gather3A_314 = arith.constant 0 : i32
          %gather3A_315 = arith.constant 0 : i32
          %gather3A_316 = tpu.memref_slice %arg5[%scan3A_136, %gather3A_314, %gather3A_315] : memref<2x64x128xf32, #tpu.memory_space<vmem>> -> memref<1x64x128xf32, #tpu.memory_space<vmem>>
          %gather3A_317 = tpu.memref_squeeze %gather3A_316 : memref<1x64x128xf32, #tpu.memory_space<vmem>> -> memref<64x128xf32, #tpu.memory_space<vmem>>
          %gather3A_318 = tpu.vector_load_idx %gather3A_317[%add3A_313, %add3A_261] : memref<64x128xf32, #tpu.memory_space<vmem>>[vector<16xi32>, vector<16xi32>], vector<16xf32>,
          %add3A_319 = arith.addi %shift_left3A_102, %add3A_313 : vector<16xi32>
          %scatter3A_320 = arith.constant 0 : i32
          %scatter3A_321 = arith.constant 0 : i32
          %scatter3A_322 = tpu.memref_slice %arg6[%scan3A_137, %scatter3A_320, %scatter3A_321] : memref<2x64x128xf32, #tpu.memory_space<vmem>> -> memref<1x64x128xf32, #tpu.memory_space<vmem>>
          %scatter3A_323 = tpu.memref_squeeze %scatter3A_322 : memref<1x64x128xf32, #tpu.memory_space<vmem>> -> memref<64x128xf32, #tpu.memory_space<vmem>>
          tpu.vector_store_idx %scatter3A_323[%add3A_265, %add3A_319], %gather3A_318 : memref<64x128xf32, #tpu.memory_space<vmem>>[vector<16xi32>, vector<16xi32>], vector<16xf32>,
          %add3A_324 = vector.broadcast %shift_left3A_255 : i32 to vector<16xi32>
          %add3A_325 = arith.addi %add3A_324, %and3A_35 : vector<16xi32>
          %gather3A_326 = arith.constant 0 : i32
          %gather3A_327 = arith.constant 0 : i32
          %gather3A_328 = tpu.memref_slice %arg5[%scan3A_136, %gather3A_326, %gather3A_327] : memref<2x64x128xf32, #tpu.memory_space<vmem>> -> memref<1x64x128xf32, #tpu.memory_space<vmem>>
          %gather3A_329 = tpu.memref_squeeze %gather3A_328 : memref<1x64x128xf32, #tpu.memory_space<vmem>> -> memref<64x128xf32, #tpu.memory_space<vmem>>
          %gather3A_330 = tpu.vector_load_idx %gather3A_329[%add3A_325, %add3A_261] : memref<64x128xf32, #tpu.memory_space<vmem>>[vector<16xi32>, vector<16xi32>], vector<16xf32>,
          %add3A_331 = arith.addi %shift_left3A_102, %add3A_325 : vector<16xi32>
          %scatter3A_332 = arith.constant 0 : i32
          %scatter3A_333 = arith.constant 0 : i32
          %scatter3A_334 = tpu.memref_slice %arg6[%scan3A_137, %scatter3A_332, %scatter3A_333] : memref<2x64x128xf32, #tpu.memory_space<vmem>> -> memref<1x64x128xf32, #tpu.memory_space<vmem>>
          %scatter3A_335 = tpu.memref_squeeze %scatter3A_334 : memref<1x64x128xf32, #tpu.memory_space<vmem>> -> memref<64x128xf32, #tpu.memory_space<vmem>>
          tpu.vector_store_idx %scatter3A_335[%add3A_265, %add3A_331], %gather3A_330 : memref<64x128xf32, #tpu.memory_space<vmem>>[vector<16xi32>, vector<16xi32>], vector<16xf32>,
          %add3A_336 = vector.broadcast %shift_left3A_255 : i32 to vector<16xi32>
          %add3A_337 = arith.addi %add3A_336, %and3A_41 : vector<16xi32>
          %gather3A_338 = arith.constant 0 : i32
          %gather3A_339 = arith.constant 0 : i32
          %gather3A_340 = tpu.memref_slice %arg5[%scan3A_136, %gather3A_338, %gather3A_339] : memref<2x64x128xf32, #tpu.memory_space<vmem>> -> memref<1x64x128xf32, #tpu.memory_space<vmem>>
          %gather3A_341 = tpu.memref_squeeze %gather3A_340 : memref<1x64x128xf32, #tpu.memory_space<vmem>> -> memref<64x128xf32, #tpu.memory_space<vmem>>
          %gather3A_342 = tpu.vector_load_idx %gather3A_341[%add3A_337, %add3A_261] : memref<64x128xf32, #tpu.memory_space<vmem>>[vector<16xi32>, vector<16xi32>], vector<16xf32>,
          %add3A_343 = arith.addi %shift_left3A_102, %add3A_337 : vector<16xi32>
          %scatter3A_344 = arith.constant 0 : i32
          %scatter3A_345 = arith.constant 0 : i32
          %scatter3A_346 = tpu.memref_slice %arg6[%scan3A_137, %scatter3A_344, %scatter3A_345] : memref<2x64x128xf32, #tpu.memory_space<vmem>> -> memref<1x64x128xf32, #tpu.memory_space<vmem>>
          %scatter3A_347 = tpu.memref_squeeze %scatter3A_346 : memref<1x64x128xf32, #tpu.memory_space<vmem>> -> memref<64x128xf32, #tpu.memory_space<vmem>>
          tpu.vector_store_idx %scatter3A_347[%add3A_265, %add3A_343], %gather3A_342 : memref<64x128xf32, #tpu.memory_space<vmem>>[vector<16xi32>, vector<16xi32>], vector<16xf32>,
          %add3A_348 = vector.broadcast %shift_left3A_255 : i32 to vector<16xi32>
          %add3A_349 = arith.addi %add3A_348, %and3A_47 : vector<16xi32>
          %gather3A_350 = arith.constant 0 : i32
          %gather3A_351 = arith.constant 0 : i32
          %gather3A_352 = tpu.memref_slice %arg5[%scan3A_136, %gather3A_350, %gather3A_351] : memref<2x64x128xf32, #tpu.memory_space<vmem>> -> memref<1x64x128xf32, #tpu.memory_space<vmem>>
          %gather3A_353 = tpu.memref_squeeze %gather3A_352 : memref<1x64x128xf32, #tpu.memory_space<vmem>> -> memref<64x128xf32, #tpu.memory_space<vmem>>
          %gather3A_354 = tpu.vector_load_idx %gather3A_353[%add3A_349, %add3A_261] : memref<64x128xf32, #tpu.memory_space<vmem>>[vector<16xi32>, vector<16xi32>], vector<16xf32>,
          %add3A_355 = arith.addi %shift_left3A_102, %add3A_349 : vector<16xi32>
          %scatter3A_356 = arith.constant 0 : i32
          %scatter3A_357 = arith.constant 0 : i32
          %scatter3A_358 = tpu.memref_slice %arg6[%scan3A_137, %scatter3A_356, %scatter3A_357] : memref<2x64x128xf32, #tpu.memory_space<vmem>> -> memref<1x64x128xf32, #tpu.memory_space<vmem>>
          %scatter3A_359 = tpu.memref_squeeze %scatter3A_358 : memref<1x64x128xf32, #tpu.memory_space<vmem>> -> memref<64x128xf32, #tpu.memory_space<vmem>>
          tpu.vector_store_idx %scatter3A_359[%add3A_265, %add3A_355], %gather3A_354 : memref<64x128xf32, #tpu.memory_space<vmem>>[vector<16xi32>, vector<16xi32>], vector<16xf32>,
          %add3A_360 = vector.broadcast %shift_left3A_255 : i32 to vector<16xi32>
          %add3A_361 = arith.addi %add3A_360, %and3A_53 : vector<16xi32>
          %gather3A_362 = arith.constant 0 : i32
          %gather3A_363 = arith.constant 0 : i32
          %gather3A_364 = tpu.memref_slice %arg5[%scan3A_136, %gather3A_362, %gather3A_363] : memref<2x64x128xf32, #tpu.memory_space<vmem>> -> memref<1x64x128xf32, #tpu.memory_space<vmem>>
          %gather3A_365 = tpu.memref_squeeze %gather3A_364 : memref<1x64x128xf32, #tpu.memory_space<vmem>> -> memref<64x128xf32, #tpu.memory_space<vmem>>
          %gather3A_366 = tpu.vector_load_idx %gather3A_365[%add3A_361, %add3A_261] : memref<64x128xf32, #tpu.memory_space<vmem>>[vector<16xi32>, vector<16xi32>], vector<16xf32>,
          %add3A_367 = arith.addi %shift_left3A_102, %add3A_361 : vector<16xi32>
          %scatter3A_368 = arith.constant 0 : i32
          %scatter3A_369 = arith.constant 0 : i32
          %scatter3A_370 = tpu.memref_slice %arg6[%scan3A_137, %scatter3A_368, %scatter3A_369] : memref<2x64x128xf32, #tpu.memory_space<vmem>> -> memref<1x64x128xf32, #tpu.memory_space<vmem>>
          %scatter3A_371 = tpu.memref_squeeze %scatter3A_370 : memref<1x64x128xf32, #tpu.memory_space<vmem>> -> memref<64x128xf32, #tpu.memory_space<vmem>>
          tpu.vector_store_idx %scatter3A_371[%add3A_265, %add3A_367], %gather3A_366 : memref<64x128xf32, #tpu.memory_space<vmem>>[vector<16xi32>, vector<16xi32>], vector<16xf32>,
          %add3A_372 = vector.broadcast %shift_left3A_255 : i32 to vector<16xi32>
          %add3A_373 = arith.addi %add3A_372, %and3A_59 : vector<16xi32>
          %gather3A_374 = arith.constant 0 : i32
          %gather3A_375 = arith.constant 0 : i32
          %gather3A_376 = tpu.memref_slice %arg5[%scan3A_136, %gather3A_374, %gather3A_375] : memref<2x64x128xf32, #tpu.memory_space<vmem>> -> memref<1x64x128xf32, #tpu.memory_space<vmem>>
          %gather3A_377 = tpu.memref_squeeze %gather3A_376 : memref<1x64x128xf32, #tpu.memory_space<vmem>> -> memref<64x128xf32, #tpu.memory_space<vmem>>
          %gather3A_378 = tpu.vector_load_idx %gather3A_377[%add3A_373, %add3A_261] : memref<64x128xf32, #tpu.memory_space<vmem>>[vector<16xi32>, vector<16xi32>], vector<16xf32>,
          %add3A_379 = arith.addi %shift_left3A_102, %add3A_373 : vector<16xi32>
          %scatter3A_380 = arith.constant 0 : i32
          %scatter3A_381 = arith.constant 0 : i32
          %scatter3A_382 = tpu.memref_slice %arg6[%scan3A_137, %scatter3A_380, %scatter3A_381] : memref<2x64x128xf32, #tpu.memory_space<vmem>> -> memref<1x64x128xf32, #tpu.memory_space<vmem>>
          %scatter3A_383 = tpu.memref_squeeze %scatter3A_382 : memref<1x64x128xf32, #tpu.memory_space<vmem>> -> memref<64x128xf32, #tpu.memory_space<vmem>>
          tpu.vector_store_idx %scatter3A_383[%add3A_265, %add3A_379], %gather3A_378 : memref<64x128xf32, #tpu.memory_space<vmem>>[vector<16xi32>, vector<16xi32>], vector<16xf32>,
          %add3A_384 = vector.broadcast %shift_left3A_255 : i32 to vector<16xi32>
          %add3A_385 = arith.addi %add3A_384, %and3A_65 : vector<16xi32>
          %gather3A_386 = arith.constant 0 : i32
          %gather3A_387 = arith.constant 0 : i32
          %gather3A_388 = tpu.memref_slice %arg5[%scan3A_136, %gather3A_386, %gather3A_387] : memref<2x64x128xf32, #tpu.memory_space<vmem>> -> memref<1x64x128xf32, #tpu.memory_space<vmem>>
          %gather3A_389 = tpu.memref_squeeze %gather3A_388 : memref<1x64x128xf32, #tpu.memory_space<vmem>> -> memref<64x128xf32, #tpu.memory_space<vmem>>
          %gather3A_390 = tpu.vector_load_idx %gather3A_389[%add3A_385, %add3A_261] : memref<64x128xf32, #tpu.memory_space<vmem>>[vector<16xi32>, vector<16xi32>], vector<16xf32>,
          %add3A_391 = arith.addi %shift_left3A_102, %add3A_385 : vector<16xi32>
          %scatter3A_392 = arith.constant 0 : i32
          %scatter3A_393 = arith.constant 0 : i32
          %scatter3A_394 = tpu.memref_slice %arg6[%scan3A_137, %scatter3A_392, %scatter3A_393] : memref<2x64x128xf32, #tpu.memory_space<vmem>> -> memref<1x64x128xf32, #tpu.memory_space<vmem>>
          %scatter3A_395 = tpu.memref_squeeze %scatter3A_394 : memref<1x64x128xf32, #tpu.memory_space<vmem>> -> memref<64x128xf32, #tpu.memory_space<vmem>>
          tpu.vector_store_idx %scatter3A_395[%add3A_265, %add3A_391], %gather3A_390 : memref<64x128xf32, #tpu.memory_space<vmem>>[vector<16xi32>, vector<16xi32>], vector<16xf32>,
          %add3A_396 = vector.broadcast %shift_left3A_255 : i32 to vector<16xi32>
          %add3A_397 = arith.addi %add3A_396, %and3A_71 : vector<16xi32>
          %gather3A_398 = arith.constant 0 : i32
          %gather3A_399 = arith.constant 0 : i32
          %gather3A_400 = tpu.memref_slice %arg5[%scan3A_136, %gather3A_398, %gather3A_399] : memref<2x64x128xf32, #tpu.memory_space<vmem>> -> memref<1x64x128xf32, #tpu.memory_space<vmem>>
          %gather3A_401 = tpu.memref_squeeze %gather3A_400 : memref<1x64x128xf32, #tpu.memory_space<vmem>> -> memref<64x128xf32, #tpu.memory_space<vmem>>
          %gather3A_402 = tpu.vector_load_idx %gather3A_401[%add3A_397, %add3A_261] : memref<64x128xf32, #tpu.memory_space<vmem>>[vector<16xi32>, vector<16xi32>], vector<16xf32>,
          %add3A_403 = arith.addi %shift_left3A_102, %add3A_397 : vector<16xi32>
          %scatter3A_404 = arith.constant 0 : i32
          %scatter3A_405 = arith.constant 0 : i32
          %scatter3A_406 = tpu.memref_slice %arg6[%scan3A_137, %scatter3A_404, %scatter3A_405] : memref<2x64x128xf32, #tpu.memory_space<vmem>> -> memref<1x64x128xf32, #tpu.memory_space<vmem>>
          %scatter3A_407 = tpu.memref_squeeze %scatter3A_406 : memref<1x64x128xf32, #tpu.memory_space<vmem>> -> memref<64x128xf32, #tpu.memory_space<vmem>>
          tpu.vector_store_idx %scatter3A_407[%add3A_265, %add3A_403], %gather3A_402 : memref<64x128xf32, #tpu.memory_space<vmem>>[vector<16xi32>, vector<16xi32>], vector<16xf32>,
          %add3A_408 = vector.broadcast %shift_left3A_255 : i32 to vector<16xi32>
          %add3A_409 = arith.addi %add3A_408, %and3A_77 : vector<16xi32>
          %gather3A_410 = arith.constant 0 : i32
          %gather3A_411 = arith.constant 0 : i32
          %gather3A_412 = tpu.memref_slice %arg5[%scan3A_136, %gather3A_410, %gather3A_411] : memref<2x64x128xf32, #tpu.memory_space<vmem>> -> memref<1x64x128xf32, #tpu.memory_space<vmem>>
          %gather3A_413 = tpu.memref_squeeze %gather3A_412 : memref<1x64x128xf32, #tpu.memory_space<vmem>> -> memref<64x128xf32, #tpu.memory_space<vmem>>
          %gather3A_414 = tpu.vector_load_idx %gather3A_413[%add3A_409, %add3A_261] : memref<64x128xf32, #tpu.memory_space<vmem>>[vector<16xi32>, vector<16xi32>], vector<16xf32>,
          %add3A_415 = arith.addi %shift_left3A_102, %add3A_409 : vector<16xi32>
          %scatter3A_416 = arith.constant 0 : i32
          %scatter3A_417 = arith.constant 0 : i32
          %scatter3A_418 = tpu.memref_slice %arg6[%scan3A_137, %scatter3A_416, %scatter3A_417] : memref<2x64x128xf32, #tpu.memory_space<vmem>> -> memref<1x64x128xf32, #tpu.memory_space<vmem>>
          %scatter3A_419 = tpu.memref_squeeze %scatter3A_418 : memref<1x64x128xf32, #tpu.memory_space<vmem>> -> memref<64x128xf32, #tpu.memory_space<vmem>>
          tpu.vector_store_idx %scatter3A_419[%add3A_265, %add3A_415], %gather3A_414 : memref<64x128xf32, #tpu.memory_space<vmem>>[vector<16xi32>, vector<16xi32>], vector<16xf32>,
          %add3A_420 = vector.broadcast %shift_left3A_255 : i32 to vector<16xi32>
          %add3A_421 = arith.addi %add3A_420, %and3A_83 : vector<16xi32>
          %gather3A_422 = arith.constant 0 : i32
          %gather3A_423 = arith.constant 0 : i32
          %gather3A_424 = tpu.memref_slice %arg5[%scan3A_136, %gather3A_422, %gather3A_423] : memref<2x64x128xf32, #tpu.memory_space<vmem>> -> memref<1x64x128xf32, #tpu.memory_space<vmem>>
          %gather3A_425 = tpu.memref_squeeze %gather3A_424 : memref<1x64x128xf32, #tpu.memory_space<vmem>> -> memref<64x128xf32, #tpu.memory_space<vmem>>
          %gather3A_426 = tpu.vector_load_idx %gather3A_425[%add3A_421, %add3A_261] : memref<64x128xf32, #tpu.memory_space<vmem>>[vector<16xi32>, vector<16xi32>], vector<16xf32>,
          %add3A_427 = arith.addi %shift_left3A_102, %add3A_421 : vector<16xi32>
          %scatter3A_428 = arith.constant 0 : i32
          %scatter3A_429 = arith.constant 0 : i32
          %scatter3A_430 = tpu.memref_slice %arg6[%scan3A_137, %scatter3A_428, %scatter3A_429] : memref<2x64x128xf32, #tpu.memory_space<vmem>> -> memref<1x64x128xf32, #tpu.memory_space<vmem>>
          %scatter3A_431 = tpu.memref_squeeze %scatter3A_430 : memref<1x64x128xf32, #tpu.memory_space<vmem>> -> memref<64x128xf32, #tpu.memory_space<vmem>>
          tpu.vector_store_idx %scatter3A_431[%add3A_265, %add3A_427], %gather3A_426 : memref<64x128xf32, #tpu.memory_space<vmem>>[vector<16xi32>, vector<16xi32>], vector<16xf32>,
          %add3A_432 = vector.broadcast %shift_left3A_255 : i32 to vector<16xi32>
          %add3A_433 = arith.addi %add3A_432, %and3A_89 : vector<16xi32>
          %gather3A_434 = arith.constant 0 : i32
          %gather3A_435 = arith.constant 0 : i32
          %gather3A_436 = tpu.memref_slice %arg5[%scan3A_136, %gather3A_434, %gather3A_435] : memref<2x64x128xf32, #tpu.memory_space<vmem>> -> memref<1x64x128xf32, #tpu.memory_space<vmem>>
          %gather3A_437 = tpu.memref_squeeze %gather3A_436 : memref<1x64x128xf32, #tpu.memory_space<vmem>> -> memref<64x128xf32, #tpu.memory_space<vmem>>
          %gather3A_438 = tpu.vector_load_idx %gather3A_437[%add3A_433, %add3A_261] : memref<64x128xf32, #tpu.memory_space<vmem>>[vector<16xi32>, vector<16xi32>], vector<16xf32>,
          %add3A_439 = arith.addi %shift_left3A_102, %add3A_433 : vector<16xi32>
          %scatter3A_440 = arith.constant 0 : i32
          %scatter3A_441 = arith.constant 0 : i32
          %scatter3A_442 = tpu.memref_slice %arg6[%scan3A_137, %scatter3A_440, %scatter3A_441] : memref<2x64x128xf32, #tpu.memory_space<vmem>> -> memref<1x64x128xf32, #tpu.memory_space<vmem>>
          %scatter3A_443 = tpu.memref_squeeze %scatter3A_442 : memref<1x64x128xf32, #tpu.memory_space<vmem>> -> memref<64x128xf32, #tpu.memory_space<vmem>>
          tpu.vector_store_idx %scatter3A_443[%add3A_265, %add3A_439], %gather3A_438 : memref<64x128xf32, #tpu.memory_space<vmem>>[vector<16xi32>, vector<16xi32>], vector<16xf32>,
          %add3A_444 = vector.broadcast %shift_left3A_255 : i32 to vector<16xi32>
          %add3A_445 = arith.addi %add3A_444, %and3A_95 : vector<16xi32>
          %gather3A_446 = arith.constant 0 : i32
          %gather3A_447 = arith.constant 0 : i32
          %gather3A_448 = tpu.memref_slice %arg5[%scan3A_136, %gather3A_446, %gather3A_447] : memref<2x64x128xf32, #tpu.memory_space<vmem>> -> memref<1x64x128xf32, #tpu.memory_space<vmem>>
          %gather3A_449 = tpu.memref_squeeze %gather3A_448 : memref<1x64x128xf32, #tpu.memory_space<vmem>> -> memref<64x128xf32, #tpu.memory_space<vmem>>
          %gather3A_450 = tpu.vector_load_idx %gather3A_449[%add3A_445, %add3A_261] : memref<64x128xf32, #tpu.memory_space<vmem>>[vector<16xi32>, vector<16xi32>], vector<16xf32>,
          %add3A_451 = arith.addi %shift_left3A_102, %add3A_445 : vector<16xi32>
          %scatter3A_452 = arith.constant 0 : i32
          %scatter3A_453 = arith.constant 0 : i32
          %scatter3A_454 = tpu.memref_slice %arg6[%scan3A_137, %scatter3A_452, %scatter3A_453] : memref<2x64x128xf32, #tpu.memory_space<vmem>> -> memref<1x64x128xf32, #tpu.memory_space<vmem>>
          %scatter3A_455 = tpu.memref_squeeze %scatter3A_454 : memref<1x64x128xf32, #tpu.memory_space<vmem>> -> memref<64x128xf32, #tpu.memory_space<vmem>>
          tpu.vector_store_idx %scatter3A_455[%add3A_265, %add3A_451], %gather3A_450 : memref<64x128xf32, #tpu.memory_space<vmem>>[vector<16xi32>, vector<16xi32>], vector<16xf32>,
        }
        %scan3A_236 = arith.constant 32 : i32
        %mul3A_237 = arith.constant 64 : i32
        %mul3A_238 = arith.muli %add3A_177, %mul3A_237 : i32
        %dma_start3A_239 = arith.constant 0 : i32
        %dma_start3A_240 = arith.constant 0 : i32
        %dma_start3A_241 = tpu.memref_slice %arg6[%scan3A_137, %dma_start3A_239, %dma_start3A_240] : memref<2x64x128xf32, #tpu.memory_space<vmem>> -> memref<1x64x128xf32, #tpu.memory_space<vmem>>
        %dma_start3A_242 = tpu.memref_squeeze %dma_start3A_241 : memref<1x64x128xf32, #tpu.memory_space<vmem>> -> memref<64x128xf32, #tpu.memory_space<vmem>>
        %dma_start3A_243 = arith.constant 0 : i32
        %dma_start3A_244 = tpu.memref_slice %arg4[%mul3A_238, %dma_start3A_243] : memref<500000x128xf32, #tpu.memory_space<hbm>> -> memref<64x128xf32, #tpu.memory_space<hbm>>
        %dma_start3A_245 = arith.constant 0 : i32
        %dma_start3A_246 = tpu.memref_slice %arg4[%mul3A_238, %dma_start3A_245] : memref<500000x128xf32, #tpu.memory_space<hbm>> -> memref<64x128xf32, #tpu.memory_space<hbm>>
        %dma_start3A_247 = arith.constant 0 : i32
        %dma_start3A_248 = arith.constant 0 : i32
        %dma_start3A_249 = tpu.memref_slice %arg6[%scan3A_137, %dma_start3A_247, %dma_start3A_248] : memref<2x64x128xf32, #tpu.memory_space<vmem>> -> memref<1x64x128xf32, #tpu.memory_space<vmem>>
        %dma_start3A_250 = tpu.memref_squeeze %dma_start3A_249 : memref<1x64x128xf32, #tpu.memory_space<vmem>> -> memref<64x128xf32, #tpu.memory_space<vmem>>
        tpu.enqueue_dma source(%dma_start3A_250 : memref<64x128xf32, #tpu.memory_space<vmem>>) target(%dma_start3A_246 : memref<64x128xf32, #tpu.memory_space<hbm>>) target_semaphore(%arg9 : memref<!tpu.dma_semaphore, #tpu.memory_space<semaphore_mem>>)
      } else {
      }
      %mul3A_187 = arith.constant 2 : i32
      %mul3A_188 = arith.muli %mul3A_187, %scan3A_165 : i32
      %add3A_189 = arith.constant 1 : i32
      %add3A_190 = arith.addi %mul3A_188, %add3A_189 : i32
      %add3A_191 = arith.constant 1 : i32
      %add3A_192 = arith.addi %add3A_190, %add3A_191 : i32
      %mul3A_193 = arith.constant 32 : i32
      %mul3A_194 = arith.muli %mul3A_193, %add3A_192 : i32
      %add3A_195 = arith.addi %add3A, %mul3A_194 : i32
      %mul3A_196 = arith.constant 32 : i32
      %mul3A_197 = arith.muli %mul3A_196, %add3A_190 : i32
      %add3A_198 = arith.addi %add3A, %mul3A_197 : i32
      %lt3A_199 = arith.constant 7812 : i32
      %lt3A_200 = arith.cmpi slt, %add3A_195, %lt3A_199 : i32
      %convert_element_type3A_201 = arith.extui %lt3A_200 : i1 to i32
      %cond3A_202 = arith.constant 0 : i32
      %cond3A_203 = arith.cmpi ne, %convert_element_type3A_201, %cond3A_202 : i32
      scf.if %cond3A_203 {
        %mul3A_209 = arith.constant 128 : i32
        %mul3A_210 = arith.muli %add3A_195, %mul3A_209 : i32
        %dma_start3A_211 = arith.constant 0 : i32
        %dma_start3A_212 = arith.constant 0 : i32
        %dma_start3A_213 = tpu.memref_slice %arg5[%scan3A_136, %dma_start3A_211, %dma_start3A_212] : memref<2x64x128xf32, #tpu.memory_space<vmem>> -> memref<1x64x128xf32, #tpu.memory_space<vmem>>
        %dma_start3A_214 = tpu.memref_squeeze %dma_start3A_213 : memref<1x64x128xf32, #tpu.memory_space<vmem>> -> memref<64x128xf32, #tpu.memory_space<vmem>>
        %dma_start3A_215 = arith.constant 0 : i32
        %dma_start3A_216 = tpu.memref_slice %arg2[%dma_start3A_215, %mul3A_210] : memref<64x1000000xf32, #tpu.memory_space<hbm>> -> memref<64x128xf32, #tpu.memory_space<hbm>>
        %dma_start3A_217 = arith.constant 0 : i32
        %dma_start3A_218 = arith.constant 0 : i32
        %dma_start3A_219 = tpu.memref_slice %arg5[%scan3A_136, %dma_start3A_217, %dma_start3A_218] : memref<2x64x128xf32, #tpu.memory_space<vmem>> -> memref<1x64x128xf32, #tpu.memory_space<vmem>>
        %dma_start3A_220 = tpu.memref_squeeze %dma_start3A_219 : memref<1x64x128xf32, #tpu.memory_space<vmem>> -> memref<64x128xf32, #tpu.memory_space<vmem>>
        %dma_start3A_221 = arith.constant 0 : i32
        %dma_start3A_222 = tpu.memref_slice %arg2[%dma_start3A_221, %mul3A_210] : memref<64x1000000xf32, #tpu.memory_space<hbm>> -> memref<64x128xf32, #tpu.memory_space<hbm>>
        tpu.enqueue_dma source(%dma_start3A_222 : memref<64x128xf32, #tpu.memory_space<hbm>>) target(%dma_start3A_220 : memref<64x128xf32, #tpu.memory_space<vmem>>) target_semaphore(%arg7 : memref<!tpu.dma_semaphore, #tpu.memory_space<semaphore_mem>>)
      } else {
      }
      %lt3A_204 = arith.constant 7812 : i32
      %lt3A_205 = arith.cmpi slt, %add3A_198, %lt3A_204 : i32
      %convert_element_type3A_206 = arith.extui %lt3A_205 : i1 to i32
      %cond3A_207 = arith.constant 0 : i32
      %cond3A_208 = arith.cmpi ne, %convert_element_type3A_206, %cond3A_207 : i32
      scf.if %cond3A_208 {
        %dma_wait3A_209 = arith.constant 0 : i32
        %dma_wait3A_210 = arith.constant 0 : i32
        %dma_wait3A_211 = tpu.memref_slice %arg5[%scan3A_135, %dma_wait3A_209, %dma_wait3A_210] : memref<2x64x128xf32, #tpu.memory_space<vmem>> -> memref<1x64x128xf32, #tpu.memory_space<vmem>>
        %dma_wait3A_212 = tpu.memref_squeeze %dma_wait3A_211 : memref<1x64x128xf32, #tpu.memory_space<vmem>> -> memref<64x128xf32, #tpu.memory_space<vmem>>
        %dma_wait3A_213 = arith.constant 0 : i32
        %dma_wait3A_214 = arith.constant 0 : i32
        %dma_wait3A_215 = tpu.memref_slice %arg2[%dma_wait3A_213, %dma_wait3A_214] : memref<64x1000000xf32, #tpu.memory_space<hbm>> -> memref<64x128xf32, #tpu.memory_space<hbm>>
        %dma_wait3A_216 = arith.constant 0 : i32
        %dma_wait3A_217 = arith.constant 0 : i32
        %dma_wait3A_218 = tpu.memref_slice %arg5[%scan3A_135, %dma_wait3A_216, %dma_wait3A_217] : memref<2x64x128xf32, #tpu.memory_space<vmem>> -> memref<1x64x128xf32, #tpu.memory_space<vmem>>
        %dma_wait3A_219 = tpu.memref_squeeze %dma_wait3A_218 : memref<1x64x128xf32, #tpu.memory_space<vmem>> -> memref<64x128xf32, #tpu.memory_space<vmem>>
        %dma_wait3A_220 = arith.constant 0 : i32
        %dma_wait3A_221 = arith.constant 0 : i32
        %dma_wait3A_222 = tpu.memref_slice %arg2[%dma_wait3A_220, %dma_wait3A_221] : memref<64x1000000xf32, #tpu.memory_space<hbm>> -> memref<64x128xf32, #tpu.memory_space<hbm>>
        tpu.wait_dma2 semaphore(%arg8 : memref<!tpu.dma_semaphore, #tpu.memory_space<semaphore_mem>>) src(%dma_wait3A_222 : memref<64x128xf32, #tpu.memory_space<hbm>>) dst(%dma_wait3A_219 : memref<64x128xf32, #tpu.memory_space<vmem>>)
        %dma_wait3A_223 = arith.constant 0 : i32
        %dma_wait3A_224 = arith.constant 0 : i32
        %dma_wait3A_225 = tpu.memref_slice %arg6[%scan3A_138, %dma_wait3A_223, %dma_wait3A_224] : memref<2x64x128xf32, #tpu.memory_space<vmem>> -> memref<1x64x128xf32, #tpu.memory_space<vmem>>
        %dma_wait3A_226 = tpu.memref_squeeze %dma_wait3A_225 : memref<1x64x128xf32, #tpu.memory_space<vmem>> -> memref<64x128xf32, #tpu.memory_space<vmem>>
        %dma_wait3A_227 = arith.constant 0 : i32
        %dma_wait3A_228 = arith.constant 0 : i32
        %dma_wait3A_229 = tpu.memref_slice %arg6[%scan3A_138, %dma_wait3A_227, %dma_wait3A_228] : memref<2x64x128xf32, #tpu.memory_space<vmem>> -> memref<1x64x128xf32, #tpu.memory_space<vmem>>
        %dma_wait3A_230 = tpu.memref_squeeze %dma_wait3A_229 : memref<1x64x128xf32, #tpu.memory_space<vmem>> -> memref<64x128xf32, #tpu.memory_space<vmem>>
        tpu.wait_dma2 semaphore(%arg10 : memref<!tpu.dma_semaphore, #tpu.memory_space<semaphore_mem>>) src(%dma_wait3A_230 : memref<64x128xf32, #tpu.memory_space<vmem>>) dst(%arg11 : memref<64x128xf32, #tpu.memory_space<hbm>>)
        %scan3A_231 = arith.constant 0 : i32
        %scan3A_232 = arith.constant 0 : i32
        %scan3A_233 = arith.constant 32 : i32
        %scan3A_234 = arith.addi %scan3A_232, %scan3A_233 : i32
        %scan3A_235 = arith.constant 1 : i32
        scf.for %scan3A_251 = %scan3A_232 to %scan3A_234 step %scan3A_235  : i32 {
          %shift_right_logical3A_252 = arith.constant 3 : i32
          %shift_right_logical3A_253 = arith.shrui %scan3A_251, %shift_right_logical3A_252 : i32
          %shift_left3A_254 = arith.constant 4 : i32
          %shift_left3A_255 = arith.shli %shift_right_logical3A_253, %shift_left3A_254 : i32
          %and3A_256 = arith.constant 7 : i32
          %and3A_257 = arith.andi %scan3A_251, %and3A_256 : i32
          %shift_left3A_258 = arith.constant 4 : i32
          %shift_left3A_259 = arith.shli %and3A_257, %shift_left3A_258 : i32
          %add3A_260 = vector.broadcast %shift_left3A_259 : i32 to vector<16xi32>
          %add3A_261 = arith.addi %add3A_260, %iota3A : vector<16xi32>
          %shift_right_logical3A_262 = arith.constant 1 : i32
          %shift_right_logical3A_263 = arith.shrui %shift_left3A_259, %shift_right_logical3A_262 : i32
          %add3A_264 = vector.broadcast %shift_right_logical3A_263 : i32 to vector<16xi32>
          %add3A_265 = arith.addi %shift_right_logical3A_97, %add3A_264 : vector<16xi32>
          %add3A_266 = vector.broadcast %shift_left3A_255 : i32 to vector<16xi32>
          %add3A_267 = arith.addi %add3A_266, %and3A_5 : vector<16xi32>
          %gather3A = arith.constant 0 : i32
          %gather3A_268 = arith.constant 0 : i32
          %gather3A_269 = tpu.memref_slice %arg5[%scan3A_135, %gather3A, %gather3A_268] : memref<2x64x128xf32, #tpu.memory_space<vmem>> -> memref<1x64x128xf32, #tpu.memory_space<vmem>>
          %gather3A_270 = tpu.memref_squeeze %gather3A_269 : memref<1x64x128xf32, #tpu.memory_space<vmem>> -> memref<64x128xf32, #tpu.memory_space<vmem>>
          %gather3A_271 = tpu.vector_load_idx %gather3A_270[%add3A_267, %add3A_261] : memref<64x128xf32, #tpu.memory_space<vmem>>[vector<16xi32>, vector<16xi32>], vector<16xf32>,
          %add3A_272 = arith.addi %shift_left3A_102, %add3A_267 : vector<16xi32>
          %scatter3A = arith.constant 0 : i32
          %scatter3A_273 = arith.constant 0 : i32
          %scatter3A_274 = tpu.memref_slice %arg6[%scan3A_138, %scatter3A, %scatter3A_273] : memref<2x64x128xf32, #tpu.memory_space<vmem>> -> memref<1x64x128xf32, #tpu.memory_space<vmem>>
          %scatter3A_275 = tpu.memref_squeeze %scatter3A_274 : memref<1x64x128xf32, #tpu.memory_space<vmem>> -> memref<64x128xf32, #tpu.memory_space<vmem>>
          tpu.vector_store_idx %scatter3A_275[%add3A_265, %add3A_272], %gather3A_271 : memref<64x128xf32, #tpu.memory_space<vmem>>[vector<16xi32>, vector<16xi32>], vector<16xf32>,
          %add3A_276 = vector.broadcast %shift_left3A_255 : i32 to vector<16xi32>
          %add3A_277 = arith.addi %add3A_276, %and3A_11 : vector<16xi32>
          %gather3A_278 = arith.constant 0 : i32
          %gather3A_279 = arith.constant 0 : i32
          %gather3A_280 = tpu.memref_slice %arg5[%scan3A_135, %gather3A_278, %gather3A_279] : memref<2x64x128xf32, #tpu.memory_space<vmem>> -> memref<1x64x128xf32, #tpu.memory_space<vmem>>
          %gather3A_281 = tpu.memref_squeeze %gather3A_280 : memref<1x64x128xf32, #tpu.memory_space<vmem>> -> memref<64x128xf32, #tpu.memory_space<vmem>>
          %gather3A_282 = tpu.vector_load_idx %gather3A_281[%add3A_277, %add3A_261] : memref<64x128xf32, #tpu.memory_space<vmem>>[vector<16xi32>, vector<16xi32>], vector<16xf32>,
          %add3A_283 = arith.addi %shift_left3A_102, %add3A_277 : vector<16xi32>
          %scatter3A_284 = arith.constant 0 : i32
          %scatter3A_285 = arith.constant 0 : i32
          %scatter3A_286 = tpu.memref_slice %arg6[%scan3A_138, %scatter3A_284, %scatter3A_285] : memref<2x64x128xf32, #tpu.memory_space<vmem>> -> memref<1x64x128xf32, #tpu.memory_space<vmem>>
          %scatter3A_287 = tpu.memref_squeeze %scatter3A_286 : memref<1x64x128xf32, #tpu.memory_space<vmem>> -> memref<64x128xf32, #tpu.memory_space<vmem>>
          tpu.vector_store_idx %scatter3A_287[%add3A_265, %add3A_283], %gather3A_282 : memref<64x128xf32, #tpu.memory_space<vmem>>[vector<16xi32>, vector<16xi32>], vector<16xf32>,
          %add3A_288 = vector.broadcast %shift_left3A_255 : i32 to vector<16xi32>
          %add3A_289 = arith.addi %add3A_288, %and3A_17 : vector<16xi32>
          %gather3A_290 = arith.constant 0 : i32
          %gather3A_291 = arith.constant 0 : i32
          %gather3A_292 = tpu.memref_slice %arg5[%scan3A_135, %gather3A_290, %gather3A_291] : memref<2x64x128xf32, #tpu.memory_space<vmem>> -> memref<1x64x128xf32, #tpu.memory_space<vmem>>
          %gather3A_293 = tpu.memref_squeeze %gather3A_292 : memref<1x64x128xf32, #tpu.memory_space<vmem>> -> memref<64x128xf32, #tpu.memory_space<vmem>>
          %gather3A_294 = tpu.vector_load_idx %gather3A_293[%add3A_289, %add3A_261] : memref<64x128xf32, #tpu.memory_space<vmem>>[vector<16xi32>, vector<16xi32>], vector<16xf32>,
          %add3A_295 = arith.addi %shift_left3A_102, %add3A_289 : vector<16xi32>
          %scatter3A_296 = arith.constant 0 : i32
          %scatter3A_297 = arith.constant 0 : i32
          %scatter3A_298 = tpu.memref_slice %arg6[%scan3A_138, %scatter3A_296, %scatter3A_297] : memref<2x64x128xf32, #tpu.memory_space<vmem>> -> memref<1x64x128xf32, #tpu.memory_space<vmem>>
          %scatter3A_299 = tpu.memref_squeeze %scatter3A_298 : memref<1x64x128xf32, #tpu.memory_space<vmem>> -> memref<64x128xf32, #tpu.memory_space<vmem>>
          tpu.vector_store_idx %scatter3A_299[%add3A_265, %add3A_295], %gather3A_294 : memref<64x128xf32, #tpu.memory_space<vmem>>[vector<16xi32>, vector<16xi32>], vector<16xf32>,
          %add3A_300 = vector.broadcast %shift_left3A_255 : i32 to vector<16xi32>
          %add3A_301 = arith.addi %add3A_300, %and3A_23 : vector<16xi32>
          %gather3A_302 = arith.constant 0 : i32
          %gather3A_303 = arith.constant 0 : i32
          %gather3A_304 = tpu.memref_slice %arg5[%scan3A_135, %gather3A_302, %gather3A_303] : memref<2x64x128xf32, #tpu.memory_space<vmem>> -> memref<1x64x128xf32, #tpu.memory_space<vmem>>
          %gather3A_305 = tpu.memref_squeeze %gather3A_304 : memref<1x64x128xf32, #tpu.memory_space<vmem>> -> memref<64x128xf32, #tpu.memory_space<vmem>>
          %gather3A_306 = tpu.vector_load_idx %gather3A_305[%add3A_301, %add3A_261] : memref<64x128xf32, #tpu.memory_space<vmem>>[vector<16xi32>, vector<16xi32>], vector<16xf32>,
          %add3A_307 = arith.addi %shift_left3A_102, %add3A_301 : vector<16xi32>
          %scatter3A_308 = arith.constant 0 : i32
          %scatter3A_309 = arith.constant 0 : i32
          %scatter3A_310 = tpu.memref_slice %arg6[%scan3A_138, %scatter3A_308, %scatter3A_309] : memref<2x64x128xf32, #tpu.memory_space<vmem>> -> memref<1x64x128xf32, #tpu.memory_space<vmem>>
          %scatter3A_311 = tpu.memref_squeeze %scatter3A_310 : memref<1x64x128xf32, #tpu.memory_space<vmem>> -> memref<64x128xf32, #tpu.memory_space<vmem>>
          tpu.vector_store_idx %scatter3A_311[%add3A_265, %add3A_307], %gather3A_306 : memref<64x128xf32, #tpu.memory_space<vmem>>[vector<16xi32>, vector<16xi32>], vector<16xf32>,
          %add3A_312 = vector.broadcast %shift_left3A_255 : i32 to vector<16xi32>
          %add3A_313 = arith.addi %add3A_312, %and3A_29 : vector<16xi32>
          %gather3A_314 = arith.constant 0 : i32
          %gather3A_315 = arith.constant 0 : i32
          %gather3A_316 = tpu.memref_slice %arg5[%scan3A_135, %gather3A_314, %gather3A_315] : memref<2x64x128xf32, #tpu.memory_space<vmem>> -> memref<1x64x128xf32, #tpu.memory_space<vmem>>
          %gather3A_317 = tpu.memref_squeeze %gather3A_316 : memref<1x64x128xf32, #tpu.memory_space<vmem>> -> memref<64x128xf32, #tpu.memory_space<vmem>>
          %gather3A_318 = tpu.vector_load_idx %gather3A_317[%add3A_313, %add3A_261] : memref<64x128xf32, #tpu.memory_space<vmem>>[vector<16xi32>, vector<16xi32>], vector<16xf32>,
          %add3A_319 = arith.addi %shift_left3A_102, %add3A_313 : vector<16xi32>
          %scatter3A_320 = arith.constant 0 : i32
          %scatter3A_321 = arith.constant 0 : i32
          %scatter3A_322 = tpu.memref_slice %arg6[%scan3A_138, %scatter3A_320, %scatter3A_321] : memref<2x64x128xf32, #tpu.memory_space<vmem>> -> memref<1x64x128xf32, #tpu.memory_space<vmem>>
          %scatter3A_323 = tpu.memref_squeeze %scatter3A_322 : memref<1x64x128xf32, #tpu.memory_space<vmem>> -> memref<64x128xf32, #tpu.memory_space<vmem>>
          tpu.vector_store_idx %scatter3A_323[%add3A_265, %add3A_319], %gather3A_318 : memref<64x128xf32, #tpu.memory_space<vmem>>[vector<16xi32>, vector<16xi32>], vector<16xf32>,
          %add3A_324 = vector.broadcast %shift_left3A_255 : i32 to vector<16xi32>
          %add3A_325 = arith.addi %add3A_324, %and3A_35 : vector<16xi32>
          %gather3A_326 = arith.constant 0 : i32
          %gather3A_327 = arith.constant 0 : i32
          %gather3A_328 = tpu.memref_slice %arg5[%scan3A_135, %gather3A_326, %gather3A_327] : memref<2x64x128xf32, #tpu.memory_space<vmem>> -> memref<1x64x128xf32, #tpu.memory_space<vmem>>
          %gather3A_329 = tpu.memref_squeeze %gather3A_328 : memref<1x64x128xf32, #tpu.memory_space<vmem>> -> memref<64x128xf32, #tpu.memory_space<vmem>>
          %gather3A_330 = tpu.vector_load_idx %gather3A_329[%add3A_325, %add3A_261] : memref<64x128xf32, #tpu.memory_space<vmem>>[vector<16xi32>, vector<16xi32>], vector<16xf32>,
          %add3A_331 = arith.addi %shift_left3A_102, %add3A_325 : vector<16xi32>
          %scatter3A_332 = arith.constant 0 : i32
          %scatter3A_333 = arith.constant 0 : i32
          %scatter3A_334 = tpu.memref_slice %arg6[%scan3A_138, %scatter3A_332, %scatter3A_333] : memref<2x64x128xf32, #tpu.memory_space<vmem>> -> memref<1x64x128xf32, #tpu.memory_space<vmem>>
          %scatter3A_335 = tpu.memref_squeeze %scatter3A_334 : memref<1x64x128xf32, #tpu.memory_space<vmem>> -> memref<64x128xf32, #tpu.memory_space<vmem>>
          tpu.vector_store_idx %scatter3A_335[%add3A_265, %add3A_331], %gather3A_330 : memref<64x128xf32, #tpu.memory_space<vmem>>[vector<16xi32>, vector<16xi32>], vector<16xf32>,
          %add3A_336 = vector.broadcast %shift_left3A_255 : i32 to vector<16xi32>
          %add3A_337 = arith.addi %add3A_336, %and3A_41 : vector<16xi32>
          %gather3A_338 = arith.constant 0 : i32
          %gather3A_339 = arith.constant 0 : i32
          %gather3A_340 = tpu.memref_slice %arg5[%scan3A_135, %gather3A_338, %gather3A_339] : memref<2x64x128xf32, #tpu.memory_space<vmem>> -> memref<1x64x128xf32, #tpu.memory_space<vmem>>
          %gather3A_341 = tpu.memref_squeeze %gather3A_340 : memref<1x64x128xf32, #tpu.memory_space<vmem>> -> memref<64x128xf32, #tpu.memory_space<vmem>>
          %gather3A_342 = tpu.vector_load_idx %gather3A_341[%add3A_337, %add3A_261] : memref<64x128xf32, #tpu.memory_space<vmem>>[vector<16xi32>, vector<16xi32>], vector<16xf32>,
          %add3A_343 = arith.addi %shift_left3A_102, %add3A_337 : vector<16xi32>
          %scatter3A_344 = arith.constant 0 : i32
          %scatter3A_345 = arith.constant 0 : i32
          %scatter3A_346 = tpu.memref_slice %arg6[%scan3A_138, %scatter3A_344, %scatter3A_345] : memref<2x64x128xf32, #tpu.memory_space<vmem>> -> memref<1x64x128xf32, #tpu.memory_space<vmem>>
          %scatter3A_347 = tpu.memref_squeeze %scatter3A_346 : memref<1x64x128xf32, #tpu.memory_space<vmem>> -> memref<64x128xf32, #tpu.memory_space<vmem>>
          tpu.vector_store_idx %scatter3A_347[%add3A_265, %add3A_343], %gather3A_342 : memref<64x128xf32, #tpu.memory_space<vmem>>[vector<16xi32>, vector<16xi32>], vector<16xf32>,
          %add3A_348 = vector.broadcast %shift_left3A_255 : i32 to vector<16xi32>
          %add3A_349 = arith.addi %add3A_348, %and3A_47 : vector<16xi32>
          %gather3A_350 = arith.constant 0 : i32
          %gather3A_351 = arith.constant 0 : i32
          %gather3A_352 = tpu.memref_slice %arg5[%scan3A_135, %gather3A_350, %gather3A_351] : memref<2x64x128xf32, #tpu.memory_space<vmem>> -> memref<1x64x128xf32, #tpu.memory_space<vmem>>
          %gather3A_353 = tpu.memref_squeeze %gather3A_352 : memref<1x64x128xf32, #tpu.memory_space<vmem>> -> memref<64x128xf32, #tpu.memory_space<vmem>>
          %gather3A_354 = tpu.vector_load_idx %gather3A_353[%add3A_349, %add3A_261] : memref<64x128xf32, #tpu.memory_space<vmem>>[vector<16xi32>, vector<16xi32>], vector<16xf32>,
          %add3A_355 = arith.addi %shift_left3A_102, %add3A_349 : vector<16xi32>
          %scatter3A_356 = arith.constant 0 : i32
          %scatter3A_357 = arith.constant 0 : i32
          %scatter3A_358 = tpu.memref_slice %arg6[%scan3A_138, %scatter3A_356, %scatter3A_357] : memref<2x64x128xf32, #tpu.memory_space<vmem>> -> memref<1x64x128xf32, #tpu.memory_space<vmem>>
          %scatter3A_359 = tpu.memref_squeeze %scatter3A_358 : memref<1x64x128xf32, #tpu.memory_space<vmem>> -> memref<64x128xf32, #tpu.memory_space<vmem>>
          tpu.vector_store_idx %scatter3A_359[%add3A_265, %add3A_355], %gather3A_354 : memref<64x128xf32, #tpu.memory_space<vmem>>[vector<16xi32>, vector<16xi32>], vector<16xf32>,
          %add3A_360 = vector.broadcast %shift_left3A_255 : i32 to vector<16xi32>
          %add3A_361 = arith.addi %add3A_360, %and3A_53 : vector<16xi32>
          %gather3A_362 = arith.constant 0 : i32
          %gather3A_363 = arith.constant 0 : i32
          %gather3A_364 = tpu.memref_slice %arg5[%scan3A_135, %gather3A_362, %gather3A_363] : memref<2x64x128xf32, #tpu.memory_space<vmem>> -> memref<1x64x128xf32, #tpu.memory_space<vmem>>
          %gather3A_365 = tpu.memref_squeeze %gather3A_364 : memref<1x64x128xf32, #tpu.memory_space<vmem>> -> memref<64x128xf32, #tpu.memory_space<vmem>>
          %gather3A_366 = tpu.vector_load_idx %gather3A_365[%add3A_361, %add3A_261] : memref<64x128xf32, #tpu.memory_space<vmem>>[vector<16xi32>, vector<16xi32>], vector<16xf32>,
          %add3A_367 = arith.addi %shift_left3A_102, %add3A_361 : vector<16xi32>
          %scatter3A_368 = arith.constant 0 : i32
          %scatter3A_369 = arith.constant 0 : i32
          %scatter3A_370 = tpu.memref_slice %arg6[%scan3A_138, %scatter3A_368, %scatter3A_369] : memref<2x64x128xf32, #tpu.memory_space<vmem>> -> memref<1x64x128xf32, #tpu.memory_space<vmem>>
          %scatter3A_371 = tpu.memref_squeeze %scatter3A_370 : memref<1x64x128xf32, #tpu.memory_space<vmem>> -> memref<64x128xf32, #tpu.memory_space<vmem>>
          tpu.vector_store_idx %scatter3A_371[%add3A_265, %add3A_367], %gather3A_366 : memref<64x128xf32, #tpu.memory_space<vmem>>[vector<16xi32>, vector<16xi32>], vector<16xf32>,
          %add3A_372 = vector.broadcast %shift_left3A_255 : i32 to vector<16xi32>
          %add3A_373 = arith.addi %add3A_372, %and3A_59 : vector<16xi32>
          %gather3A_374 = arith.constant 0 : i32
          %gather3A_375 = arith.constant 0 : i32
          %gather3A_376 = tpu.memref_slice %arg5[%scan3A_135, %gather3A_374, %gather3A_375] : memref<2x64x128xf32, #tpu.memory_space<vmem>> -> memref<1x64x128xf32, #tpu.memory_space<vmem>>
          %gather3A_377 = tpu.memref_squeeze %gather3A_376 : memref<1x64x128xf32, #tpu.memory_space<vmem>> -> memref<64x128xf32, #tpu.memory_space<vmem>>
          %gather3A_378 = tpu.vector_load_idx %gather3A_377[%add3A_373, %add3A_261] : memref<64x128xf32, #tpu.memory_space<vmem>>[vector<16xi32>, vector<16xi32>], vector<16xf32>,
          %add3A_379 = arith.addi %shift_left3A_102, %add3A_373 : vector<16xi32>
          %scatter3A_380 = arith.constant 0 : i32
          %scatter3A_381 = arith.constant 0 : i32
          %scatter3A_382 = tpu.memref_slice %arg6[%scan3A_138, %scatter3A_380, %scatter3A_381] : memref<2x64x128xf32, #tpu.memory_space<vmem>> -> memref<1x64x128xf32, #tpu.memory_space<vmem>>
          %scatter3A_383 = tpu.memref_squeeze %scatter3A_382 : memref<1x64x128xf32, #tpu.memory_space<vmem>> -> memref<64x128xf32, #tpu.memory_space<vmem>>
          tpu.vector_store_idx %scatter3A_383[%add3A_265, %add3A_379], %gather3A_378 : memref<64x128xf32, #tpu.memory_space<vmem>>[vector<16xi32>, vector<16xi32>], vector<16xf32>,
          %add3A_384 = vector.broadcast %shift_left3A_255 : i32 to vector<16xi32>
          %add3A_385 = arith.addi %add3A_384, %and3A_65 : vector<16xi32>
          %gather3A_386 = arith.constant 0 : i32
          %gather3A_387 = arith.constant 0 : i32
          %gather3A_388 = tpu.memref_slice %arg5[%scan3A_135, %gather3A_386, %gather3A_387] : memref<2x64x128xf32, #tpu.memory_space<vmem>> -> memref<1x64x128xf32, #tpu.memory_space<vmem>>
          %gather3A_389 = tpu.memref_squeeze %gather3A_388 : memref<1x64x128xf32, #tpu.memory_space<vmem>> -> memref<64x128xf32, #tpu.memory_space<vmem>>
          %gather3A_390 = tpu.vector_load_idx %gather3A_389[%add3A_385, %add3A_261] : memref<64x128xf32, #tpu.memory_space<vmem>>[vector<16xi32>, vector<16xi32>], vector<16xf32>,
          %add3A_391 = arith.addi %shift_left3A_102, %add3A_385 : vector<16xi32>
          %scatter3A_392 = arith.constant 0 : i32
          %scatter3A_393 = arith.constant 0 : i32
          %scatter3A_394 = tpu.memref_slice %arg6[%scan3A_138, %scatter3A_392, %scatter3A_393] : memref<2x64x128xf32, #tpu.memory_space<vmem>> -> memref<1x64x128xf32, #tpu.memory_space<vmem>>
          %scatter3A_395 = tpu.memref_squeeze %scatter3A_394 : memref<1x64x128xf32, #tpu.memory_space<vmem>> -> memref<64x128xf32, #tpu.memory_space<vmem>>
          tpu.vector_store_idx %scatter3A_395[%add3A_265, %add3A_391], %gather3A_390 : memref<64x128xf32, #tpu.memory_space<vmem>>[vector<16xi32>, vector<16xi32>], vector<16xf32>,
          %add3A_396 = vector.broadcast %shift_left3A_255 : i32 to vector<16xi32>
          %add3A_397 = arith.addi %add3A_396, %and3A_71 : vector<16xi32>
          %gather3A_398 = arith.constant 0 : i32
          %gather3A_399 = arith.constant 0 : i32
          %gather3A_400 = tpu.memref_slice %arg5[%scan3A_135, %gather3A_398, %gather3A_399] : memref<2x64x128xf32, #tpu.memory_space<vmem>> -> memref<1x64x128xf32, #tpu.memory_space<vmem>>
          %gather3A_401 = tpu.memref_squeeze %gather3A_400 : memref<1x64x128xf32, #tpu.memory_space<vmem>> -> memref<64x128xf32, #tpu.memory_space<vmem>>
          %gather3A_402 = tpu.vector_load_idx %gather3A_401[%add3A_397, %add3A_261] : memref<64x128xf32, #tpu.memory_space<vmem>>[vector<16xi32>, vector<16xi32>], vector<16xf32>,
          %add3A_403 = arith.addi %shift_left3A_102, %add3A_397 : vector<16xi32>
          %scatter3A_404 = arith.constant 0 : i32
          %scatter3A_405 = arith.constant 0 : i32
          %scatter3A_406 = tpu.memref_slice %arg6[%scan3A_138, %scatter3A_404, %scatter3A_405] : memref<2x64x128xf32, #tpu.memory_space<vmem>> -> memref<1x64x128xf32, #tpu.memory_space<vmem>>
          %scatter3A_407 = tpu.memref_squeeze %scatter3A_406 : memref<1x64x128xf32, #tpu.memory_space<vmem>> -> memref<64x128xf32, #tpu.memory_space<vmem>>
          tpu.vector_store_idx %scatter3A_407[%add3A_265, %add3A_403], %gather3A_402 : memref<64x128xf32, #tpu.memory_space<vmem>>[vector<16xi32>, vector<16xi32>], vector<16xf32>,
          %add3A_408 = vector.broadcast %shift_left3A_255 : i32 to vector<16xi32>
          %add3A_409 = arith.addi %add3A_408, %and3A_77 : vector<16xi32>
          %gather3A_410 = arith.constant 0 : i32
          %gather3A_411 = arith.constant 0 : i32
          %gather3A_412 = tpu.memref_slice %arg5[%scan3A_135, %gather3A_410, %gather3A_411] : memref<2x64x128xf32, #tpu.memory_space<vmem>> -> memref<1x64x128xf32, #tpu.memory_space<vmem>>
          %gather3A_413 = tpu.memref_squeeze %gather3A_412 : memref<1x64x128xf32, #tpu.memory_space<vmem>> -> memref<64x128xf32, #tpu.memory_space<vmem>>
          %gather3A_414 = tpu.vector_load_idx %gather3A_413[%add3A_409, %add3A_261] : memref<64x128xf32, #tpu.memory_space<vmem>>[vector<16xi32>, vector<16xi32>], vector<16xf32>,
          %add3A_415 = arith.addi %shift_left3A_102, %add3A_409 : vector<16xi32>
          %scatter3A_416 = arith.constant 0 : i32
          %scatter3A_417 = arith.constant 0 : i32
          %scatter3A_418 = tpu.memref_slice %arg6[%scan3A_138, %scatter3A_416, %scatter3A_417] : memref<2x64x128xf32, #tpu.memory_space<vmem>> -> memref<1x64x128xf32, #tpu.memory_space<vmem>>
          %scatter3A_419 = tpu.memref_squeeze %scatter3A_418 : memref<1x64x128xf32, #tpu.memory_space<vmem>> -> memref<64x128xf32, #tpu.memory_space<vmem>>
          tpu.vector_store_idx %scatter3A_419[%add3A_265, %add3A_415], %gather3A_414 : memref<64x128xf32, #tpu.memory_space<vmem>>[vector<16xi32>, vector<16xi32>], vector<16xf32>,
          %add3A_420 = vector.broadcast %shift_left3A_255 : i32 to vector<16xi32>
          %add3A_421 = arith.addi %add3A_420, %and3A_83 : vector<16xi32>
          %gather3A_422 = arith.constant 0 : i32
          %gather3A_423 = arith.constant 0 : i32
          %gather3A_424 = tpu.memref_slice %arg5[%scan3A_135, %gather3A_422, %gather3A_423] : memref<2x64x128xf32, #tpu.memory_space<vmem>> -> memref<1x64x128xf32, #tpu.memory_space<vmem>>
          %gather3A_425 = tpu.memref_squeeze %gather3A_424 : memref<1x64x128xf32, #tpu.memory_space<vmem>> -> memref<64x128xf32, #tpu.memory_space<vmem>>
          %gather3A_426 = tpu.vector_load_idx %gather3A_425[%add3A_421, %add3A_261] : memref<64x128xf32, #tpu.memory_space<vmem>>[vector<16xi32>, vector<16xi32>], vector<16xf32>,
          %add3A_427 = arith.addi %shift_left3A_102, %add3A_421 : vector<16xi32>
          %scatter3A_428 = arith.constant 0 : i32
          %scatter3A_429 = arith.constant 0 : i32
          %scatter3A_430 = tpu.memref_slice %arg6[%scan3A_138, %scatter3A_428, %scatter3A_429] : memref<2x64x128xf32, #tpu.memory_space<vmem>> -> memref<1x64x128xf32, #tpu.memory_space<vmem>>
          %scatter3A_431 = tpu.memref_squeeze %scatter3A_430 : memref<1x64x128xf32, #tpu.memory_space<vmem>> -> memref<64x128xf32, #tpu.memory_space<vmem>>
          tpu.vector_store_idx %scatter3A_431[%add3A_265, %add3A_427], %gather3A_426 : memref<64x128xf32, #tpu.memory_space<vmem>>[vector<16xi32>, vector<16xi32>], vector<16xf32>,
          %add3A_432 = vector.broadcast %shift_left3A_255 : i32 to vector<16xi32>
          %add3A_433 = arith.addi %add3A_432, %and3A_89 : vector<16xi32>
          %gather3A_434 = arith.constant 0 : i32
          %gather3A_435 = arith.constant 0 : i32
          %gather3A_436 = tpu.memref_slice %arg5[%scan3A_135, %gather3A_434, %gather3A_435] : memref<2x64x128xf32, #tpu.memory_space<vmem>> -> memref<1x64x128xf32, #tpu.memory_space<vmem>>
          %gather3A_437 = tpu.memref_squeeze %gather3A_436 : memref<1x64x128xf32, #tpu.memory_space<vmem>> -> memref<64x128xf32, #tpu.memory_space<vmem>>
          %gather3A_438 = tpu.vector_load_idx %gather3A_437[%add3A_433, %add3A_261] : memref<64x128xf32, #tpu.memory_space<vmem>>[vector<16xi32>, vector<16xi32>], vector<16xf32>,
          %add3A_439 = arith.addi %shift_left3A_102, %add3A_433 : vector<16xi32>
          %scatter3A_440 = arith.constant 0 : i32
          %scatter3A_441 = arith.constant 0 : i32
          %scatter3A_442 = tpu.memref_slice %arg6[%scan3A_138, %scatter3A_440, %scatter3A_441] : memref<2x64x128xf32, #tpu.memory_space<vmem>> -> memref<1x64x128xf32, #tpu.memory_space<vmem>>
          %scatter3A_443 = tpu.memref_squeeze %scatter3A_442 : memref<1x64x128xf32, #tpu.memory_space<vmem>> -> memref<64x128xf32, #tpu.memory_space<vmem>>
          tpu.vector_store_idx %scatter3A_443[%add3A_265, %add3A_439], %gather3A_438 : memref<64x128xf32, #tpu.memory_space<vmem>>[vector<16xi32>, vector<16xi32>], vector<16xf32>,
          %add3A_444 = vector.broadcast %shift_left3A_255 : i32 to vector<16xi32>
          %add3A_445 = arith.addi %add3A_444, %and3A_95 : vector<16xi32>
          %gather3A_446 = arith.constant 0 : i32
          %gather3A_447 = arith.constant 0 : i32
          %gather3A_448 = tpu.memref_slice %arg5[%scan3A_135, %gather3A_446, %gather3A_447] : memref<2x64x128xf32, #tpu.memory_space<vmem>> -> memref<1x64x128xf32, #tpu.memory_space<vmem>>
          %gather3A_449 = tpu.memref_squeeze %gather3A_448 : memref<1x64x128xf32, #tpu.memory_space<vmem>> -> memref<64x128xf32, #tpu.memory_space<vmem>>
          %gather3A_450 = tpu.vector_load_idx %gather3A_449[%add3A_445, %add3A_261] : memref<64x128xf32, #tpu.memory_space<vmem>>[vector<16xi32>, vector<16xi32>], vector<16xf32>,
          %add3A_451 = arith.addi %shift_left3A_102, %add3A_445 : vector<16xi32>
          %scatter3A_452 = arith.constant 0 : i32
          %scatter3A_453 = arith.constant 0 : i32
          %scatter3A_454 = tpu.memref_slice %arg6[%scan3A_138, %scatter3A_452, %scatter3A_453] : memref<2x64x128xf32, #tpu.memory_space<vmem>> -> memref<1x64x128xf32, #tpu.memory_space<vmem>>
          %scatter3A_455 = tpu.memref_squeeze %scatter3A_454 : memref<1x64x128xf32, #tpu.memory_space<vmem>> -> memref<64x128xf32, #tpu.memory_space<vmem>>
          tpu.vector_store_idx %scatter3A_455[%add3A_265, %add3A_451], %gather3A_450 : memref<64x128xf32, #tpu.memory_space<vmem>>[vector<16xi32>, vector<16xi32>], vector<16xf32>,
        }
        %scan3A_236 = arith.constant 32 : i32
        %mul3A_237 = arith.constant 64 : i32
        %mul3A_238 = arith.muli %add3A_198, %mul3A_237 : i32
        %dma_start3A_239 = arith.constant 0 : i32
        %dma_start3A_240 = arith.constant 0 : i32
        %dma_start3A_241 = tpu.memref_slice %arg6[%scan3A_138, %dma_start3A_239, %dma_start3A_240] : memref<2x64x128xf32, #tpu.memory_space<vmem>> -> memref<1x64x128xf32, #tpu.memory_space<vmem>>
        %dma_start3A_242 = tpu.memref_squeeze %dma_start3A_241 : memref<1x64x128xf32, #tpu.memory_space<vmem>> -> memref<64x128xf32, #tpu.memory_space<vmem>>
        %dma_start3A_243 = arith.constant 0 : i32
        %dma_start3A_244 = tpu.memref_slice %arg4[%mul3A_238, %dma_start3A_243] : memref<500000x128xf32, #tpu.memory_space<hbm>> -> memref<64x128xf32, #tpu.memory_space<hbm>>
        %dma_start3A_245 = arith.constant 0 : i32
        %dma_start3A_246 = tpu.memref_slice %arg4[%mul3A_238, %dma_start3A_245] : memref<500000x128xf32, #tpu.memory_space<hbm>> -> memref<64x128xf32, #tpu.memory_space<hbm>>
        %dma_start3A_247 = arith.constant 0 : i32
        %dma_start3A_248 = arith.constant 0 : i32
        %dma_start3A_249 = tpu.memref_slice %arg6[%scan3A_138, %dma_start3A_247, %dma_start3A_248] : memref<2x64x128xf32, #tpu.memory_space<vmem>> -> memref<1x64x128xf32, #tpu.memory_space<vmem>>
        %dma_start3A_250 = tpu.memref_squeeze %dma_start3A_249 : memref<1x64x128xf32, #tpu.memory_space<vmem>> -> memref<64x128xf32, #tpu.memory_space<vmem>>
        tpu.enqueue_dma source(%dma_start3A_250 : memref<64x128xf32, #tpu.memory_space<vmem>>) target(%dma_start3A_246 : memref<64x128xf32, #tpu.memory_space<hbm>>) target_semaphore(%arg10 : memref<!tpu.dma_semaphore, #tpu.memory_space<semaphore_mem>>)
      } else {
      }
    }
    %scan3A_143 = arith.constant 123 : i32
    %eq3A = arith.constant 31 : i32
    %eq3A_144 = arith.cmpi eq, %add3A, %eq3A : i32
    %convert_element_type3A = arith.extui %eq3A_144 : i1 to i32
    %cond3A = arith.constant 0 : i32
    %cond3A_145 = arith.constant 0 : i32
    %cond3A_146 = arith.constant 0 : i32
    %cond3A_147 = arith.cmpi ne, %convert_element_type3A, %cond3A_146 : i32
    scf.if %cond3A_147 {
      "tpu.region"() ({
        %run_scoped3A = tpu.sem_alloc : memref<!tpu.dma_semaphore, #tpu.memory_space<semaphore_mem>>
        %dma_start3A_193 = arith.constant 0 : i32
        %dma_start3A_194 = arith.constant 0 : i32
        %dma_start3A_195 = tpu.memref_slice %arg5[%cond3A, %dma_start3A_193, %dma_start3A_194] : memref<2x64x128xf32, #tpu.memory_space<vmem>> -> memref<1x64x128xf32, #tpu.memory_space<vmem>>
        %dma_start3A_196 = tpu.memref_squeeze %dma_start3A_195 : memref<1x64x128xf32, #tpu.memory_space<vmem>> -> memref<64x128xf32, #tpu.memory_space<vmem>>
        %dma_start3A_197 = arith.constant 0 : i32
        %dma_start3A_198 = arith.constant 0 : i32
        %dma_start3A_199 = tpu.memref_slice %arg5[%cond3A, %dma_start3A_197, %dma_start3A_198] : memref<2x64x128xf32, #tpu.memory_space<vmem>> -> memref<1x64x128xf32, #tpu.memory_space<vmem>>
        %dma_start3A_200 = tpu.memref_squeeze %dma_start3A_199 : memref<1x64x128xf32, #tpu.memory_space<vmem>> -> memref<64x128xf32, #tpu.memory_space<vmem>>
        tpu.enqueue_dma source(%arg3 : memref<64x128xf32, #tpu.memory_space<hbm>>) target(%dma_start3A_200 : memref<64x128xf32, #tpu.memory_space<vmem>>) target_semaphore(%run_scoped3A : memref<!tpu.dma_semaphore, #tpu.memory_space<semaphore_mem>>)
        %dma_wait3A_201 = arith.constant 0 : i32
        %dma_wait3A_202 = arith.constant 0 : i32
        %dma_wait3A_203 = tpu.memref_slice %arg5[%cond3A, %dma_wait3A_201, %dma_wait3A_202] : memref<2x64x128xf32, #tpu.memory_space<vmem>> -> memref<1x64x128xf32, #tpu.memory_space<vmem>>
        %dma_wait3A_204 = tpu.memref_squeeze %dma_wait3A_203 : memref<1x64x128xf32, #tpu.memory_space<vmem>> -> memref<64x128xf32, #tpu.memory_space<vmem>>
        %dma_wait3A_205 = arith.constant 0 : i32
        %dma_wait3A_206 = arith.constant 0 : i32
        %dma_wait3A_207 = tpu.memref_slice %arg5[%cond3A, %dma_wait3A_205, %dma_wait3A_206] : memref<2x64x128xf32, #tpu.memory_space<vmem>> -> memref<1x64x128xf32, #tpu.memory_space<vmem>>
        %dma_wait3A_208 = tpu.memref_squeeze %dma_wait3A_207 : memref<1x64x128xf32, #tpu.memory_space<vmem>> -> memref<64x128xf32, #tpu.memory_space<vmem>>
        tpu.wait_dma2 semaphore(%run_scoped3A : memref<!tpu.dma_semaphore, #tpu.memory_space<semaphore_mem>>) src(%arg3 : memref<64x128xf32, #tpu.memory_space<hbm>>) dst(%dma_wait3A_208 : memref<64x128xf32, #tpu.memory_space<vmem>>)
        tpu.yield
      }) : () -> ()
      %dma_wait3A_165 = arith.constant 0 : i32
      %dma_wait3A_166 = arith.constant 0 : i32
      %dma_wait3A_167 = tpu.memref_slice %arg6[%cond3A_145, %dma_wait3A_165, %dma_wait3A_166] : memref<2x64x128xf32, #tpu.memory_space<vmem>> -> memref<1x64x128xf32, #tpu.memory_space<vmem>>
      %dma_wait3A_168 = tpu.memref_squeeze %dma_wait3A_167 : memref<1x64x128xf32, #tpu.memory_space<vmem>> -> memref<64x128xf32, #tpu.memory_space<vmem>>
      %dma_wait3A_169 = arith.constant 0 : i32
      %dma_wait3A_170 = arith.constant 0 : i32
      %dma_wait3A_171 = tpu.memref_slice %arg6[%cond3A_145, %dma_wait3A_169, %dma_wait3A_170] : memref<2x64x128xf32, #tpu.memory_space<vmem>> -> memref<1x64x128xf32, #tpu.memory_space<vmem>>
      %dma_wait3A_172 = tpu.memref_squeeze %dma_wait3A_171 : memref<1x64x128xf32, #tpu.memory_space<vmem>> -> memref<64x128xf32, #tpu.memory_space<vmem>>
      tpu.wait_dma2 semaphore(%arg9 : memref<!tpu.dma_semaphore, #tpu.memory_space<semaphore_mem>>) src(%dma_wait3A_172 : memref<64x128xf32, #tpu.memory_space<vmem>>) dst(%arg11 : memref<64x128xf32, #tpu.memory_space<hbm>>)
      %scan3A_173 = arith.constant 0 : i32
      %scan3A_174 = arith.constant 0 : i32
      %scan3A_175 = arith.constant 32 : i32
      %scan3A_176 = arith.addi %scan3A_174, %scan3A_175 : i32
      %scan3A_177 = arith.constant 1 : i32
      scf.for %scan3A_193 = %scan3A_174 to %scan3A_176 step %scan3A_177  : i32 {
        %shift_right_logical3A_194 = arith.constant 3 : i32
        %shift_right_logical3A_195 = arith.shrui %scan3A_193, %shift_right_logical3A_194 : i32
        %shift_left3A_196 = arith.constant 4 : i32
        %shift_left3A_197 = arith.shli %shift_right_logical3A_195, %shift_left3A_196 : i32
        %and3A_198 = arith.constant 7 : i32
        %and3A_199 = arith.andi %scan3A_193, %and3A_198 : i32
        %shift_left3A_200 = arith.constant 4 : i32
        %shift_left3A_201 = arith.shli %and3A_199, %shift_left3A_200 : i32
        %add3A_202 = vector.broadcast %shift_left3A_201 : i32 to vector<16xi32>
        %add3A_203 = arith.addi %add3A_202, %iota3A : vector<16xi32>
        %shift_right_logical3A_204 = arith.constant 1 : i32
        %shift_right_logical3A_205 = arith.shrui %shift_left3A_201, %shift_right_logical3A_204 : i32
        %add3A_206 = vector.broadcast %shift_right_logical3A_205 : i32 to vector<16xi32>
        %add3A_207 = arith.addi %shift_right_logical3A_97, %add3A_206 : vector<16xi32>
        %add3A_208 = vector.broadcast %shift_left3A_197 : i32 to vector<16xi32>
        %add3A_209 = arith.addi %add3A_208, %and3A_5 : vector<16xi32>
        %gather3A = arith.constant 0 : i32
        %gather3A_210 = arith.constant 0 : i32
        %gather3A_211 = tpu.memref_slice %arg5[%cond3A, %gather3A, %gather3A_210] : memref<2x64x128xf32, #tpu.memory_space<vmem>> -> memref<1x64x128xf32, #tpu.memory_space<vmem>>
        %gather3A_212 = tpu.memref_squeeze %gather3A_211 : memref<1x64x128xf32, #tpu.memory_space<vmem>> -> memref<64x128xf32, #tpu.memory_space<vmem>>
        %gather3A_213 = tpu.vector_load_idx %gather3A_212[%add3A_209, %add3A_203] : memref<64x128xf32, #tpu.memory_space<vmem>>[vector<16xi32>, vector<16xi32>], vector<16xf32>,
        %add3A_214 = arith.addi %shift_left3A_102, %add3A_209 : vector<16xi32>
        %scatter3A = arith.constant 0 : i32
        %scatter3A_215 = arith.constant 0 : i32
        %scatter3A_216 = tpu.memref_slice %arg6[%cond3A_145, %scatter3A, %scatter3A_215] : memref<2x64x128xf32, #tpu.memory_space<vmem>> -> memref<1x64x128xf32, #tpu.memory_space<vmem>>
        %scatter3A_217 = tpu.memref_squeeze %scatter3A_216 : memref<1x64x128xf32, #tpu.memory_space<vmem>> -> memref<64x128xf32, #tpu.memory_space<vmem>>
        tpu.vector_store_idx %scatter3A_217[%add3A_207, %add3A_214], %gather3A_213 : memref<64x128xf32, #tpu.memory_space<vmem>>[vector<16xi32>, vector<16xi32>], vector<16xf32>,
        %add3A_218 = vector.broadcast %shift_left3A_197 : i32 to vector<16xi32>
        %add3A_219 = arith.addi %add3A_218, %and3A_11 : vector<16xi32>
        %gather3A_220 = arith.constant 0 : i32
        %gather3A_221 = arith.constant 0 : i32
        %gather3A_222 = tpu.memref_slice %arg5[%cond3A, %gather3A_220, %gather3A_221] : memref<2x64x128xf32, #tpu.memory_space<vmem>> -> memref<1x64x128xf32, #tpu.memory_space<vmem>>
        %gather3A_223 = tpu.memref_squeeze %gather3A_222 : memref<1x64x128xf32, #tpu.memory_space<vmem>> -> memref<64x128xf32, #tpu.memory_space<vmem>>
        %gather3A_224 = tpu.vector_load_idx %gather3A_223[%add3A_219, %add3A_203] : memref<64x128xf32, #tpu.memory_space<vmem>>[vector<16xi32>, vector<16xi32>], vector<16xf32>,
        %add3A_225 = arith.addi %shift_left3A_102, %add3A_219 : vector<16xi32>
        %scatter3A_226 = arith.constant 0 : i32
        %scatter3A_227 = arith.constant 0 : i32
        %scatter3A_228 = tpu.memref_slice %arg6[%cond3A_145, %scatter3A_226, %scatter3A_227] : memref<2x64x128xf32, #tpu.memory_space<vmem>> -> memref<1x64x128xf32, #tpu.memory_space<vmem>>
        %scatter3A_229 = tpu.memref_squeeze %scatter3A_228 : memref<1x64x128xf32, #tpu.memory_space<vmem>> -> memref<64x128xf32, #tpu.memory_space<vmem>>
        tpu.vector_store_idx %scatter3A_229[%add3A_207, %add3A_225], %gather3A_224 : memref<64x128xf32, #tpu.memory_space<vmem>>[vector<16xi32>, vector<16xi32>], vector<16xf32>,
        %add3A_230 = vector.broadcast %shift_left3A_197 : i32 to vector<16xi32>
        %add3A_231 = arith.addi %add3A_230, %and3A_17 : vector<16xi32>
        %gather3A_232 = arith.constant 0 : i32
        %gather3A_233 = arith.constant 0 : i32
        %gather3A_234 = tpu.memref_slice %arg5[%cond3A, %gather3A_232, %gather3A_233] : memref<2x64x128xf32, #tpu.memory_space<vmem>> -> memref<1x64x128xf32, #tpu.memory_space<vmem>>
        %gather3A_235 = tpu.memref_squeeze %gather3A_234 : memref<1x64x128xf32, #tpu.memory_space<vmem>> -> memref<64x128xf32, #tpu.memory_space<vmem>>
        %gather3A_236 = tpu.vector_load_idx %gather3A_235[%add3A_231, %add3A_203] : memref<64x128xf32, #tpu.memory_space<vmem>>[vector<16xi32>, vector<16xi32>], vector<16xf32>,
        %add3A_237 = arith.addi %shift_left3A_102, %add3A_231 : vector<16xi32>
        %scatter3A_238 = arith.constant 0 : i32
        %scatter3A_239 = arith.constant 0 : i32
        %scatter3A_240 = tpu.memref_slice %arg6[%cond3A_145, %scatter3A_238, %scatter3A_239] : memref<2x64x128xf32, #tpu.memory_space<vmem>> -> memref<1x64x128xf32, #tpu.memory_space<vmem>>
        %scatter3A_241 = tpu.memref_squeeze %scatter3A_240 : memref<1x64x128xf32, #tpu.memory_space<vmem>> -> memref<64x128xf32, #tpu.memory_space<vmem>>
        tpu.vector_store_idx %scatter3A_241[%add3A_207, %add3A_237], %gather3A_236 : memref<64x128xf32, #tpu.memory_space<vmem>>[vector<16xi32>, vector<16xi32>], vector<16xf32>,
        %add3A_242 = vector.broadcast %shift_left3A_197 : i32 to vector<16xi32>
        %add3A_243 = arith.addi %add3A_242, %and3A_23 : vector<16xi32>
        %gather3A_244 = arith.constant 0 : i32
        %gather3A_245 = arith.constant 0 : i32
        %gather3A_246 = tpu.memref_slice %arg5[%cond3A, %gather3A_244, %gather3A_245] : memref<2x64x128xf32, #tpu.memory_space<vmem>> -> memref<1x64x128xf32, #tpu.memory_space<vmem>>
        %gather3A_247 = tpu.memref_squeeze %gather3A_246 : memref<1x64x128xf32, #tpu.memory_space<vmem>> -> memref<64x128xf32, #tpu.memory_space<vmem>>
        %gather3A_248 = tpu.vector_load_idx %gather3A_247[%add3A_243, %add3A_203] : memref<64x128xf32, #tpu.memory_space<vmem>>[vector<16xi32>, vector<16xi32>], vector<16xf32>,
        %add3A_249 = arith.addi %shift_left3A_102, %add3A_243 : vector<16xi32>
        %scatter3A_250 = arith.constant 0 : i32
        %scatter3A_251 = arith.constant 0 : i32
        %scatter3A_252 = tpu.memref_slice %arg6[%cond3A_145, %scatter3A_250, %scatter3A_251] : memref<2x64x128xf32, #tpu.memory_space<vmem>> -> memref<1x64x128xf32, #tpu.memory_space<vmem>>
        %scatter3A_253 = tpu.memref_squeeze %scatter3A_252 : memref<1x64x128xf32, #tpu.memory_space<vmem>> -> memref<64x128xf32, #tpu.memory_space<vmem>>
        tpu.vector_store_idx %scatter3A_253[%add3A_207, %add3A_249], %gather3A_248 : memref<64x128xf32, #tpu.memory_space<vmem>>[vector<16xi32>, vector<16xi32>], vector<16xf32>,
        %add3A_254 = vector.broadcast %shift_left3A_197 : i32 to vector<16xi32>
        %add3A_255 = arith.addi %add3A_254, %and3A_29 : vector<16xi32>
        %gather3A_256 = arith.constant 0 : i32
        %gather3A_257 = arith.constant 0 : i32
        %gather3A_258 = tpu.memref_slice %arg5[%cond3A, %gather3A_256, %gather3A_257] : memref<2x64x128xf32, #tpu.memory_space<vmem>> -> memref<1x64x128xf32, #tpu.memory_space<vmem>>
        %gather3A_259 = tpu.memref_squeeze %gather3A_258 : memref<1x64x128xf32, #tpu.memory_space<vmem>> -> memref<64x128xf32, #tpu.memory_space<vmem>>
        %gather3A_260 = tpu.vector_load_idx %gather3A_259[%add3A_255, %add3A_203] : memref<64x128xf32, #tpu.memory_space<vmem>>[vector<16xi32>, vector<16xi32>], vector<16xf32>,
        %add3A_261 = arith.addi %shift_left3A_102, %add3A_255 : vector<16xi32>
        %scatter3A_262 = arith.constant 0 : i32
        %scatter3A_263 = arith.constant 0 : i32
        %scatter3A_264 = tpu.memref_slice %arg6[%cond3A_145, %scatter3A_262, %scatter3A_263] : memref<2x64x128xf32, #tpu.memory_space<vmem>> -> memref<1x64x128xf32, #tpu.memory_space<vmem>>
        %scatter3A_265 = tpu.memref_squeeze %scatter3A_264 : memref<1x64x128xf32, #tpu.memory_space<vmem>> -> memref<64x128xf32, #tpu.memory_space<vmem>>
        tpu.vector_store_idx %scatter3A_265[%add3A_207, %add3A_261], %gather3A_260 : memref<64x128xf32, #tpu.memory_space<vmem>>[vector<16xi32>, vector<16xi32>], vector<16xf32>,
        %add3A_266 = vector.broadcast %shift_left3A_197 : i32 to vector<16xi32>
        %add3A_267 = arith.addi %add3A_266, %and3A_35 : vector<16xi32>
        %gather3A_268 = arith.constant 0 : i32
        %gather3A_269 = arith.constant 0 : i32
        %gather3A_270 = tpu.memref_slice %arg5[%cond3A, %gather3A_268, %gather3A_269] : memref<2x64x128xf32, #tpu.memory_space<vmem>> -> memref<1x64x128xf32, #tpu.memory_space<vmem>>
        %gather3A_271 = tpu.memref_squeeze %gather3A_270 : memref<1x64x128xf32, #tpu.memory_space<vmem>> -> memref<64x128xf32, #tpu.memory_space<vmem>>
        %gather3A_272 = tpu.vector_load_idx %gather3A_271[%add3A_267, %add3A_203] : memref<64x128xf32, #tpu.memory_space<vmem>>[vector<16xi32>, vector<16xi32>], vector<16xf32>,
        %add3A_273 = arith.addi %shift_left3A_102, %add3A_267 : vector<16xi32>
        %scatter3A_274 = arith.constant 0 : i32
        %scatter3A_275 = arith.constant 0 : i32
        %scatter3A_276 = tpu.memref_slice %arg6[%cond3A_145, %scatter3A_274, %scatter3A_275] : memref<2x64x128xf32, #tpu.memory_space<vmem>> -> memref<1x64x128xf32, #tpu.memory_space<vmem>>
        %scatter3A_277 = tpu.memref_squeeze %scatter3A_276 : memref<1x64x128xf32, #tpu.memory_space<vmem>> -> memref<64x128xf32, #tpu.memory_space<vmem>>
        tpu.vector_store_idx %scatter3A_277[%add3A_207, %add3A_273], %gather3A_272 : memref<64x128xf32, #tpu.memory_space<vmem>>[vector<16xi32>, vector<16xi32>], vector<16xf32>,
        %add3A_278 = vector.broadcast %shift_left3A_197 : i32 to vector<16xi32>
        %add3A_279 = arith.addi %add3A_278, %and3A_41 : vector<16xi32>
        %gather3A_280 = arith.constant 0 : i32
        %gather3A_281 = arith.constant 0 : i32
        %gather3A_282 = tpu.memref_slice %arg5[%cond3A, %gather3A_280, %gather3A_281] : memref<2x64x128xf32, #tpu.memory_space<vmem>> -> memref<1x64x128xf32, #tpu.memory_space<vmem>>
        %gather3A_283 = tpu.memref_squeeze %gather3A_282 : memref<1x64x128xf32, #tpu.memory_space<vmem>> -> memref<64x128xf32, #tpu.memory_space<vmem>>
        %gather3A_284 = tpu.vector_load_idx %gather3A_283[%add3A_279, %add3A_203] : memref<64x128xf32, #tpu.memory_space<vmem>>[vector<16xi32>, vector<16xi32>], vector<16xf32>,
        %add3A_285 = arith.addi %shift_left3A_102, %add3A_279 : vector<16xi32>
        %scatter3A_286 = arith.constant 0 : i32
        %scatter3A_287 = arith.constant 0 : i32
        %scatter3A_288 = tpu.memref_slice %arg6[%cond3A_145, %scatter3A_286, %scatter3A_287] : memref<2x64x128xf32, #tpu.memory_space<vmem>> -> memref<1x64x128xf32, #tpu.memory_space<vmem>>
        %scatter3A_289 = tpu.memref_squeeze %scatter3A_288 : memref<1x64x128xf32, #tpu.memory_space<vmem>> -> memref<64x128xf32, #tpu.memory_space<vmem>>
        tpu.vector_store_idx %scatter3A_289[%add3A_207, %add3A_285], %gather3A_284 : memref<64x128xf32, #tpu.memory_space<vmem>>[vector<16xi32>, vector<16xi32>], vector<16xf32>,
        %add3A_290 = vector.broadcast %shift_left3A_197 : i32 to vector<16xi32>
        %add3A_291 = arith.addi %add3A_290, %and3A_47 : vector<16xi32>
        %gather3A_292 = arith.constant 0 : i32
        %gather3A_293 = arith.constant 0 : i32
        %gather3A_294 = tpu.memref_slice %arg5[%cond3A, %gather3A_292, %gather3A_293] : memref<2x64x128xf32, #tpu.memory_space<vmem>> -> memref<1x64x128xf32, #tpu.memory_space<vmem>>
        %gather3A_295 = tpu.memref_squeeze %gather3A_294 : memref<1x64x128xf32, #tpu.memory_space<vmem>> -> memref<64x128xf32, #tpu.memory_space<vmem>>
        %gather3A_296 = tpu.vector_load_idx %gather3A_295[%add3A_291, %add3A_203] : memref<64x128xf32, #tpu.memory_space<vmem>>[vector<16xi32>, vector<16xi32>], vector<16xf32>,
        %add3A_297 = arith.addi %shift_left3A_102, %add3A_291 : vector<16xi32>
        %scatter3A_298 = arith.constant 0 : i32
        %scatter3A_299 = arith.constant 0 : i32
        %scatter3A_300 = tpu.memref_slice %arg6[%cond3A_145, %scatter3A_298, %scatter3A_299] : memref<2x64x128xf32, #tpu.memory_space<vmem>> -> memref<1x64x128xf32, #tpu.memory_space<vmem>>
        %scatter3A_301 = tpu.memref_squeeze %scatter3A_300 : memref<1x64x128xf32, #tpu.memory_space<vmem>> -> memref<64x128xf32, #tpu.memory_space<vmem>>
        tpu.vector_store_idx %scatter3A_301[%add3A_207, %add3A_297], %gather3A_296 : memref<64x128xf32, #tpu.memory_space<vmem>>[vector<16xi32>, vector<16xi32>], vector<16xf32>,
        %add3A_302 = vector.broadcast %shift_left3A_197 : i32 to vector<16xi32>
        %add3A_303 = arith.addi %add3A_302, %and3A_53 : vector<16xi32>
        %gather3A_304 = arith.constant 0 : i32
        %gather3A_305 = arith.constant 0 : i32
        %gather3A_306 = tpu.memref_slice %arg5[%cond3A, %gather3A_304, %gather3A_305] : memref<2x64x128xf32, #tpu.memory_space<vmem>> -> memref<1x64x128xf32, #tpu.memory_space<vmem>>
        %gather3A_307 = tpu.memref_squeeze %gather3A_306 : memref<1x64x128xf32, #tpu.memory_space<vmem>> -> memref<64x128xf32, #tpu.memory_space<vmem>>
        %gather3A_308 = tpu.vector_load_idx %gather3A_307[%add3A_303, %add3A_203] : memref<64x128xf32, #tpu.memory_space<vmem>>[vector<16xi32>, vector<16xi32>], vector<16xf32>,
        %add3A_309 = arith.addi %shift_left3A_102, %add3A_303 : vector<16xi32>
        %scatter3A_310 = arith.constant 0 : i32
        %scatter3A_311 = arith.constant 0 : i32
        %scatter3A_312 = tpu.memref_slice %arg6[%cond3A_145, %scatter3A_310, %scatter3A_311] : memref<2x64x128xf32, #tpu.memory_space<vmem>> -> memref<1x64x128xf32, #tpu.memory_space<vmem>>
        %scatter3A_313 = tpu.memref_squeeze %scatter3A_312 : memref<1x64x128xf32, #tpu.memory_space<vmem>> -> memref<64x128xf32, #tpu.memory_space<vmem>>
        tpu.vector_store_idx %scatter3A_313[%add3A_207, %add3A_309], %gather3A_308 : memref<64x128xf32, #tpu.memory_space<vmem>>[vector<16xi32>, vector<16xi32>], vector<16xf32>,
        %add3A_314 = vector.broadcast %shift_left3A_197 : i32 to vector<16xi32>
        %add3A_315 = arith.addi %add3A_314, %and3A_59 : vector<16xi32>
        %gather3A_316 = arith.constant 0 : i32
        %gather3A_317 = arith.constant 0 : i32
        %gather3A_318 = tpu.memref_slice %arg5[%cond3A, %gather3A_316, %gather3A_317] : memref<2x64x128xf32, #tpu.memory_space<vmem>> -> memref<1x64x128xf32, #tpu.memory_space<vmem>>
        %gather3A_319 = tpu.memref_squeeze %gather3A_318 : memref<1x64x128xf32, #tpu.memory_space<vmem>> -> memref<64x128xf32, #tpu.memory_space<vmem>>
        %gather3A_320 = tpu.vector_load_idx %gather3A_319[%add3A_315, %add3A_203] : memref<64x128xf32, #tpu.memory_space<vmem>>[vector<16xi32>, vector<16xi32>], vector<16xf32>,
        %add3A_321 = arith.addi %shift_left3A_102, %add3A_315 : vector<16xi32>
        %scatter3A_322 = arith.constant 0 : i32
        %scatter3A_323 = arith.constant 0 : i32
        %scatter3A_324 = tpu.memref_slice %arg6[%cond3A_145, %scatter3A_322, %scatter3A_323] : memref<2x64x128xf32, #tpu.memory_space<vmem>> -> memref<1x64x128xf32, #tpu.memory_space<vmem>>
        %scatter3A_325 = tpu.memref_squeeze %scatter3A_324 : memref<1x64x128xf32, #tpu.memory_space<vmem>> -> memref<64x128xf32, #tpu.memory_space<vmem>>
        tpu.vector_store_idx %scatter3A_325[%add3A_207, %add3A_321], %gather3A_320 : memref<64x128xf32, #tpu.memory_space<vmem>>[vector<16xi32>, vector<16xi32>], vector<16xf32>,
        %add3A_326 = vector.broadcast %shift_left3A_197 : i32 to vector<16xi32>
        %add3A_327 = arith.addi %add3A_326, %and3A_65 : vector<16xi32>
        %gather3A_328 = arith.constant 0 : i32
        %gather3A_329 = arith.constant 0 : i32
        %gather3A_330 = tpu.memref_slice %arg5[%cond3A, %gather3A_328, %gather3A_329] : memref<2x64x128xf32, #tpu.memory_space<vmem>> -> memref<1x64x128xf32, #tpu.memory_space<vmem>>
        %gather3A_331 = tpu.memref_squeeze %gather3A_330 : memref<1x64x128xf32, #tpu.memory_space<vmem>> -> memref<64x128xf32, #tpu.memory_space<vmem>>
        %gather3A_332 = tpu.vector_load_idx %gather3A_331[%add3A_327, %add3A_203] : memref<64x128xf32, #tpu.memory_space<vmem>>[vector<16xi32>, vector<16xi32>], vector<16xf32>,
        %add3A_333 = arith.addi %shift_left3A_102, %add3A_327 : vector<16xi32>
        %scatter3A_334 = arith.constant 0 : i32
        %scatter3A_335 = arith.constant 0 : i32
        %scatter3A_336 = tpu.memref_slice %arg6[%cond3A_145, %scatter3A_334, %scatter3A_335] : memref<2x64x128xf32, #tpu.memory_space<vmem>> -> memref<1x64x128xf32, #tpu.memory_space<vmem>>
        %scatter3A_337 = tpu.memref_squeeze %scatter3A_336 : memref<1x64x128xf32, #tpu.memory_space<vmem>> -> memref<64x128xf32, #tpu.memory_space<vmem>>
        tpu.vector_store_idx %scatter3A_337[%add3A_207, %add3A_333], %gather3A_332 : memref<64x128xf32, #tpu.memory_space<vmem>>[vector<16xi32>, vector<16xi32>], vector<16xf32>,
        %add3A_338 = vector.broadcast %shift_left3A_197 : i32 to vector<16xi32>
        %add3A_339 = arith.addi %add3A_338, %and3A_71 : vector<16xi32>
        %gather3A_340 = arith.constant 0 : i32
        %gather3A_341 = arith.constant 0 : i32
        %gather3A_342 = tpu.memref_slice %arg5[%cond3A, %gather3A_340, %gather3A_341] : memref<2x64x128xf32, #tpu.memory_space<vmem>> -> memref<1x64x128xf32, #tpu.memory_space<vmem>>
        %gather3A_343 = tpu.memref_squeeze %gather3A_342 : memref<1x64x128xf32, #tpu.memory_space<vmem>> -> memref<64x128xf32, #tpu.memory_space<vmem>>
        %gather3A_344 = tpu.vector_load_idx %gather3A_343[%add3A_339, %add3A_203] : memref<64x128xf32, #tpu.memory_space<vmem>>[vector<16xi32>, vector<16xi32>], vector<16xf32>,
        %add3A_345 = arith.addi %shift_left3A_102, %add3A_339 : vector<16xi32>
        %scatter3A_346 = arith.constant 0 : i32
        %scatter3A_347 = arith.constant 0 : i32
        %scatter3A_348 = tpu.memref_slice %arg6[%cond3A_145, %scatter3A_346, %scatter3A_347] : memref<2x64x128xf32, #tpu.memory_space<vmem>> -> memref<1x64x128xf32, #tpu.memory_space<vmem>>
        %scatter3A_349 = tpu.memref_squeeze %scatter3A_348 : memref<1x64x128xf32, #tpu.memory_space<vmem>> -> memref<64x128xf32, #tpu.memory_space<vmem>>
        tpu.vector_store_idx %scatter3A_349[%add3A_207, %add3A_345], %gather3A_344 : memref<64x128xf32, #tpu.memory_space<vmem>>[vector<16xi32>, vector<16xi32>], vector<16xf32>,
        %add3A_350 = vector.broadcast %shift_left3A_197 : i32 to vector<16xi32>
        %add3A_351 = arith.addi %add3A_350, %and3A_77 : vector<16xi32>
        %gather3A_352 = arith.constant 0 : i32
        %gather3A_353 = arith.constant 0 : i32
        %gather3A_354 = tpu.memref_slice %arg5[%cond3A, %gather3A_352, %gather3A_353] : memref<2x64x128xf32, #tpu.memory_space<vmem>> -> memref<1x64x128xf32, #tpu.memory_space<vmem>>
        %gather3A_355 = tpu.memref_squeeze %gather3A_354 : memref<1x64x128xf32, #tpu.memory_space<vmem>> -> memref<64x128xf32, #tpu.memory_space<vmem>>
        %gather3A_356 = tpu.vector_load_idx %gather3A_355[%add3A_351, %add3A_203] : memref<64x128xf32, #tpu.memory_space<vmem>>[vector<16xi32>, vector<16xi32>], vector<16xf32>,
        %add3A_357 = arith.addi %shift_left3A_102, %add3A_351 : vector<16xi32>
        %scatter3A_358 = arith.constant 0 : i32
        %scatter3A_359 = arith.constant 0 : i32
        %scatter3A_360 = tpu.memref_slice %arg6[%cond3A_145, %scatter3A_358, %scatter3A_359] : memref<2x64x128xf32, #tpu.memory_space<vmem>> -> memref<1x64x128xf32, #tpu.memory_space<vmem>>
        %scatter3A_361 = tpu.memref_squeeze %scatter3A_360 : memref<1x64x128xf32, #tpu.memory_space<vmem>> -> memref<64x128xf32, #tpu.memory_space<vmem>>
        tpu.vector_store_idx %scatter3A_361[%add3A_207, %add3A_357], %gather3A_356 : memref<64x128xf32, #tpu.memory_space<vmem>>[vector<16xi32>, vector<16xi32>], vector<16xf32>,
        %add3A_362 = vector.broadcast %shift_left3A_197 : i32 to vector<16xi32>
        %add3A_363 = arith.addi %add3A_362, %and3A_83 : vector<16xi32>
        %gather3A_364 = arith.constant 0 : i32
        %gather3A_365 = arith.constant 0 : i32
        %gather3A_366 = tpu.memref_slice %arg5[%cond3A, %gather3A_364, %gather3A_365] : memref<2x64x128xf32, #tpu.memory_space<vmem>> -> memref<1x64x128xf32, #tpu.memory_space<vmem>>
        %gather3A_367 = tpu.memref_squeeze %gather3A_366 : memref<1x64x128xf32, #tpu.memory_space<vmem>> -> memref<64x128xf32, #tpu.memory_space<vmem>>
        %gather3A_368 = tpu.vector_load_idx %gather3A_367[%add3A_363, %add3A_203] : memref<64x128xf32, #tpu.memory_space<vmem>>[vector<16xi32>, vector<16xi32>], vector<16xf32>,
        %add3A_369 = arith.addi %shift_left3A_102, %add3A_363 : vector<16xi32>
        %scatter3A_370 = arith.constant 0 : i32
        %scatter3A_371 = arith.constant 0 : i32
        %scatter3A_372 = tpu.memref_slice %arg6[%cond3A_145, %scatter3A_370, %scatter3A_371] : memref<2x64x128xf32, #tpu.memory_space<vmem>> -> memref<1x64x128xf32, #tpu.memory_space<vmem>>
        %scatter3A_373 = tpu.memref_squeeze %scatter3A_372 : memref<1x64x128xf32, #tpu.memory_space<vmem>> -> memref<64x128xf32, #tpu.memory_space<vmem>>
        tpu.vector_store_idx %scatter3A_373[%add3A_207, %add3A_369], %gather3A_368 : memref<64x128xf32, #tpu.memory_space<vmem>>[vector<16xi32>, vector<16xi32>], vector<16xf32>,
        %add3A_374 = vector.broadcast %shift_left3A_197 : i32 to vector<16xi32>
        %add3A_375 = arith.addi %add3A_374, %and3A_89 : vector<16xi32>
        %gather3A_376 = arith.constant 0 : i32
        %gather3A_377 = arith.constant 0 : i32
        %gather3A_378 = tpu.memref_slice %arg5[%cond3A, %gather3A_376, %gather3A_377] : memref<2x64x128xf32, #tpu.memory_space<vmem>> -> memref<1x64x128xf32, #tpu.memory_space<vmem>>
        %gather3A_379 = tpu.memref_squeeze %gather3A_378 : memref<1x64x128xf32, #tpu.memory_space<vmem>> -> memref<64x128xf32, #tpu.memory_space<vmem>>
        %gather3A_380 = tpu.vector_load_idx %gather3A_379[%add3A_375, %add3A_203] : memref<64x128xf32, #tpu.memory_space<vmem>>[vector<16xi32>, vector<16xi32>], vector<16xf32>,
        %add3A_381 = arith.addi %shift_left3A_102, %add3A_375 : vector<16xi32>
        %scatter3A_382 = arith.constant 0 : i32
        %scatter3A_383 = arith.constant 0 : i32
        %scatter3A_384 = tpu.memref_slice %arg6[%cond3A_145, %scatter3A_382, %scatter3A_383] : memref<2x64x128xf32, #tpu.memory_space<vmem>> -> memref<1x64x128xf32, #tpu.memory_space<vmem>>
        %scatter3A_385 = tpu.memref_squeeze %scatter3A_384 : memref<1x64x128xf32, #tpu.memory_space<vmem>> -> memref<64x128xf32, #tpu.memory_space<vmem>>
        tpu.vector_store_idx %scatter3A_385[%add3A_207, %add3A_381], %gather3A_380 : memref<64x128xf32, #tpu.memory_space<vmem>>[vector<16xi32>, vector<16xi32>], vector<16xf32>,
        %add3A_386 = vector.broadcast %shift_left3A_197 : i32 to vector<16xi32>
        %add3A_387 = arith.addi %add3A_386, %and3A_95 : vector<16xi32>
        %gather3A_388 = arith.constant 0 : i32
        %gather3A_389 = arith.constant 0 : i32
        %gather3A_390 = tpu.memref_slice %arg5[%cond3A, %gather3A_388, %gather3A_389] : memref<2x64x128xf32, #tpu.memory_space<vmem>> -> memref<1x64x128xf32, #tpu.memory_space<vmem>>
        %gather3A_391 = tpu.memref_squeeze %gather3A_390 : memref<1x64x128xf32, #tpu.memory_space<vmem>> -> memref<64x128xf32, #tpu.memory_space<vmem>>
        %gather3A_392 = tpu.vector_load_idx %gather3A_391[%add3A_387, %add3A_203] : memref<64x128xf32, #tpu.memory_space<vmem>>[vector<16xi32>, vector<16xi32>], vector<16xf32>,
        %add3A_393 = arith.addi %shift_left3A_102, %add3A_387 : vector<16xi32>
        %scatter3A_394 = arith.constant 0 : i32
        %scatter3A_395 = arith.constant 0 : i32
        %scatter3A_396 = tpu.memref_slice %arg6[%cond3A_145, %scatter3A_394, %scatter3A_395] : memref<2x64x128xf32, #tpu.memory_space<vmem>> -> memref<1x64x128xf32, #tpu.memory_space<vmem>>
        %scatter3A_397 = tpu.memref_squeeze %scatter3A_396 : memref<1x64x128xf32, #tpu.memory_space<vmem>> -> memref<64x128xf32, #tpu.memory_space<vmem>>
        tpu.vector_store_idx %scatter3A_397[%add3A_207, %add3A_393], %gather3A_392 : memref<64x128xf32, #tpu.memory_space<vmem>>[vector<16xi32>, vector<16xi32>], vector<16xf32>,
      }
      %scan3A_178 = arith.constant 32 : i32
      %dma_start3A_179 = arith.constant 0 : i32
      %dma_start3A_180 = arith.constant 0 : i32
      %dma_start3A_181 = tpu.memref_slice %arg6[%cond3A_145, %dma_start3A_179, %dma_start3A_180] : memref<2x64x128xf32, #tpu.memory_space<vmem>> -> memref<1x64x128xf32, #tpu.memory_space<vmem>>
      %dma_start3A_182 = tpu.memref_squeeze %dma_start3A_181 : memref<1x64x128xf32, #tpu.memory_space<vmem>> -> memref<64x128xf32, #tpu.memory_space<vmem>>
      %dma_start3A_183 = arith.constant 499936 : i32
      %dma_start3A_184 = arith.constant 0 : i32
      %dma_start3A_185 = tpu.memref_slice %arg4[%dma_start3A_183, %dma_start3A_184] : memref<500000x128xf32, #tpu.memory_space<hbm>> -> memref<64x128xf32, #tpu.memory_space<hbm>>
      %dma_start3A_186 = arith.constant 499936 : i32
      %dma_start3A_187 = arith.constant 0 : i32
      %dma_start3A_188 = tpu.memref_slice %arg4[%dma_start3A_186, %dma_start3A_187] : memref<500000x128xf32, #tpu.memory_space<hbm>> -> memref<64x128xf32, #tpu.memory_space<hbm>>
      %dma_start3A_189 = arith.constant 0 : i32
      %dma_start3A_190 = arith.constant 0 : i32
      %dma_start3A_191 = tpu.memref_slice %arg6[%cond3A_145, %dma_start3A_189, %dma_start3A_190] : memref<2x64x128xf32, #tpu.memory_space<vmem>> -> memref<1x64x128xf32, #tpu.memory_space<vmem>>
      %dma_start3A_192 = tpu.memref_squeeze %dma_start3A_191 : memref<1x64x128xf32, #tpu.memory_space<vmem>> -> memref<64x128xf32, #tpu.memory_space<vmem>>
      tpu.enqueue_dma source(%dma_start3A_192 : memref<64x128xf32, #tpu.memory_space<vmem>>) target(%dma_start3A_188 : memref<64x128xf32, #tpu.memory_space<hbm>>) target_semaphore(%arg9 : memref<!tpu.dma_semaphore, #tpu.memory_space<semaphore_mem>>)
    } else {
    }
    %dma_wait3A = arith.constant 0 : i32
    %dma_wait3A_148 = arith.constant 0 : i32
    %dma_wait3A_149 = arith.constant 0 : i32
    %dma_wait3A_150 = tpu.memref_slice %arg6[%dma_wait3A, %dma_wait3A_148, %dma_wait3A_149] : memref<2x64x128xf32, #tpu.memory_space<vmem>> -> memref<1x64x128xf32, #tpu.memory_space<vmem>>
    %dma_wait3A_151 = tpu.memref_squeeze %dma_wait3A_150 : memref<1x64x128xf32, #tpu.memory_space<vmem>> -> memref<64x128xf32, #tpu.memory_space<vmem>>
    %dma_wait3A_152 = arith.constant 0 : i32
    %dma_wait3A_153 = arith.constant 0 : i32
    %dma_wait3A_154 = tpu.memref_slice %arg6[%dma_wait3A, %dma_wait3A_152, %dma_wait3A_153] : memref<2x64x128xf32, #tpu.memory_space<vmem>> -> memref<1x64x128xf32, #tpu.memory_space<vmem>>
    %dma_wait3A_155 = tpu.memref_squeeze %dma_wait3A_154 : memref<1x64x128xf32, #tpu.memory_space<vmem>> -> memref<64x128xf32, #tpu.memory_space<vmem>>
    tpu.wait_dma2 semaphore(%arg9 : memref<!tpu.dma_semaphore, #tpu.memory_space<semaphore_mem>>) src(%dma_wait3A_155 : memref<64x128xf32, #tpu.memory_space<vmem>>) dst(%arg11 : memref<64x128xf32, #tpu.memory_space<hbm>>)
    %dma_wait3A_156 = arith.constant 1 : i32
    %dma_wait3A_157 = arith.constant 0 : i32
    %dma_wait3A_158 = arith.constant 0 : i32
    %dma_wait3A_159 = tpu.memref_slice %arg6[%dma_wait3A_156, %dma_wait3A_157, %dma_wait3A_158] : memref<2x64x128xf32, #tpu.memory_space<vmem>> -> memref<1x64x128xf32, #tpu.memory_space<vmem>>
    %dma_wait3A_160 = tpu.memref_squeeze %dma_wait3A_159 : memref<1x64x128xf32, #tpu.memory_space<vmem>> -> memref<64x128xf32, #tpu.memory_space<vmem>>
    %dma_wait3A_161 = arith.constant 0 : i32
    %dma_wait3A_162 = arith.constant 0 : i32
    %dma_wait3A_163 = tpu.memref_slice %arg6[%dma_wait3A_156, %dma_wait3A_161, %dma_wait3A_162] : memref<2x64x128xf32, #tpu.memory_space<vmem>> -> memref<1x64x128xf32, #tpu.memory_space<vmem>>
    %dma_wait3A_164 = tpu.memref_squeeze %dma_wait3A_163 : memref<1x64x128xf32, #tpu.memory_space<vmem>> -> memref<64x128xf32, #tpu.memory_space<vmem>>
    tpu.wait_dma2 semaphore(%arg10 : memref<!tpu.dma_semaphore, #tpu.memory_space<semaphore_mem>>) src(%dma_wait3A_164 : memref<64x128xf32, #tpu.memory_space<vmem>>) dst(%arg11 : memref<64x128xf32, #tpu.memory_space<hbm>>)
    return
  }
}

#map = affine_map<(d0, d1) -> (0, 0)>
#map1 = affine_map<(d0, d1) -> (0, 0, 0)>
module attributes {stable_mosaic.version = 14 : i64} {
  func.func @_gather_body(%arg0: i32, %arg1: i32, %arg2: memref<500000x128xf32, #tpu.memory_space<hbm>>, %arg3: memref<200x4096xi32, #tpu.memory_space<hbm>>, %arg4: memref<200x64x4096xf32, #tpu.memory_space<hbm>>, %arg5: memref<8x128xi32, #tpu.memory_space<vmem>>, %arg6: memref<8x128xi32, #tpu.memory_space<vmem>>, %arg7: memref<8x128xi32, #tpu.memory_space<vmem>>, %arg8: memref<2x128x128xf32, #tpu.memory_space<vmem>>, %arg9: memref<2x64x128xf32, #tpu.memory_space<vmem>>, %arg10: memref<64x128xf32, #tpu.memory_space<hbm>>, %arg11: memref<!tpu.dma_semaphore, #tpu.memory_space<semaphore_mem>>, %arg12: memref<!tpu.dma_semaphore, #tpu.memory_space<semaphore_mem>>, %arg13: memref<!tpu.dma_semaphore, #tpu.memory_space<semaphore_mem>>, %arg14: memref<!tpu.dma_semaphore, #tpu.memory_space<semaphore_mem>>) attributes {dimension_semantics = [#tpu.dimension_semantics<core_parallel>, #tpu.dimension_semantics<subcore_parallel>], iteration_bounds = array<i64: 2, 16>, scalar_prefetch = 0 : i64, scratch_operands = 10 : i64, tpu.core_type = #tpu.core_type<sc_vector_subcore>, window_params = [{transform_indices = #map}, {transform_indices = #map}, {transform_indices = #map1}]} {
    %mul3A = arith.constant 2 : i32
    %mul3A_0 = arith.muli %arg1, %mul3A : i32
    %add3A = arith.addi %mul3A_0, %arg0 : i32
    %mul3A_1 = arith.constant 128 : i32
    %mul3A_2 = arith.muli %add3A, %mul3A_1 : i32
    %iota3A = tpu.iota {dimensions = array<i32: 0>} : vector<16xi32>
    %add3A_3 = arith.constant 0 : i32
    %add3A_4 = vector.broadcast %add3A_3 : i32 to vector<16xi32>
    %add3A_5 = arith.addi %iota3A, %add3A_4 : vector<16xi32>
    %and3A = arith.constant 15 : i32
    %and3A_6 = vector.broadcast %and3A : i32 to vector<16xi32>
    %and3A_7 = arith.andi %add3A_5, %and3A_6 : vector<16xi32>
    %add3A_8 = arith.constant 1 : i32
    %add3A_9 = vector.broadcast %add3A_8 : i32 to vector<16xi32>
    %add3A_10 = arith.addi %iota3A, %add3A_9 : vector<16xi32>
    %and3A_11 = arith.constant 15 : i32
    %and3A_12 = vector.broadcast %and3A_11 : i32 to vector<16xi32>
    %and3A_13 = arith.andi %add3A_10, %and3A_12 : vector<16xi32>
    %add3A_14 = arith.constant 2 : i32
    %add3A_15 = vector.broadcast %add3A_14 : i32 to vector<16xi32>
    %add3A_16 = arith.addi %iota3A, %add3A_15 : vector<16xi32>
    %and3A_17 = arith.constant 15 : i32
    %and3A_18 = vector.broadcast %and3A_17 : i32 to vector<16xi32>
    %and3A_19 = arith.andi %add3A_16, %and3A_18 : vector<16xi32>
    %add3A_20 = arith.constant 3 : i32
    %add3A_21 = vector.broadcast %add3A_20 : i32 to vector<16xi32>
    %add3A_22 = arith.addi %iota3A, %add3A_21 : vector<16xi32>
    %and3A_23 = arith.constant 15 : i32
    %and3A_24 = vector.broadcast %and3A_23 : i32 to vector<16xi32>
    %and3A_25 = arith.andi %add3A_22, %and3A_24 : vector<16xi32>
    %add3A_26 = arith.constant 4 : i32
    %add3A_27 = vector.broadcast %add3A_26 : i32 to vector<16xi32>
    %add3A_28 = arith.addi %iota3A, %add3A_27 : vector<16xi32>
    %and3A_29 = arith.constant 15 : i32
    %and3A_30 = vector.broadcast %and3A_29 : i32 to vector<16xi32>
    %and3A_31 = arith.andi %add3A_28, %and3A_30 : vector<16xi32>
    %add3A_32 = arith.constant 5 : i32
    %add3A_33 = vector.broadcast %add3A_32 : i32 to vector<16xi32>
    %add3A_34 = arith.addi %iota3A, %add3A_33 : vector<16xi32>
    %and3A_35 = arith.constant 15 : i32
    %and3A_36 = vector.broadcast %and3A_35 : i32 to vector<16xi32>
    %and3A_37 = arith.andi %add3A_34, %and3A_36 : vector<16xi32>
    %add3A_38 = arith.constant 6 : i32
    %add3A_39 = vector.broadcast %add3A_38 : i32 to vector<16xi32>
    %add3A_40 = arith.addi %iota3A, %add3A_39 : vector<16xi32>
    %and3A_41 = arith.constant 15 : i32
    %and3A_42 = vector.broadcast %and3A_41 : i32 to vector<16xi32>
    %and3A_43 = arith.andi %add3A_40, %and3A_42 : vector<16xi32>
    %add3A_44 = arith.constant 7 : i32
    %add3A_45 = vector.broadcast %add3A_44 : i32 to vector<16xi32>
    %add3A_46 = arith.addi %iota3A, %add3A_45 : vector<16xi32>
    %and3A_47 = arith.constant 15 : i32
    %and3A_48 = vector.broadcast %and3A_47 : i32 to vector<16xi32>
    %and3A_49 = arith.andi %add3A_46, %and3A_48 : vector<16xi32>
    %add3A_50 = arith.constant 8 : i32
    %add3A_51 = vector.broadcast %add3A_50 : i32 to vector<16xi32>
    %add3A_52 = arith.addi %iota3A, %add3A_51 : vector<16xi32>
    %and3A_53 = arith.constant 15 : i32
    %and3A_54 = vector.broadcast %and3A_53 : i32 to vector<16xi32>
    %and3A_55 = arith.andi %add3A_52, %and3A_54 : vector<16xi32>
    %add3A_56 = arith.constant 9 : i32
    %add3A_57 = vector.broadcast %add3A_56 : i32 to vector<16xi32>
    %add3A_58 = arith.addi %iota3A, %add3A_57 : vector<16xi32>
    %and3A_59 = arith.constant 15 : i32
    %and3A_60 = vector.broadcast %and3A_59 : i32 to vector<16xi32>
    %and3A_61 = arith.andi %add3A_58, %and3A_60 : vector<16xi32>
    %add3A_62 = arith.constant 10 : i32
    %add3A_63 = vector.broadcast %add3A_62 : i32 to vector<16xi32>
    %add3A_64 = arith.addi %iota3A, %add3A_63 : vector<16xi32>
    %and3A_65 = arith.constant 15 : i32
    %and3A_66 = vector.broadcast %and3A_65 : i32 to vector<16xi32>
    %and3A_67 = arith.andi %add3A_64, %and3A_66 : vector<16xi32>
    %add3A_68 = arith.constant 11 : i32
    %add3A_69 = vector.broadcast %add3A_68 : i32 to vector<16xi32>
    %add3A_70 = arith.addi %iota3A, %add3A_69 : vector<16xi32>
    %and3A_71 = arith.constant 15 : i32
    %and3A_72 = vector.broadcast %and3A_71 : i32 to vector<16xi32>
    %and3A_73 = arith.andi %add3A_70, %and3A_72 : vector<16xi32>
    %add3A_74 = arith.constant 12 : i32
    %add3A_75 = vector.broadcast %add3A_74 : i32 to vector<16xi32>
    %add3A_76 = arith.addi %iota3A, %add3A_75 : vector<16xi32>
    %and3A_77 = arith.constant 15 : i32
    %and3A_78 = vector.broadcast %and3A_77 : i32 to vector<16xi32>
    %and3A_79 = arith.andi %add3A_76, %and3A_78 : vector<16xi32>
    %add3A_80 = arith.constant 13 : i32
    %add3A_81 = vector.broadcast %add3A_80 : i32 to vector<16xi32>
    %add3A_82 = arith.addi %iota3A, %add3A_81 : vector<16xi32>
    %and3A_83 = arith.constant 15 : i32
    %and3A_84 = vector.broadcast %and3A_83 : i32 to vector<16xi32>
    %and3A_85 = arith.andi %add3A_82, %and3A_84 : vector<16xi32>
    %add3A_86 = arith.constant 14 : i32
    %add3A_87 = vector.broadcast %add3A_86 : i32 to vector<16xi32>
    %add3A_88 = arith.addi %iota3A, %add3A_87 : vector<16xi32>
    %and3A_89 = arith.constant 15 : i32
    %and3A_90 = vector.broadcast %and3A_89 : i32 to vector<16xi32>
    %and3A_91 = arith.andi %add3A_88, %and3A_90 : vector<16xi32>
    %add3A_92 = arith.constant 15 : i32
    %add3A_93 = vector.broadcast %add3A_92 : i32 to vector<16xi32>
    %add3A_94 = arith.addi %iota3A, %add3A_93 : vector<16xi32>
    %and3A_95 = arith.constant 15 : i32
    %and3A_96 = vector.broadcast %and3A_95 : i32 to vector<16xi32>
    %and3A_97 = arith.andi %add3A_94, %and3A_96 : vector<16xi32>
    %dma_start3A = arith.constant 0 : i32
    %dma_start3A_98 = arith.constant 0 : i32
    %dma_start3A_99 = arith.constant 0 : i32
    %dma_start3A_100 = tpu.memref_slice %arg9[%dma_start3A, %dma_start3A_98, %dma_start3A_99] : memref<2x64x128xf32, #tpu.memory_space<vmem>> -> memref<1x64x128xf32, #tpu.memory_space<vmem>>
    %dma_start3A_101 = tpu.memref_squeeze %dma_start3A_100 : memref<1x64x128xf32, #tpu.memory_space<vmem>> -> memref<64x128xf32, #tpu.memory_space<vmem>>
    %dma_start3A_102 = arith.constant 0 : i32
    %dma_start3A_103 = arith.constant 0 : i32
    %dma_start3A_104 = tpu.memref_slice %arg9[%dma_start3A, %dma_start3A_102, %dma_start3A_103] : memref<2x64x128xf32, #tpu.memory_space<vmem>> -> memref<1x64x128xf32, #tpu.memory_space<vmem>>
    %dma_start3A_105 = tpu.memref_squeeze %dma_start3A_104 : memref<1x64x128xf32, #tpu.memory_space<vmem>> -> memref<64x128xf32, #tpu.memory_space<vmem>>
    tpu.enqueue_dma source(%dma_start3A_105 : memref<64x128xf32, #tpu.memory_space<vmem>>) target(%arg10 : memref<64x128xf32, #tpu.memory_space<hbm>>) target_semaphore(%arg13 : memref<!tpu.dma_semaphore, #tpu.memory_space<semaphore_mem>>)
    %dma_start3A_106 = arith.constant 1 : i32
    %dma_start3A_107 = arith.constant 0 : i32
    %dma_start3A_108 = arith.constant 0 : i32
    %dma_start3A_109 = tpu.memref_slice %arg9[%dma_start3A_106, %dma_start3A_107, %dma_start3A_108] : memref<2x64x128xf32, #tpu.memory_space<vmem>> -> memref<1x64x128xf32, #tpu.memory_space<vmem>>
    %dma_start3A_110 = tpu.memref_squeeze %dma_start3A_109 : memref<1x64x128xf32, #tpu.memory_space<vmem>> -> memref<64x128xf32, #tpu.memory_space<vmem>>
    %dma_start3A_111 = arith.constant 0 : i32
    %dma_start3A_112 = arith.constant 0 : i32
    %dma_start3A_113 = tpu.memref_slice %arg9[%dma_start3A_106, %dma_start3A_111, %dma_start3A_112] : memref<2x64x128xf32, #tpu.memory_space<vmem>> -> memref<1x64x128xf32, #tpu.memory_space<vmem>>
    %dma_start3A_114 = tpu.memref_squeeze %dma_start3A_113 : memref<1x64x128xf32, #tpu.memory_space<vmem>> -> memref<64x128xf32, #tpu.memory_space<vmem>>
    tpu.enqueue_dma source(%dma_start3A_114 : memref<64x128xf32, #tpu.memory_space<vmem>>) target(%arg10 : memref<64x128xf32, #tpu.memory_space<hbm>>) target_semaphore(%arg14 : memref<!tpu.dma_semaphore, #tpu.memory_space<semaphore_mem>>)
    %scan3A = arith.constant 0 : i32
    %scan3A_115 = arith.constant 0 : i32
    %scan3A_116 = arith.constant 1 : i32
    %scan3A_117 = arith.constant 0 : i32
    %scan3A_118 = arith.constant 1 : i32
    %scan3A_119 = arith.constant 0 : i32
    %scan3A_120 = arith.constant 25 : i32
    %scan3A_121 = arith.addi %scan3A_119, %scan3A_120 : i32
    %scan3A_122 = arith.constant 1 : i32
    scf.for %scan3A_141 = %scan3A_119 to %scan3A_121 step %scan3A_122  : i32 {
      %mul3A_142 = arith.constant 8 : i32
      %mul3A_143 = arith.muli %scan3A_141, %mul3A_142 : i32
      "tpu.region"() ({
        %run_scoped3A = tpu.sem_alloc : memref<!tpu.dma_semaphore, #tpu.memory_space<semaphore_mem>>
        %dma_start3A_178 = tpu.memref_slice %arg3[%mul3A_143, %mul3A_2] : memref<200x4096xi32, #tpu.memory_space<hbm>> -> memref<8x128xi32, #tpu.memory_space<hbm>>
        %dma_start3A_179 = tpu.memref_slice %arg3[%mul3A_143, %mul3A_2] : memref<200x4096xi32, #tpu.memory_space<hbm>> -> memref<8x128xi32, #tpu.memory_space<hbm>>
        tpu.enqueue_dma source(%dma_start3A_179 : memref<8x128xi32, #tpu.memory_space<hbm>>) target(%arg5 : memref<8x128xi32, #tpu.memory_space<vmem>>) target_semaphore(%run_scoped3A : memref<!tpu.dma_semaphore, #tpu.memory_space<semaphore_mem>>)
        %dma_wait3A_180 = tpu.memref_slice %arg3[%mul3A_143, %mul3A_2] : memref<200x4096xi32, #tpu.memory_space<hbm>> -> memref<8x128xi32, #tpu.memory_space<hbm>>
        %dma_wait3A_181 = tpu.memref_slice %arg3[%mul3A_143, %mul3A_2] : memref<200x4096xi32, #tpu.memory_space<hbm>> -> memref<8x128xi32, #tpu.memory_space<hbm>>
        tpu.wait_dma2 semaphore(%run_scoped3A : memref<!tpu.dma_semaphore, #tpu.memory_space<semaphore_mem>>) src(%dma_wait3A_181 : memref<8x128xi32, #tpu.memory_space<hbm>>) dst(%arg5 : memref<8x128xi32, #tpu.memory_space<vmem>>)
        tpu.yield
      }) : () -> ()
      %scan3A_144 = arith.constant 0 : i32
      %scan3A_145 = arith.constant 0 : i32
      %scan3A_146 = arith.constant 64 : i32
      %scan3A_147 = arith.addi %scan3A_145, %scan3A_146 : i32
      %scan3A_148 = arith.constant 1 : i32
      scf.for %scan3A_178 = %scan3A_145 to %scan3A_147 step %scan3A_148  : i32 {
        %jit3A = arith.constant 8 : i32
        %div3A = arith.divsi %scan3A_178, %jit3A : i32
        %sign3A = arith.constant 0 : i32
        %sign3A_179 = arith.cmpi sgt, %scan3A_178, %sign3A : i32
        %sign3A_180 = arith.extui %sign3A_179 : i1 to i32
        %sign3A_181 = arith.constant 0 : i32
        %sign3A_182 = arith.cmpi slt, %scan3A_178, %sign3A_181 : i32
        %sign3A_183 = arith.extui %sign3A_182 : i1 to i32
        %sign3A_184 = arith.subi %sign3A_180, %sign3A_183 : i32
        %sign3A_185 = arith.constant 0 : i32
        %sign3A_186 = arith.cmpi sgt, %jit3A, %sign3A_185 : i32
        %sign3A_187 = arith.extui %sign3A_186 : i1 to i32
        %sign3A_188 = arith.constant 0 : i32
        %sign3A_189 = arith.cmpi slt, %jit3A, %sign3A_188 : i32
        %sign3A_190 = arith.extui %sign3A_189 : i1 to i32
        %sign3A_191 = arith.subi %sign3A_187, %sign3A_190 : i32
        %ne3A = arith.cmpi ne, %sign3A_184, %sign3A_191 : i32
        %rem3A = arith.remsi %scan3A_178, %jit3A : i32
        %ne3A_192 = arith.constant 0 : i32
        %ne3A_193 = arith.cmpi ne, %rem3A, %ne3A_192 : i32
        %and3A_194 = arith.andi %ne3A, %ne3A_193 : i1
        %sub3A = arith.constant 1 : i32
        %sub3A_195 = arith.subi %div3A, %sub3A : i32
        %select_n3A = arith.select %and3A_194, %sub3A_195, %div3A : i32
        %jit3A_196 = arith.constant 8 : i32
        %eq3A = arith.constant 0 : i32
        %eq3A_197 = arith.cmpi eq, %jit3A_196, %eq3A : i32
        %jit3A_198 = arith.constant 1 : i32
        %select_n3A_199 = arith.select %eq3A_197, %jit3A_198, %jit3A_196 : i32
        %rem3A_200 = arith.remsi %scan3A_178, %select_n3A_199 : i32
        %ne3A_201 = arith.constant 0 : i32
        %ne3A_202 = arith.cmpi ne, %rem3A_200, %ne3A_201 : i32
        %lt3A = arith.constant 0 : i32
        %lt3A_203 = arith.cmpi slt, %rem3A_200, %lt3A : i32
        %lt3A_204 = arith.constant 0 : i32
        %lt3A_205 = arith.cmpi slt, %select_n3A_199, %lt3A_204 : i32
        %ne3A_206 = arith.xori %lt3A_203, %lt3A_205 : i1
        %and3A_207 = arith.andi %ne3A_206, %ne3A_202 : i1
        %add3A_208 = arith.addi %rem3A_200, %select_n3A_199 : i32
        %select_n3A_209 = arith.select %and3A_207, %add3A_208, %rem3A_200 : i32
        %mul3A_210 = arith.constant 16 : i32
        %mul3A_211 = arith.muli %select_n3A_209, %mul3A_210 : i32
        %get3A = arith.index_cast %select_n3A : i32 to index
        %get3A_212 = arith.index_cast %mul3A_211 : i32 to index
        %get3A_213 = tpu.vector_load %arg5[%get3A, %get3A_212] {strides = array<i32>} : memref<8x128xi32, #tpu.memory_space<vmem>>, vector<16xi32>,
        %shift_right_logical3A = arith.constant 1 : i32
        %shift_right_logical3A_214 = vector.broadcast %shift_right_logical3A : i32 to vector<16xi32>
        %shift_right_logical3A_215 = arith.shrui %get3A_213, %shift_right_logical3A_214 : vector<16xi32>
        %swap3A = arith.index_cast %select_n3A : i32 to index
        %swap3A_216 = arith.index_cast %mul3A_211 : i32 to index
        %swap3A_217 = tpu.vector_load %arg6[%swap3A, %swap3A_216] {strides = array<i32>} : memref<8x128xi32, #tpu.memory_space<vmem>>, vector<16xi32>,
        tpu.vector_store %arg6[%swap3A, %swap3A_216], %shift_right_logical3A_215 {strides = array<i32>} : memref<8x128xi32, #tpu.memory_space<vmem>>, vector<16xi32>,
        %and3A_218 = arith.constant 1 : i32
        %and3A_219 = vector.broadcast %and3A_218 : i32 to vector<16xi32>
        %and3A_220 = arith.andi %get3A_213, %and3A_219 : vector<16xi32>
        %shift_left3A = arith.constant 6 : i32
        %shift_left3A_221 = vector.broadcast %shift_left3A : i32 to vector<16xi32>
        %shift_left3A_222 = arith.shli %and3A_220, %shift_left3A_221 : vector<16xi32>
        %swap3A_223 = arith.index_cast %select_n3A : i32 to index
        %swap3A_224 = arith.index_cast %mul3A_211 : i32 to index
        %swap3A_225 = tpu.vector_load %arg7[%swap3A_223, %swap3A_224] {strides = array<i32>} : memref<8x128xi32, #tpu.memory_space<vmem>>, vector<16xi32>,
        tpu.vector_store %arg7[%swap3A_223, %swap3A_224], %shift_left3A_222 {strides = array<i32>} : memref<8x128xi32, #tpu.memory_space<vmem>>, vector<16xi32>,
      }
      %scan3A_149 = arith.constant 64 : i32
      %dma_start3A_150 = arith.constant 0 : i32
      %dma_start3A_151 = arith.constant 0 : i32
      %dma_start3A_152 = arith.constant 0 : i32
      %dma_start3A_153 = tpu.memref_slice %arg8[%scan3A_115, %dma_start3A_151, %dma_start3A_152] : memref<2x128x128xf32, #tpu.memory_space<vmem>> -> memref<1x128x128xf32, #tpu.memory_space<vmem>>
      %dma_start3A_154 = tpu.memref_squeeze %dma_start3A_153 : memref<1x128x128xf32, #tpu.memory_space<vmem>> -> memref<128x128xf32, #tpu.memory_space<vmem>>
      %dma_start3A_155 = arith.constant 0 : i32
      %dma_start3A_156 = tpu.memref_slice %arg6[%dma_start3A_150, %dma_start3A_155] : memref<8x128xi32, #tpu.memory_space<vmem>> -> memref<1x128xi32, #tpu.memory_space<vmem>>
      %dma_start3A_157 = tpu.memref_squeeze %dma_start3A_156 : memref<1x128xi32, #tpu.memory_space<vmem>> -> memref<128xi32, #tpu.memory_space<vmem>>
      %dma_start3A_158 = arith.constant 0 : i32
      %dma_start3A_159 = arith.constant 0 : i32
      %dma_start3A_160 = tpu.memref_slice %arg2[%dma_start3A_158, %dma_start3A_159] : memref<500000x128xf32, #tpu.memory_space<hbm>> -> memref<500000x128xf32, #tpu.memory_space<hbm>>
      tpu.enqueue_indirect_dma source(%dma_start3A_160 : memref<500000x128xf32, #tpu.memory_space<hbm>>) target(%dma_start3A_154 : memref<128x128xf32, #tpu.memory_space<vmem>>) offsets(%dma_start3A_157 : memref<128xi32, #tpu.memory_space<vmem>>) semaphore(%arg11 : memref<!tpu.dma_semaphore, #tpu.memory_space<semaphore_mem>>)
      %dma_start3A_161 = arith.constant 1 : i32
      %dma_start3A_162 = arith.constant 0 : i32
      %dma_start3A_163 = arith.constant 0 : i32
      %dma_start3A_164 = tpu.memref_slice %arg8[%scan3A_116, %dma_start3A_162, %dma_start3A_163] : memref<2x128x128xf32, #tpu.memory_space<vmem>> -> memref<1x128x128xf32, #tpu.memory_space<vmem>>
      %dma_start3A_165 = tpu.memref_squeeze %dma_start3A_164 : memref<1x128x128xf32, #tpu.memory_space<vmem>> -> memref<128x128xf32, #tpu.memory_space<vmem>>
      %dma_start3A_166 = arith.constant 0 : i32
      %dma_start3A_167 = tpu.memref_slice %arg6[%dma_start3A_161, %dma_start3A_166] : memref<8x128xi32, #tpu.memory_space<vmem>> -> memref<1x128xi32, #tpu.memory_space<vmem>>
      %dma_start3A_168 = tpu.memref_squeeze %dma_start3A_167 : memref<1x128xi32, #tpu.memory_space<vmem>> -> memref<128xi32, #tpu.memory_space<vmem>>
      %dma_start3A_169 = arith.constant 0 : i32
      %dma_start3A_170 = arith.constant 0 : i32
      %dma_start3A_171 = tpu.memref_slice %arg2[%dma_start3A_169, %dma_start3A_170] : memref<500000x128xf32, #tpu.memory_space<hbm>> -> memref<500000x128xf32, #tpu.memory_space<hbm>>
      tpu.enqueue_indirect_dma source(%dma_start3A_171 : memref<500000x128xf32, #tpu.memory_space<hbm>>) target(%dma_start3A_165 : memref<128x128xf32, #tpu.memory_space<vmem>>) offsets(%dma_start3A_168 : memref<128xi32, #tpu.memory_space<vmem>>) semaphore(%arg12 : memref<!tpu.dma_semaphore, #tpu.memory_space<semaphore_mem>>)
      %scan3A_172 = arith.constant 0 : i32
      %scan3A_173 = arith.constant 0 : i32
      %scan3A_174 = arith.constant 4 : i32
      %scan3A_175 = arith.addi %scan3A_173, %scan3A_174 : i32
      %scan3A_176 = arith.constant 1 : i32
      scf.for %scan3A_178 = %scan3A_173 to %scan3A_175 step %scan3A_176  : i32 {
        %mul3A_179 = arith.constant 2 : i32
        %mul3A_180 = arith.muli %mul3A_179, %scan3A_178 : i32
        %add3A_181 = arith.constant 0 : i32
        %add3A_182 = arith.addi %mul3A_180, %add3A_181 : i32
        %dma_wait3A_183 = arith.constant 0 : i32
        %dma_wait3A_184 = arith.constant 0 : i32
        %dma_wait3A_185 = arith.constant 0 : i32
        %dma_wait3A_186 = tpu.memref_slice %arg8[%scan3A_115, %dma_wait3A_184, %dma_wait3A_185] : memref<2x128x128xf32, #tpu.memory_space<vmem>> -> memref<1x128x128xf32, #tpu.memory_space<vmem>>
        %dma_wait3A_187 = tpu.memref_squeeze %dma_wait3A_186 : memref<1x128x128xf32, #tpu.memory_space<vmem>> -> memref<128x128xf32, #tpu.memory_space<vmem>>
        %dma_wait3A_188 = arith.constant 0 : i32
        %dma_wait3A_189 = tpu.memref_slice %arg6[%dma_wait3A_183, %dma_wait3A_188] : memref<8x128xi32, #tpu.memory_space<vmem>> -> memref<1x128xi32, #tpu.memory_space<vmem>>
        %dma_wait3A_190 = tpu.memref_squeeze %dma_wait3A_189 : memref<1x128xi32, #tpu.memory_space<vmem>> -> memref<128xi32, #tpu.memory_space<vmem>>
        %dma_wait3A_191 = arith.constant 0 : i32
        %dma_wait3A_192 = arith.constant 0 : i32
        %dma_wait3A_193 = tpu.memref_slice %arg2[%dma_wait3A_191, %dma_wait3A_192] : memref<500000x128xf32, #tpu.memory_space<hbm>> -> memref<500000x128xf32, #tpu.memory_space<hbm>>
        tpu.wait_indirect_dma semaphore(%arg11 : memref<!tpu.dma_semaphore, #tpu.memory_space<semaphore_mem>>) src(%dma_wait3A_193 : memref<500000x128xf32, #tpu.memory_space<hbm>>) dst(%dma_wait3A_187 : memref<128x128xf32, #tpu.memory_space<vmem>>)
        %dma_wait3A_194 = arith.constant 0 : i32
        %dma_wait3A_195 = arith.constant 0 : i32
        %dma_wait3A_196 = tpu.memref_slice %arg9[%scan3A_117, %dma_wait3A_194, %dma_wait3A_195] : memref<2x64x128xf32, #tpu.memory_space<vmem>> -> memref<1x64x128xf32, #tpu.memory_space<vmem>>
        %dma_wait3A_197 = tpu.memref_squeeze %dma_wait3A_196 : memref<1x64x128xf32, #tpu.memory_space<vmem>> -> memref<64x128xf32, #tpu.memory_space<vmem>>
        %dma_wait3A_198 = arith.constant 0 : i32
        %dma_wait3A_199 = arith.constant 0 : i32
        %dma_wait3A_200 = tpu.memref_slice %arg9[%scan3A_117, %dma_wait3A_198, %dma_wait3A_199] : memref<2x64x128xf32, #tpu.memory_space<vmem>> -> memref<1x64x128xf32, #tpu.memory_space<vmem>>
        %dma_wait3A_201 = tpu.memref_squeeze %dma_wait3A_200 : memref<1x64x128xf32, #tpu.memory_space<vmem>> -> memref<64x128xf32, #tpu.memory_space<vmem>>
        tpu.wait_dma2 semaphore(%arg13 : memref<!tpu.dma_semaphore, #tpu.memory_space<semaphore_mem>>) src(%dma_wait3A_201 : memref<64x128xf32, #tpu.memory_space<vmem>>) dst(%arg10 : memref<64x128xf32, #tpu.memory_space<hbm>>)
        %scan3A_202 = arith.constant 0 : i32
        %scan3A_203 = arith.constant 0 : i32
        %scan3A_204 = arith.constant 32 : i32
        %scan3A_205 = arith.addi %scan3A_203, %scan3A_204 : i32
        %scan3A_206 = arith.constant 1 : i32
        scf.for %scan3A_282 = %scan3A_203 to %scan3A_205 step %scan3A_206  : i32 {
          %shift_right_logical3A = arith.constant 2 : i32
          %shift_right_logical3A_283 = arith.shrui %scan3A_282, %shift_right_logical3A : i32
          %mul3A_284 = arith.constant 16 : i32
          %mul3A_285 = arith.muli %shift_right_logical3A_283, %mul3A_284 : i32
          %and3A_286 = arith.constant 3 : i32
          %and3A_287 = arith.andi %scan3A_282, %and3A_286 : i32
          %mul3A_288 = arith.constant 16 : i32
          %mul3A_289 = arith.muli %and3A_287, %mul3A_288 : i32
          %add3A_290 = vector.broadcast %mul3A_285 : i32 to vector<16xi32>
          %add3A_291 = arith.addi %iota3A, %add3A_290 : vector<16xi32>
          %get3A = arith.index_cast %add3A_182 : i32 to index
          %get3A_292 = arith.index_cast %mul3A_285 : i32 to index
          %get3A_293 = tpu.vector_load %arg7[%get3A, %get3A_292] {strides = array<i32>} : memref<8x128xi32, #tpu.memory_space<vmem>>, vector<16xi32>,
          %add3A_294 = vector.broadcast %mul3A_289 : i32 to vector<16xi32>
          %add3A_295 = arith.addi %get3A_293, %add3A_294 : vector<16xi32>
          %add3A_296 = arith.addi %add3A_295, %and3A_7 : vector<16xi32>
          %gather3A = arith.constant 0 : i32
          %gather3A_297 = arith.constant 0 : i32
          %gather3A_298 = tpu.memref_slice %arg8[%scan3A_115, %gather3A, %gather3A_297] : memref<2x128x128xf32, #tpu.memory_space<vmem>> -> memref<1x128x128xf32, #tpu.memory_space<vmem>>
          %gather3A_299 = tpu.memref_squeeze %gather3A_298 : memref<1x128x128xf32, #tpu.memory_space<vmem>> -> memref<128x128xf32, #tpu.memory_space<vmem>>
          %gather3A_300 = tpu.vector_load_idx %gather3A_299[%add3A_291, %add3A_296] : memref<128x128xf32, #tpu.memory_space<vmem>>[vector<16xi32>, vector<16xi32>], vector<16xf32>,
          %add3A_301 = vector.broadcast %mul3A_289 : i32 to vector<16xi32>
          %add3A_302 = arith.addi %and3A_7, %add3A_301 : vector<16xi32>
          %scatter3A = arith.constant 0 : i32
          %scatter3A_303 = arith.constant 0 : i32
          %scatter3A_304 = tpu.memref_slice %arg9[%scan3A_117, %scatter3A, %scatter3A_303] : memref<2x64x128xf32, #tpu.memory_space<vmem>> -> memref<1x64x128xf32, #tpu.memory_space<vmem>>
          %scatter3A_305 = tpu.memref_squeeze %scatter3A_304 : memref<1x64x128xf32, #tpu.memory_space<vmem>> -> memref<64x128xf32, #tpu.memory_space<vmem>>
          tpu.vector_store_idx %scatter3A_305[%add3A_302, %add3A_291], %gather3A_300 : memref<64x128xf32, #tpu.memory_space<vmem>>[vector<16xi32>, vector<16xi32>], vector<16xf32>,
          %add3A_306 = arith.addi %add3A_295, %and3A_13 : vector<16xi32>
          %gather3A_307 = arith.constant 0 : i32
          %gather3A_308 = arith.constant 0 : i32
          %gather3A_309 = tpu.memref_slice %arg8[%scan3A_115, %gather3A_307, %gather3A_308] : memref<2x128x128xf32, #tpu.memory_space<vmem>> -> memref<1x128x128xf32, #tpu.memory_space<vmem>>
          %gather3A_310 = tpu.memref_squeeze %gather3A_309 : memref<1x128x128xf32, #tpu.memory_space<vmem>> -> memref<128x128xf32, #tpu.memory_space<vmem>>
          %gather3A_311 = tpu.vector_load_idx %gather3A_310[%add3A_291, %add3A_306] : memref<128x128xf32, #tpu.memory_space<vmem>>[vector<16xi32>, vector<16xi32>], vector<16xf32>,
          %add3A_312 = vector.broadcast %mul3A_289 : i32 to vector<16xi32>
          %add3A_313 = arith.addi %and3A_13, %add3A_312 : vector<16xi32>
          %scatter3A_314 = arith.constant 0 : i32
          %scatter3A_315 = arith.constant 0 : i32
          %scatter3A_316 = tpu.memref_slice %arg9[%scan3A_117, %scatter3A_314, %scatter3A_315] : memref<2x64x128xf32, #tpu.memory_space<vmem>> -> memref<1x64x128xf32, #tpu.memory_space<vmem>>
          %scatter3A_317 = tpu.memref_squeeze %scatter3A_316 : memref<1x64x128xf32, #tpu.memory_space<vmem>> -> memref<64x128xf32, #tpu.memory_space<vmem>>
          tpu.vector_store_idx %scatter3A_317[%add3A_313, %add3A_291], %gather3A_311 : memref<64x128xf32, #tpu.memory_space<vmem>>[vector<16xi32>, vector<16xi32>], vector<16xf32>,
          %add3A_318 = arith.addi %add3A_295, %and3A_19 : vector<16xi32>
          %gather3A_319 = arith.constant 0 : i32
          %gather3A_320 = arith.constant 0 : i32
          %gather3A_321 = tpu.memref_slice %arg8[%scan3A_115, %gather3A_319, %gather3A_320] : memref<2x128x128xf32, #tpu.memory_space<vmem>> -> memref<1x128x128xf32, #tpu.memory_space<vmem>>
          %gather3A_322 = tpu.memref_squeeze %gather3A_321 : memref<1x128x128xf32, #tpu.memory_space<vmem>> -> memref<128x128xf32, #tpu.memory_space<vmem>>
          %gather3A_323 = tpu.vector_load_idx %gather3A_322[%add3A_291, %add3A_318] : memref<128x128xf32, #tpu.memory_space<vmem>>[vector<16xi32>, vector<16xi32>], vector<16xf32>,
          %add3A_324 = vector.broadcast %mul3A_289 : i32 to vector<16xi32>
          %add3A_325 = arith.addi %and3A_19, %add3A_324 : vector<16xi32>
          %scatter3A_326 = arith.constant 0 : i32
          %scatter3A_327 = arith.constant 0 : i32
          %scatter3A_328 = tpu.memref_slice %arg9[%scan3A_117, %scatter3A_326, %scatter3A_327] : memref<2x64x128xf32, #tpu.memory_space<vmem>> -> memref<1x64x128xf32, #tpu.memory_space<vmem>>
          %scatter3A_329 = tpu.memref_squeeze %scatter3A_328 : memref<1x64x128xf32, #tpu.memory_space<vmem>> -> memref<64x128xf32, #tpu.memory_space<vmem>>
          tpu.vector_store_idx %scatter3A_329[%add3A_325, %add3A_291], %gather3A_323 : memref<64x128xf32, #tpu.memory_space<vmem>>[vector<16xi32>, vector<16xi32>], vector<16xf32>,
          %add3A_330 = arith.addi %add3A_295, %and3A_25 : vector<16xi32>
          %gather3A_331 = arith.constant 0 : i32
          %gather3A_332 = arith.constant 0 : i32
          %gather3A_333 = tpu.memref_slice %arg8[%scan3A_115, %gather3A_331, %gather3A_332] : memref<2x128x128xf32, #tpu.memory_space<vmem>> -> memref<1x128x128xf32, #tpu.memory_space<vmem>>
          %gather3A_334 = tpu.memref_squeeze %gather3A_333 : memref<1x128x128xf32, #tpu.memory_space<vmem>> -> memref<128x128xf32, #tpu.memory_space<vmem>>
          %gather3A_335 = tpu.vector_load_idx %gather3A_334[%add3A_291, %add3A_330] : memref<128x128xf32, #tpu.memory_space<vmem>>[vector<16xi32>, vector<16xi32>], vector<16xf32>,
          %add3A_336 = vector.broadcast %mul3A_289 : i32 to vector<16xi32>
          %add3A_337 = arith.addi %and3A_25, %add3A_336 : vector<16xi32>
          %scatter3A_338 = arith.constant 0 : i32
          %scatter3A_339 = arith.constant 0 : i32
          %scatter3A_340 = tpu.memref_slice %arg9[%scan3A_117, %scatter3A_338, %scatter3A_339] : memref<2x64x128xf32, #tpu.memory_space<vmem>> -> memref<1x64x128xf32, #tpu.memory_space<vmem>>
          %scatter3A_341 = tpu.memref_squeeze %scatter3A_340 : memref<1x64x128xf32, #tpu.memory_space<vmem>> -> memref<64x128xf32, #tpu.memory_space<vmem>>
          tpu.vector_store_idx %scatter3A_341[%add3A_337, %add3A_291], %gather3A_335 : memref<64x128xf32, #tpu.memory_space<vmem>>[vector<16xi32>, vector<16xi32>], vector<16xf32>,
          %add3A_342 = arith.addi %add3A_295, %and3A_31 : vector<16xi32>
          %gather3A_343 = arith.constant 0 : i32
          %gather3A_344 = arith.constant 0 : i32
          %gather3A_345 = tpu.memref_slice %arg8[%scan3A_115, %gather3A_343, %gather3A_344] : memref<2x128x128xf32, #tpu.memory_space<vmem>> -> memref<1x128x128xf32, #tpu.memory_space<vmem>>
          %gather3A_346 = tpu.memref_squeeze %gather3A_345 : memref<1x128x128xf32, #tpu.memory_space<vmem>> -> memref<128x128xf32, #tpu.memory_space<vmem>>
          %gather3A_347 = tpu.vector_load_idx %gather3A_346[%add3A_291, %add3A_342] : memref<128x128xf32, #tpu.memory_space<vmem>>[vector<16xi32>, vector<16xi32>], vector<16xf32>,
          %add3A_348 = vector.broadcast %mul3A_289 : i32 to vector<16xi32>
          %add3A_349 = arith.addi %and3A_31, %add3A_348 : vector<16xi32>
          %scatter3A_350 = arith.constant 0 : i32
          %scatter3A_351 = arith.constant 0 : i32
          %scatter3A_352 = tpu.memref_slice %arg9[%scan3A_117, %scatter3A_350, %scatter3A_351] : memref<2x64x128xf32, #tpu.memory_space<vmem>> -> memref<1x64x128xf32, #tpu.memory_space<vmem>>
          %scatter3A_353 = tpu.memref_squeeze %scatter3A_352 : memref<1x64x128xf32, #tpu.memory_space<vmem>> -> memref<64x128xf32, #tpu.memory_space<vmem>>
          tpu.vector_store_idx %scatter3A_353[%add3A_349, %add3A_291], %gather3A_347 : memref<64x128xf32, #tpu.memory_space<vmem>>[vector<16xi32>, vector<16xi32>], vector<16xf32>,
          %add3A_354 = arith.addi %add3A_295, %and3A_37 : vector<16xi32>
          %gather3A_355 = arith.constant 0 : i32
          %gather3A_356 = arith.constant 0 : i32
          %gather3A_357 = tpu.memref_slice %arg8[%scan3A_115, %gather3A_355, %gather3A_356] : memref<2x128x128xf32, #tpu.memory_space<vmem>> -> memref<1x128x128xf32, #tpu.memory_space<vmem>>
          %gather3A_358 = tpu.memref_squeeze %gather3A_357 : memref<1x128x128xf32, #tpu.memory_space<vmem>> -> memref<128x128xf32, #tpu.memory_space<vmem>>
          %gather3A_359 = tpu.vector_load_idx %gather3A_358[%add3A_291, %add3A_354] : memref<128x128xf32, #tpu.memory_space<vmem>>[vector<16xi32>, vector<16xi32>], vector<16xf32>,
          %add3A_360 = vector.broadcast %mul3A_289 : i32 to vector<16xi32>
          %add3A_361 = arith.addi %and3A_37, %add3A_360 : vector<16xi32>
          %scatter3A_362 = arith.constant 0 : i32
          %scatter3A_363 = arith.constant 0 : i32
          %scatter3A_364 = tpu.memref_slice %arg9[%scan3A_117, %scatter3A_362, %scatter3A_363] : memref<2x64x128xf32, #tpu.memory_space<vmem>> -> memref<1x64x128xf32, #tpu.memory_space<vmem>>
          %scatter3A_365 = tpu.memref_squeeze %scatter3A_364 : memref<1x64x128xf32, #tpu.memory_space<vmem>> -> memref<64x128xf32, #tpu.memory_space<vmem>>
          tpu.vector_store_idx %scatter3A_365[%add3A_361, %add3A_291], %gather3A_359 : memref<64x128xf32, #tpu.memory_space<vmem>>[vector<16xi32>, vector<16xi32>], vector<16xf32>,
          %add3A_366 = arith.addi %add3A_295, %and3A_43 : vector<16xi32>
          %gather3A_367 = arith.constant 0 : i32
          %gather3A_368 = arith.constant 0 : i32
          %gather3A_369 = tpu.memref_slice %arg8[%scan3A_115, %gather3A_367, %gather3A_368] : memref<2x128x128xf32, #tpu.memory_space<vmem>> -> memref<1x128x128xf32, #tpu.memory_space<vmem>>
          %gather3A_370 = tpu.memref_squeeze %gather3A_369 : memref<1x128x128xf32, #tpu.memory_space<vmem>> -> memref<128x128xf32, #tpu.memory_space<vmem>>
          %gather3A_371 = tpu.vector_load_idx %gather3A_370[%add3A_291, %add3A_366] : memref<128x128xf32, #tpu.memory_space<vmem>>[vector<16xi32>, vector<16xi32>], vector<16xf32>,
          %add3A_372 = vector.broadcast %mul3A_289 : i32 to vector<16xi32>
          %add3A_373 = arith.addi %and3A_43, %add3A_372 : vector<16xi32>
          %scatter3A_374 = arith.constant 0 : i32
          %scatter3A_375 = arith.constant 0 : i32
          %scatter3A_376 = tpu.memref_slice %arg9[%scan3A_117, %scatter3A_374, %scatter3A_375] : memref<2x64x128xf32, #tpu.memory_space<vmem>> -> memref<1x64x128xf32, #tpu.memory_space<vmem>>
          %scatter3A_377 = tpu.memref_squeeze %scatter3A_376 : memref<1x64x128xf32, #tpu.memory_space<vmem>> -> memref<64x128xf32, #tpu.memory_space<vmem>>
          tpu.vector_store_idx %scatter3A_377[%add3A_373, %add3A_291], %gather3A_371 : memref<64x128xf32, #tpu.memory_space<vmem>>[vector<16xi32>, vector<16xi32>], vector<16xf32>,
          %add3A_378 = arith.addi %add3A_295, %and3A_49 : vector<16xi32>
          %gather3A_379 = arith.constant 0 : i32
          %gather3A_380 = arith.constant 0 : i32
          %gather3A_381 = tpu.memref_slice %arg8[%scan3A_115, %gather3A_379, %gather3A_380] : memref<2x128x128xf32, #tpu.memory_space<vmem>> -> memref<1x128x128xf32, #tpu.memory_space<vmem>>
          %gather3A_382 = tpu.memref_squeeze %gather3A_381 : memref<1x128x128xf32, #tpu.memory_space<vmem>> -> memref<128x128xf32, #tpu.memory_space<vmem>>
          %gather3A_383 = tpu.vector_load_idx %gather3A_382[%add3A_291, %add3A_378] : memref<128x128xf32, #tpu.memory_space<vmem>>[vector<16xi32>, vector<16xi32>], vector<16xf32>,
          %add3A_384 = vector.broadcast %mul3A_289 : i32 to vector<16xi32>
          %add3A_385 = arith.addi %and3A_49, %add3A_384 : vector<16xi32>
          %scatter3A_386 = arith.constant 0 : i32
          %scatter3A_387 = arith.constant 0 : i32
          %scatter3A_388 = tpu.memref_slice %arg9[%scan3A_117, %scatter3A_386, %scatter3A_387] : memref<2x64x128xf32, #tpu.memory_space<vmem>> -> memref<1x64x128xf32, #tpu.memory_space<vmem>>
          %scatter3A_389 = tpu.memref_squeeze %scatter3A_388 : memref<1x64x128xf32, #tpu.memory_space<vmem>> -> memref<64x128xf32, #tpu.memory_space<vmem>>
          tpu.vector_store_idx %scatter3A_389[%add3A_385, %add3A_291], %gather3A_383 : memref<64x128xf32, #tpu.memory_space<vmem>>[vector<16xi32>, vector<16xi32>], vector<16xf32>,
          %add3A_390 = arith.addi %add3A_295, %and3A_55 : vector<16xi32>
          %gather3A_391 = arith.constant 0 : i32
          %gather3A_392 = arith.constant 0 : i32
          %gather3A_393 = tpu.memref_slice %arg8[%scan3A_115, %gather3A_391, %gather3A_392] : memref<2x128x128xf32, #tpu.memory_space<vmem>> -> memref<1x128x128xf32, #tpu.memory_space<vmem>>
          %gather3A_394 = tpu.memref_squeeze %gather3A_393 : memref<1x128x128xf32, #tpu.memory_space<vmem>> -> memref<128x128xf32, #tpu.memory_space<vmem>>
          %gather3A_395 = tpu.vector_load_idx %gather3A_394[%add3A_291, %add3A_390] : memref<128x128xf32, #tpu.memory_space<vmem>>[vector<16xi32>, vector<16xi32>], vector<16xf32>,
          %add3A_396 = vector.broadcast %mul3A_289 : i32 to vector<16xi32>
          %add3A_397 = arith.addi %and3A_55, %add3A_396 : vector<16xi32>
          %scatter3A_398 = arith.constant 0 : i32
          %scatter3A_399 = arith.constant 0 : i32
          %scatter3A_400 = tpu.memref_slice %arg9[%scan3A_117, %scatter3A_398, %scatter3A_399] : memref<2x64x128xf32, #tpu.memory_space<vmem>> -> memref<1x64x128xf32, #tpu.memory_space<vmem>>
          %scatter3A_401 = tpu.memref_squeeze %scatter3A_400 : memref<1x64x128xf32, #tpu.memory_space<vmem>> -> memref<64x128xf32, #tpu.memory_space<vmem>>
          tpu.vector_store_idx %scatter3A_401[%add3A_397, %add3A_291], %gather3A_395 : memref<64x128xf32, #tpu.memory_space<vmem>>[vector<16xi32>, vector<16xi32>], vector<16xf32>,
          %add3A_402 = arith.addi %add3A_295, %and3A_61 : vector<16xi32>
          %gather3A_403 = arith.constant 0 : i32
          %gather3A_404 = arith.constant 0 : i32
          %gather3A_405 = tpu.memref_slice %arg8[%scan3A_115, %gather3A_403, %gather3A_404] : memref<2x128x128xf32, #tpu.memory_space<vmem>> -> memref<1x128x128xf32, #tpu.memory_space<vmem>>
          %gather3A_406 = tpu.memref_squeeze %gather3A_405 : memref<1x128x128xf32, #tpu.memory_space<vmem>> -> memref<128x128xf32, #tpu.memory_space<vmem>>
          %gather3A_407 = tpu.vector_load_idx %gather3A_406[%add3A_291, %add3A_402] : memref<128x128xf32, #tpu.memory_space<vmem>>[vector<16xi32>, vector<16xi32>], vector<16xf32>,
          %add3A_408 = vector.broadcast %mul3A_289 : i32 to vector<16xi32>
          %add3A_409 = arith.addi %and3A_61, %add3A_408 : vector<16xi32>
          %scatter3A_410 = arith.constant 0 : i32
          %scatter3A_411 = arith.constant 0 : i32
          %scatter3A_412 = tpu.memref_slice %arg9[%scan3A_117, %scatter3A_410, %scatter3A_411] : memref<2x64x128xf32, #tpu.memory_space<vmem>> -> memref<1x64x128xf32, #tpu.memory_space<vmem>>
          %scatter3A_413 = tpu.memref_squeeze %scatter3A_412 : memref<1x64x128xf32, #tpu.memory_space<vmem>> -> memref<64x128xf32, #tpu.memory_space<vmem>>
          tpu.vector_store_idx %scatter3A_413[%add3A_409, %add3A_291], %gather3A_407 : memref<64x128xf32, #tpu.memory_space<vmem>>[vector<16xi32>, vector<16xi32>], vector<16xf32>,
          %add3A_414 = arith.addi %add3A_295, %and3A_67 : vector<16xi32>
          %gather3A_415 = arith.constant 0 : i32
          %gather3A_416 = arith.constant 0 : i32
          %gather3A_417 = tpu.memref_slice %arg8[%scan3A_115, %gather3A_415, %gather3A_416] : memref<2x128x128xf32, #tpu.memory_space<vmem>> -> memref<1x128x128xf32, #tpu.memory_space<vmem>>
          %gather3A_418 = tpu.memref_squeeze %gather3A_417 : memref<1x128x128xf32, #tpu.memory_space<vmem>> -> memref<128x128xf32, #tpu.memory_space<vmem>>
          %gather3A_419 = tpu.vector_load_idx %gather3A_418[%add3A_291, %add3A_414] : memref<128x128xf32, #tpu.memory_space<vmem>>[vector<16xi32>, vector<16xi32>], vector<16xf32>,
          %add3A_420 = vector.broadcast %mul3A_289 : i32 to vector<16xi32>
          %add3A_421 = arith.addi %and3A_67, %add3A_420 : vector<16xi32>
          %scatter3A_422 = arith.constant 0 : i32
          %scatter3A_423 = arith.constant 0 : i32
          %scatter3A_424 = tpu.memref_slice %arg9[%scan3A_117, %scatter3A_422, %scatter3A_423] : memref<2x64x128xf32, #tpu.memory_space<vmem>> -> memref<1x64x128xf32, #tpu.memory_space<vmem>>
          %scatter3A_425 = tpu.memref_squeeze %scatter3A_424 : memref<1x64x128xf32, #tpu.memory_space<vmem>> -> memref<64x128xf32, #tpu.memory_space<vmem>>
          tpu.vector_store_idx %scatter3A_425[%add3A_421, %add3A_291], %gather3A_419 : memref<64x128xf32, #tpu.memory_space<vmem>>[vector<16xi32>, vector<16xi32>], vector<16xf32>,
          %add3A_426 = arith.addi %add3A_295, %and3A_73 : vector<16xi32>
          %gather3A_427 = arith.constant 0 : i32
          %gather3A_428 = arith.constant 0 : i32
          %gather3A_429 = tpu.memref_slice %arg8[%scan3A_115, %gather3A_427, %gather3A_428] : memref<2x128x128xf32, #tpu.memory_space<vmem>> -> memref<1x128x128xf32, #tpu.memory_space<vmem>>
          %gather3A_430 = tpu.memref_squeeze %gather3A_429 : memref<1x128x128xf32, #tpu.memory_space<vmem>> -> memref<128x128xf32, #tpu.memory_space<vmem>>
          %gather3A_431 = tpu.vector_load_idx %gather3A_430[%add3A_291, %add3A_426] : memref<128x128xf32, #tpu.memory_space<vmem>>[vector<16xi32>, vector<16xi32>], vector<16xf32>,
          %add3A_432 = vector.broadcast %mul3A_289 : i32 to vector<16xi32>
          %add3A_433 = arith.addi %and3A_73, %add3A_432 : vector<16xi32>
          %scatter3A_434 = arith.constant 0 : i32
          %scatter3A_435 = arith.constant 0 : i32
          %scatter3A_436 = tpu.memref_slice %arg9[%scan3A_117, %scatter3A_434, %scatter3A_435] : memref<2x64x128xf32, #tpu.memory_space<vmem>> -> memref<1x64x128xf32, #tpu.memory_space<vmem>>
          %scatter3A_437 = tpu.memref_squeeze %scatter3A_436 : memref<1x64x128xf32, #tpu.memory_space<vmem>> -> memref<64x128xf32, #tpu.memory_space<vmem>>
          tpu.vector_store_idx %scatter3A_437[%add3A_433, %add3A_291], %gather3A_431 : memref<64x128xf32, #tpu.memory_space<vmem>>[vector<16xi32>, vector<16xi32>], vector<16xf32>,
          %add3A_438 = arith.addi %add3A_295, %and3A_79 : vector<16xi32>
          %gather3A_439 = arith.constant 0 : i32
          %gather3A_440 = arith.constant 0 : i32
          %gather3A_441 = tpu.memref_slice %arg8[%scan3A_115, %gather3A_439, %gather3A_440] : memref<2x128x128xf32, #tpu.memory_space<vmem>> -> memref<1x128x128xf32, #tpu.memory_space<vmem>>
          %gather3A_442 = tpu.memref_squeeze %gather3A_441 : memref<1x128x128xf32, #tpu.memory_space<vmem>> -> memref<128x128xf32, #tpu.memory_space<vmem>>
          %gather3A_443 = tpu.vector_load_idx %gather3A_442[%add3A_291, %add3A_438] : memref<128x128xf32, #tpu.memory_space<vmem>>[vector<16xi32>, vector<16xi32>], vector<16xf32>,
          %add3A_444 = vector.broadcast %mul3A_289 : i32 to vector<16xi32>
          %add3A_445 = arith.addi %and3A_79, %add3A_444 : vector<16xi32>
          %scatter3A_446 = arith.constant 0 : i32
          %scatter3A_447 = arith.constant 0 : i32
          %scatter3A_448 = tpu.memref_slice %arg9[%scan3A_117, %scatter3A_446, %scatter3A_447] : memref<2x64x128xf32, #tpu.memory_space<vmem>> -> memref<1x64x128xf32, #tpu.memory_space<vmem>>
          %scatter3A_449 = tpu.memref_squeeze %scatter3A_448 : memref<1x64x128xf32, #tpu.memory_space<vmem>> -> memref<64x128xf32, #tpu.memory_space<vmem>>
          tpu.vector_store_idx %scatter3A_449[%add3A_445, %add3A_291], %gather3A_443 : memref<64x128xf32, #tpu.memory_space<vmem>>[vector<16xi32>, vector<16xi32>], vector<16xf32>,
          %add3A_450 = arith.addi %add3A_295, %and3A_85 : vector<16xi32>
          %gather3A_451 = arith.constant 0 : i32
          %gather3A_452 = arith.constant 0 : i32
          %gather3A_453 = tpu.memref_slice %arg8[%scan3A_115, %gather3A_451, %gather3A_452] : memref<2x128x128xf32, #tpu.memory_space<vmem>> -> memref<1x128x128xf32, #tpu.memory_space<vmem>>
          %gather3A_454 = tpu.memref_squeeze %gather3A_453 : memref<1x128x128xf32, #tpu.memory_space<vmem>> -> memref<128x128xf32, #tpu.memory_space<vmem>>
          %gather3A_455 = tpu.vector_load_idx %gather3A_454[%add3A_291, %add3A_450] : memref<128x128xf32, #tpu.memory_space<vmem>>[vector<16xi32>, vector<16xi32>], vector<16xf32>,
          %add3A_456 = vector.broadcast %mul3A_289 : i32 to vector<16xi32>
          %add3A_457 = arith.addi %and3A_85, %add3A_456 : vector<16xi32>
          %scatter3A_458 = arith.constant 0 : i32
          %scatter3A_459 = arith.constant 0 : i32
          %scatter3A_460 = tpu.memref_slice %arg9[%scan3A_117, %scatter3A_458, %scatter3A_459] : memref<2x64x128xf32, #tpu.memory_space<vmem>> -> memref<1x64x128xf32, #tpu.memory_space<vmem>>
          %scatter3A_461 = tpu.memref_squeeze %scatter3A_460 : memref<1x64x128xf32, #tpu.memory_space<vmem>> -> memref<64x128xf32, #tpu.memory_space<vmem>>
          tpu.vector_store_idx %scatter3A_461[%add3A_457, %add3A_291], %gather3A_455 : memref<64x128xf32, #tpu.memory_space<vmem>>[vector<16xi32>, vector<16xi32>], vector<16xf32>,
          %add3A_462 = arith.addi %add3A_295, %and3A_91 : vector<16xi32>
          %gather3A_463 = arith.constant 0 : i32
          %gather3A_464 = arith.constant 0 : i32
          %gather3A_465 = tpu.memref_slice %arg8[%scan3A_115, %gather3A_463, %gather3A_464] : memref<2x128x128xf32, #tpu.memory_space<vmem>> -> memref<1x128x128xf32, #tpu.memory_space<vmem>>
          %gather3A_466 = tpu.memref_squeeze %gather3A_465 : memref<1x128x128xf32, #tpu.memory_space<vmem>> -> memref<128x128xf32, #tpu.memory_space<vmem>>
          %gather3A_467 = tpu.vector_load_idx %gather3A_466[%add3A_291, %add3A_462] : memref<128x128xf32, #tpu.memory_space<vmem>>[vector<16xi32>, vector<16xi32>], vector<16xf32>,
          %add3A_468 = vector.broadcast %mul3A_289 : i32 to vector<16xi32>
          %add3A_469 = arith.addi %and3A_91, %add3A_468 : vector<16xi32>
          %scatter3A_470 = arith.constant 0 : i32
          %scatter3A_471 = arith.constant 0 : i32
          %scatter3A_472 = tpu.memref_slice %arg9[%scan3A_117, %scatter3A_470, %scatter3A_471] : memref<2x64x128xf32, #tpu.memory_space<vmem>> -> memref<1x64x128xf32, #tpu.memory_space<vmem>>
          %scatter3A_473 = tpu.memref_squeeze %scatter3A_472 : memref<1x64x128xf32, #tpu.memory_space<vmem>> -> memref<64x128xf32, #tpu.memory_space<vmem>>
          tpu.vector_store_idx %scatter3A_473[%add3A_469, %add3A_291], %gather3A_467 : memref<64x128xf32, #tpu.memory_space<vmem>>[vector<16xi32>, vector<16xi32>], vector<16xf32>,
          %add3A_474 = arith.addi %add3A_295, %and3A_97 : vector<16xi32>
          %gather3A_475 = arith.constant 0 : i32
          %gather3A_476 = arith.constant 0 : i32
          %gather3A_477 = tpu.memref_slice %arg8[%scan3A_115, %gather3A_475, %gather3A_476] : memref<2x128x128xf32, #tpu.memory_space<vmem>> -> memref<1x128x128xf32, #tpu.memory_space<vmem>>
          %gather3A_478 = tpu.memref_squeeze %gather3A_477 : memref<1x128x128xf32, #tpu.memory_space<vmem>> -> memref<128x128xf32, #tpu.memory_space<vmem>>
          %gather3A_479 = tpu.vector_load_idx %gather3A_478[%add3A_291, %add3A_474] : memref<128x128xf32, #tpu.memory_space<vmem>>[vector<16xi32>, vector<16xi32>], vector<16xf32>,
          %add3A_480 = vector.broadcast %mul3A_289 : i32 to vector<16xi32>
          %add3A_481 = arith.addi %and3A_97, %add3A_480 : vector<16xi32>
          %scatter3A_482 = arith.constant 0 : i32
          %scatter3A_483 = arith.constant 0 : i32
          %scatter3A_484 = tpu.memref_slice %arg9[%scan3A_117, %scatter3A_482, %scatter3A_483] : memref<2x64x128xf32, #tpu.memory_space<vmem>> -> memref<1x64x128xf32, #tpu.memory_space<vmem>>
          %scatter3A_485 = tpu.memref_squeeze %scatter3A_484 : memref<1x64x128xf32, #tpu.memory_space<vmem>> -> memref<64x128xf32, #tpu.memory_space<vmem>>
          tpu.vector_store_idx %scatter3A_485[%add3A_481, %add3A_291], %gather3A_479 : memref<64x128xf32, #tpu.memory_space<vmem>>[vector<16xi32>, vector<16xi32>], vector<16xf32>,
        }
        %scan3A_207 = arith.constant 32 : i32
        %mul3A_208 = arith.constant 8 : i32
        %mul3A_209 = arith.muli %scan3A_141, %mul3A_208 : i32
        %add3A_210 = arith.addi %mul3A_209, %add3A_182 : i32
        %dma_start3A_211 = arith.constant 0 : i32
        %dma_start3A_212 = arith.constant 0 : i32
        %dma_start3A_213 = tpu.memref_slice %arg9[%scan3A_117, %dma_start3A_211, %dma_start3A_212] : memref<2x64x128xf32, #tpu.memory_space<vmem>> -> memref<1x64x128xf32, #tpu.memory_space<vmem>>
        %dma_start3A_214 = tpu.memref_squeeze %dma_start3A_213 : memref<1x64x128xf32, #tpu.memory_space<vmem>> -> memref<64x128xf32, #tpu.memory_space<vmem>>
        %dma_start3A_215 = arith.constant 0 : i32
        %dma_start3A_216 = tpu.memref_slice %arg4[%add3A_210, %dma_start3A_215, %mul3A_2] : memref<200x64x4096xf32, #tpu.memory_space<hbm>> -> memref<1x64x128xf32, #tpu.memory_space<hbm>>
        %dma_start3A_217 = tpu.memref_squeeze %dma_start3A_216 : memref<1x64x128xf32, #tpu.memory_space<hbm>> -> memref<64x128xf32, #tpu.memory_space<hbm>>
        %dma_start3A_218 = arith.constant 0 : i32
        %dma_start3A_219 = tpu.memref_slice %arg4[%add3A_210, %dma_start3A_218, %mul3A_2] : memref<200x64x4096xf32, #tpu.memory_space<hbm>> -> memref<1x64x128xf32, #tpu.memory_space<hbm>>
        %dma_start3A_220 = tpu.memref_squeeze %dma_start3A_219 : memref<1x64x128xf32, #tpu.memory_space<hbm>> -> memref<64x128xf32, #tpu.memory_space<hbm>>
        %dma_start3A_221 = arith.constant 0 : i32
        %dma_start3A_222 = arith.constant 0 : i32
        %dma_start3A_223 = tpu.memref_slice %arg9[%scan3A_117, %dma_start3A_221, %dma_start3A_222] : memref<2x64x128xf32, #tpu.memory_space<vmem>> -> memref<1x64x128xf32, #tpu.memory_space<vmem>>
        %dma_start3A_224 = tpu.memref_squeeze %dma_start3A_223 : memref<1x64x128xf32, #tpu.memory_space<vmem>> -> memref<64x128xf32, #tpu.memory_space<vmem>>
        tpu.enqueue_dma source(%dma_start3A_224 : memref<64x128xf32, #tpu.memory_space<vmem>>) target(%dma_start3A_220 : memref<64x128xf32, #tpu.memory_space<hbm>>) target_semaphore(%arg13 : memref<!tpu.dma_semaphore, #tpu.memory_space<semaphore_mem>>)
        %add3A_225 = arith.constant 2 : i32
        %add3A_226 = arith.addi %add3A_182, %add3A_225 : i32
        %lt3A = arith.constant 8 : i32
        %lt3A_227 = arith.cmpi slt, %add3A_226, %lt3A : i32
        %convert_element_type3A = arith.extui %lt3A_227 : i1 to i32
        %cond3A = arith.constant 0 : i32
        %cond3A_228 = arith.cmpi ne, %convert_element_type3A, %cond3A : i32
        scf.if %cond3A_228 {
          %add3A_282 = arith.constant 2 : i32
          %add3A_283 = arith.addi %add3A_182, %add3A_282 : i32
          %dma_start3A_284 = arith.constant 0 : i32
          %dma_start3A_285 = arith.constant 0 : i32
          %dma_start3A_286 = tpu.memref_slice %arg8[%scan3A_115, %dma_start3A_284, %dma_start3A_285] : memref<2x128x128xf32, #tpu.memory_space<vmem>> -> memref<1x128x128xf32, #tpu.memory_space<vmem>>
          %dma_start3A_287 = tpu.memref_squeeze %dma_start3A_286 : memref<1x128x128xf32, #tpu.memory_space<vmem>> -> memref<128x128xf32, #tpu.memory_space<vmem>>
          %dma_start3A_288 = arith.constant 0 : i32
          %dma_start3A_289 = tpu.memref_slice %arg6[%add3A_283, %dma_start3A_288] : memref<8x128xi32, #tpu.memory_space<vmem>> -> memref<1x128xi32, #tpu.memory_space<vmem>>
          %dma_start3A_290 = tpu.memref_squeeze %dma_start3A_289 : memref<1x128xi32, #tpu.memory_space<vmem>> -> memref<128xi32, #tpu.memory_space<vmem>>
          %dma_start3A_291 = arith.constant 0 : i32
          %dma_start3A_292 = arith.constant 0 : i32
          %dma_start3A_293 = tpu.memref_slice %arg2[%dma_start3A_291, %dma_start3A_292] : memref<500000x128xf32, #tpu.memory_space<hbm>> -> memref<500000x128xf32, #tpu.memory_space<hbm>>
          tpu.enqueue_indirect_dma source(%dma_start3A_293 : memref<500000x128xf32, #tpu.memory_space<hbm>>) target(%dma_start3A_287 : memref<128x128xf32, #tpu.memory_space<vmem>>) offsets(%dma_start3A_290 : memref<128xi32, #tpu.memory_space<vmem>>) semaphore(%arg11 : memref<!tpu.dma_semaphore, #tpu.memory_space<semaphore_mem>>)
        } else {
        }
        %mul3A_229 = arith.constant 2 : i32
        %mul3A_230 = arith.muli %mul3A_229, %scan3A_178 : i32
        %add3A_231 = arith.constant 1 : i32
        %add3A_232 = arith.addi %mul3A_230, %add3A_231 : i32
        %dma_wait3A_233 = arith.constant 0 : i32
        %dma_wait3A_234 = arith.constant 0 : i32
        %dma_wait3A_235 = arith.constant 0 : i32
        %dma_wait3A_236 = tpu.memref_slice %arg8[%scan3A_116, %dma_wait3A_234, %dma_wait3A_235] : memref<2x128x128xf32, #tpu.memory_space<vmem>> -> memref<1x128x128xf32, #tpu.memory_space<vmem>>
        %dma_wait3A_237 = tpu.memref_squeeze %dma_wait3A_236 : memref<1x128x128xf32, #tpu.memory_space<vmem>> -> memref<128x128xf32, #tpu.memory_space<vmem>>
        %dma_wait3A_238 = arith.constant 0 : i32
        %dma_wait3A_239 = tpu.memref_slice %arg6[%dma_wait3A_233, %dma_wait3A_238] : memref<8x128xi32, #tpu.memory_space<vmem>> -> memref<1x128xi32, #tpu.memory_space<vmem>>
        %dma_wait3A_240 = tpu.memref_squeeze %dma_wait3A_239 : memref<1x128xi32, #tpu.memory_space<vmem>> -> memref<128xi32, #tpu.memory_space<vmem>>
        %dma_wait3A_241 = arith.constant 0 : i32
        %dma_wait3A_242 = arith.constant 0 : i32
        %dma_wait3A_243 = tpu.memref_slice %arg2[%dma_wait3A_241, %dma_wait3A_242] : memref<500000x128xf32, #tpu.memory_space<hbm>> -> memref<500000x128xf32, #tpu.memory_space<hbm>>
        tpu.wait_indirect_dma semaphore(%arg12 : memref<!tpu.dma_semaphore, #tpu.memory_space<semaphore_mem>>) src(%dma_wait3A_243 : memref<500000x128xf32, #tpu.memory_space<hbm>>) dst(%dma_wait3A_237 : memref<128x128xf32, #tpu.memory_space<vmem>>)
        %dma_wait3A_244 = arith.constant 0 : i32
        %dma_wait3A_245 = arith.constant 0 : i32
        %dma_wait3A_246 = tpu.memref_slice %arg9[%scan3A_118, %dma_wait3A_244, %dma_wait3A_245] : memref<2x64x128xf32, #tpu.memory_space<vmem>> -> memref<1x64x128xf32, #tpu.memory_space<vmem>>
        %dma_wait3A_247 = tpu.memref_squeeze %dma_wait3A_246 : memref<1x64x128xf32, #tpu.memory_space<vmem>> -> memref<64x128xf32, #tpu.memory_space<vmem>>
        %dma_wait3A_248 = arith.constant 0 : i32
        %dma_wait3A_249 = arith.constant 0 : i32
        %dma_wait3A_250 = tpu.memref_slice %arg9[%scan3A_118, %dma_wait3A_248, %dma_wait3A_249] : memref<2x64x128xf32, #tpu.memory_space<vmem>> -> memref<1x64x128xf32, #tpu.memory_space<vmem>>
        %dma_wait3A_251 = tpu.memref_squeeze %dma_wait3A_250 : memref<1x64x128xf32, #tpu.memory_space<vmem>> -> memref<64x128xf32, #tpu.memory_space<vmem>>
        tpu.wait_dma2 semaphore(%arg14 : memref<!tpu.dma_semaphore, #tpu.memory_space<semaphore_mem>>) src(%dma_wait3A_251 : memref<64x128xf32, #tpu.memory_space<vmem>>) dst(%arg10 : memref<64x128xf32, #tpu.memory_space<hbm>>)
        %scan3A_252 = arith.constant 0 : i32
        %scan3A_253 = arith.constant 0 : i32
        %scan3A_254 = arith.constant 32 : i32
        %scan3A_255 = arith.addi %scan3A_253, %scan3A_254 : i32
        %scan3A_256 = arith.constant 1 : i32
        scf.for %scan3A_282 = %scan3A_253 to %scan3A_255 step %scan3A_256  : i32 {
          %shift_right_logical3A = arith.constant 2 : i32
          %shift_right_logical3A_283 = arith.shrui %scan3A_282, %shift_right_logical3A : i32
          %mul3A_284 = arith.constant 16 : i32
          %mul3A_285 = arith.muli %shift_right_logical3A_283, %mul3A_284 : i32
          %and3A_286 = arith.constant 3 : i32
          %and3A_287 = arith.andi %scan3A_282, %and3A_286 : i32
          %mul3A_288 = arith.constant 16 : i32
          %mul3A_289 = arith.muli %and3A_287, %mul3A_288 : i32
          %add3A_290 = vector.broadcast %mul3A_285 : i32 to vector<16xi32>
          %add3A_291 = arith.addi %iota3A, %add3A_290 : vector<16xi32>
          %get3A = arith.index_cast %add3A_232 : i32 to index
          %get3A_292 = arith.index_cast %mul3A_285 : i32 to index
          %get3A_293 = tpu.vector_load %arg7[%get3A, %get3A_292] {strides = array<i32>} : memref<8x128xi32, #tpu.memory_space<vmem>>, vector<16xi32>,
          %add3A_294 = vector.broadcast %mul3A_289 : i32 to vector<16xi32>
          %add3A_295 = arith.addi %get3A_293, %add3A_294 : vector<16xi32>
          %add3A_296 = arith.addi %add3A_295, %and3A_7 : vector<16xi32>
          %gather3A = arith.constant 0 : i32
          %gather3A_297 = arith.constant 0 : i32
          %gather3A_298 = tpu.memref_slice %arg8[%scan3A_116, %gather3A, %gather3A_297] : memref<2x128x128xf32, #tpu.memory_space<vmem>> -> memref<1x128x128xf32, #tpu.memory_space<vmem>>
          %gather3A_299 = tpu.memref_squeeze %gather3A_298 : memref<1x128x128xf32, #tpu.memory_space<vmem>> -> memref<128x128xf32, #tpu.memory_space<vmem>>
          %gather3A_300 = tpu.vector_load_idx %gather3A_299[%add3A_291, %add3A_296] : memref<128x128xf32, #tpu.memory_space<vmem>>[vector<16xi32>, vector<16xi32>], vector<16xf32>,
          %add3A_301 = vector.broadcast %mul3A_289 : i32 to vector<16xi32>
          %add3A_302 = arith.addi %and3A_7, %add3A_301 : vector<16xi32>
          %scatter3A = arith.constant 0 : i32
          %scatter3A_303 = arith.constant 0 : i32
          %scatter3A_304 = tpu.memref_slice %arg9[%scan3A_118, %scatter3A, %scatter3A_303] : memref<2x64x128xf32, #tpu.memory_space<vmem>> -> memref<1x64x128xf32, #tpu.memory_space<vmem>>
          %scatter3A_305 = tpu.memref_squeeze %scatter3A_304 : memref<1x64x128xf32, #tpu.memory_space<vmem>> -> memref<64x128xf32, #tpu.memory_space<vmem>>
          tpu.vector_store_idx %scatter3A_305[%add3A_302, %add3A_291], %gather3A_300 : memref<64x128xf32, #tpu.memory_space<vmem>>[vector<16xi32>, vector<16xi32>], vector<16xf32>,
          %add3A_306 = arith.addi %add3A_295, %and3A_13 : vector<16xi32>
          %gather3A_307 = arith.constant 0 : i32
          %gather3A_308 = arith.constant 0 : i32
          %gather3A_309 = tpu.memref_slice %arg8[%scan3A_116, %gather3A_307, %gather3A_308] : memref<2x128x128xf32, #tpu.memory_space<vmem>> -> memref<1x128x128xf32, #tpu.memory_space<vmem>>
          %gather3A_310 = tpu.memref_squeeze %gather3A_309 : memref<1x128x128xf32, #tpu.memory_space<vmem>> -> memref<128x128xf32, #tpu.memory_space<vmem>>
          %gather3A_311 = tpu.vector_load_idx %gather3A_310[%add3A_291, %add3A_306] : memref<128x128xf32, #tpu.memory_space<vmem>>[vector<16xi32>, vector<16xi32>], vector<16xf32>,
          %add3A_312 = vector.broadcast %mul3A_289 : i32 to vector<16xi32>
          %add3A_313 = arith.addi %and3A_13, %add3A_312 : vector<16xi32>
          %scatter3A_314 = arith.constant 0 : i32
          %scatter3A_315 = arith.constant 0 : i32
          %scatter3A_316 = tpu.memref_slice %arg9[%scan3A_118, %scatter3A_314, %scatter3A_315] : memref<2x64x128xf32, #tpu.memory_space<vmem>> -> memref<1x64x128xf32, #tpu.memory_space<vmem>>
          %scatter3A_317 = tpu.memref_squeeze %scatter3A_316 : memref<1x64x128xf32, #tpu.memory_space<vmem>> -> memref<64x128xf32, #tpu.memory_space<vmem>>
          tpu.vector_store_idx %scatter3A_317[%add3A_313, %add3A_291], %gather3A_311 : memref<64x128xf32, #tpu.memory_space<vmem>>[vector<16xi32>, vector<16xi32>], vector<16xf32>,
          %add3A_318 = arith.addi %add3A_295, %and3A_19 : vector<16xi32>
          %gather3A_319 = arith.constant 0 : i32
          %gather3A_320 = arith.constant 0 : i32
          %gather3A_321 = tpu.memref_slice %arg8[%scan3A_116, %gather3A_319, %gather3A_320] : memref<2x128x128xf32, #tpu.memory_space<vmem>> -> memref<1x128x128xf32, #tpu.memory_space<vmem>>
          %gather3A_322 = tpu.memref_squeeze %gather3A_321 : memref<1x128x128xf32, #tpu.memory_space<vmem>> -> memref<128x128xf32, #tpu.memory_space<vmem>>
          %gather3A_323 = tpu.vector_load_idx %gather3A_322[%add3A_291, %add3A_318] : memref<128x128xf32, #tpu.memory_space<vmem>>[vector<16xi32>, vector<16xi32>], vector<16xf32>,
          %add3A_324 = vector.broadcast %mul3A_289 : i32 to vector<16xi32>
          %add3A_325 = arith.addi %and3A_19, %add3A_324 : vector<16xi32>
          %scatter3A_326 = arith.constant 0 : i32
          %scatter3A_327 = arith.constant 0 : i32
          %scatter3A_328 = tpu.memref_slice %arg9[%scan3A_118, %scatter3A_326, %scatter3A_327] : memref<2x64x128xf32, #tpu.memory_space<vmem>> -> memref<1x64x128xf32, #tpu.memory_space<vmem>>
          %scatter3A_329 = tpu.memref_squeeze %scatter3A_328 : memref<1x64x128xf32, #tpu.memory_space<vmem>> -> memref<64x128xf32, #tpu.memory_space<vmem>>
          tpu.vector_store_idx %scatter3A_329[%add3A_325, %add3A_291], %gather3A_323 : memref<64x128xf32, #tpu.memory_space<vmem>>[vector<16xi32>, vector<16xi32>], vector<16xf32>,
          %add3A_330 = arith.addi %add3A_295, %and3A_25 : vector<16xi32>
          %gather3A_331 = arith.constant 0 : i32
          %gather3A_332 = arith.constant 0 : i32
          %gather3A_333 = tpu.memref_slice %arg8[%scan3A_116, %gather3A_331, %gather3A_332] : memref<2x128x128xf32, #tpu.memory_space<vmem>> -> memref<1x128x128xf32, #tpu.memory_space<vmem>>
          %gather3A_334 = tpu.memref_squeeze %gather3A_333 : memref<1x128x128xf32, #tpu.memory_space<vmem>> -> memref<128x128xf32, #tpu.memory_space<vmem>>
          %gather3A_335 = tpu.vector_load_idx %gather3A_334[%add3A_291, %add3A_330] : memref<128x128xf32, #tpu.memory_space<vmem>>[vector<16xi32>, vector<16xi32>], vector<16xf32>,
          %add3A_336 = vector.broadcast %mul3A_289 : i32 to vector<16xi32>
          %add3A_337 = arith.addi %and3A_25, %add3A_336 : vector<16xi32>
          %scatter3A_338 = arith.constant 0 : i32
          %scatter3A_339 = arith.constant 0 : i32
          %scatter3A_340 = tpu.memref_slice %arg9[%scan3A_118, %scatter3A_338, %scatter3A_339] : memref<2x64x128xf32, #tpu.memory_space<vmem>> -> memref<1x64x128xf32, #tpu.memory_space<vmem>>
          %scatter3A_341 = tpu.memref_squeeze %scatter3A_340 : memref<1x64x128xf32, #tpu.memory_space<vmem>> -> memref<64x128xf32, #tpu.memory_space<vmem>>
          tpu.vector_store_idx %scatter3A_341[%add3A_337, %add3A_291], %gather3A_335 : memref<64x128xf32, #tpu.memory_space<vmem>>[vector<16xi32>, vector<16xi32>], vector<16xf32>,
          %add3A_342 = arith.addi %add3A_295, %and3A_31 : vector<16xi32>
          %gather3A_343 = arith.constant 0 : i32
          %gather3A_344 = arith.constant 0 : i32
          %gather3A_345 = tpu.memref_slice %arg8[%scan3A_116, %gather3A_343, %gather3A_344] : memref<2x128x128xf32, #tpu.memory_space<vmem>> -> memref<1x128x128xf32, #tpu.memory_space<vmem>>
          %gather3A_346 = tpu.memref_squeeze %gather3A_345 : memref<1x128x128xf32, #tpu.memory_space<vmem>> -> memref<128x128xf32, #tpu.memory_space<vmem>>
          %gather3A_347 = tpu.vector_load_idx %gather3A_346[%add3A_291, %add3A_342] : memref<128x128xf32, #tpu.memory_space<vmem>>[vector<16xi32>, vector<16xi32>], vector<16xf32>,
          %add3A_348 = vector.broadcast %mul3A_289 : i32 to vector<16xi32>
          %add3A_349 = arith.addi %and3A_31, %add3A_348 : vector<16xi32>
          %scatter3A_350 = arith.constant 0 : i32
          %scatter3A_351 = arith.constant 0 : i32
          %scatter3A_352 = tpu.memref_slice %arg9[%scan3A_118, %scatter3A_350, %scatter3A_351] : memref<2x64x128xf32, #tpu.memory_space<vmem>> -> memref<1x64x128xf32, #tpu.memory_space<vmem>>
          %scatter3A_353 = tpu.memref_squeeze %scatter3A_352 : memref<1x64x128xf32, #tpu.memory_space<vmem>> -> memref<64x128xf32, #tpu.memory_space<vmem>>
          tpu.vector_store_idx %scatter3A_353[%add3A_349, %add3A_291], %gather3A_347 : memref<64x128xf32, #tpu.memory_space<vmem>>[vector<16xi32>, vector<16xi32>], vector<16xf32>,
          %add3A_354 = arith.addi %add3A_295, %and3A_37 : vector<16xi32>
          %gather3A_355 = arith.constant 0 : i32
          %gather3A_356 = arith.constant 0 : i32
          %gather3A_357 = tpu.memref_slice %arg8[%scan3A_116, %gather3A_355, %gather3A_356] : memref<2x128x128xf32, #tpu.memory_space<vmem>> -> memref<1x128x128xf32, #tpu.memory_space<vmem>>
          %gather3A_358 = tpu.memref_squeeze %gather3A_357 : memref<1x128x128xf32, #tpu.memory_space<vmem>> -> memref<128x128xf32, #tpu.memory_space<vmem>>
          %gather3A_359 = tpu.vector_load_idx %gather3A_358[%add3A_291, %add3A_354] : memref<128x128xf32, #tpu.memory_space<vmem>>[vector<16xi32>, vector<16xi32>], vector<16xf32>,
          %add3A_360 = vector.broadcast %mul3A_289 : i32 to vector<16xi32>
          %add3A_361 = arith.addi %and3A_37, %add3A_360 : vector<16xi32>
          %scatter3A_362 = arith.constant 0 : i32
          %scatter3A_363 = arith.constant 0 : i32
          %scatter3A_364 = tpu.memref_slice %arg9[%scan3A_118, %scatter3A_362, %scatter3A_363] : memref<2x64x128xf32, #tpu.memory_space<vmem>> -> memref<1x64x128xf32, #tpu.memory_space<vmem>>
          %scatter3A_365 = tpu.memref_squeeze %scatter3A_364 : memref<1x64x128xf32, #tpu.memory_space<vmem>> -> memref<64x128xf32, #tpu.memory_space<vmem>>
          tpu.vector_store_idx %scatter3A_365[%add3A_361, %add3A_291], %gather3A_359 : memref<64x128xf32, #tpu.memory_space<vmem>>[vector<16xi32>, vector<16xi32>], vector<16xf32>,
          %add3A_366 = arith.addi %add3A_295, %and3A_43 : vector<16xi32>
          %gather3A_367 = arith.constant 0 : i32
          %gather3A_368 = arith.constant 0 : i32
          %gather3A_369 = tpu.memref_slice %arg8[%scan3A_116, %gather3A_367, %gather3A_368] : memref<2x128x128xf32, #tpu.memory_space<vmem>> -> memref<1x128x128xf32, #tpu.memory_space<vmem>>
          %gather3A_370 = tpu.memref_squeeze %gather3A_369 : memref<1x128x128xf32, #tpu.memory_space<vmem>> -> memref<128x128xf32, #tpu.memory_space<vmem>>
          %gather3A_371 = tpu.vector_load_idx %gather3A_370[%add3A_291, %add3A_366] : memref<128x128xf32, #tpu.memory_space<vmem>>[vector<16xi32>, vector<16xi32>], vector<16xf32>,
          %add3A_372 = vector.broadcast %mul3A_289 : i32 to vector<16xi32>
          %add3A_373 = arith.addi %and3A_43, %add3A_372 : vector<16xi32>
          %scatter3A_374 = arith.constant 0 : i32
          %scatter3A_375 = arith.constant 0 : i32
          %scatter3A_376 = tpu.memref_slice %arg9[%scan3A_118, %scatter3A_374, %scatter3A_375] : memref<2x64x128xf32, #tpu.memory_space<vmem>> -> memref<1x64x128xf32, #tpu.memory_space<vmem>>
          %scatter3A_377 = tpu.memref_squeeze %scatter3A_376 : memref<1x64x128xf32, #tpu.memory_space<vmem>> -> memref<64x128xf32, #tpu.memory_space<vmem>>
          tpu.vector_store_idx %scatter3A_377[%add3A_373, %add3A_291], %gather3A_371 : memref<64x128xf32, #tpu.memory_space<vmem>>[vector<16xi32>, vector<16xi32>], vector<16xf32>,
          %add3A_378 = arith.addi %add3A_295, %and3A_49 : vector<16xi32>
          %gather3A_379 = arith.constant 0 : i32
          %gather3A_380 = arith.constant 0 : i32
          %gather3A_381 = tpu.memref_slice %arg8[%scan3A_116, %gather3A_379, %gather3A_380] : memref<2x128x128xf32, #tpu.memory_space<vmem>> -> memref<1x128x128xf32, #tpu.memory_space<vmem>>
          %gather3A_382 = tpu.memref_squeeze %gather3A_381 : memref<1x128x128xf32, #tpu.memory_space<vmem>> -> memref<128x128xf32, #tpu.memory_space<vmem>>
          %gather3A_383 = tpu.vector_load_idx %gather3A_382[%add3A_291, %add3A_378] : memref<128x128xf32, #tpu.memory_space<vmem>>[vector<16xi32>, vector<16xi32>], vector<16xf32>,
          %add3A_384 = vector.broadcast %mul3A_289 : i32 to vector<16xi32>
          %add3A_385 = arith.addi %and3A_49, %add3A_384 : vector<16xi32>
          %scatter3A_386 = arith.constant 0 : i32
          %scatter3A_387 = arith.constant 0 : i32
          %scatter3A_388 = tpu.memref_slice %arg9[%scan3A_118, %scatter3A_386, %scatter3A_387] : memref<2x64x128xf32, #tpu.memory_space<vmem>> -> memref<1x64x128xf32, #tpu.memory_space<vmem>>
          %scatter3A_389 = tpu.memref_squeeze %scatter3A_388 : memref<1x64x128xf32, #tpu.memory_space<vmem>> -> memref<64x128xf32, #tpu.memory_space<vmem>>
          tpu.vector_store_idx %scatter3A_389[%add3A_385, %add3A_291], %gather3A_383 : memref<64x128xf32, #tpu.memory_space<vmem>>[vector<16xi32>, vector<16xi32>], vector<16xf32>,
          %add3A_390 = arith.addi %add3A_295, %and3A_55 : vector<16xi32>
          %gather3A_391 = arith.constant 0 : i32
          %gather3A_392 = arith.constant 0 : i32
          %gather3A_393 = tpu.memref_slice %arg8[%scan3A_116, %gather3A_391, %gather3A_392] : memref<2x128x128xf32, #tpu.memory_space<vmem>> -> memref<1x128x128xf32, #tpu.memory_space<vmem>>
          %gather3A_394 = tpu.memref_squeeze %gather3A_393 : memref<1x128x128xf32, #tpu.memory_space<vmem>> -> memref<128x128xf32, #tpu.memory_space<vmem>>
          %gather3A_395 = tpu.vector_load_idx %gather3A_394[%add3A_291, %add3A_390] : memref<128x128xf32, #tpu.memory_space<vmem>>[vector<16xi32>, vector<16xi32>], vector<16xf32>,
          %add3A_396 = vector.broadcast %mul3A_289 : i32 to vector<16xi32>
          %add3A_397 = arith.addi %and3A_55, %add3A_396 : vector<16xi32>
          %scatter3A_398 = arith.constant 0 : i32
          %scatter3A_399 = arith.constant 0 : i32
          %scatter3A_400 = tpu.memref_slice %arg9[%scan3A_118, %scatter3A_398, %scatter3A_399] : memref<2x64x128xf32, #tpu.memory_space<vmem>> -> memref<1x64x128xf32, #tpu.memory_space<vmem>>
          %scatter3A_401 = tpu.memref_squeeze %scatter3A_400 : memref<1x64x128xf32, #tpu.memory_space<vmem>> -> memref<64x128xf32, #tpu.memory_space<vmem>>
          tpu.vector_store_idx %scatter3A_401[%add3A_397, %add3A_291], %gather3A_395 : memref<64x128xf32, #tpu.memory_space<vmem>>[vector<16xi32>, vector<16xi32>], vector<16xf32>,
          %add3A_402 = arith.addi %add3A_295, %and3A_61 : vector<16xi32>
          %gather3A_403 = arith.constant 0 : i32
          %gather3A_404 = arith.constant 0 : i32
          %gather3A_405 = tpu.memref_slice %arg8[%scan3A_116, %gather3A_403, %gather3A_404] : memref<2x128x128xf32, #tpu.memory_space<vmem>> -> memref<1x128x128xf32, #tpu.memory_space<vmem>>
          %gather3A_406 = tpu.memref_squeeze %gather3A_405 : memref<1x128x128xf32, #tpu.memory_space<vmem>> -> memref<128x128xf32, #tpu.memory_space<vmem>>
          %gather3A_407 = tpu.vector_load_idx %gather3A_406[%add3A_291, %add3A_402] : memref<128x128xf32, #tpu.memory_space<vmem>>[vector<16xi32>, vector<16xi32>], vector<16xf32>,
          %add3A_408 = vector.broadcast %mul3A_289 : i32 to vector<16xi32>
          %add3A_409 = arith.addi %and3A_61, %add3A_408 : vector<16xi32>
          %scatter3A_410 = arith.constant 0 : i32
          %scatter3A_411 = arith.constant 0 : i32
          %scatter3A_412 = tpu.memref_slice %arg9[%scan3A_118, %scatter3A_410, %scatter3A_411] : memref<2x64x128xf32, #tpu.memory_space<vmem>> -> memref<1x64x128xf32, #tpu.memory_space<vmem>>
          %scatter3A_413 = tpu.memref_squeeze %scatter3A_412 : memref<1x64x128xf32, #tpu.memory_space<vmem>> -> memref<64x128xf32, #tpu.memory_space<vmem>>
          tpu.vector_store_idx %scatter3A_413[%add3A_409, %add3A_291], %gather3A_407 : memref<64x128xf32, #tpu.memory_space<vmem>>[vector<16xi32>, vector<16xi32>], vector<16xf32>,
          %add3A_414 = arith.addi %add3A_295, %and3A_67 : vector<16xi32>
          %gather3A_415 = arith.constant 0 : i32
          %gather3A_416 = arith.constant 0 : i32
          %gather3A_417 = tpu.memref_slice %arg8[%scan3A_116, %gather3A_415, %gather3A_416] : memref<2x128x128xf32, #tpu.memory_space<vmem>> -> memref<1x128x128xf32, #tpu.memory_space<vmem>>
          %gather3A_418 = tpu.memref_squeeze %gather3A_417 : memref<1x128x128xf32, #tpu.memory_space<vmem>> -> memref<128x128xf32, #tpu.memory_space<vmem>>
          %gather3A_419 = tpu.vector_load_idx %gather3A_418[%add3A_291, %add3A_414] : memref<128x128xf32, #tpu.memory_space<vmem>>[vector<16xi32>, vector<16xi32>], vector<16xf32>,
          %add3A_420 = vector.broadcast %mul3A_289 : i32 to vector<16xi32>
          %add3A_421 = arith.addi %and3A_67, %add3A_420 : vector<16xi32>
          %scatter3A_422 = arith.constant 0 : i32
          %scatter3A_423 = arith.constant 0 : i32
          %scatter3A_424 = tpu.memref_slice %arg9[%scan3A_118, %scatter3A_422, %scatter3A_423] : memref<2x64x128xf32, #tpu.memory_space<vmem>> -> memref<1x64x128xf32, #tpu.memory_space<vmem>>
          %scatter3A_425 = tpu.memref_squeeze %scatter3A_424 : memref<1x64x128xf32, #tpu.memory_space<vmem>> -> memref<64x128xf32, #tpu.memory_space<vmem>>
          tpu.vector_store_idx %scatter3A_425[%add3A_421, %add3A_291], %gather3A_419 : memref<64x128xf32, #tpu.memory_space<vmem>>[vector<16xi32>, vector<16xi32>], vector<16xf32>,
          %add3A_426 = arith.addi %add3A_295, %and3A_73 : vector<16xi32>
          %gather3A_427 = arith.constant 0 : i32
          %gather3A_428 = arith.constant 0 : i32
          %gather3A_429 = tpu.memref_slice %arg8[%scan3A_116, %gather3A_427, %gather3A_428] : memref<2x128x128xf32, #tpu.memory_space<vmem>> -> memref<1x128x128xf32, #tpu.memory_space<vmem>>
          %gather3A_430 = tpu.memref_squeeze %gather3A_429 : memref<1x128x128xf32, #tpu.memory_space<vmem>> -> memref<128x128xf32, #tpu.memory_space<vmem>>
          %gather3A_431 = tpu.vector_load_idx %gather3A_430[%add3A_291, %add3A_426] : memref<128x128xf32, #tpu.memory_space<vmem>>[vector<16xi32>, vector<16xi32>], vector<16xf32>,
          %add3A_432 = vector.broadcast %mul3A_289 : i32 to vector<16xi32>
          %add3A_433 = arith.addi %and3A_73, %add3A_432 : vector<16xi32>
          %scatter3A_434 = arith.constant 0 : i32
          %scatter3A_435 = arith.constant 0 : i32
          %scatter3A_436 = tpu.memref_slice %arg9[%scan3A_118, %scatter3A_434, %scatter3A_435] : memref<2x64x128xf32, #tpu.memory_space<vmem>> -> memref<1x64x128xf32, #tpu.memory_space<vmem>>
          %scatter3A_437 = tpu.memref_squeeze %scatter3A_436 : memref<1x64x128xf32, #tpu.memory_space<vmem>> -> memref<64x128xf32, #tpu.memory_space<vmem>>
          tpu.vector_store_idx %scatter3A_437[%add3A_433, %add3A_291], %gather3A_431 : memref<64x128xf32, #tpu.memory_space<vmem>>[vector<16xi32>, vector<16xi32>], vector<16xf32>,
          %add3A_438 = arith.addi %add3A_295, %and3A_79 : vector<16xi32>
          %gather3A_439 = arith.constant 0 : i32
          %gather3A_440 = arith.constant 0 : i32
          %gather3A_441 = tpu.memref_slice %arg8[%scan3A_116, %gather3A_439, %gather3A_440] : memref<2x128x128xf32, #tpu.memory_space<vmem>> -> memref<1x128x128xf32, #tpu.memory_space<vmem>>
          %gather3A_442 = tpu.memref_squeeze %gather3A_441 : memref<1x128x128xf32, #tpu.memory_space<vmem>> -> memref<128x128xf32, #tpu.memory_space<vmem>>
          %gather3A_443 = tpu.vector_load_idx %gather3A_442[%add3A_291, %add3A_438] : memref<128x128xf32, #tpu.memory_space<vmem>>[vector<16xi32>, vector<16xi32>], vector<16xf32>,
          %add3A_444 = vector.broadcast %mul3A_289 : i32 to vector<16xi32>
          %add3A_445 = arith.addi %and3A_79, %add3A_444 : vector<16xi32>
          %scatter3A_446 = arith.constant 0 : i32
          %scatter3A_447 = arith.constant 0 : i32
          %scatter3A_448 = tpu.memref_slice %arg9[%scan3A_118, %scatter3A_446, %scatter3A_447] : memref<2x64x128xf32, #tpu.memory_space<vmem>> -> memref<1x64x128xf32, #tpu.memory_space<vmem>>
          %scatter3A_449 = tpu.memref_squeeze %scatter3A_448 : memref<1x64x128xf32, #tpu.memory_space<vmem>> -> memref<64x128xf32, #tpu.memory_space<vmem>>
          tpu.vector_store_idx %scatter3A_449[%add3A_445, %add3A_291], %gather3A_443 : memref<64x128xf32, #tpu.memory_space<vmem>>[vector<16xi32>, vector<16xi32>], vector<16xf32>,
          %add3A_450 = arith.addi %add3A_295, %and3A_85 : vector<16xi32>
          %gather3A_451 = arith.constant 0 : i32
          %gather3A_452 = arith.constant 0 : i32
          %gather3A_453 = tpu.memref_slice %arg8[%scan3A_116, %gather3A_451, %gather3A_452] : memref<2x128x128xf32, #tpu.memory_space<vmem>> -> memref<1x128x128xf32, #tpu.memory_space<vmem>>
          %gather3A_454 = tpu.memref_squeeze %gather3A_453 : memref<1x128x128xf32, #tpu.memory_space<vmem>> -> memref<128x128xf32, #tpu.memory_space<vmem>>
          %gather3A_455 = tpu.vector_load_idx %gather3A_454[%add3A_291, %add3A_450] : memref<128x128xf32, #tpu.memory_space<vmem>>[vector<16xi32>, vector<16xi32>], vector<16xf32>,
          %add3A_456 = vector.broadcast %mul3A_289 : i32 to vector<16xi32>
          %add3A_457 = arith.addi %and3A_85, %add3A_456 : vector<16xi32>
          %scatter3A_458 = arith.constant 0 : i32
          %scatter3A_459 = arith.constant 0 : i32
          %scatter3A_460 = tpu.memref_slice %arg9[%scan3A_118, %scatter3A_458, %scatter3A_459] : memref<2x64x128xf32, #tpu.memory_space<vmem>> -> memref<1x64x128xf32, #tpu.memory_space<vmem>>
          %scatter3A_461 = tpu.memref_squeeze %scatter3A_460 : memref<1x64x128xf32, #tpu.memory_space<vmem>> -> memref<64x128xf32, #tpu.memory_space<vmem>>
          tpu.vector_store_idx %scatter3A_461[%add3A_457, %add3A_291], %gather3A_455 : memref<64x128xf32, #tpu.memory_space<vmem>>[vector<16xi32>, vector<16xi32>], vector<16xf32>,
          %add3A_462 = arith.addi %add3A_295, %and3A_91 : vector<16xi32>
          %gather3A_463 = arith.constant 0 : i32
          %gather3A_464 = arith.constant 0 : i32
          %gather3A_465 = tpu.memref_slice %arg8[%scan3A_116, %gather3A_463, %gather3A_464] : memref<2x128x128xf32, #tpu.memory_space<vmem>> -> memref<1x128x128xf32, #tpu.memory_space<vmem>>
          %gather3A_466 = tpu.memref_squeeze %gather3A_465 : memref<1x128x128xf32, #tpu.memory_space<vmem>> -> memref<128x128xf32, #tpu.memory_space<vmem>>
          %gather3A_467 = tpu.vector_load_idx %gather3A_466[%add3A_291, %add3A_462] : memref<128x128xf32, #tpu.memory_space<vmem>>[vector<16xi32>, vector<16xi32>], vector<16xf32>,
          %add3A_468 = vector.broadcast %mul3A_289 : i32 to vector<16xi32>
          %add3A_469 = arith.addi %and3A_91, %add3A_468 : vector<16xi32>
          %scatter3A_470 = arith.constant 0 : i32
          %scatter3A_471 = arith.constant 0 : i32
          %scatter3A_472 = tpu.memref_slice %arg9[%scan3A_118, %scatter3A_470, %scatter3A_471] : memref<2x64x128xf32, #tpu.memory_space<vmem>> -> memref<1x64x128xf32, #tpu.memory_space<vmem>>
          %scatter3A_473 = tpu.memref_squeeze %scatter3A_472 : memref<1x64x128xf32, #tpu.memory_space<vmem>> -> memref<64x128xf32, #tpu.memory_space<vmem>>
          tpu.vector_store_idx %scatter3A_473[%add3A_469, %add3A_291], %gather3A_467 : memref<64x128xf32, #tpu.memory_space<vmem>>[vector<16xi32>, vector<16xi32>], vector<16xf32>,
          %add3A_474 = arith.addi %add3A_295, %and3A_97 : vector<16xi32>
          %gather3A_475 = arith.constant 0 : i32
          %gather3A_476 = arith.constant 0 : i32
          %gather3A_477 = tpu.memref_slice %arg8[%scan3A_116, %gather3A_475, %gather3A_476] : memref<2x128x128xf32, #tpu.memory_space<vmem>> -> memref<1x128x128xf32, #tpu.memory_space<vmem>>
          %gather3A_478 = tpu.memref_squeeze %gather3A_477 : memref<1x128x128xf32, #tpu.memory_space<vmem>> -> memref<128x128xf32, #tpu.memory_space<vmem>>
          %gather3A_479 = tpu.vector_load_idx %gather3A_478[%add3A_291, %add3A_474] : memref<128x128xf32, #tpu.memory_space<vmem>>[vector<16xi32>, vector<16xi32>], vector<16xf32>,
          %add3A_480 = vector.broadcast %mul3A_289 : i32 to vector<16xi32>
          %add3A_481 = arith.addi %and3A_97, %add3A_480 : vector<16xi32>
          %scatter3A_482 = arith.constant 0 : i32
          %scatter3A_483 = arith.constant 0 : i32
          %scatter3A_484 = tpu.memref_slice %arg9[%scan3A_118, %scatter3A_482, %scatter3A_483] : memref<2x64x128xf32, #tpu.memory_space<vmem>> -> memref<1x64x128xf32, #tpu.memory_space<vmem>>
          %scatter3A_485 = tpu.memref_squeeze %scatter3A_484 : memref<1x64x128xf32, #tpu.memory_space<vmem>> -> memref<64x128xf32, #tpu.memory_space<vmem>>
          tpu.vector_store_idx %scatter3A_485[%add3A_481, %add3A_291], %gather3A_479 : memref<64x128xf32, #tpu.memory_space<vmem>>[vector<16xi32>, vector<16xi32>], vector<16xf32>,
        }
        %scan3A_257 = arith.constant 32 : i32
        %mul3A_258 = arith.constant 8 : i32
        %mul3A_259 = arith.muli %scan3A_141, %mul3A_258 : i32
        %add3A_260 = arith.addi %mul3A_259, %add3A_232 : i32
        %dma_start3A_261 = arith.constant 0 : i32
        %dma_start3A_262 = arith.constant 0 : i32
        %dma_start3A_263 = tpu.memref_slice %arg9[%scan3A_118, %dma_start3A_261, %dma_start3A_262] : memref<2x64x128xf32, #tpu.memory_space<vmem>> -> memref<1x64x128xf32, #tpu.memory_space<vmem>>
        %dma_start3A_264 = tpu.memref_squeeze %dma_start3A_263 : memref<1x64x128xf32, #tpu.memory_space<vmem>> -> memref<64x128xf32, #tpu.memory_space<vmem>>
        %dma_start3A_265 = arith.constant 0 : i32
        %dma_start3A_266 = tpu.memref_slice %arg4[%add3A_260, %dma_start3A_265, %mul3A_2] : memref<200x64x4096xf32, #tpu.memory_space<hbm>> -> memref<1x64x128xf32, #tpu.memory_space<hbm>>
        %dma_start3A_267 = tpu.memref_squeeze %dma_start3A_266 : memref<1x64x128xf32, #tpu.memory_space<hbm>> -> memref<64x128xf32, #tpu.memory_space<hbm>>
        %dma_start3A_268 = arith.constant 0 : i32
        %dma_start3A_269 = tpu.memref_slice %arg4[%add3A_260, %dma_start3A_268, %mul3A_2] : memref<200x64x4096xf32, #tpu.memory_space<hbm>> -> memref<1x64x128xf32, #tpu.memory_space<hbm>>
        %dma_start3A_270 = tpu.memref_squeeze %dma_start3A_269 : memref<1x64x128xf32, #tpu.memory_space<hbm>> -> memref<64x128xf32, #tpu.memory_space<hbm>>
        %dma_start3A_271 = arith.constant 0 : i32
        %dma_start3A_272 = arith.constant 0 : i32
        %dma_start3A_273 = tpu.memref_slice %arg9[%scan3A_118, %dma_start3A_271, %dma_start3A_272] : memref<2x64x128xf32, #tpu.memory_space<vmem>> -> memref<1x64x128xf32, #tpu.memory_space<vmem>>
        %dma_start3A_274 = tpu.memref_squeeze %dma_start3A_273 : memref<1x64x128xf32, #tpu.memory_space<vmem>> -> memref<64x128xf32, #tpu.memory_space<vmem>>
        tpu.enqueue_dma source(%dma_start3A_274 : memref<64x128xf32, #tpu.memory_space<vmem>>) target(%dma_start3A_270 : memref<64x128xf32, #tpu.memory_space<hbm>>) target_semaphore(%arg14 : memref<!tpu.dma_semaphore, #tpu.memory_space<semaphore_mem>>)
        %add3A_275 = arith.constant 2 : i32
        %add3A_276 = arith.addi %add3A_232, %add3A_275 : i32
        %lt3A_277 = arith.constant 8 : i32
        %lt3A_278 = arith.cmpi slt, %add3A_276, %lt3A_277 : i32
        %convert_element_type3A_279 = arith.extui %lt3A_278 : i1 to i32
        %cond3A_280 = arith.constant 0 : i32
        %cond3A_281 = arith.cmpi ne, %convert_element_type3A_279, %cond3A_280 : i32
        scf.if %cond3A_281 {
          %add3A_282 = arith.constant 2 : i32
          %add3A_283 = arith.addi %add3A_232, %add3A_282 : i32
          %dma_start3A_284 = arith.constant 0 : i32
          %dma_start3A_285 = arith.constant 0 : i32
          %dma_start3A_286 = tpu.memref_slice %arg8[%scan3A_116, %dma_start3A_284, %dma_start3A_285] : memref<2x128x128xf32, #tpu.memory_space<vmem>> -> memref<1x128x128xf32, #tpu.memory_space<vmem>>
          %dma_start3A_287 = tpu.memref_squeeze %dma_start3A_286 : memref<1x128x128xf32, #tpu.memory_space<vmem>> -> memref<128x128xf32, #tpu.memory_space<vmem>>
          %dma_start3A_288 = arith.constant 0 : i32
          %dma_start3A_289 = tpu.memref_slice %arg6[%add3A_283, %dma_start3A_288] : memref<8x128xi32, #tpu.memory_space<vmem>> -> memref<1x128xi32, #tpu.memory_space<vmem>>
          %dma_start3A_290 = tpu.memref_squeeze %dma_start3A_289 : memref<1x128xi32, #tpu.memory_space<vmem>> -> memref<128xi32, #tpu.memory_space<vmem>>
          %dma_start3A_291 = arith.constant 0 : i32
          %dma_start3A_292 = arith.constant 0 : i32
          %dma_start3A_293 = tpu.memref_slice %arg2[%dma_start3A_291, %dma_start3A_292] : memref<500000x128xf32, #tpu.memory_space<hbm>> -> memref<500000x128xf32, #tpu.memory_space<hbm>>
          tpu.enqueue_indirect_dma source(%dma_start3A_293 : memref<500000x128xf32, #tpu.memory_space<hbm>>) target(%dma_start3A_287 : memref<128x128xf32, #tpu.memory_space<vmem>>) offsets(%dma_start3A_290 : memref<128xi32, #tpu.memory_space<vmem>>) semaphore(%arg12 : memref<!tpu.dma_semaphore, #tpu.memory_space<semaphore_mem>>)
        } else {
        }
      }
      %scan3A_177 = arith.constant 4 : i32
    }
    %scan3A_123 = arith.constant 25 : i32
    %dma_wait3A = arith.constant 0 : i32
    %dma_wait3A_124 = arith.constant 0 : i32
    %dma_wait3A_125 = arith.constant 0 : i32
    %dma_wait3A_126 = tpu.memref_slice %arg9[%dma_wait3A, %dma_wait3A_124, %dma_wait3A_125] : memref<2x64x128xf32, #tpu.memory_space<vmem>> -> memref<1x64x128xf32, #tpu.memory_space<vmem>>
    %dma_wait3A_127 = tpu.memref_squeeze %dma_wait3A_126 : memref<1x64x128xf32, #tpu.memory_space<vmem>> -> memref<64x128xf32, #tpu.memory_space<vmem>>
    %dma_wait3A_128 = arith.constant 0 : i32
    %dma_wait3A_129 = arith.constant 0 : i32
    %dma_wait3A_130 = tpu.memref_slice %arg9[%dma_wait3A, %dma_wait3A_128, %dma_wait3A_129] : memref<2x64x128xf32, #tpu.memory_space<vmem>> -> memref<1x64x128xf32, #tpu.memory_space<vmem>>
    %dma_wait3A_131 = tpu.memref_squeeze %dma_wait3A_130 : memref<1x64x128xf32, #tpu.memory_space<vmem>> -> memref<64x128xf32, #tpu.memory_space<vmem>>
    tpu.wait_dma2 semaphore(%arg13 : memref<!tpu.dma_semaphore, #tpu.memory_space<semaphore_mem>>) src(%dma_wait3A_131 : memref<64x128xf32, #tpu.memory_space<vmem>>) dst(%arg10 : memref<64x128xf32, #tpu.memory_space<hbm>>)
    %dma_wait3A_132 = arith.constant 1 : i32
    %dma_wait3A_133 = arith.constant 0 : i32
    %dma_wait3A_134 = arith.constant 0 : i32
    %dma_wait3A_135 = tpu.memref_slice %arg9[%dma_wait3A_132, %dma_wait3A_133, %dma_wait3A_134] : memref<2x64x128xf32, #tpu.memory_space<vmem>> -> memref<1x64x128xf32, #tpu.memory_space<vmem>>
    %dma_wait3A_136 = tpu.memref_squeeze %dma_wait3A_135 : memref<1x64x128xf32, #tpu.memory_space<vmem>> -> memref<64x128xf32, #tpu.memory_space<vmem>>
    %dma_wait3A_137 = arith.constant 0 : i32
    %dma_wait3A_138 = arith.constant 0 : i32
    %dma_wait3A_139 = tpu.memref_slice %arg9[%dma_wait3A_132, %dma_wait3A_137, %dma_wait3A_138] : memref<2x64x128xf32, #tpu.memory_space<vmem>> -> memref<1x64x128xf32, #tpu.memory_space<vmem>>
    %dma_wait3A_140 = tpu.memref_squeeze %dma_wait3A_139 : memref<1x64x128xf32, #tpu.memory_space<vmem>> -> memref<64x128xf32, #tpu.memory_space<vmem>>
    tpu.wait_dma2 semaphore(%arg14 : memref<!tpu.dma_semaphore, #tpu.memory_space<semaphore_mem>>) src(%dma_wait3A_140 : memref<64x128xf32, #tpu.memory_space<vmem>>) dst(%arg10 : memref<64x128xf32, #tpu.memory_space<hbm>>)
    return
  }
}

</mosaic_0001>

<sc_bundles>
// kernel: kernel.4.cloned.1.call-start
scs
__scs_entry_jumppad:
0x0: {  	(pc) =	sbr.rel $0x88, $3  }
0x1: {  	(tag) =	ssettag $0x0;
	lr =	simm.s32 $0x1  }
0x2: {  	[smem:$0x3F9F] =	sst lr;
	_ =	strace $0xD0000000  }
0x3: {  	_ = 	snop  }
0x4: {  	_ = 	snop  }
0x5: {  	_ = 	snop  }
0x6: {  	_ = 	snop  }
0x7: {  	_ = 	snop  }
__scs_overlays_trampoline_lowered:
0x8: {  	[smem:$0x3FAE] =	sst s0  }
0x9: {  	[smem:$0x3FAF] =	sst s1  }
0xa: {  	[smem:$0x3FB0] =	sst s2  }
0xb: {  	[smem:$0x3FB1] =	sst s3  }
0xc: {  	[smem:$0x3FB2] =	sst s4  }
0xd: {  	[smem:$0x3FB3] =	sst s5  }
0xe: {  	[smem:$0x3FB4] =	sst s6  }
0xf: {  	[smem:$0x3FB5] =	sst s7  }
0x10: {  	[smem:$0x3FB6] =	sst s8  }
0x11: {  	[smem:$0x3FB7] =	sst s9;
	s0 =	simm.s32 @!p0 $0x0  }
0x12: {  	s1 =	sld [smem:$0x3F9D];
	s0 =	simm.s32 @p0 $0x1  }
0x13: {  	[smem:$0x3FB8] =	sst s0;
	s0 =	simm.s32 @!p1 $0x0  }
0x14: {  	s2 =	sld [smem:$0x3F9C];
	s0 =	simm.s32 @p1 $0x1  }
0x15: {  	[smem:$0x3FB9] =	sst s0;
	s0 =	simm.s32 @!p2 $0x0  }
0x16: {  	s3 =	sld [smem:$0x3FDB];
	s0 =	simm.s32 @p2 $0x1  }
0x17: {  	s4 =	simm.s32 $0x1BF5;
	[smem:$0x3FBB] =	sst s0  }
0x18: {  	s0 =	sld [smem:$0x3F9E];
	_ =	swait.ge [sflag:s4], $0x0  }
0x19: {  	s7 =	sld [smem:$0x3F9F]  }
0x1a: {  	s8 =	sadd.s32 $0xFFFFE003, lr  }
0x1b: {  	s9 =	sadd.s32 $0xFFFFFEF7, lr;
	s5 =	simm.s32 $0xFFFFFFFF;
	p2 =	slt.u32 s8, $0xFFFFF086  }
0x1c: {  	p1 =	slt.u32 s9, $0xF7A;
	s5 =	simm.s32 @!p2 $0x0  }
0x1d: {  	s5 =	simm.s32 @p1 $0x1;
	p0 =	seq.s32 s7, s2  }
0x1e: {  	s7 =	smul.u32 @!p0 $0xF7A, s2;
	p2 =	seq.s32 @!p0 s5, $0x0  }
0x1f: {  	s9 =	smul.u32 $0xF7A, s1;
	s8 =	simm.s32 @!p0 $0x1BF5;
	p2 =	por !p2, p0  }
0x20: {  	[sflag:s8] =	ssyncset.s32 @!p0 $0xFFFFF086;
	s6 =	sadd.s32 @!p0 s3, s7;
	s7 =	simm.s32 @!p0 $0x108  }
0x21: {  	s3 =	sadd.s32 s3, s9;
	s6 =	sadd.s32 @!p0 $0x88, s6;
	s7 =	simm.s32 @p2 $0x1082  }
0x22: {  	[simem:s7], [sflag:s8] =	dma.local @!p0 [hbm:s6], $0xF7A  }
0x23: {  	s9 =	sor.u32 $0xD0000000, s2;
	s6 =	simm.s32 $0x108;
	_ =	swait.ge @!p0 [sflag:s8], $0x0  }
0x24: {  	s3 =	sadd.s32 $0x88, s3;
	s6 =	simm.s32 @!p1 $0x1082;
	[sflag:s4] =	ssyncset.s32 $0xFFFFF086  }
0x25: {  	[simem:s6], [sflag:s4] =	dma.local [hbm:s3], $0xF7A  }
0x26: {  	[smem:$0x3F9F] =	sst s1;
	(tag) =	ssettag s2;
	_ =	strace s9  }
0x27: {  	s1 =	sld [smem:$0x3FAF]  }
0x28: {  	s2 =	sld [smem:$0x3FB0]  }
0x29: {  	s4 =	sld [smem:$0x3FB2]  }
0x2a: {  	p0 =	seq.s32 s5, $0x0;
	s5 =	sld [smem:$0x3FB3]  }
0x2b: {  	s6 =	sld [smem:$0x3FB4]  }
0x2c: {  	s7 =	sld [smem:$0x3FB5]  }
0x2d: {  	s3 =	simm.s32 $0x108;
	s8 =	sld [smem:$0x3FB6]  }
0x2e: {  	s3 =	simm.s32 @!p0 $0x1082;
	s9 =	sld [smem:$0x3FB7]  }
0x2f: {  	lr =	sadd.s32 s0, s3;
	s0 =	sld [smem:$0x3FAE]  }
0x30: {  	s3 =	sld [smem:$0x3FB1]  }
0x31: {  	[smem:$0x3FBA] =	sst s10  }
0x32: {  	s10 =	sld [smem:$0x3FB8];
	_ =	sdelay $0x3  }
0x33: {  	p0 =	seq.s32 s10, $0x1;
	s10 =	sld [smem:$0x3FBA];
	_ =	sdelay $0x3  }
0x34: {  	[smem:$0x3FBA] =	sst s10  }
0x35: {  	s10 =	sld [smem:$0x3FB9];
	_ =	sdelay $0x3  }
0x36: {  	p1 =	seq.s32 s10, $0x1;
	s10 =	sld [smem:$0x3FBA];
	_ =	sdelay $0x3  }
0x37: {  	[smem:$0x3FBA] =	sst s10  }
0x38: {  	s10 =	sld [smem:$0x3FBB]  }
0x39: {  	_ = 	snop;
	(pc) =	sbr.ind lr, $3  }
0x3a: {  	_ = 	snop  }
0x3b: {  	_ = 	snop  }
0x3c: {  	p2 =	seq.s32 s10, $0x1;
	s10 =	sld [smem:$0x3FBA]  }
0x3d: {  	_ =	shalt  }
0x3e: {  	_ =	shalt  }
0x3f: {  	_ =	shalt  }
0x40: {  	_ =	shalt  }
0x41: {  	_ =	shalt  }
0x42: {  	_ =	shalt  }
0x43: {  	_ =	shalt  }
0x44: {  	_ =	shalt  }
0x45: {  	_ =	shalt  }
0x46: {  	_ =	shalt  }
0x47: {  	_ =	shalt  }
0x48: {  	_ =	shalt  }
0x49: {  	_ =	shalt  }
0x4a: {  	_ =	shalt  }
0x4b: {  	_ =	shalt  }
0x4c: {  	_ =	shalt  }
0x4d: {  	_ =	shalt  }
0x4e: {  	_ =	shalt  }
0x4f: {  	_ =	shalt  }
0x50: {  	_ =	shalt  }
0x51: {  	_ =	shalt  }
0x52: {  	_ =	shalt  }
0x53: {  	_ =	shalt  }
0x54: {  	_ =	shalt  }
0x55: {  	_ =	shalt  }
0x56: {  	_ =	shalt  }
0x57: {  	_ =	shalt  }
0x58: {  	_ =	shalt  }
0x59: {  	_ =	shalt  }
0x5a: {  	_ =	shalt  }
0x5b: {  	_ =	shalt  }
0x5c: {  	_ =	shalt  }
0x5d: {  	_ =	shalt  }
0x5e: {  	_ =	shalt  }
0x5f: {  	_ =	shalt  }
0x60: {  	_ =	shalt  }
0x61: {  	_ =	shalt  }
0x62: {  	_ =	shalt  }
0x63: {  	_ =	shalt  }
0x64: {  	_ =	shalt  }
0x65: {  	_ =	shalt  }
0x66: {  	_ =	shalt  }
0x67: {  	_ =	shalt  }
0x68: {  	_ =	shalt  }
0x69: {  	_ =	shalt  }
0x6a: {  	_ =	shalt  }
0x6b: {  	_ =	shalt  }
0x6c: {  	_ =	shalt  }
0x6d: {  	_ =	shalt  }
0x6e: {  	_ =	shalt  }
0x6f: {  	_ =	shalt  }
0x70: {  	_ =	shalt  }
0x71: {  	_ =	shalt  }
0x72: {  	_ =	shalt  }
0x73: {  	_ =	shalt  }
0x74: {  	_ =	shalt  }
0x75: {  	_ =	shalt  }
0x76: {  	_ =	shalt  }
0x77: {  	_ =	shalt  }
0x78: {  	_ =	shalt  }
0x79: {  	_ =	shalt  }
0x7a: {  	_ =	shalt  }
0x7b: {  	_ =	shalt  }
0x7c: {  	_ =	shalt  }
0x7d: {  	_ =	shalt  }
0x7e: {  	_ =	shalt  }
0x7f: {  	_ =	shalt  }
0x80: {  	_ =	shalt  }
0x81: {  	_ =	shalt  }
0x82: {  	_ =	shalt  }
0x83: {  	_ =	shalt  }
0x84: {  	_ =	shalt  }
0x85: {  	_ =	shalt  }
0x86: {  	_ =	shalt  }
0x87: {  	_ =	shalt  }
.Lfunc_end0:
.L_simem_size_0:
called_computation_lowered:
.L_overlay_start_0:
0x88: {  	s2 =	sld [smem:$0x3FD9]  }
0x89: {  	s3 =	sld [smem:$0x3FFE];
	_ =	sdelay $0x1  }
0x8a: {  	s1 =	srdreg.scid  }
0x8b: {  	s0 =	sand.u32 $0x1, s1  }
0x8c: {  	s18 =	sshll.u32 s0, $0xA;
	s2 =	sadd.s32 s3, s2  }
0x8d: {  	s3 =	sadd.s32 s2, s18  }
0x8e: {  	[smem:$0x3FC6] =	sst s3  }
0x8f: {  	_ = 	snop  }
0x90: {  	s3 =	sld [smem:$0x3FC8]  }
0x91: {  	s4 =	sld [smem:$0x3FD0];
	(tm) =	ssettm $0x1  }
0x92: {  	s5 =	sld [smem:$0x3FFB];
	_ =	sdelay $0x3  }
0x93: {  	_ =	strace s5  }
0x94: {  	s5 =	sld [smem:$0x3FFC];
	_ =	sdelay $0x3  }
0x95: {  	_ =	strace s5  }
0x96: {  	s5 =	sld [smem:$0x3FFD];
	_ =	sdelay $0x3  }
0x97: {  	_ =	strace s5  }
0x98: {  	_ =	strace $0x8FFFFFFF  }
0x99: {  	s19 =	sld [smem:$0x3FDB];
	_ =	sdelay $0x1  }
0x9a: {  	s6 =	simm.s32 $_scs_section_size  }
0x9b: {  	s7 =	simm.s32 $_size__tile_overlayer_lowered;
	s8 =	simm.s32 $_tile_overlayer_lowered  }
0x9c: {  	s22 =	simm.s32 $0x1BFF;
	s21 =	sshll.u32 s8, $0x1;
	s5 =	sadd.s32 s6, s19  }
0x9d: {  	s9 =	simm.s32 $0x0;
	s20 =	sshll.u32 s7, $0x1;
	s7 =	sadd.s32 s21, s5  }
0x9e: {  	[timem:s9], [sflag:s22] =	dma.local [hbm:s7], s20  }
0x9f: {  	_ =	swait.ge [sflag:s22], s20  }
0xa0: {  	s6 =	ssub.s32 $0x0, s20;
	[sflag:s22] =	ssyncset.done $0x0  }
0xa1: {  	[sflag:s22] =	ssyncadd.s32 s6;
	_ =	sdelay $0x1  }
0xa2: {  	s23 =	simm.s32 $0x1B8B  }
0xa3: {  	_ =	swait.ge [sflag:s23], $0x1  }
0xa4: {  	[sflag:s23] =	ssyncset.done $0x0  }
0xa5: {  	s25 =	simm.s32 $0x1B8E;
	s24 =	sld [smem:$0x3FFE];
	[sflag:s23] =	ssyncadd.s32 $0xFFFFFFFF  }
0xa6: {  	s26 =	simm.s32 $execute0_lowered;
	[smem:$0x3FD2] =	sst s25  }
0xa7: {  	s7 =	sshll.u32 s26, $0x1;
	_ =	strace $0x80000046;
	[dreg:$0x1] =	wrdreg $0xFFFFFFFF  }
0xa8: {  	s28 =	simm.s32 $_size_execute0_lowered;
	s5 =	sadd.s32 s5, s7;
	[dreg:$0x0] =	wrdreg $0x0  }
0xa9: {  	s7 =	sshll.u32 s28, $0x1;
	[dreg:$0x2] =	wrdreg s5  }
0xaa: {  	[dreg:$0x3] =	wrdreg s7  }
0xab: {  	[dreg:$0x4] =	wrdreg $0xC0  }
0xac: {  	_ =	task [dreg:s9], $0x5FFFF  }
0xad: {  	[dreg:$0x1] =	wrdreg $0xFFFFFFFF  }
0xae: {  	[dreg:$0x0] =	wrdreg $0x60  }
0xaf: {  	[dreg:$0x2] =	wrdreg s3  }
0xb0: {  	[dreg:$0x3] =	wrdreg s4  }
0xb1: {  	s2 =	sadd.s32 $0x800, s2;
	[dreg:$0x4] =	wrdreg s24  }
0xb2: {  	[dreg:$0x5] =	wrdreg s2  }
0xb3: {  	[dreg:$0x6] =	wrdreg $0x9  }
0xb4: {  	_ =	task.clear_ibuf [dreg:s9], $0x7FFFF;
	_ =	strace $0x90000046  }
0xb5: {  	s29 =	simm.s32 $0x9;
	_ =	strace $0x80000048  }
0xb6: {  	_ =	swait.ge [sflag:s29], $0x1  }
0xb7: {  	[sflag:s29] =	ssyncadd.s32 $0xFFFFFFFF  }
0xb8: {  	_ =	strace $0x90000048  }
0xb9: {  	_ =	sfence  }
0xba: {  	s30 =	sld [smem:$0x0];
	_ =	sdelay $0x2  }
0xbb: {  	s31 =	sshll.u32 s1, $0xD;
	s1 =	sshrl.u32 s1, $0x2  }
0xbc: {  	s3 =	sand.u32 $0x4000, s31;
	s1 =	sadd.s32 s1, s30  }
0xbd: {  	s0 =	sor.u32 s3, s0;
	s1 =	sshll.u32 s1, $0x11  }
0xbe: {  	s0 =	sor.u32 s1, s0  }
0xbf: {  	s0 =	sadd.s32 $0x8F2B, s0  }
0xc0: {  	[sflag:s0] =	ssyncadd.remote.s32 $0x1  }
0xc1: {  	_ =	sfence.sel $0xFFFF  }
0xc2: {  	[dreg:$0x0] =	wrdreg $0xFFFFFFFF;
	(pc) =	sbr.abs _section_cstart, $3  }
0xc3: {  	[dreg:$0x1] =	wrdreg $0xFFFFFFFF  }
0xc4: {  	_ =	task.clear_ibuf [dreg:s9], $0x2FFFF;
	_ =	strace $0x9FFFFFFF  }
0xc5: {  	(tm) =	ssettm $0x7FFFFFFF  }
tec
execute0_lowered:
.L_overlay_start_1:
0x0: {  	(tag) =	ssettag $0x1  }
0x1: {  	v0 =	vimm.s32 $0x700  }
0x2: {  	vm11 =	vcmask $0x300;
	vm9 =	vcmask $0x704;
	vm8 =	vcmask $0xB08  }
0x3: {  	vm7 =	vcmask $0xF0C;
	vm5 =	vcmask $0x1310;
	vm6 =	vcmask $0x1714  }
0x4: {  	vm1 =	vcmask $0x1B18;
	v2 =	vimm.s32 $0x680;
	vm2 =	vcmask $0x1F1C  }
0x5: {  	vm3 =	vcmask $0x2320;
	vm4 =	vcmask $0x2724;
	v3 =	vimm.s32 $0x600  }
0x6: {  	vm10 =	vcmask $0x2B28;
	vm12 =	vcmask $0x2F2C;
	vm13 =	vcmask $0x3330  }
0x7: {  	vm14 =	vcmask $0x3734;
	vm0 =	vcmask $0x3B38;
	v4 =	vimm.s32 $0x580  }
0x8: {  	v5 =	vimm.s32 $0x500;
	v6 =	vimm.s32 $0x480;
	v7 =	vimm.s32 $0x400  }
0x9: {  	v8 =	vimm.s32 $0x380;
	v9 =	vimm.s32 $0x300;
	v10 =	vimm.s32 $0x280  }
0xa: {  	v11 =	vimm.s32 $0x200;
	v12 =	vimm.s32 $0x180;
	v13 =	vimm.s32 $0x100  }
0xb: {  	v14 =	vimm.s32 $0x80;
	v15 =	vimm.s32 $0x0;
	v16 =	vimm.s32 $0x4B0A4908  }
0xc: {  	v17 =	vimm.s32 $0x4F0E4D0C;
	vm15 =	vcmask $0x1F10;
	v0 =	vsel vm11, $0x780, v0  }
0xd: {  	v2 =	vsel vm11, $0x700, v2;
	v3 =	vsel vm11, $0x680, v3;
	v4 =	vsel vm11, $0x600, v4  }
0xe: {  	v5 =	vsel vm11, $0x580, v5;
	v6 =	vsel vm11, $0x500, v6;
	v7 =	vsel vm11, $0x480, v7  }
0xf: {  	v8 =	vsel vm11, $0x400, v8;
	v9 =	vsel vm11, $0x380, v9;
	v10 =	vsel vm11, $0x300, v10  }
0x10: {  	v11 =	vsel vm11, $0x280, v11;
	v12 =	vsel vm11, $0x200, v12;
	v13 =	vsel vm11, $0x180, v13  }
0x11: {  	v14 =	vsel vm11, $0x100, v14;
	v15 =	vsel vm11, $0x80, v15;
	v19 =	vunpack.c.0.s8.s32 v16  }
0x12: {  	v20 =	vunpack.c.0.s8.s32 v17;
	v16 =	vimm.s32 $0x4C0B4A09;
	v17 =	vimm.s32 $0x4E0D4C0B  }
0x13: {  	v0 =	vsel vm9, $0x0, v0;
	v2 =	vsel vm9, $0x780, v2;
	v3 =	vsel vm9, $0x700, v3  }
0x14: {  	v4 =	vsel vm9, $0x680, v4;
	v5 =	vsel vm9, $0x600, v5;
	v6 =	vsel vm9, $0x580, v6  }
0x15: {  	v7 =	vsel vm9, $0x500, v7;
	v8 =	vsel vm9, $0x480, v8;
	v9 =	vsel vm9, $0x400, v9  }
0x16: {  	v10 =	vsel vm9, $0x380, v10;
	v11 =	vsel vm9, $0x300, v11;
	v12 =	vsel vm9, $0x280, v12  }
0x17: {  	v13 =	vsel vm9, $0x200, v13;
	v14 =	vsel vm9, $0x180, v14;
	v15 =	vsel vm9, $0x100, v15  }
0x18: {  	v23 =	vunpack.c.0.s8.s32 v16;
	v16 =	vimm.s32 $0x48074605;
	v36 =	vunpack.c.0.s8.s32 v17  }
0x19: {  	v17 =	vimm.s32 $0x4A094807;
	v0 =	vsel vm8, $0x80, v0;
	v2 =	vsel vm8, $0x0, v2  }
0x1a: {  	v3 =	vsel vm8, $0x780, v3;
	v4 =	vsel vm8, $0x700, v4;
	v5 =	vsel vm8, $0x680, v5  }
0x1b: {  	v6 =	vsel vm8, $0x600, v6;
	v7 =	vsel vm8, $0x580, v7;
	v8 =	vsel vm8, $0x500, v8  }
0x1c: {  	v9 =	vsel vm8, $0x480, v9;
	v10 =	vsel vm8, $0x400, v10;
	v11 =	vsel vm8, $0x380, v11  }
0x1d: {  	v12 =	vsel vm8, $0x300, v12;
	v13 =	vsel vm8, $0x280, v13;
	v14 =	vsel vm8, $0x200, v14  }
0x1e: {  	v15 =	vsel vm8, $0x180, v15;
	v29 =	vsel vm15, v20, v19;
	v27 =	vunpack.c.0.s8.s32 v16  }
0x1f: {  	v16 =	vimm.s32 $0x41004F0E;
	v39 =	vunpack.c.0.s8.s32 v17;
	v1 =	vsel vm7, $0x100, v0  }
0x20: {  	v0 =	vlaneseq.u32;
	v2 =	vsel vm7, $0x80, v2;
	v3 =	vsel vm7, $0x0, v3  }
0x21: {  	v4 =	vsel vm7, $0x780, v4;
	v5 =	vsel vm7, $0x700, v5;
	v6 =	vsel vm7, $0x680, v6  }
0x22: {  	v7 =	vsel vm7, $0x600, v7;
	v8 =	vsel vm7, $0x580, v8;
	v9 =	vsel vm7, $0x500, v9  }
0x23: {  	v10 =	vsel vm7, $0x480, v10;
	v11 =	vsel vm7, $0x400, v11;
	v12 =	vsel vm7, $0x380, v12  }
0x24: {  	v13 =	vsel vm7, $0x300, v13;
	v14 =	vsel vm7, $0x280, v14;
	v15 =	vsel vm7, $0x200, v15  }
0x25: {  	v33 =	vunpack.c.0.s8.s32 v16;
	v16 =	vimm.s32 $0x49084706;
	v1 =	vsel vm5, $0x180, v1  }
0x26: {  	v2 =	vsel vm5, $0x100, v2;
	v3 =	vsel vm5, $0x80, v3;
	v4 =	vsel vm5, $0x0, v4  }
0x27: {  	v5 =	vsel vm5, $0x780, v5;
	v6 =	vsel vm5, $0x700, v6;
	v7 =	vsel vm5, $0x680, v7  }
0x28: {  	v8 =	vsel vm5, $0x600, v8;
	v9 =	vsel vm5, $0x580, v9;
	v10 =	vsel vm5, $0x500, v10  }
0x29: {  	v11 =	vsel vm5, $0x480, v11;
	v12 =	vsel vm5, $0x400, v12;
	v13 =	vsel vm5, $0x380, v13  }
0x2a: {  	v14 =	vsel vm5, $0x300, v14;
	v15 =	vsel vm5, $0x280, v15;
	v35 =	vunpack.c.0.s8.s32 v16  }
0x2b: {  	v16 =	vimm.s32 $0x46054403;
	v47 =	vsel vm15, v23, v27;
	v63 =	vshrl.u32 v0, $0x1  }
0x2c: {  	v1 =	vsel vm6, $0x200, v1;
	v2 =	vsel vm6, $0x180, v2;
	v3 =	vsel vm6, $0x100, v3  }
0x2d: {  	v4 =	vsel vm6, $0x80, v4;
	v5 =	vsel vm6, $0x0, v5;
	v6 =	vsel vm6, $0x780, v6  }
0x2e: {  	v7 =	vsel vm6, $0x700, v7;
	v8 =	vsel vm6, $0x680, v8;
	v9 =	vsel vm6, $0x600, v9  }
0x2f: {  	v10 =	vsel vm6, $0x580, v10;
	v11 =	vsel vm6, $0x500, v11;
	v12 =	vsel vm6, $0x480, v12  }
0x30: {  	v13 =	vsel vm6, $0x400, v13;
	v14 =	vsel vm6, $0x380, v14;
	v15 =	vsel vm6, $0x300, v15  }
0x31: {  	v38 =	vunpack.c.0.s8.s32 v16;
	v1 =	vsel vm1, $0x280, v1;
	v2 =	vsel vm1, $0x200, v2  }
0x32: {  	v3 =	vsel vm1, $0x180, v3;
	v4 =	vsel vm1, $0x100, v4;
	v5 =	vsel vm1, $0x80, v5  }
0x33: {  	v6 =	vsel vm1, $0x0, v6;
	v7 =	vsel vm1, $0x780, v7;
	v8 =	vsel vm1, $0x700, v8  }
0x34: {  	v9 =	vsel vm1, $0x680, v9;
	v10 =	vsel vm1, $0x600, v10;
	v11 =	vsel vm1, $0x580, v11  }
0x35: {  	v12 =	vsel vm1, $0x500, v12;
	v13 =	vsel vm1, $0x480, v13;
	v14 =	vsel vm1, $0x400, v14  }
0x36: {  	v15 =	vsel vm1, $0x380, v15;
	v1 =	vsel vm2, $0x300, v1;
	v2 =	vsel vm2, $0x280, v2  }
0x37: {  	v3 =	vsel vm2, $0x200, v3;
	v4 =	vsel vm2, $0x180, v4;
	v5 =	vsel vm2, $0x100, v5  }
0x38: {  	v6 =	vsel vm2, $0x80, v6;
	v7 =	vsel vm2, $0x0, v7;
	v8 =	vsel vm2, $0x780, v8  }
0x39: {  	v9 =	vsel vm2, $0x700, v9;
	v10 =	vsel vm2, $0x680, v10;
	v11 =	vsel vm2, $0x600, v11  }
0x3a: {  	v12 =	vsel vm2, $0x580, v12;
	v13 =	vsel vm2, $0x500, v13;
	v14 =	vsel vm2, $0x480, v14  }
0x3b: {  	v15 =	vsel vm2, $0x400, v15;
	v43 =	vsel vm15, v39, v38;
	v1 =	vsel vm3, $0x380, v1  }
0x3c: {  	v2 =	vsel vm3, $0x300, v2;
	v3 =	vsel vm3, $0x280, v3;
	v4 =	vsel vm3, $0x200, v4  }
0x3d: {  	v5 =	vsel vm3, $0x180, v5;
	v6 =	vsel vm3, $0x100, v6;
	v7 =	vsel vm3, $0x80, v7  }
0x3e: {  	v8 =	vsel vm3, $0x0, v8;
	v9 =	vsel vm3, $0x780, v9;
	v10 =	vsel vm3, $0x700, v10  }
0x3f: {  	v11 =	vsel vm3, $0x680, v11;
	v12 =	vsel vm3, $0x600, v12;
	v13 =	vsel vm3, $0x580, v13  }
0x40: {  	v14 =	vsel vm3, $0x500, v14;
	v15 =	vsel vm3, $0x480, v15;
	v1 =	vsel vm4, $0x400, v1  }
0x41: {  	v2 =	vsel vm4, $0x380, v2;
	v3 =	vsel vm4, $0x300, v3;
	v4 =	vsel vm4, $0x280, v4  }
0x42: {  	v5 =	vsel vm4, $0x200, v5;
	v6 =	vsel vm4, $0x180, v6;
	v7 =	vsel vm4, $0x100, v7  }
0x43: {  	v8 =	vsel vm4, $0x80, v8;
	v9 =	vsel vm4, $0x0, v9;
	v10 =	vsel vm4, $0x780, v10  }
0x44: {  	v11 =	vsel vm4, $0x700, v11;
	v12 =	vsel vm4, $0x680, v12;
	v13 =	vsel vm4, $0x600, v13  }
0x45: {  	v14 =	vsel vm4, $0x580, v14;
	v15 =	vsel vm4, $0x500, v15;
	v1 =	vsel vm10, $0x480, v1  }
0x46: {  	v2 =	vsel vm10, $0x400, v2;
	v3 =	vsel vm10, $0x380, v3;
	v4 =	vsel vm10, $0x300, v4  }
0x47: {  	v5 =	vsel vm10, $0x280, v5;
	v6 =	vsel vm10, $0x200, v6;
	v7 =	vsel vm10, $0x180, v7  }
0x48: {  	v8 =	vsel vm10, $0x100, v8;
	v9 =	vsel vm10, $0x80, v9;
	v10 =	vsel vm10, $0x0, v10  }
0x49: {  	v11 =	vsel vm10, $0x780, v11;
	v12 =	vsel vm10, $0x700, v12;
	v13 =	vsel vm10, $0x680, v13  }
0x4a: {  	v14 =	vsel vm10, $0x600, v14;
	v15 =	vsel vm10, $0x580, v15;
	v1 =	vsel vm12, $0x500, v1  }
0x4b: {  	v2 =	vsel vm12, $0x480, v2;
	v3 =	vsel vm12, $0x400, v3;
	v4 =	vsel vm12, $0x380, v4  }
0x4c: {  	v5 =	vsel vm12, $0x300, v5;
	v6 =	vsel vm12, $0x280, v6;
	v7 =	vsel vm12, $0x200, v7  }
0x4d: {  	v8 =	vsel vm12, $0x180, v8;
	v9 =	vsel vm12, $0x100, v9;
	v10 =	vsel vm12, $0x80, v10  }
0x4e: {  	v11 =	vsel vm12, $0x0, v11;
	v12 =	vsel vm12, $0x780, v12;
	v13 =	vsel vm12, $0x700, v13  }
0x4f: {  	v14 =	vsel vm12, $0x680, v14;
	v15 =	vsel vm12, $0x600, v15;
	v1 =	vsel vm13, $0x580, v1  }
0x50: {  	v2 =	vsel vm13, $0x500, v2;
	v3 =	vsel vm13, $0x480, v3;
	v4 =	vsel vm13, $0x400, v4  }
0x51: {  	v5 =	vsel vm13, $0x380, v5;
	v6 =	vsel vm13, $0x300, v6;
	v7 =	vsel vm13, $0x280, v7  }
0x52: {  	v8 =	vsel vm13, $0x200, v8;
	v9 =	vsel vm13, $0x180, v9;
	v10 =	vsel vm13, $0x100, v10  }
0x53: {  	v11 =	vsel vm13, $0x80, v11;
	v12 =	vsel vm13, $0x0, v12;
	v13 =	vsel vm13, $0x780, v13  }
0x54: {  	v14 =	vsel vm13, $0x700, v14;
	v15 =	vsel vm13, $0x680, v15;
	v1 =	vsel vm14, $0x600, v1  }
0x55: {  	v2 =	vsel vm14, $0x580, v2;
	v3 =	vsel vm14, $0x500, v3;
	v4 =	vsel vm14, $0x480, v4  }
0x56: {  	v5 =	vsel vm14, $0x400, v5;
	v6 =	vsel vm14, $0x380, v6;
	v7 =	vsel vm14, $0x300, v7  }
0x57: {  	v8 =	vsel vm14, $0x280, v8;
	v9 =	vsel vm14, $0x200, v9;
	v10 =	vsel vm14, $0x180, v10  }
0x58: {  	v11 =	vsel vm14, $0x100, v11;
	v12 =	vsel vm14, $0x80, v12;
	v13 =	vsel vm14, $0x0, v13  }
0x59: {  	v14 =	vsel vm14, $0x780, v14;
	v25 =	vsel vm14, $0x700, v15;
	v15 =	vimm.s32 $0x43024100  }
0x5a: {  	v1 =	vsel vm0, $0x680, v1;
	v2 =	vsel vm0, $0x600, v2;
	v3 =	vsel vm0, $0x580, v3  }
0x5b: {  	v4 =	vsel vm0, $0x500, v4;
	v5 =	vsel vm0, $0x480, v5;
	v6 =	vsel vm0, $0x400, v6  }
0x5c: {  	v7 =	vsel vm0, $0x380, v7;
	v8 =	vsel vm0, $0x300, v8;
	v9 =	vsel vm0, $0x280, v9  }
0x5d: {  	v10 =	vsel vm0, $0x200, v10;
	v11 =	vsel vm0, $0x180, v11;
	v12 =	vsel vm0, $0x100, v12  }
0x5e: {  	s0 =	rddreg [dreg:$0x0];
	v13 =	vsel vm0, $0x80, v13;
	v21 =	vunpack.c.0.s8.s32 v15;
	v15 =	vimm.s32 $0x47064504  }
0x5f: {  	s1 =	rddreg [dreg:$0x1];
	v14 =	vsel vm0, $0x0, v14;
	v22 =	vunpack.c.0.s8.s32 v15;
	v15 =	vimm.s32 $0x400F4E0D  }
0x60: {  	s10 =	rddreg [dreg:$0x2];
	v25 =	vsel vm0, $0x780, v25;
	v24 =	vunpack.c.0.s8.s32 v15;
	v15 =	vimm.s32 $0x44034201  }
0x61: {  	s3 =	rddreg [dreg:$0x3];
	v44 =	vsel vm15, v21, v20;
	v30 =	vsel vm15, v22, v21;
	v26 =	vunpack.c.0.s8.s32 v15  }
0x62: {  	s2 =	rddreg [dreg:$0x4];
	v15 =	vimm.s32 $0x4D0C4B0A;
	v45 =	vsel vm15, v19, v22;
	v31 =	vsel vm15, v24, v23  }
0x63: {  	s6 =	srdreg.scid;
	s4 =	stileid.u32;
	s5 =	simm.s32 $0x0;
	v28 =	vunpack.c.0.s8.s32 v15;
	v15 =	vimm.s32 $0x45044302;
	v19 =	vcombine.low v45, v44  }
0x64: {  	s13 =	simm.s32 $0x6000;
	s14 =	simm.s32 $0x400;
	s15 =	simm.s32 $0x7A1400;
	v32 =	vsel vm15, v27, v26;
	v34 =	vunpack.c.0.s8.s32 v15;
	v15 =	vimm.s32 $0x4201400F  }
0x65: {  	s16 =	simm.s32 $0x1;
	s17 =	simm.s32 $0x3;
	s18 =	simm.s32 $0x2;
	v46 =	vsel vm15, v26, v24;
	v24 =	vsel vm15, v36, v39;
	v37 =	vunpack.c.0.s8.s32 v15  }
0x66: {  	s19 =	simm.s32 $0x4;
	s20 =	simm.s32 $0x2000;
	s21 =	simm.s32 $0x5;
	v15 =	vcombine.low v30, v29;
	v16 =	vcombine.low v32, v31;
	v40 =	vsel vm15, v33, v28  }
0x67: {  	s22 =	simm.s32 $0x0;
	s6 =	sand.u32 $0x1, s6;
	s7 =	sshll.u32 s4, $0x1;
	v20 =	vcombine.low v47, v46;
	v22 =	vsel vm15, v28, v35;
	v28 =	vmul.u32 $0x80, v0  }
.Ltmp0:
0x68: {  	[smem:$0x7FF] =	sst s5;
	s8 =	ssub.s32 $0x2, s6;
	v29 =	vcombine.low v29, v30;
	v30 =	vcombine.low v31, v32;
	v41 =	vsel vm15, v35, v34;
	(pc) =	sbr.rel .LBB2_1-.Ltmp0, $4  }
0x69: {  	s6 =	sor.u32 s6, s7;
	_ =	strace $0x80000047;
	s7 =	sadd.s32 $0x800, s10;
	v21 =	vsel vm15, v34, v33;
	v34 =	vcombine.low v44, v45;
	v35 =	vcombine.low v46, v47  }
0x6a: {  	s10 =	sadd.s32 $0x7A1600, s10;
	s9 =	sshrl.u32 s8, $0x1;
	s11 =	sshll.u32 s6, $0x7;
	v42 =	vsel vm15, v37, v36;
	v17 =	vcombine.low v41, v40;
	v26 =	vcombine.low v22, v21  }
0x6b: {  	p0 =	sne.s32 s6, $0x1F;
	s12 =	ssub.s32 s8, s9;
	s8 =	sadd.s32 s0, s11;
	v23 =	vsel vm15, v38, v37;
	v31 =	vcombine.low v40, v41;
	v18 =	vcombine.low v43, v42  }
0x6c: {  	s9 =	sor.u32 $0x40, s6;
	s11 =	smax.u32 s12, $0x1;
	s12 =	simm.s32 $0x4000;
	v33 =	vmul.u32 $0x80, v63;
	v27 =	vcombine.low v24, v23;
	v32 =	vcombine.low v42, v43  }
.LBB2_15:
0x6d: {  	s22 =	sadd.s32 $0x1, s22  }
0x6e: {  	_ =	swait.ge [sflag:s17], $0x2000;
	p1 =	sne.s32 s22, s11  }
.Ltmp1:
0x6f: {  	[sflag:s17] =	ssyncset.done $0x0;
	(pc) =	sbr.rel @!p1 .LBB2_16-.Ltmp1, $4  }
0x70: {  	[sflag:s17] =	ssyncadd.s32 $0xFFFFE000  }
0x71: {  	_ =	swait.ge [sflag:s19], $0x2000  }
0x72: {  	[sflag:s19] =	ssyncset.done $0x0  }
0x73: {  	[sflag:s19] =	ssyncadd.s32 $0xFFFFE000  }
.LBB2_1:
0x74: {  	[hbm4b:s3+s5] =	stream.linear.scatter [tilespmem:s12], [sflag:$0x3], $0x2000, $0x38;
	[tilespmem:$0x8000] =	vst v63  }
.Ltmp2:
0x75: {  	_ = 	snop;
	(pc) =	sbr.rel .LBB2_2-.Ltmp2, $4  }
0x76: {  	_ = 	snop  }
0x77: {  	[hbm4b:s3+s5] =	stream.linear.scatter [tilespmem:s13], [sflag:$0x4], $0x2000, $0x38;
	[tilespmem:$0x8000] =	vst v63  }
0x78: {  	s23 =	simm.s32 $0x0  }
0x79: {  	[tilespmem:s5], [sflag:$0x1] =	stream.strided.gather [hbm4b:s8+s14], $0x2000, s15, s14, $0x38;
	[tilespmem:$0x8000] =	vst v63  }
.LBB2_10:
0x7a: {  	s23 =	sadd.s32 $0x1, s23  }
0x7b: {  	p1 =	sne.s32 s23, $0x7B  }
.Ltmp3:
0x7c: {  	_ = 	snop;
	(pc) =	sbr.rel @!p1 .LBB2_11-.Ltmp3, $1  }
0x7d: {  	_ =	sdelay $0x3  }
.LBB2_2:
0x7e: {  	s25 =	sshll.u32 s23, $0x6  }
0x7f: {  	s26 =	sor.u32 s25, s6  }
0x80: {  	p2 =	sgt.u32 s26, $0x1E83  }
.Ltmp4:
0x81: {  	s24 =	sor.u32 $0x20, s26;
	(pc) =	sbr.rel @p2 .LBB2_6-.Ltmp4, $4  }
0x82: {  	p1 =	sgt.u32 s24, $0x1E83  }
0x83: {  	s28 =	sshll.u32 @!p1 s24, $0x7;
	s29 =	simm.s32 @!p1 $0x400  }
0x84: {  	s30 =	simm.s32 @!p1 $0x7A1400;
	s31 =	simm.s32 @!p1 $0x2000;
	s28 =	sadd.s32 @!p1 s0, s28  }
0x85: {  	[tilespmem:s31], [sflag:$0x2] =	stream.strided.gather @!p1 [hbm4b:s28+s29], $0x2000, s30, s29, $0x38;
	[tilespmem:$0x8000] =	vst v63  }
0x86: {  	s28 =	simm.s32 $0x0  }
0x87: {  	s29 =	sand.u32 $0x30, s28  }
0x88: {  	v36 =	vmov s29  }
0x89: {  	s30 =	sand.u32 $0x70, s28;
	v37 =	vshll.u32 v36, $0x7  }
0x8a: {  	_ =	swait.ge [sflag:s16], $0x2000;
	v39 =	vor.u32 s30, v0;
	v36 =	vor.u32 v28, v37  }
0x8b: {  	[sflag:s16] =	ssyncset.done $0x0;
	s30 =	sshrl.u32 s30, $0x1;
	v36 =	vor.u32 v39, v36  }
0x8c: {  	[sflag:s16] =	ssyncadd.s32 $0xFFFFE000;
	v38 =	vmov s30  }
0x8d: {  	_ =	swait.ge [sflag:s17], $0x2000;
	v38 =	vshll.u32 v38, $0x7  }
0x8e: {  	[sflag:s17] =	ssyncset.done $0x0;
	v38 =	vor.u32 v33, v38  }
0x8f: {  	[sflag:s17] =	ssyncadd.s32 $0xFFFFE000;
	v38 =	vor.u32 s29, v38  }
0x90: {  	v41 =	vor.u32 v25, v37;
	v40 =	vor.u32 v15, v38;
	v36 =	vld.idx.msk [tilespmem:v36+s5+$0x0], $0xffff  }
0x91: {  	v41 =	vor.u32 v39, v41;
	_ =	sdelay $0x3  }
0x92: {  	[tilespmem:v40+s12+$0x0] =	vst.idx.msk $0xffff, v36  }
0x93: {  	v59 =	vor.u32 v14, v37;
	v58 =	vor.u32 v16, v38;
	v36 =	vld.idx.msk [tilespmem:v41+s5+$0x0], $0xffff  }
0x94: {  	v41 =	vor.u32 v39, v59;
	_ =	sdelay $0x3  }
0x95: {  	[tilespmem:v58+s12+$0x0] =	vst.idx.msk $0xffff, v36  }
0x96: {  	v61 =	vor.u32 v13, v37;
	v60 =	vor.u32 v17, v38;
	v36 =	vld.idx.msk [tilespmem:v41+s5+$0x0], $0xffff  }
0x97: {  	v41 =	vor.u32 v39, v61;
	_ =	sdelay $0x3  }
0x98: {  	[tilespmem:v60+s12+$0x0] =	vst.idx.msk $0xffff, v36  }
0x99: {  	v63 =	vor.u32 v12, v37;
	v62 =	vor.u32 v18, v38;
	v36 =	vld.idx.msk [tilespmem:v41+s5+$0x0], $0xffff  }
0x9a: {  	v41 =	vor.u32 v39, v63;
	_ =	sdelay $0x3  }
0x9b: {  	[tilespmem:v62+s12+$0x0] =	vst.idx.msk $0xffff, v36  }
0x9c: {  	v45 =	vor.u32 v11, v37;
	v44 =	vor.u32 v19, v38;
	v36 =	vld.idx.msk [tilespmem:v41+s5+$0x0], $0xffff  }
0x9d: {  	v41 =	vor.u32 v39, v45;
	_ =	sdelay $0x3  }
0x9e: {  	[tilespmem:v44+s12+$0x0] =	vst.idx.msk $0xffff, v36  }
0x9f: {  	v47 =	vor.u32 v10, v37;
	v46 =	vor.u32 v20, v38;
	v36 =	vld.idx.msk [tilespmem:v41+s5+$0x0], $0xffff  }
0xa0: {  	v41 =	vor.u32 v39, v47;
	_ =	sdelay $0x3  }
0xa1: {  	[tilespmem:v46+s12+$0x0] =	vst.idx.msk $0xffff, v36  }
0xa2: {  	v49 =	vor.u32 v9, v37;
	v48 =	vor.u32 v26, v38;
	v36 =	vld.idx.msk [tilespmem:v41+s5+$0x0], $0xffff  }
0xa3: {  	v41 =	vor.u32 v39, v49;
	_ =	sdelay $0x3  }
0xa4: {  	[tilespmem:v48+s12+$0x0] =	vst.idx.msk $0xffff, v36  }
0xa5: {  	v51 =	vor.u32 v8, v37;
	v50 =	vor.u32 v27, v38;
	v36 =	vld.idx.msk [tilespmem:v41+s5+$0x0], $0xffff  }
0xa6: {  	v41 =	vor.u32 v39, v51;
	_ =	sdelay $0x3  }
0xa7: {  	[tilespmem:v50+s12+$0x0] =	vst.idx.msk $0xffff, v36  }
0xa8: {  	v53 =	vor.u32 v7, v37;
	v52 =	vor.u32 v29, v38;
	v36 =	vld.idx.msk [tilespmem:v41+s5+$0x0], $0xffff  }
0xa9: {  	v41 =	vor.u32 v39, v53;
	_ =	sdelay $0x3  }
0xaa: {  	[tilespmem:v52+s12+$0x0] =	vst.idx.msk $0xffff, v36  }
0xab: {  	v55 =	vor.u32 v6, v37;
	v54 =	vor.u32 v30, v38;
	v36 =	vld.idx.msk [tilespmem:v41+s5+$0x0], $0xffff  }
0xac: {  	v41 =	vor.u32 v39, v55;
	_ =	sdelay $0x3  }
0xad: {  	[tilespmem:v54+s12+$0x0] =	vst.idx.msk $0xffff, v36  }
0xae: {  	v57 =	vor.u32 v5, v37;
	v56 =	vor.u32 v31, v38;
	v36 =	vld.idx.msk [tilespmem:v41+s5+$0x0], $0xffff  }
0xaf: {  	v41 =	vor.u32 v39, v57;
	_ =	sdelay $0x3  }
0xb0: {  	[tilespmem:v56+s12+$0x0] =	vst.idx.msk $0xffff, v36  }
0xb1: {  	v59 =	vor.u32 v4, v37;
	v58 =	vor.u32 v32, v38;
	v36 =	vld.idx.msk [tilespmem:v41+s5+$0x0], $0xffff  }
0xb2: {  	v41 =	vor.u32 v39, v59;
	_ =	sdelay $0x3  }
0xb3: {  	[tilespmem:v58+s12+$0x0] =	vst.idx.msk $0xffff, v36  }
0xb4: {  	v61 =	vor.u32 v3, v37;
	v60 =	vor.u32 v34, v38;
	v36 =	vld.idx.msk [tilespmem:v41+s5+$0x0], $0xffff  }
0xb5: {  	v41 =	vor.u32 v39, v61;
	_ =	sdelay $0x3  }
0xb6: {  	[tilespmem:v60+s12+$0x0] =	vst.idx.msk $0xffff, v36  }
0xb7: {  	v63 =	vor.u32 v2, v37;
	v62 =	vor.u32 v35, v38;
	v40 =	vld.idx.msk [tilespmem:v41+s5+$0x0], $0xffff  }
0xb8: {  	v42 =	vor.u32 v39, v63;
	_ =	sdelay $0x2  }
0xb9: {  	v36 =	vcombine.low v21, v22  }
0xba: {  	[tilespmem:v62+s12+$0x0] =	vst.idx.msk $0xffff, v40  }
0xbb: {  	v37 =	vor.u32 v1, v37;
	v41 =	vld.idx.msk [tilespmem:v42+s5+$0x0], $0xffff;
	v42 =	vor.u32 v36, v38  }
0xbc: {  	v40 =	vor.u32 v39, v37;
	_ =	sdelay $0x1  }
0xbd: {  	s29 =	simm.s32 $0x2  }
0xbe: {  	s30 =	sand.u32 $0x30, s29;
	s29 =	simm.s32 $0x4  }
.LBB2_4:
0xbf: {  	p2 =	sne.s32 s29, $0x3E;
	v39 =	vmov s30;
	[tilespmem:v42+s12+$0x0] =	vst.idx.msk $0xffff, v41;
	v37 =	vcombine.low v23, v24;
	s28 =	sadd.s32 $0x10, s28  }
0xc0: {  	s31 =	sand.u32 $0x70, s28;
	v39 =	vshll.u32 v39, $0x7;
	v41 =	vld.idx.msk [tilespmem:v40+s5+$0x0], $0xffff  }
0xc1: {  	v40 =	vor.u32 s31, v0;
	v42 =	vor.u32 v28, v39;
	v38 =	vor.u32 v37, v38  }
0xc2: {  	v42 =	vor.u32 v40, v42  }
0xc3: {  	s31 =	sshrl.u32 s31, $0x1  }
0xc4: {  	v43 =	vmov s31  }
0xc5: {  	v43 =	vshll.u32 v43, $0x7  }
0xc6: {  	v43 =	vor.u32 v33, v43;
	[tilespmem:v38+s12+$0x0] =	vst.idx.msk $0xffff, v41  }
0xc7: {  	v38 =	vor.u32 s30, v43;
	v41 =	vld.idx.msk [tilespmem:v42+s5+$0x0], $0xffff  }
0xc8: {  	v43 =	vor.u32 v25, v39;
	v42 =	vor.u32 v15, v38  }
0xc9: {  	v43 =	vor.u32 v40, v43;
	_ =	sdelay $0x3  }
0xca: {  	[tilespmem:v42+s12+$0x0] =	vst.idx.msk $0xffff, v41  }
0xcb: {  	v41 =	vld.idx.msk [tilespmem:v43+s5+$0x0], $0xffff  }
0xcc: {  	v42 =	vor.u32 v16, v38;
	v43 =	vor.u32 v14, v39  }
0xcd: {  	v43 =	vor.u32 v40, v43;
	_ =	sdelay $0x3  }
0xce: {  	[tilespmem:v42+s12+$0x0] =	vst.idx.msk $0xffff, v41  }
0xcf: {  	v41 =	vld.idx.msk [tilespmem:v43+s5+$0x0], $0xffff  }
0xd0: {  	v42 =	vor.u32 v17, v38;
	v43 =	vor.u32 v13, v39  }
0xd1: {  	v43 =	vor.u32 v40, v43;
	_ =	sdelay $0x3  }
0xd2: {  	[tilespmem:v42+s12+$0x0] =	vst.idx.msk $0xffff, v41  }
0xd3: {  	v41 =	vld.idx.msk [tilespmem:v43+s5+$0x0], $0xffff  }
0xd4: {  	v42 =	vor.u32 v18, v38;
	v43 =	vor.u32 v12, v39  }
0xd5: {  	v43 =	vor.u32 v40, v43;
	_ =	sdelay $0x3  }
0xd6: {  	[tilespmem:v42+s12+$0x0] =	vst.idx.msk $0xffff, v41  }
0xd7: {  	v41 =	vld.idx.msk [tilespmem:v43+s5+$0x0], $0xffff  }
0xd8: {  	v42 =	vor.u32 v19, v38;
	v43 =	vor.u32 v11, v39  }
0xd9: {  	v43 =	vor.u32 v40, v43;
	_ =	sdelay $0x3  }
0xda: {  	[tilespmem:v42+s12+$0x0] =	vst.idx.msk $0xffff, v41  }
0xdb: {  	v41 =	vld.idx.msk [tilespmem:v43+s5+$0x0], $0xffff  }
0xdc: {  	v42 =	vor.u32 v20, v38;
	v43 =	vor.u32 v10, v39  }
0xdd: {  	v43 =	vor.u32 v40, v43;
	_ =	sdelay $0x3  }
0xde: {  	[tilespmem:v42+s12+$0x0] =	vst.idx.msk $0xffff, v41  }
0xdf: {  	v41 =	vld.idx.msk [tilespmem:v43+s5+$0x0], $0xffff  }
0xe0: {  	v42 =	vor.u32 v26, v38;
	v43 =	vor.u32 v9, v39  }
0xe1: {  	v43 =	vor.u32 v40, v43;
	_ =	sdelay $0x3  }
0xe2: {  	[tilespmem:v42+s12+$0x0] =	vst.idx.msk $0xffff, v41  }
0xe3: {  	v41 =	vld.idx.msk [tilespmem:v43+s5+$0x0], $0xffff  }
0xe4: {  	v42 =	vor.u32 v27, v38;
	v43 =	vor.u32 v8, v39  }
0xe5: {  	v43 =	vor.u32 v40, v43;
	_ =	sdelay $0x3  }
0xe6: {  	[tilespmem:v42+s12+$0x0] =	vst.idx.msk $0xffff, v41  }
0xe7: {  	v41 =	vld.idx.msk [tilespmem:v43+s5+$0x0], $0xffff  }
0xe8: {  	v42 =	vor.u32 v29, v38;
	v43 =	vor.u32 v7, v39  }
0xe9: {  	v43 =	vor.u32 v40, v43;
	_ =	sdelay $0x3  }
0xea: {  	[tilespmem:v42+s12+$0x0] =	vst.idx.msk $0xffff, v41  }
0xeb: {  	v41 =	vld.idx.msk [tilespmem:v43+s5+$0x0], $0xffff  }
0xec: {  	v42 =	vor.u32 v30, v38;
	v43 =	vor.u32 v6, v39  }
0xed: {  	v43 =	vor.u32 v40, v43;
	_ =	sdelay $0x3  }
0xee: {  	[tilespmem:v42+s12+$0x0] =	vst.idx.msk $0xffff, v41  }
0xef: {  	v41 =	vld.idx.msk [tilespmem:v43+s5+$0x0], $0xffff  }
0xf0: {  	v42 =	vor.u32 v31, v38;
	v43 =	vor.u32 v5, v39  }
0xf1: {  	v43 =	vor.u32 v40, v43;
	_ =	sdelay $0x3  }
0xf2: {  	[tilespmem:v42+s12+$0x0] =	vst.idx.msk $0xffff, v41  }
0xf3: {  	v41 =	vld.idx.msk [tilespmem:v43+s5+$0x0], $0xffff  }
0xf4: {  	v42 =	vor.u32 v32, v38;
	v43 =	vor.u32 v4, v39  }
0xf5: {  	v43 =	vor.u32 v40, v43;
	_ =	sdelay $0x3  }
0xf6: {  	[tilespmem:v42+s12+$0x0] =	vst.idx.msk $0xffff, v41  }
0xf7: {  	v41 =	vld.idx.msk [tilespmem:v43+s5+$0x0], $0xffff  }
0xf8: {  	v42 =	vor.u32 v34, v38;
	v43 =	vor.u32 v3, v39  }
0xf9: {  	v43 =	vor.u32 v40, v43;
	_ =	sdelay $0x3  }
0xfa: {  	[tilespmem:v42+s12+$0x0] =	vst.idx.msk $0xffff, v41  }
0xfb: {  	v41 =	vld.idx.msk [tilespmem:v43+s5+$0x0], $0xffff  }
0xfc: {  	v42 =	vor.u32 v35, v38;
	v43 =	vor.u32 v2, v39  }
0xfd: {  	v43 =	vor.u32 v40, v43;
	_ =	sdelay $0x3  }
0xfe: {  	[tilespmem:v42+s12+$0x0] =	vst.idx.msk $0xffff, v41  }
0xff: {  	v41 =	vld.idx.msk [tilespmem:v43+s5+$0x0], $0xffff  }
.Ltmp5:
0x100: {  	v39 =	vor.u32 v1, v39;
	v42 =	vor.u32 v36, v38;
	(pc) =	sbr.rel @p2 .LBB2_4-.Ltmp5, $2  }
0x101: {  	v40 =	vor.u32 v40, v39;
	_ =	sdelay $0x2  }
0x102: {  	s30 =	sand.u32 $0x30, s29;
	s29 =	sadd.s32 $0x2, s29  }
0x103: {  	_ =	sdelay $0x2  }
0x104: {  	v39 =	vmov s30;
	s28 =	sadd.s32 $0x10, s28  }
0x105: {  	[tilespmem:v42+s12+$0x0] =	vst.idx.msk $0xffff, v41;
	s28 =	sand.u32 $0x70, s28;
	v39 =	vshll.u32 v39, $0x7  }
0x106: {  	v38 =	vor.u32 v37, v38;
	v40 =	vld.idx.msk [tilespmem:v40+s5+$0x0], $0xffff;
	v41 =	vor.u32 s28, v0;
	v53 =	vor.u32 v28, v39  }
0x107: {  	s28 =	sshrl.u32 s28, $0x1;
	v42 =	vor.u32 v41, v53  }
0x108: {  	v43 =	vmov s28  }
0x109: {  	v43 =	vshll.u32 v43, $0x7  }
0x10a: {  	v43 =	vor.u32 v33, v43  }
0x10b: {  	[tilespmem:v38+s12+$0x0] =	vst.idx.msk $0xffff, v40;
	v38 =	vor.u32 s30, v43  }
0x10c: {  	v55 =	vor.u32 v25, v39;
	v54 =	vor.u32 v15, v38;
	v40 =	vld.idx.msk [tilespmem:v42+s5+$0x0], $0xffff  }
0x10d: {  	v43 =	vor.u32 v41, v55;
	_ =	sdelay $0x3  }
0x10e: {  	[tilespmem:v54+s12+$0x0] =	vst.idx.msk $0xffff, v40  }
0x10f: {  	v57 =	vor.u32 v14, v39;
	v56 =	vor.u32 v16, v38;
	v40 =	vld.idx.msk [tilespmem:v43+s5+$0x0], $0xffff  }
0x110: {  	v43 =	vor.u32 v41, v57;
	_ =	sdelay $0x3  }
0x111: {  	[tilespmem:v56+s12+$0x0] =	vst.idx.msk $0xffff, v40  }
0x112: {  	v59 =	vor.u32 v13, v39;
	v58 =	vor.u32 v17, v38;
	v40 =	vld.idx.msk [tilespmem:v43+s5+$0x0], $0xffff  }
0x113: {  	v43 =	vor.u32 v41, v59;
	_ =	sdelay $0x3  }
0x114: {  	[tilespmem:v58+s12+$0x0] =	vst.idx.msk $0xffff, v40  }
0x115: {  	v61 =	vor.u32 v12, v39;
	v60 =	vor.u32 v18, v38;
	v40 =	vld.idx.msk [tilespmem:v43+s5+$0x0], $0xffff  }
0x116: {  	v43 =	vor.u32 v41, v61;
	_ =	sdelay $0x3  }
0x117: {  	[tilespmem:v60+s12+$0x0] =	vst.idx.msk $0xffff, v40  }
0x118: {  	v63 =	vor.u32 v11, v39;
	v62 =	vor.u32 v19, v38;
	v40 =	vld.idx.msk [tilespmem:v43+s5+$0x0], $0xffff  }
0x119: {  	v43 =	vor.u32 v41, v63;
	_ =	sdelay $0x3  }
0x11a: {  	[tilespmem:v62+s12+$0x0] =	vst.idx.msk $0xffff, v40  }
0x11b: {  	v46 =	vor.u32 v10, v39;
	v45 =	vor.u32 v20, v38;
	v40 =	vld.idx.msk [tilespmem:v43+s5+$0x0], $0xffff  }
0x11c: {  	v43 =	vor.u32 v41, v46;
	_ =	sdelay $0x3  }
0x11d: {  	[tilespmem:v45+s12+$0x0] =	vst.idx.msk $0xffff, v40  }
0x11e: {  	v48 =	vor.u32 v9, v39;
	v47 =	vor.u32 v26, v38;
	v40 =	vld.idx.msk [tilespmem:v43+s5+$0x0], $0xffff  }
0x11f: {  	v43 =	vor.u32 v41, v48;
	_ =	sdelay $0x3  }
0x120: {  	[tilespmem:v47+s12+$0x0] =	vst.idx.msk $0xffff, v40  }
0x121: {  	v50 =	vor.u32 v8, v39;
	v49 =	vor.u32 v27, v38;
	v40 =	vld.idx.msk [tilespmem:v43+s5+$0x0], $0xffff  }
0x122: {  	v43 =	vor.u32 v41, v50;
	_ =	sdelay $0x3  }
0x123: {  	[tilespmem:v49+s12+$0x0] =	vst.idx.msk $0xffff, v40  }
0x124: {  	v52 =	vor.u32 v7, v39;
	v51 =	vor.u32 v29, v38;
	v40 =	vld.idx.msk [tilespmem:v43+s5+$0x0], $0xffff  }
0x125: {  	v43 =	vor.u32 v41, v52;
	_ =	sdelay $0x3  }
0x126: {  	[tilespmem:v51+s12+$0x0] =	vst.idx.msk $0xffff, v40  }
0x127: {  	v53 =	vor.u32 v30, v38;
	v54 =	vor.u32 v6, v39;
	v40 =	vld.idx.msk [tilespmem:v43+s5+$0x0], $0xffff  }
0x128: {  	v43 =	vor.u32 v41, v54;
	_ =	sdelay $0x3  }
0x129: {  	[tilespmem:v53+s12+$0x0] =	vst.idx.msk $0xffff, v40  }
0x12a: {  	v55 =	vor.u32 v31, v38;
	v56 =	vor.u32 v5, v39;
	v40 =	vld.idx.msk [tilespmem:v43+s5+$0x0], $0xffff  }
0x12b: {  	v43 =	vor.u32 v41, v56;
	_ =	sdelay $0x3  }
0x12c: {  	[tilespmem:v55+s12+$0x0] =	vst.idx.msk $0xffff, v40  }
0x12d: {  	v57 =	vor.u32 v32, v38;
	v58 =	vor.u32 v4, v39;
	v40 =	vld.idx.msk [tilespmem:v43+s5+$0x0], $0xffff  }
0x12e: {  	v43 =	vor.u32 v41, v58;
	_ =	sdelay $0x3  }
0x12f: {  	[tilespmem:v57+s12+$0x0] =	vst.idx.msk $0xffff, v40  }
0x130: {  	v59 =	vor.u32 v34, v38;
	v60 =	vor.u32 v3, v39;
	v40 =	vld.idx.msk [tilespmem:v43+s5+$0x0], $0xffff  }
0x131: {  	v43 =	vor.u32 v41, v60;
	_ =	sdelay $0x3  }
0x132: {  	[tilespmem:v59+s12+$0x0] =	vst.idx.msk $0xffff, v40  }
0x133: {  	v61 =	vor.u32 v35, v38;
	v62 =	vor.u32 v2, v39;
	v40 =	vld.idx.msk [tilespmem:v43+s5+$0x0], $0xffff  }
0x134: {  	v43 =	vor.u32 v41, v62;
	_ =	sdelay $0x3  }
0x135: {  	[tilespmem:v61+s12+$0x0] =	vst.idx.msk $0xffff, v40  }
0x136: {  	v36 =	vor.u32 v36, v38;
	v39 =	vor.u32 v1, v39;
	v40 =	vld.idx.msk [tilespmem:v43+s5+$0x0], $0xffff  }
0x137: {  	v39 =	vor.u32 v41, v39;
	_ =	sdelay $0x3  }
0x138: {  	[tilespmem:v36+s12+$0x0] =	vst.idx.msk $0xffff, v40  }
0x139: {  	v63 =	vor.u32 v37, v38;
	v36 =	vld.idx.msk [tilespmem:v39+s5+$0x0], $0xffff;
	_ =	sdelay $0x3  }
0x13a: {  	s26 =	sshll.u32 s26, $0xA  }
0x13b: {  	s26 =	sadd.s32 s7, s26;
	[tilespmem:v63+s12+$0x0] =	vst.idx.msk $0xffff, v36  }
0x13c: {  	[hbm4b:s26+s5] =	stream.linear.scatter [tilespmem:s12], [sflag:$0x3], $0x2000, $0x38;
	[tilespmem:$0x8000] =	vst v63  }
.LBB2_6:
.Ltmp6:
0x13d: {  	s25 =	sadd.s32 s9, s25;
	(pc) =	sbr.rel @p1 .LBB2_10-.Ltmp6, $4  }
0x13e: {  	p2 =	sgt.u32 s25, $0x1E83  }
0x13f: {  	s25 =	sshll.u32 @!p2 s25, $0x7;
	s26 =	simm.s32 @!p2 $0x400  }
0x140: {  	s28 =	simm.s32 @!p2 $0x7A1400;
	s29 =	simm.s32 @!p2 $0x0;
	s25 =	sadd.s32 @!p2 s0, s25  }
0x141: {  	[tilespmem:s29], [sflag:$0x1] =	stream.strided.gather @!p2 [hbm4b:s25+s26], $0x2000, s28, s26, $0x38;
	[tilespmem:$0x8000] =	vst v63  }
0x142: {  	s25 =	simm.s32 $0x0  }
0x143: {  	s26 =	sand.u32 $0x30, s25  }
0x144: {  	v36 =	vmov s26  }
0x145: {  	s28 =	sand.u32 $0x70, s25;
	v37 =	vshll.u32 v36, $0x7  }
0x146: {  	_ =	swait.ge [sflag:s18], $0x2000;
	v39 =	vor.u32 s28, v0;
	v36 =	vor.u32 v28, v37  }
0x147: {  	[sflag:s18] =	ssyncset.done $0x0;
	s28 =	sshrl.u32 s28, $0x1;
	v36 =	vor.u32 v39, v36  }
0x148: {  	[sflag:s18] =	ssyncadd.s32 $0xFFFFE000;
	v38 =	vmov s28  }
0x149: {  	_ =	swait.ge [sflag:s19], $0x2000;
	v38 =	vshll.u32 v38, $0x7  }
0x14a: {  	[sflag:s19] =	ssyncset.done $0x0;
	v38 =	vor.u32 v33, v38  }
0x14b: {  	[sflag:s19] =	ssyncadd.s32 $0xFFFFE000;
	v38 =	vor.u32 s26, v38  }
0x14c: {  	v41 =	vor.u32 v25, v37;
	v40 =	vor.u32 v15, v38;
	v36 =	vld.idx.msk [tilespmem:v36+s20+$0x0], $0xffff  }
0x14d: {  	v41 =	vor.u32 v39, v41;
	_ =	sdelay $0x3  }
0x14e: {  	[tilespmem:v40+s13+$0x0] =	vst.idx.msk $0xffff, v36  }
0x14f: {  	v59 =	vor.u32 v14, v37;
	v58 =	vor.u32 v16, v38;
	v36 =	vld.idx.msk [tilespmem:v41+s20+$0x0], $0xffff  }
0x150: {  	v41 =	vor.u32 v39, v59;
	_ =	sdelay $0x3  }
0x151: {  	[tilespmem:v58+s13+$0x0] =	vst.idx.msk $0xffff, v36  }
0x152: {  	v61 =	vor.u32 v13, v37;
	v60 =	vor.u32 v17, v38;
	v36 =	vld.idx.msk [tilespmem:v41+s20+$0x0], $0xffff  }
0x153: {  	v41 =	vor.u32 v39, v61;
	_ =	sdelay $0x3  }
0x154: {  	[tilespmem:v60+s13+$0x0] =	vst.idx.msk $0xffff, v36  }
0x155: {  	v63 =	vor.u32 v12, v37;
	v62 =	vor.u32 v18, v38;
	v36 =	vld.idx.msk [tilespmem:v41+s20+$0x0], $0xffff  }
0x156: {  	v41 =	vor.u32 v39, v63;
	_ =	sdelay $0x3  }
0x157: {  	[tilespmem:v62+s13+$0x0] =	vst.idx.msk $0xffff, v36  }
0x158: {  	v45 =	vor.u32 v11, v37;
	v44 =	vor.u32 v19, v38;
	v36 =	vld.idx.msk [tilespmem:v41+s20+$0x0], $0xffff  }
0x159: {  	v41 =	vor.u32 v39, v45;
	_ =	sdelay $0x3  }
0x15a: {  	[tilespmem:v44+s13+$0x0] =	vst.idx.msk $0xffff, v36  }
0x15b: {  	v47 =	vor.u32 v10, v37;
	v46 =	vor.u32 v20, v38;
	v36 =	vld.idx.msk [tilespmem:v41+s20+$0x0], $0xffff  }
0x15c: {  	v41 =	vor.u32 v39, v47;
	_ =	sdelay $0x3  }
0x15d: {  	[tilespmem:v46+s13+$0x0] =	vst.idx.msk $0xffff, v36  }
0x15e: {  	v49 =	vor.u32 v9, v37;
	v48 =	vor.u32 v26, v38;
	v36 =	vld.idx.msk [tilespmem:v41+s20+$0x0], $0xffff  }
0x15f: {  	v41 =	vor.u32 v39, v49;
	_ =	sdelay $0x3  }
0x160: {  	[tilespmem:v48+s13+$0x0] =	vst.idx.msk $0xffff, v36  }
0x161: {  	v51 =	vor.u32 v8, v37;
	v50 =	vor.u32 v27, v38;
	v36 =	vld.idx.msk [tilespmem:v41+s20+$0x0], $0xffff  }
0x162: {  	v41 =	vor.u32 v39, v51;
	_ =	sdelay $0x3  }
0x163: {  	[tilespmem:v50+s13+$0x0] =	vst.idx.msk $0xffff, v36  }
0x164: {  	v53 =	vor.u32 v7, v37;
	v52 =	vor.u32 v29, v38;
	v36 =	vld.idx.msk [tilespmem:v41+s20+$0x0], $0xffff  }
0x165: {  	v41 =	vor.u32 v39, v53;
	_ =	sdelay $0x3  }
0x166: {  	[tilespmem:v52+s13+$0x0] =	vst.idx.msk $0xffff, v36  }
0x167: {  	v55 =	vor.u32 v6, v37;
	v54 =	vor.u32 v30, v38;
	v36 =	vld.idx.msk [tilespmem:v41+s20+$0x0], $0xffff  }
0x168: {  	v41 =	vor.u32 v39, v55;
	_ =	sdelay $0x3  }
0x169: {  	[tilespmem:v54+s13+$0x0] =	vst.idx.msk $0xffff, v36  }
0x16a: {  	v57 =	vor.u32 v5, v37;
	v56 =	vor.u32 v31, v38;
	v36 =	vld.idx.msk [tilespmem:v41+s20+$0x0], $0xffff  }
0x16b: {  	v41 =	vor.u32 v39, v57;
	_ =	sdelay $0x3  }
0x16c: {  	[tilespmem:v56+s13+$0x0] =	vst.idx.msk $0xffff, v36  }
0x16d: {  	v59 =	vor.u32 v4, v37;
	v58 =	vor.u32 v32, v38;
	v36 =	vld.idx.msk [tilespmem:v41+s20+$0x0], $0xffff  }
0x16e: {  	v41 =	vor.u32 v39, v59;
	_ =	sdelay $0x3  }
0x16f: {  	[tilespmem:v58+s13+$0x0] =	vst.idx.msk $0xffff, v36  }
0x170: {  	v61 =	vor.u32 v3, v37;
	v60 =	vor.u32 v34, v38;
	v36 =	vld.idx.msk [tilespmem:v41+s20+$0x0], $0xffff  }
0x171: {  	v41 =	vor.u32 v39, v61;
	_ =	sdelay $0x3  }
0x172: {  	[tilespmem:v60+s13+$0x0] =	vst.idx.msk $0xffff, v36  }
0x173: {  	v63 =	vor.u32 v2, v37;
	v62 =	vor.u32 v35, v38;
	v40 =	vld.idx.msk [tilespmem:v41+s20+$0x0], $0xffff  }
0x174: {  	v42 =	vor.u32 v39, v63;
	_ =	sdelay $0x2  }
0x175: {  	v36 =	vcombine.low v21, v22  }
0x176: {  	[tilespmem:v62+s13+$0x0] =	vst.idx.msk $0xffff, v40  }
0x177: {  	v37 =	vor.u32 v1, v37;
	v41 =	vld.idx.msk [tilespmem:v42+s20+$0x0], $0xffff;
	v42 =	vor.u32 v36, v38  }
0x178: {  	v40 =	vor.u32 v39, v37;
	_ =	sdelay $0x1  }
0x179: {  	s31 =	simm.s32 $0x2  }
0x17a: {  	s28 =	sand.u32 $0x30, s31;
	s26 =	simm.s32 $0x4  }
.LBB2_8:
0x17b: {  	p1 =	sne.s32 s26, $0x3E;
	v39 =	vmov s28;
	[tilespmem:v42+s13+$0x0] =	vst.idx.msk $0xffff, v41;
	v37 =	vcombine.low v23, v24;
	s25 =	sadd.s32 $0x10, s25  }
0x17c: {  	s29 =	sand.u32 $0x70, s25;
	v39 =	vshll.u32 v39, $0x7;
	v41 =	vld.idx.msk [tilespmem:v40+s20+$0x0], $0xffff  }
0x17d: {  	v40 =	vor.u32 s29, v0;
	v42 =	vor.u32 v28, v39;
	v38 =	vor.u32 v37, v38  }
0x17e: {  	v42 =	vor.u32 v40, v42  }
0x17f: {  	s29 =	sshrl.u32 s29, $0x1  }
0x180: {  	v43 =	vmov s29  }
0x181: {  	v43 =	vshll.u32 v43, $0x7  }
0x182: {  	v43 =	vor.u32 v33, v43;
	[tilespmem:v38+s13+$0x0] =	vst.idx.msk $0xffff, v41  }
0x183: {  	v38 =	vor.u32 s28, v43;
	v41 =	vld.idx.msk [tilespmem:v42+s20+$0x0], $0xffff  }
0x184: {  	v43 =	vor.u32 v25, v39;
	v42 =	vor.u32 v15, v38  }
0x185: {  	v43 =	vor.u32 v40, v43;
	_ =	sdelay $0x3  }
0x186: {  	[tilespmem:v42+s13+$0x0] =	vst.idx.msk $0xffff, v41  }
0x187: {  	v41 =	vld.idx.msk [tilespmem:v43+s20+$0x0], $0xffff  }
0x188: {  	v42 =	vor.u32 v16, v38;
	v43 =	vor.u32 v14, v39  }
0x189: {  	v43 =	vor.u32 v40, v43;
	_ =	sdelay $0x3  }
0x18a: {  	[tilespmem:v42+s13+$0x0] =	vst.idx.msk $0xffff, v41  }
0x18b: {  	v41 =	vld.idx.msk [tilespmem:v43+s20+$0x0], $0xffff  }
0x18c: {  	v42 =	vor.u32 v17, v38;
	v43 =	vor.u32 v13, v39  }
0x18d: {  	v43 =	vor.u32 v40, v43;
	_ =	sdelay $0x3  }
0x18e: {  	[tilespmem:v42+s13+$0x0] =	vst.idx.msk $0xffff, v41  }
0x18f: {  	v41 =	vld.idx.msk [tilespmem:v43+s20+$0x0], $0xffff  }
0x190: {  	v42 =	vor.u32 v18, v38;
	v43 =	vor.u32 v12, v39  }
0x191: {  	v43 =	vor.u32 v40, v43;
	_ =	sdelay $0x3  }
0x192: {  	[tilespmem:v42+s13+$0x0] =	vst.idx.msk $0xffff, v41  }
0x193: {  	v41 =	vld.idx.msk [tilespmem:v43+s20+$0x0], $0xffff  }
0x194: {  	v42 =	vor.u32 v19, v38;
	v43 =	vor.u32 v11, v39  }
0x195: {  	v43 =	vor.u32 v40, v43;
	_ =	sdelay $0x3  }
0x196: {  	[tilespmem:v42+s13+$0x0] =	vst.idx.msk $0xffff, v41  }
0x197: {  	v41 =	vld.idx.msk [tilespmem:v43+s20+$0x0], $0xffff  }
0x198: {  	v42 =	vor.u32 v20, v38;
	v43 =	vor.u32 v10, v39  }
0x199: {  	v43 =	vor.u32 v40, v43;
	_ =	sdelay $0x3  }
0x19a: {  	[tilespmem:v42+s13+$0x0] =	vst.idx.msk $0xffff, v41  }
0x19b: {  	v41 =	vld.idx.msk [tilespmem:v43+s20+$0x0], $0xffff  }
0x19c: {  	v42 =	vor.u32 v26, v38;
	v43 =	vor.u32 v9, v39  }
0x19d: {  	v43 =	vor.u32 v40, v43;
	_ =	sdelay $0x3  }
0x19e: {  	[tilespmem:v42+s13+$0x0] =	vst.idx.msk $0xffff, v41  }
0x19f: {  	v41 =	vld.idx.msk [tilespmem:v43+s20+$0x0], $0xffff  }
0x1a0: {  	v42 =	vor.u32 v27, v38;
	v43 =	vor.u32 v8, v39  }
0x1a1: {  	v43 =	vor.u32 v40, v43;
	_ =	sdelay $0x3  }
0x1a2: {  	[tilespmem:v42+s13+$0x0] =	vst.idx.msk $0xffff, v41  }
0x1a3: {  	v41 =	vld.idx.msk [tilespmem:v43+s20+$0x0], $0xffff  }
0x1a4: {  	v42 =	vor.u32 v29, v38;
	v43 =	vor.u32 v7, v39  }
0x1a5: {  	v43 =	vor.u32 v40, v43;
	_ =	sdelay $0x3  }
0x1a6: {  	[tilespmem:v42+s13+$0x0] =	vst.idx.msk $0xffff, v41  }
0x1a7: {  	v41 =	vld.idx.msk [tilespmem:v43+s20+$0x0], $0xffff  }
0x1a8: {  	v42 =	vor.u32 v30, v38;
	v43 =	vor.u32 v6, v39  }
0x1a9: {  	v43 =	vor.u32 v40, v43;
	_ =	sdelay $0x3  }
0x1aa: {  	[tilespmem:v42+s13+$0x0] =	vst.idx.msk $0xffff, v41  }
0x1ab: {  	v41 =	vld.idx.msk [tilespmem:v43+s20+$0x0], $0xffff  }
0x1ac: {  	v42 =	vor.u32 v31, v38;
	v43 =	vor.u32 v5, v39  }
0x1ad: {  	v43 =	vor.u32 v40, v43;
	_ =	sdelay $0x3  }
0x1ae: {  	[tilespmem:v42+s13+$0x0] =	vst.idx.msk $0xffff, v41  }
0x1af: {  	v41 =	vld.idx.msk [tilespmem:v43+s20+$0x0], $0xffff  }
0x1b0: {  	v42 =	vor.u32 v32, v38;
	v43 =	vor.u32 v4, v39  }
0x1b1: {  	v43 =	vor.u32 v40, v43;
	_ =	sdelay $0x3  }
0x1b2: {  	[tilespmem:v42+s13+$0x0] =	vst.idx.msk $0xffff, v41  }
0x1b3: {  	v41 =	vld.idx.msk [tilespmem:v43+s20+$0x0], $0xffff  }
0x1b4: {  	v42 =	vor.u32 v34, v38;
	v43 =	vor.u32 v3, v39  }
0x1b5: {  	v43 =	vor.u32 v40, v43;
	_ =	sdelay $0x3  }
0x1b6: {  	[tilespmem:v42+s13+$0x0] =	vst.idx.msk $0xffff, v41  }
0x1b7: {  	v41 =	vld.idx.msk [tilespmem:v43+s20+$0x0], $0xffff  }
0x1b8: {  	v42 =	vor.u32 v35, v38;
	v43 =	vor.u32 v2, v39  }
0x1b9: {  	v43 =	vor.u32 v40, v43;
	_ =	sdelay $0x3  }
0x1ba: {  	[tilespmem:v42+s13+$0x0] =	vst.idx.msk $0xffff, v41  }
0x1bb: {  	v41 =	vld.idx.msk [tilespmem:v43+s20+$0x0], $0xffff  }
.Ltmp7:
0x1bc: {  	v39 =	vor.u32 v1, v39;
	v42 =	vor.u32 v36, v38;
	(pc) =	sbr.rel @p1 .LBB2_8-.Ltmp7, $2  }
0x1bd: {  	v40 =	vor.u32 v40, v39;
	_ =	sdelay $0x2  }
0x1be: {  	s28 =	sand.u32 $0x30, s26;
	s26 =	sadd.s32 $0x2, s26  }
0x1bf: {  	_ =	sdelay $0x2  }
0x1c0: {  	v39 =	vmov s28;
	s25 =	sadd.s32 $0x10, s25  }
0x1c1: {  	[tilespmem:v42+s13+$0x0] =	vst.idx.msk $0xffff, v41;
	s25 =	sand.u32 $0x70, s25;
	v39 =	vshll.u32 v39, $0x7  }
0x1c2: {  	v38 =	vor.u32 v37, v38;
	v40 =	vld.idx.msk [tilespmem:v40+s20+$0x0], $0xffff;
	v41 =	vor.u32 s25, v0;
	v53 =	vor.u32 v28, v39  }
0x1c3: {  	s25 =	sshrl.u32 s25, $0x1;
	v42 =	vor.u32 v41, v53  }
0x1c4: {  	v43 =	vmov s25  }
0x1c5: {  	v43 =	vshll.u32 v43, $0x7  }
0x1c6: {  	v43 =	vor.u32 v33, v43  }
0x1c7: {  	[tilespmem:v38+s13+$0x0] =	vst.idx.msk $0xffff, v40;
	v38 =	vor.u32 s28, v43  }
0x1c8: {  	v55 =	vor.u32 v25, v39;
	v54 =	vor.u32 v15, v38;
	v40 =	vld.idx.msk [tilespmem:v42+s20+$0x0], $0xffff  }
0x1c9: {  	v43 =	vor.u32 v41, v55;
	_ =	sdelay $0x3  }
0x1ca: {  	[tilespmem:v54+s13+$0x0] =	vst.idx.msk $0xffff, v40  }
0x1cb: {  	v57 =	vor.u32 v14, v39;
	v56 =	vor.u32 v16, v38;
	v40 =	vld.idx.msk [tilespmem:v43+s20+$0x0], $0xffff  }
0x1cc: {  	v43 =	vor.u32 v41, v57;
	_ =	sdelay $0x3  }
0x1cd: {  	[tilespmem:v56+s13+$0x0] =	vst.idx.msk $0xffff, v40  }
0x1ce: {  	v59 =	vor.u32 v13, v39;
	v58 =	vor.u32 v17, v38;
	v40 =	vld.idx.msk [tilespmem:v43+s20+$0x0], $0xffff  }
0x1cf: {  	v43 =	vor.u32 v41, v59;
	_ =	sdelay $0x3  }
0x1d0: {  	[tilespmem:v58+s13+$0x0] =	vst.idx.msk $0xffff, v40  }
0x1d1: {  	v61 =	vor.u32 v12, v39;
	v60 =	vor.u32 v18, v38;
	v40 =	vld.idx.msk [tilespmem:v43+s20+$0x0], $0xffff  }
0x1d2: {  	v43 =	vor.u32 v41, v61;
	_ =	sdelay $0x3  }
0x1d3: {  	[tilespmem:v60+s13+$0x0] =	vst.idx.msk $0xffff, v40  }
0x1d4: {  	v63 =	vor.u32 v11, v39;
	v62 =	vor.u32 v19, v38;
	v40 =	vld.idx.msk [tilespmem:v43+s20+$0x0], $0xffff  }
0x1d5: {  	v43 =	vor.u32 v41, v63;
	_ =	sdelay $0x3  }
0x1d6: {  	[tilespmem:v62+s13+$0x0] =	vst.idx.msk $0xffff, v40  }
0x1d7: {  	v46 =	vor.u32 v10, v39;
	v45 =	vor.u32 v20, v38;
	v40 =	vld.idx.msk [tilespmem:v43+s20+$0x0], $0xffff  }
0x1d8: {  	v43 =	vor.u32 v41, v46;
	_ =	sdelay $0x3  }
0x1d9: {  	[tilespmem:v45+s13+$0x0] =	vst.idx.msk $0xffff, v40  }
0x1da: {  	v48 =	vor.u32 v9, v39;
	v47 =	vor.u32 v26, v38;
	v40 =	vld.idx.msk [tilespmem:v43+s20+$0x0], $0xffff  }
0x1db: {  	v43 =	vor.u32 v41, v48;
	_ =	sdelay $0x3  }
0x1dc: {  	[tilespmem:v47+s13+$0x0] =	vst.idx.msk $0xffff, v40  }
0x1dd: {  	v50 =	vor.u32 v8, v39;
	v49 =	vor.u32 v27, v38;
	v40 =	vld.idx.msk [tilespmem:v43+s20+$0x0], $0xffff  }
0x1de: {  	v43 =	vor.u32 v41, v50;
	_ =	sdelay $0x3  }
0x1df: {  	[tilespmem:v49+s13+$0x0] =	vst.idx.msk $0xffff, v40  }
0x1e0: {  	v52 =	vor.u32 v7, v39;
	v51 =	vor.u32 v29, v38;
	v40 =	vld.idx.msk [tilespmem:v43+s20+$0x0], $0xffff  }
0x1e1: {  	v43 =	vor.u32 v41, v52;
	_ =	sdelay $0x3  }
0x1e2: {  	[tilespmem:v51+s13+$0x0] =	vst.idx.msk $0xffff, v40  }
0x1e3: {  	v53 =	vor.u32 v30, v38;
	v54 =	vor.u32 v6, v39;
	v40 =	vld.idx.msk [tilespmem:v43+s20+$0x0], $0xffff  }
0x1e4: {  	v43 =	vor.u32 v41, v54;
	_ =	sdelay $0x3  }
0x1e5: {  	[tilespmem:v53+s13+$0x0] =	vst.idx.msk $0xffff, v40  }
0x1e6: {  	v55 =	vor.u32 v31, v38;
	v56 =	vor.u32 v5, v39;
	v40 =	vld.idx.msk [tilespmem:v43+s20+$0x0], $0xffff  }
0x1e7: {  	v43 =	vor.u32 v41, v56;
	_ =	sdelay $0x3  }
0x1e8: {  	[tilespmem:v55+s13+$0x0] =	vst.idx.msk $0xffff, v40  }
0x1e9: {  	v57 =	vor.u32 v32, v38;
	v58 =	vor.u32 v4, v39;
	v40 =	vld.idx.msk [tilespmem:v43+s20+$0x0], $0xffff  }
0x1ea: {  	v43 =	vor.u32 v41, v58;
	_ =	sdelay $0x3  }
0x1eb: {  	[tilespmem:v57+s13+$0x0] =	vst.idx.msk $0xffff, v40  }
0x1ec: {  	v59 =	vor.u32 v34, v38;
	v60 =	vor.u32 v3, v39;
	v40 =	vld.idx.msk [tilespmem:v43+s20+$0x0], $0xffff  }
0x1ed: {  	v43 =	vor.u32 v41, v60;
	_ =	sdelay $0x3  }
0x1ee: {  	[tilespmem:v59+s13+$0x0] =	vst.idx.msk $0xffff, v40  }
0x1ef: {  	v61 =	vor.u32 v35, v38;
	v62 =	vor.u32 v2, v39;
	v40 =	vld.idx.msk [tilespmem:v43+s20+$0x0], $0xffff  }
0x1f0: {  	v43 =	vor.u32 v41, v62;
	_ =	sdelay $0x3  }
0x1f1: {  	[tilespmem:v61+s13+$0x0] =	vst.idx.msk $0xffff, v40  }
0x1f2: {  	v36 =	vor.u32 v36, v38;
	v39 =	vor.u32 v1, v39;
	v40 =	vld.idx.msk [tilespmem:v43+s20+$0x0], $0xffff  }
0x1f3: {  	v39 =	vor.u32 v41, v39;
	_ =	sdelay $0x3  }
0x1f4: {  	[tilespmem:v36+s13+$0x0] =	vst.idx.msk $0xffff, v40  }
0x1f5: {  	v63 =	vor.u32 v37, v38;
	v36 =	vld.idx.msk [tilespmem:v39+s20+$0x0], $0xffff;
	_ =	sdelay $0x1  }
.Ltmp8:
0x1f6: {  	_ = 	snop;
	(pc) =	sbr.rel .LBB2_10-.Ltmp8, $4  }
0x1f7: {  	_ = 	snop  }
0x1f8: {  	s24 =	sshll.u32 s24, $0xA  }
0x1f9: {  	s24 =	sadd.s32 s7, s24;
	[tilespmem:v63+s13+$0x0] =	vst.idx.msk $0xffff, v36  }
0x1fa: {  	[hbm4b:s24+s5] =	stream.linear.scatter [tilespmem:s13], [sflag:$0x4], $0x2000, $0x38;
	[tilespmem:$0x8000] =	vst v63  }
.LBB2_11:
.Ltmp9:
0x1fb: {  	(pc) =	sbr.rel @p0 .LBB2_15-.Ltmp9, $1  }
0x1fc: {  	_ =	sdelay $0x3  }
0x1fd: {  	s23 =	simm.s32 $0x0  }
0x1fe: {  	s24 =	sand.u32 $0x30, s23  }
0x1ff: {  	[tilespmem:s23], [sflag:$0x5] =	stream.linear.gather [hbm4b:s1+s23], $0x2000, $0x38;
	v36 =	vmov s24;
	[tilespmem:$0x8000] =	vst v63  }
0x200: {  	s25 =	sand.u32 $0x70, s23;
	v37 =	vshll.u32 v36, $0x7  }
0x201: {  	_ =	swait.ge [sflag:s21], $0x2000;
	v39 =	vor.u32 s25, v0;
	v36 =	vor.u32 v28, v37  }
0x202: {  	s25 =	sshrl.u32 s25, $0x1;
	[sflag:s21] =	ssyncset.done $0x0;
	v36 =	vor.u32 v39, v36  }
0x203: {  	v38 =	vmov s25;
	[sflag:s21] =	ssyncadd.s32 $0xFFFFE000  }
0x204: {  	v38 =	vshll.u32 v38, $0x7;
	_ =	swait.ge [sflag:s17], $0x2000  }
0x205: {  	v38 =	vor.u32 v33, v38;
	[sflag:s17] =	ssyncset.done $0x0  }
0x206: {  	v38 =	vor.u32 s24, v38;
	[sflag:s17] =	ssyncadd.s32 $0xFFFFE000  }
0x207: {  	v41 =	vor.u32 v25, v37;
	v40 =	vor.u32 v15, v38;
	v36 =	vld.idx.msk [tilespmem:v36+s5+$0x0], $0xffff  }
0x208: {  	v41 =	vor.u32 v39, v41;
	_ =	sdelay $0x3  }
0x209: {  	[tilespmem:v40+s12+$0x0] =	vst.idx.msk $0xffff, v36  }
0x20a: {  	v59 =	vor.u32 v14, v37;
	v58 =	vor.u32 v16, v38;
	v36 =	vld.idx.msk [tilespmem:v41+s5+$0x0], $0xffff  }
0x20b: {  	v41 =	vor.u32 v39, v59;
	_ =	sdelay $0x3  }
0x20c: {  	[tilespmem:v58+s12+$0x0] =	vst.idx.msk $0xffff, v36  }
0x20d: {  	v61 =	vor.u32 v13, v37;
	v60 =	vor.u32 v17, v38;
	v36 =	vld.idx.msk [tilespmem:v41+s5+$0x0], $0xffff  }
0x20e: {  	v41 =	vor.u32 v39, v61;
	_ =	sdelay $0x3  }
0x20f: {  	[tilespmem:v60+s12+$0x0] =	vst.idx.msk $0xffff, v36  }
0x210: {  	v63 =	vor.u32 v12, v37;
	v62 =	vor.u32 v18, v38;
	v36 =	vld.idx.msk [tilespmem:v41+s5+$0x0], $0xffff  }
0x211: {  	v41 =	vor.u32 v39, v63;
	_ =	sdelay $0x3  }
0x212: {  	[tilespmem:v62+s12+$0x0] =	vst.idx.msk $0xffff, v36  }
0x213: {  	v45 =	vor.u32 v11, v37;
	v44 =	vor.u32 v19, v38;
	v36 =	vld.idx.msk [tilespmem:v41+s5+$0x0], $0xffff  }
0x214: {  	v41 =	vor.u32 v39, v45;
	_ =	sdelay $0x3  }
0x215: {  	[tilespmem:v44+s12+$0x0] =	vst.idx.msk $0xffff, v36  }
0x216: {  	v47 =	vor.u32 v10, v37;
	v46 =	vor.u32 v20, v38;
	v36 =	vld.idx.msk [tilespmem:v41+s5+$0x0], $0xffff  }
0x217: {  	v41 =	vor.u32 v39, v47;
	_ =	sdelay $0x3  }
0x218: {  	[tilespmem:v46+s12+$0x0] =	vst.idx.msk $0xffff, v36  }
0x219: {  	v49 =	vor.u32 v9, v37;
	v48 =	vor.u32 v26, v38;
	v36 =	vld.idx.msk [tilespmem:v41+s5+$0x0], $0xffff  }
0x21a: {  	v41 =	vor.u32 v39, v49;
	_ =	sdelay $0x3  }
0x21b: {  	[tilespmem:v48+s12+$0x0] =	vst.idx.msk $0xffff, v36  }
0x21c: {  	v51 =	vor.u32 v8, v37;
	v50 =	vor.u32 v27, v38;
	v36 =	vld.idx.msk [tilespmem:v41+s5+$0x0], $0xffff  }
0x21d: {  	v41 =	vor.u32 v39, v51;
	_ =	sdelay $0x3  }
0x21e: {  	[tilespmem:v50+s12+$0x0] =	vst.idx.msk $0xffff, v36  }
0x21f: {  	v53 =	vor.u32 v7, v37;
	v52 =	vor.u32 v29, v38;
	v36 =	vld.idx.msk [tilespmem:v41+s5+$0x0], $0xffff  }
0x220: {  	v41 =	vor.u32 v39, v53;
	_ =	sdelay $0x3  }
0x221: {  	[tilespmem:v52+s12+$0x0] =	vst.idx.msk $0xffff, v36  }
0x222: {  	v55 =	vor.u32 v6, v37;
	v54 =	vor.u32 v30, v38;
	v36 =	vld.idx.msk [tilespmem:v41+s5+$0x0], $0xffff  }
0x223: {  	v41 =	vor.u32 v39, v55;
	_ =	sdelay $0x3  }
0x224: {  	[tilespmem:v54+s12+$0x0] =	vst.idx.msk $0xffff, v36  }
0x225: {  	v57 =	vor.u32 v5, v37;
	v56 =	vor.u32 v31, v38;
	v36 =	vld.idx.msk [tilespmem:v41+s5+$0x0], $0xffff  }
0x226: {  	v41 =	vor.u32 v39, v57;
	_ =	sdelay $0x3  }
0x227: {  	[tilespmem:v56+s12+$0x0] =	vst.idx.msk $0xffff, v36  }
0x228: {  	v59 =	vor.u32 v4, v37;
	v58 =	vor.u32 v32, v38;
	v36 =	vld.idx.msk [tilespmem:v41+s5+$0x0], $0xffff  }
0x229: {  	v41 =	vor.u32 v39, v59;
	_ =	sdelay $0x3  }
0x22a: {  	[tilespmem:v58+s12+$0x0] =	vst.idx.msk $0xffff, v36  }
0x22b: {  	v61 =	vor.u32 v3, v37;
	v60 =	vor.u32 v34, v38;
	v36 =	vld.idx.msk [tilespmem:v41+s5+$0x0], $0xffff  }
0x22c: {  	v41 =	vor.u32 v39, v61;
	_ =	sdelay $0x3  }
0x22d: {  	[tilespmem:v60+s12+$0x0] =	vst.idx.msk $0xffff, v36  }
0x22e: {  	v63 =	vor.u32 v2, v37;
	v62 =	vor.u32 v35, v38;
	v40 =	vld.idx.msk [tilespmem:v41+s5+$0x0], $0xffff  }
0x22f: {  	v42 =	vor.u32 v39, v63;
	_ =	sdelay $0x2  }
0x230: {  	v36 =	vcombine.low v21, v22  }
0x231: {  	[tilespmem:v62+s12+$0x0] =	vst.idx.msk $0xffff, v40  }
0x232: {  	v37 =	vor.u32 v1, v37;
	v41 =	vld.idx.msk [tilespmem:v42+s5+$0x0], $0xffff;
	v42 =	vor.u32 v36, v38  }
0x233: {  	v40 =	vor.u32 v39, v37;
	_ =	sdelay $0x1  }
0x234: {  	s31 =	simm.s32 $0x2  }
0x235: {  	s25 =	sand.u32 $0x30, s31;
	s24 =	simm.s32 $0x4  }
.LBB2_13:
0x236: {  	p1 =	sne.s32 s24, $0x3E;
	v39 =	vmov s25;
	[tilespmem:v42+s12+$0x0] =	vst.idx.msk $0xffff, v41;
	v37 =	vcombine.low v23, v24;
	s23 =	sadd.s32 $0x10, s23  }
0x237: {  	s26 =	sand.u32 $0x70, s23;
	v39 =	vshll.u32 v39, $0x7;
	v41 =	vld.idx.msk [tilespmem:v40+s5+$0x0], $0xffff  }
0x238: {  	v40 =	vor.u32 s26, v0;
	v42 =	vor.u32 v28, v39;
	v38 =	vor.u32 v37, v38  }
0x239: {  	v42 =	vor.u32 v40, v42  }
0x23a: {  	s26 =	sshrl.u32 s26, $0x1  }
0x23b: {  	v43 =	vmov s26  }
0x23c: {  	v43 =	vshll.u32 v43, $0x7  }
0x23d: {  	v43 =	vor.u32 v33, v43;
	[tilespmem:v38+s12+$0x0] =	vst.idx.msk $0xffff, v41  }
0x23e: {  	v38 =	vor.u32 s25, v43;
	v41 =	vld.idx.msk [tilespmem:v42+s5+$0x0], $0xffff  }
0x23f: {  	v43 =	vor.u32 v25, v39;
	v42 =	vor.u32 v15, v38  }
0x240: {  	v43 =	vor.u32 v40, v43;
	_ =	sdelay $0x3  }
0x241: {  	[tilespmem:v42+s12+$0x0] =	vst.idx.msk $0xffff, v41  }
0x242: {  	v41 =	vld.idx.msk [tilespmem:v43+s5+$0x0], $0xffff  }
0x243: {  	v42 =	vor.u32 v16, v38;
	v43 =	vor.u32 v14, v39  }
0x244: {  	v43 =	vor.u32 v40, v43;
	_ =	sdelay $0x3  }
0x245: {  	[tilespmem:v42+s12+$0x0] =	vst.idx.msk $0xffff, v41  }
0x246: {  	v41 =	vld.idx.msk [tilespmem:v43+s5+$0x0], $0xffff  }
0x247: {  	v42 =	vor.u32 v17, v38;
	v43 =	vor.u32 v13, v39  }
0x248: {  	v43 =	vor.u32 v40, v43;
	_ =	sdelay $0x3  }
0x249: {  	[tilespmem:v42+s12+$0x0] =	vst.idx.msk $0xffff, v41  }
0x24a: {  	v41 =	vld.idx.msk [tilespmem:v43+s5+$0x0], $0xffff  }
0x24b: {  	v42 =	vor.u32 v18, v38;
	v43 =	vor.u32 v12, v39  }
0x24c: {  	v43 =	vor.u32 v40, v43;
	_ =	sdelay $0x3  }
0x24d: {  	[tilespmem:v42+s12+$0x0] =	vst.idx.msk $0xffff, v41  }
0x24e: {  	v41 =	vld.idx.msk [tilespmem:v43+s5+$0x0], $0xffff  }
0x24f: {  	v42 =	vor.u32 v19, v38;
	v43 =	vor.u32 v11, v39  }
0x250: {  	v43 =	vor.u32 v40, v43;
	_ =	sdelay $0x3  }
0x251: {  	[tilespmem:v42+s12+$0x0] =	vst.idx.msk $0xffff, v41  }
0x252: {  	v41 =	vld.idx.msk [tilespmem:v43+s5+$0x0], $0xffff  }
0x253: {  	v42 =	vor.u32 v20, v38;
	v43 =	vor.u32 v10, v39  }
0x254: {  	v43 =	vor.u32 v40, v43;
	_ =	sdelay $0x3  }
0x255: {  	[tilespmem:v42+s12+$0x0] =	vst.idx.msk $0xffff, v41  }
0x256: {  	v41 =	vld.idx.msk [tilespmem:v43+s5+$0x0], $0xffff  }
0x257: {  	v42 =	vor.u32 v26, v38;
	v43 =	vor.u32 v9, v39  }
0x258: {  	v43 =	vor.u32 v40, v43;
	_ =	sdelay $0x3  }
0x259: {  	[tilespmem:v42+s12+$0x0] =	vst.idx.msk $0xffff, v41  }
0x25a: {  	v41 =	vld.idx.msk [tilespmem:v43+s5+$0x0], $0xffff  }
0x25b: {  	v42 =	vor.u32 v27, v38;
	v43 =	vor.u32 v8, v39  }
0x25c: {  	v43 =	vor.u32 v40, v43;
	_ =	sdelay $0x3  }
0x25d: {  	[tilespmem:v42+s12+$0x0] =	vst.idx.msk $0xffff, v41  }
0x25e: {  	v41 =	vld.idx.msk [tilespmem:v43+s5+$0x0], $0xffff  }
0x25f: {  	v42 =	vor.u32 v29, v38;
	v43 =	vor.u32 v7, v39  }
0x260: {  	v43 =	vor.u32 v40, v43;
	_ =	sdelay $0x3  }
0x261: {  	[tilespmem:v42+s12+$0x0] =	vst.idx.msk $0xffff, v41  }
0x262: {  	v41 =	vld.idx.msk [tilespmem:v43+s5+$0x0], $0xffff  }
0x263: {  	v42 =	vor.u32 v30, v38;
	v43 =	vor.u32 v6, v39  }
0x264: {  	v43 =	vor.u32 v40, v43;
	_ =	sdelay $0x3  }
0x265: {  	[tilespmem:v42+s12+$0x0] =	vst.idx.msk $0xffff, v41  }
0x266: {  	v41 =	vld.idx.msk [tilespmem:v43+s5+$0x0], $0xffff  }
0x267: {  	v42 =	vor.u32 v31, v38;
	v43 =	vor.u32 v5, v39  }
0x268: {  	v43 =	vor.u32 v40, v43;
	_ =	sdelay $0x3  }
0x269: {  	[tilespmem:v42+s12+$0x0] =	vst.idx.msk $0xffff, v41  }
0x26a: {  	v41 =	vld.idx.msk [tilespmem:v43+s5+$0x0], $0xffff  }
0x26b: {  	v42 =	vor.u32 v32, v38;
	v43 =	vor.u32 v4, v39  }
0x26c: {  	v43 =	vor.u32 v40, v43;
	_ =	sdelay $0x3  }
0x26d: {  	[tilespmem:v42+s12+$0x0] =	vst.idx.msk $0xffff, v41  }
0x26e: {  	v41 =	vld.idx.msk [tilespmem:v43+s5+$0x0], $0xffff  }
0x26f: {  	v42 =	vor.u32 v34, v38;
	v43 =	vor.u32 v3, v39  }
0x270: {  	v43 =	vor.u32 v40, v43;
	_ =	sdelay $0x3  }
0x271: {  	[tilespmem:v42+s12+$0x0] =	vst.idx.msk $0xffff, v41  }
0x272: {  	v41 =	vld.idx.msk [tilespmem:v43+s5+$0x0], $0xffff  }
0x273: {  	v42 =	vor.u32 v35, v38;
	v43 =	vor.u32 v2, v39  }
0x274: {  	v43 =	vor.u32 v40, v43;
	_ =	sdelay $0x3  }
0x275: {  	[tilespmem:v42+s12+$0x0] =	vst.idx.msk $0xffff, v41  }
0x276: {  	v41 =	vld.idx.msk [tilespmem:v43+s5+$0x0], $0xffff  }
.Ltmp10:
0x277: {  	v39 =	vor.u32 v1, v39;
	v42 =	vor.u32 v36, v38;
	(pc) =	sbr.rel @p1 .LBB2_13-.Ltmp10, $2  }
0x278: {  	v40 =	vor.u32 v40, v39;
	_ =	sdelay $0x2  }
0x279: {  	s25 =	sand.u32 $0x30, s24;
	s24 =	sadd.s32 $0x2, s24  }
0x27a: {  	_ =	sdelay $0x2  }
0x27b: {  	v39 =	vmov s25;
	s23 =	sadd.s32 $0x10, s23  }
0x27c: {  	[tilespmem:v42+s12+$0x0] =	vst.idx.msk $0xffff, v41;
	s23 =	sand.u32 $0x70, s23;
	v39 =	vshll.u32 v39, $0x7  }
0x27d: {  	v38 =	vor.u32 v37, v38;
	v40 =	vld.idx.msk [tilespmem:v40+s5+$0x0], $0xffff;
	v41 =	vor.u32 s23, v0;
	v53 =	vor.u32 v28, v39  }
0x27e: {  	s23 =	sshrl.u32 s23, $0x1;
	v42 =	vor.u32 v41, v53  }
0x27f: {  	v43 =	vmov s23  }
0x280: {  	v43 =	vshll.u32 v43, $0x7  }
0x281: {  	v43 =	vor.u32 v33, v43  }
0x282: {  	[tilespmem:v38+s12+$0x0] =	vst.idx.msk $0xffff, v40;
	v38 =	vor.u32 s25, v43  }
0x283: {  	v55 =	vor.u32 v25, v39;
	v54 =	vor.u32 v15, v38;
	v40 =	vld.idx.msk [tilespmem:v42+s5+$0x0], $0xffff  }
0x284: {  	v43 =	vor.u32 v41, v55;
	_ =	sdelay $0x3  }
0x285: {  	[tilespmem:v54+s12+$0x0] =	vst.idx.msk $0xffff, v40  }
0x286: {  	v57 =	vor.u32 v14, v39;
	v56 =	vor.u32 v16, v38;
	v40 =	vld.idx.msk [tilespmem:v43+s5+$0x0], $0xffff  }
0x287: {  	v43 =	vor.u32 v41, v57;
	_ =	sdelay $0x3  }
0x288: {  	[tilespmem:v56+s12+$0x0] =	vst.idx.msk $0xffff, v40  }
0x289: {  	v59 =	vor.u32 v13, v39;
	v58 =	vor.u32 v17, v38;
	v40 =	vld.idx.msk [tilespmem:v43+s5+$0x0], $0xffff  }
0x28a: {  	v43 =	vor.u32 v41, v59;
	_ =	sdelay $0x3  }
0x28b: {  	[tilespmem:v58+s12+$0x0] =	vst.idx.msk $0xffff, v40  }
0x28c: {  	v61 =	vor.u32 v12, v39;
	v60 =	vor.u32 v18, v38;
	v40 =	vld.idx.msk [tilespmem:v43+s5+$0x0], $0xffff  }
0x28d: {  	v43 =	vor.u32 v41, v61;
	_ =	sdelay $0x3  }
0x28e: {  	[tilespmem:v60+s12+$0x0] =	vst.idx.msk $0xffff, v40  }
0x28f: {  	v63 =	vor.u32 v11, v39;
	v62 =	vor.u32 v19, v38;
	v40 =	vld.idx.msk [tilespmem:v43+s5+$0x0], $0xffff  }
0x290: {  	v43 =	vor.u32 v41, v63;
	_ =	sdelay $0x3  }
0x291: {  	[tilespmem:v62+s12+$0x0] =	vst.idx.msk $0xffff, v40  }
0x292: {  	v46 =	vor.u32 v10, v39;
	v45 =	vor.u32 v20, v38;
	v40 =	vld.idx.msk [tilespmem:v43+s5+$0x0], $0xffff  }
0x293: {  	v43 =	vor.u32 v41, v46;
	_ =	sdelay $0x3  }
0x294: {  	[tilespmem:v45+s12+$0x0] =	vst.idx.msk $0xffff, v40  }
0x295: {  	v48 =	vor.u32 v9, v39;
	v47 =	vor.u32 v26, v38;
	v40 =	vld.idx.msk [tilespmem:v43+s5+$0x0], $0xffff  }
0x296: {  	v43 =	vor.u32 v41, v48;
	_ =	sdelay $0x3  }
0x297: {  	[tilespmem:v47+s12+$0x0] =	vst.idx.msk $0xffff, v40  }
0x298: {  	v50 =	vor.u32 v8, v39;
	v49 =	vor.u32 v27, v38;
	v40 =	vld.idx.msk [tilespmem:v43+s5+$0x0], $0xffff  }
0x299: {  	v43 =	vor.u32 v41, v50;
	_ =	sdelay $0x3  }
0x29a: {  	[tilespmem:v49+s12+$0x0] =	vst.idx.msk $0xffff, v40  }
0x29b: {  	v52 =	vor.u32 v7, v39;
	v51 =	vor.u32 v29, v38;
	v40 =	vld.idx.msk [tilespmem:v43+s5+$0x0], $0xffff  }
0x29c: {  	v43 =	vor.u32 v41, v52;
	_ =	sdelay $0x3  }
0x29d: {  	[tilespmem:v51+s12+$0x0] =	vst.idx.msk $0xffff, v40  }
0x29e: {  	v53 =	vor.u32 v30, v38;
	v54 =	vor.u32 v6, v39;
	v40 =	vld.idx.msk [tilespmem:v43+s5+$0x0], $0xffff  }
0x29f: {  	v43 =	vor.u32 v41, v54;
	_ =	sdelay $0x3  }
0x2a0: {  	[tilespmem:v53+s12+$0x0] =	vst.idx.msk $0xffff, v40  }
0x2a1: {  	v55 =	vor.u32 v31, v38;
	v56 =	vor.u32 v5, v39;
	v40 =	vld.idx.msk [tilespmem:v43+s5+$0x0], $0xffff  }
0x2a2: {  	v43 =	vor.u32 v41, v56;
	_ =	sdelay $0x3  }
0x2a3: {  	[tilespmem:v55+s12+$0x0] =	vst.idx.msk $0xffff, v40  }
0x2a4: {  	v57 =	vor.u32 v32, v38;
	v58 =	vor.u32 v4, v39;
	v40 =	vld.idx.msk [tilespmem:v43+s5+$0x0], $0xffff  }
0x2a5: {  	v43 =	vor.u32 v41, v58;
	_ =	sdelay $0x3  }
0x2a6: {  	[tilespmem:v57+s12+$0x0] =	vst.idx.msk $0xffff, v40  }
0x2a7: {  	v59 =	vor.u32 v34, v38;
	v60 =	vor.u32 v3, v39;
	v40 =	vld.idx.msk [tilespmem:v43+s5+$0x0], $0xffff  }
0x2a8: {  	v43 =	vor.u32 v41, v60;
	_ =	sdelay $0x3  }
0x2a9: {  	[tilespmem:v59+s12+$0x0] =	vst.idx.msk $0xffff, v40  }
0x2aa: {  	v61 =	vor.u32 v35, v38;
	v62 =	vor.u32 v2, v39;
	v40 =	vld.idx.msk [tilespmem:v43+s5+$0x0], $0xffff  }
0x2ab: {  	v43 =	vor.u32 v41, v62;
	_ =	sdelay $0x3  }
0x2ac: {  	[tilespmem:v61+s12+$0x0] =	vst.idx.msk $0xffff, v40  }
0x2ad: {  	v36 =	vor.u32 v36, v38;
	v39 =	vor.u32 v1, v39;
	v40 =	vld.idx.msk [tilespmem:v43+s5+$0x0], $0xffff  }
0x2ae: {  	v39 =	vor.u32 v41, v39;
	_ =	sdelay $0x3  }
0x2af: {  	[tilespmem:v36+s12+$0x0] =	vst.idx.msk $0xffff, v40  }
0x2b0: {  	v63 =	vor.u32 v37, v38;
	v36 =	vld.idx.msk [tilespmem:v39+s5+$0x0], $0xffff;
	_ =	sdelay $0x1  }
.Ltmp11:
0x2b1: {  	_ = 	snop;
	(pc) =	sbr.rel .LBB2_15-.Ltmp11, $3  }
0x2b2: {  	_ =	sdelay $0x1  }
0x2b3: {  	[tilespmem:v63+s12+$0x0] =	vst.idx.msk $0xffff, v36  }
0x2b4: {  	[hbm4b:s10+s5] =	stream.linear.scatter [tilespmem:s12], [sflag:$0x3], $0x2000, $0x38;
	[tilespmem:$0x8000] =	vst v63  }
.LBB2_16:
0x2b5: {  	_ =	sfence.sel $0x180000  }
0x2b6: {  	[bflag:$0x0] =	sbarrier.arrive $0xFFFF  }
0x2b7: {  	p0 =	sne.s32 s4, $0x0;
	_ =	strace $0x90000047  }
0x2b8: {  	s0 =	sadd.s32 @!p0 $0x100000, s2;
	[bflag:$0x2] =	sbarrier.arrive $0xFFFF  }
0x2b9: {  	[sflag:s0] =	ssyncadd.tile.s32 @!p0 $0x1;
	_ =	shalt  }
.Lfunc_end2:
_tile_overlayer_lowered:
.L_overlay_start_2:
0x2ba: {  	(tag) =	ssettag $0x2  }
0x2bb: {  	s0 =	rddreg [dreg:$0x0];
	s2 =	stileid.u32  }
0x2bc: {  	s1 =	rddreg [dreg:$0x1];
	p0 =	sne.s32 s2, $0x0  }
0x2bd: {  	s3 =	rddreg [dreg:$0x2];
	[bflag:$0x3] =	sbarrier.arrive $0xFFFF;
	s2 =	simm.s32 @!p0 $0x1C05  }
0x2be: {  	[timem:s3], [sflag:s2] =	dma.local @!p0 [hbm:s0], s1  }
0x2bf: {  	s0 =	simm.s32 @!p0 $0x5  }
0x2c0: {  	_ =	swait.ge @!p0 [sflag:s0], s1  }
0x2c1: {  	s1 =	ssub.s32 @!p0 $0x0, s1;
	[sflag:s0] =	ssyncset.done @!p0 $0x0  }
0x2c2: {  	[sflag:s0] =	ssyncadd.s32 @!p0 s1  }
0x2c3: {  	[bflag:$0x3] =	sbarrier.arrive $0xFFFF  }
0x2c4: {  	_ =	shalt  }

// kernel: kernel.7.cloned.1.call-start
scs
__scs_entry_jumppad:
0x0: {  	(pc) =	sbr.rel $0x88, $3  }
0x1: {  	(tag) =	ssettag $0x0;
	lr =	simm.s32 $0x1  }
0x2: {  	[smem:$0x3F9F] =	sst lr;
	_ =	strace $0xD0000000  }
0x3: {  	_ = 	snop  }
0x4: {  	_ = 	snop  }
0x5: {  	_ = 	snop  }
0x6: {  	_ = 	snop  }
0x7: {  	_ = 	snop  }
__scs_overlays_trampoline_lowered:
0x8: {  	[smem:$0x3FAE] =	sst s0  }
0x9: {  	[smem:$0x3FAF] =	sst s1  }
0xa: {  	[smem:$0x3FB0] =	sst s2  }
0xb: {  	[smem:$0x3FB1] =	sst s3  }
0xc: {  	[smem:$0x3FB2] =	sst s4  }
0xd: {  	[smem:$0x3FB3] =	sst s5  }
0xe: {  	[smem:$0x3FB4] =	sst s6  }
0xf: {  	[smem:$0x3FB5] =	sst s7  }
0x10: {  	[smem:$0x3FB6] =	sst s8  }
0x11: {  	[smem:$0x3FB7] =	sst s9;
	s0 =	simm.s32 @!p0 $0x0  }
0x12: {  	s1 =	sld [smem:$0x3F9D];
	s0 =	simm.s32 @p0 $0x1  }
0x13: {  	[smem:$0x3FB8] =	sst s0;
	s0 =	simm.s32 @!p1 $0x0  }
0x14: {  	s2 =	sld [smem:$0x3F9C];
	s0 =	simm.s32 @p1 $0x1  }
0x15: {  	[smem:$0x3FB9] =	sst s0;
	s0 =	simm.s32 @!p2 $0x0  }
0x16: {  	s3 =	sld [smem:$0x3FDB];
	s0 =	simm.s32 @p2 $0x1  }
0x17: {  	s4 =	simm.s32 $0x1BF5;
	[smem:$0x3FBB] =	sst s0  }
0x18: {  	s0 =	sld [smem:$0x3F9E];
	_ =	swait.ge [sflag:s4], $0x0  }
0x19: {  	s7 =	sld [smem:$0x3F9F]  }
0x1a: {  	s8 =	sadd.s32 $0xFFFFE003, lr  }
0x1b: {  	s9 =	sadd.s32 $0xFFFFFEF7, lr;
	s5 =	simm.s32 $0xFFFFFFFF;
	p2 =	slt.u32 s8, $0xFFFFF086  }
0x1c: {  	p1 =	slt.u32 s9, $0xF7A;
	s5 =	simm.s32 @!p2 $0x0  }
0x1d: {  	s5 =	simm.s32 @p1 $0x1;
	p0 =	seq.s32 s7, s2  }
0x1e: {  	s7 =	smul.u32 @!p0 $0xF7A, s2;
	p2 =	seq.s32 @!p0 s5, $0x0  }
0x1f: {  	s9 =	smul.u32 $0xF7A, s1;
	s8 =	simm.s32 @!p0 $0x1BF5;
	p2 =	por !p2, p0  }
0x20: {  	[sflag:s8] =	ssyncset.s32 @!p0 $0xFFFFF086;
	s6 =	sadd.s32 @!p0 s3, s7;
	s7 =	simm.s32 @!p0 $0x108  }
0x21: {  	s3 =	sadd.s32 s3, s9;
	s6 =	sadd.s32 @!p0 $0x88, s6;
	s7 =	simm.s32 @p2 $0x1082  }
0x22: {  	[simem:s7], [sflag:s8] =	dma.local @!p0 [hbm:s6], $0xF7A  }
0x23: {  	s9 =	sor.u32 $0xD0000000, s2;
	s6 =	simm.s32 $0x108;
	_ =	swait.ge @!p0 [sflag:s8], $0x0  }
0x24: {  	s3 =	sadd.s32 $0x88, s3;
	s6 =	simm.s32 @!p1 $0x1082;
	[sflag:s4] =	ssyncset.s32 $0xFFFFF086  }
0x25: {  	[simem:s6], [sflag:s4] =	dma.local [hbm:s3], $0xF7A  }
0x26: {  	[smem:$0x3F9F] =	sst s1;
	(tag) =	ssettag s2;
	_ =	strace s9  }
0x27: {  	s1 =	sld [smem:$0x3FAF]  }
0x28: {  	s2 =	sld [smem:$0x3FB0]  }
0x29: {  	s4 =	sld [smem:$0x3FB2]  }
0x2a: {  	p0 =	seq.s32 s5, $0x0;
	s5 =	sld [smem:$0x3FB3]  }
0x2b: {  	s6 =	sld [smem:$0x3FB4]  }
0x2c: {  	s7 =	sld [smem:$0x3FB5]  }
0x2d: {  	s3 =	simm.s32 $0x108;
	s8 =	sld [smem:$0x3FB6]  }
0x2e: {  	s3 =	simm.s32 @!p0 $0x1082;
	s9 =	sld [smem:$0x3FB7]  }
0x2f: {  	lr =	sadd.s32 s0, s3;
	s0 =	sld [smem:$0x3FAE]  }
0x30: {  	s3 =	sld [smem:$0x3FB1]  }
0x31: {  	[smem:$0x3FBA] =	sst s10  }
0x32: {  	s10 =	sld [smem:$0x3FB8];
	_ =	sdelay $0x3  }
0x33: {  	p0 =	seq.s32 s10, $0x1;
	s10 =	sld [smem:$0x3FBA];
	_ =	sdelay $0x3  }
0x34: {  	[smem:$0x3FBA] =	sst s10  }
0x35: {  	s10 =	sld [smem:$0x3FB9];
	_ =	sdelay $0x3  }
0x36: {  	p1 =	seq.s32 s10, $0x1;
	s10 =	sld [smem:$0x3FBA];
	_ =	sdelay $0x3  }
0x37: {  	[smem:$0x3FBA] =	sst s10  }
0x38: {  	s10 =	sld [smem:$0x3FBB]  }
0x39: {  	_ = 	snop;
	(pc) =	sbr.ind lr, $3  }
0x3a: {  	_ = 	snop  }
0x3b: {  	_ = 	snop  }
0x3c: {  	p2 =	seq.s32 s10, $0x1;
	s10 =	sld [smem:$0x3FBA]  }
0x3d: {  	_ =	shalt  }
0x3e: {  	_ =	shalt  }
0x3f: {  	_ =	shalt  }
0x40: {  	_ =	shalt  }
0x41: {  	_ =	shalt  }
0x42: {  	_ =	shalt  }
0x43: {  	_ =	shalt  }
0x44: {  	_ =	shalt  }
0x45: {  	_ =	shalt  }
0x46: {  	_ =	shalt  }
0x47: {  	_ =	shalt  }
0x48: {  	_ =	shalt  }
0x49: {  	_ =	shalt  }
0x4a: {  	_ =	shalt  }
0x4b: {  	_ =	shalt  }
0x4c: {  	_ =	shalt  }
0x4d: {  	_ =	shalt  }
0x4e: {  	_ =	shalt  }
0x4f: {  	_ =	shalt  }
0x50: {  	_ =	shalt  }
0x51: {  	_ =	shalt  }
0x52: {  	_ =	shalt  }
0x53: {  	_ =	shalt  }
0x54: {  	_ =	shalt  }
0x55: {  	_ =	shalt  }
0x56: {  	_ =	shalt  }
0x57: {  	_ =	shalt  }
0x58: {  	_ =	shalt  }
0x59: {  	_ =	shalt  }
0x5a: {  	_ =	shalt  }
0x5b: {  	_ =	shalt  }
0x5c: {  	_ =	shalt  }
0x5d: {  	_ =	shalt  }
0x5e: {  	_ =	shalt  }
0x5f: {  	_ =	shalt  }
0x60: {  	_ =	shalt  }
0x61: {  	_ =	shalt  }
0x62: {  	_ =	shalt  }
0x63: {  	_ =	shalt  }
0x64: {  	_ =	shalt  }
0x65: {  	_ =	shalt  }
0x66: {  	_ =	shalt  }
0x67: {  	_ =	shalt  }
0x68: {  	_ =	shalt  }
0x69: {  	_ =	shalt  }
0x6a: {  	_ =	shalt  }
0x6b: {  	_ =	shalt  }
0x6c: {  	_ =	shalt  }
0x6d: {  	_ =	shalt  }
0x6e: {  	_ =	shalt  }
0x6f: {  	_ =	shalt  }
0x70: {  	_ =	shalt  }
0x71: {  	_ =	shalt  }
0x72: {  	_ =	shalt  }
0x73: {  	_ =	shalt  }
0x74: {  	_ =	shalt  }
0x75: {  	_ =	shalt  }
0x76: {  	_ =	shalt  }
0x77: {  	_ =	shalt  }
0x78: {  	_ =	shalt  }
0x79: {  	_ =	shalt  }
0x7a: {  	_ =	shalt  }
0x7b: {  	_ =	shalt  }
0x7c: {  	_ =	shalt  }
0x7d: {  	_ =	shalt  }
0x7e: {  	_ =	shalt  }
0x7f: {  	_ =	shalt  }
0x80: {  	_ =	shalt  }
0x81: {  	_ =	shalt  }
0x82: {  	_ =	shalt  }
0x83: {  	_ =	shalt  }
0x84: {  	_ =	shalt  }
0x85: {  	_ =	shalt  }
0x86: {  	_ =	shalt  }
0x87: {  	_ =	shalt  }
.Lfunc_end0:
.L_simem_size_0:
called_computation.1_lowered:
.L_overlay_start_0:
0x88: {  	s2 =	sld [smem:$0x3FD9]  }
0x89: {  	s3 =	sld [smem:$0x3FFE];
	_ =	sdelay $0x1  }
0x8a: {  	s1 =	srdreg.scid  }
0x8b: {  	s0 =	sand.u32 $0x1, s1  }
0x8c: {  	s18 =	sshll.u32 s0, $0xA;
	s2 =	sadd.s32 s3, s2  }
0x8d: {  	s3 =	sadd.s32 s2, s18  }
0x8e: {  	[smem:$0x3FC6] =	sst s3  }
0x8f: {  	_ = 	snop  }
0x90: {  	s3 =	sld [smem:$0x3FC9]  }
0x91: {  	s4 =	sld [smem:$0x3FD0];
	(tm) =	ssettm $0x1  }
0x92: {  	s5 =	sld [smem:$0x3FFB];
	_ =	sdelay $0x3  }
0x93: {  	_ =	strace s5  }
0x94: {  	s5 =	sld [smem:$0x3FFC];
	_ =	sdelay $0x3  }
0x95: {  	_ =	strace s5  }
0x96: {  	s5 =	sld [smem:$0x3FFD];
	_ =	sdelay $0x3  }
0x97: {  	_ =	strace s5  }
0x98: {  	_ =	strace $0x8FFFFFFF  }
0x99: {  	s19 =	sld [smem:$0x3FDB];
	_ =	sdelay $0x1  }
0x9a: {  	s6 =	simm.s32 $_scs_section_size  }
0x9b: {  	s7 =	simm.s32 $_size__tile_overlayer_lowered;
	s8 =	simm.s32 $_tile_overlayer_lowered  }
0x9c: {  	s22 =	simm.s32 $0x1BFF;
	s21 =	sshll.u32 s8, $0x1;
	s5 =	sadd.s32 s6, s19  }
0x9d: {  	s9 =	simm.s32 $0x0;
	s20 =	sshll.u32 s7, $0x1;
	s7 =	sadd.s32 s21, s5  }
0x9e: {  	[timem:s9], [sflag:s22] =	dma.local [hbm:s7], s20  }
0x9f: {  	_ =	swait.ge [sflag:s22], s20  }
0xa0: {  	s6 =	ssub.s32 $0x0, s20;
	[sflag:s22] =	ssyncset.done $0x0  }
0xa1: {  	[sflag:s22] =	ssyncadd.s32 s6;
	_ =	sdelay $0x1  }
0xa2: {  	s23 =	simm.s32 $0x1B8B  }
0xa3: {  	_ =	swait.ge [sflag:s23], $0x1  }
0xa4: {  	[sflag:s23] =	ssyncset.done $0x0  }
0xa5: {  	s25 =	simm.s32 $0x1B8E;
	s24 =	sld [smem:$0x3FFE];
	[sflag:s23] =	ssyncadd.s32 $0xFFFFFFFF  }
0xa6: {  	s26 =	simm.s32 $execute0_lowered;
	[smem:$0x3FD2] =	sst s25  }
0xa7: {  	s7 =	sshll.u32 s26, $0x1;
	_ =	strace $0x80000049;
	[dreg:$0x1] =	wrdreg $0xFFFFFFFF  }
0xa8: {  	s28 =	simm.s32 $_size_execute0_lowered;
	s5 =	sadd.s32 s5, s7;
	[dreg:$0x0] =	wrdreg $0x0  }
0xa9: {  	s7 =	sshll.u32 s28, $0x1;
	[dreg:$0x2] =	wrdreg s5  }
0xaa: {  	[dreg:$0x3] =	wrdreg s7  }
0xab: {  	[dreg:$0x4] =	wrdreg $0xC0  }
0xac: {  	_ =	task [dreg:s9], $0x5FFFF  }
0xad: {  	[dreg:$0x1] =	wrdreg $0xFFFFFFFF  }
0xae: {  	[dreg:$0x0] =	wrdreg $0x60  }
0xaf: {  	[dreg:$0x2] =	wrdreg s24  }
0xb0: {  	[dreg:$0x3] =	wrdreg s3  }
0xb1: {  	s2 =	sadd.s32 $0x800, s2;
	[dreg:$0x4] =	wrdreg s4  }
0xb2: {  	[dreg:$0x5] =	wrdreg s2  }
0xb3: {  	[dreg:$0x6] =	wrdreg $0x9  }
0xb4: {  	_ =	task.clear_ibuf [dreg:s9], $0x7FFFF;
	_ =	strace $0x90000049  }
0xb5: {  	s29 =	simm.s32 $0x9;
	_ =	strace $0x8000004B  }
0xb6: {  	_ =	swait.ge [sflag:s29], $0x1  }
0xb7: {  	[sflag:s29] =	ssyncadd.s32 $0xFFFFFFFF  }
0xb8: {  	_ =	strace $0x9000004B  }
0xb9: {  	_ =	sfence  }
0xba: {  	s30 =	sld [smem:$0x0];
	_ =	sdelay $0x2  }
0xbb: {  	s31 =	sshll.u32 s1, $0xD;
	s1 =	sshrl.u32 s1, $0x2  }
0xbc: {  	s3 =	sand.u32 $0x4000, s31;
	s1 =	sadd.s32 s1, s30  }
0xbd: {  	s0 =	sor.u32 s3, s0;
	s1 =	sshll.u32 s1, $0x11  }
0xbe: {  	s0 =	sor.u32 s1, s0  }
0xbf: {  	s0 =	sadd.s32 $0x8F2B, s0  }
0xc0: {  	[sflag:s0] =	ssyncadd.remote.s32 $0x1  }
0xc1: {  	_ =	sfence.sel $0xFFFF  }
0xc2: {  	[dreg:$0x0] =	wrdreg $0xFFFFFFFF;
	(pc) =	sbr.abs _section_cstart, $3  }
0xc3: {  	[dreg:$0x1] =	wrdreg $0xFFFFFFFF  }
0xc4: {  	_ =	task.clear_ibuf [dreg:s9], $0x2FFFF;
	_ =	strace $0x9FFFFFFF  }
0xc5: {  	(tm) =	ssettm $0x7FFFFFFF  }
tec
execute0_lowered:
.L_overlay_start_1:
0x0: {  	(tag) =	ssettag $0x1  }
0x1: {  	v0 =	vimm.s32 $0x700;
	vm10 =	vcmask $0x300  }
0x2: {  	vm9 =	vcmask $0x704;
	vm7 =	vcmask $0xB08;
	vm6 =	vcmask $0xF0C  }
0x3: {  	vm5 =	vcmask $0x1310;
	vm3 =	vcmask $0x1714;
	vm1 =	vcmask $0x1B18  }
0x4: {  	vm2 =	vcmask $0x1F1C;
	vm0 =	vcmask $0x2320;
	v2 =	vimm.s32 $0x680  }
0x5: {  	v3 =	vimm.s32 $0x600;
	vm4 =	vcmask $0x2724;
	vm8 =	vcmask $0x2B28  }
0x6: {  	vm11 =	vcmask $0x2F2C;
	vm12 =	vcmask $0x3330;
	vm13 =	vcmask $0x3734  }
0x7: {  	vm14 =	vcmask $0x3B38;
	v4 =	vimm.s32 $0x580;
	v5 =	vimm.s32 $0x500  }
0x8: {  	v6 =	vimm.s32 $0x480;
	v7 =	vimm.s32 $0x400;
	v8 =	vimm.s32 $0x380  }
0x9: {  	v9 =	vimm.s32 $0x300;
	v10 =	vimm.s32 $0x280;
	v11 =	vimm.s32 $0x200  }
0xa: {  	v12 =	vimm.s32 $0x180;
	v13 =	vimm.s32 $0x100;
	v14 =	vimm.s32 $0x80  }
0xb: {  	v15 =	vimm.s32 $0x0;
	v16 =	vimm.s32 $0xFEDCBA9;
	v18 =	vimm.s32 $0x87654321  }
0xc: {  	v19 =	vimm.s32 $0x98765432;
	v20 =	vimm.s32 $0x210FEDCB;
	v21 =	vimm.s32 $0xA9876543  }
0xd: {  	v31 =	vimm.s32 $0xCBA98765;
	v51 =	vimm.s32 $0xDCBA9876;
	v33 =	vimm.s32 $0x6543210F  }
0xe: {  	v34 =	vimm.s32 $0xEDCBA987;
	v35 =	vimm.s32 $0xFEDCBA98;
	v36 =	vimm.s32 $0x76543210  }
0xf: {  	v0 =	vsel vm10, $0x780, v0;
	v2 =	vsel vm10, $0x700, v2;
	v3 =	vsel vm10, $0x680, v3  }
0x10: {  	v4 =	vsel vm10, $0x600, v4;
	v5 =	vsel vm10, $0x580, v5;
	v6 =	vsel vm10, $0x500, v6  }
0x11: {  	v7 =	vsel vm10, $0x480, v7;
	v8 =	vsel vm10, $0x400, v8;
	v9 =	vsel vm10, $0x380, v9  }
0x12: {  	v10 =	vsel vm10, $0x300, v10;
	v11 =	vsel vm10, $0x280, v11;
	v12 =	vsel vm10, $0x200, v12  }
0x13: {  	v13 =	vsel vm10, $0x180, v13;
	v14 =	vsel vm10, $0x100, v14;
	v15 =	vsel vm10, $0x80, v15  }
0x14: {  	v17 =	vunpack.c.l.s4.s8 v16;
	v19 =	vunpack.c.l.s4.s8 v19;
	v20 =	vunpack.c.l.s4.s8 v20  }
0x15: {  	v33 =	vunpack.c.l.s4.s8 v33;
	v34 =	vunpack.c.l.s4.s8 v34;
	v35 =	vunpack.c.l.s4.s8 v35  }
0x16: {  	v54 =	vunpack.c.l.s4.s8 v36;
	v0 =	vsel vm9, $0x0, v0;
	v2 =	vsel vm9, $0x780, v2  }
0x17: {  	v3 =	vsel vm9, $0x700, v3;
	v4 =	vsel vm9, $0x680, v4;
	v5 =	vsel vm9, $0x600, v5  }
0x18: {  	v6 =	vsel vm9, $0x580, v6;
	v7 =	vsel vm9, $0x500, v7;
	v8 =	vsel vm9, $0x480, v8  }
0x19: {  	v9 =	vsel vm9, $0x400, v9;
	v10 =	vsel vm9, $0x380, v10;
	v11 =	vsel vm9, $0x300, v11  }
0x1a: {  	v12 =	vsel vm9, $0x280, v12;
	v13 =	vsel vm9, $0x200, v13;
	v14 =	vsel vm9, $0x180, v14  }
0x1b: {  	v15 =	vsel vm9, $0x100, v15;
	v0 =	vsel vm7, $0x80, v0;
	v2 =	vsel vm7, $0x0, v2  }
0x1c: {  	v3 =	vsel vm7, $0x780, v3;
	v4 =	vsel vm7, $0x700, v4;
	v5 =	vsel vm7, $0x680, v5  }
0x1d: {  	v6 =	vsel vm7, $0x600, v6;
	v7 =	vsel vm7, $0x580, v7;
	v8 =	vsel vm7, $0x500, v8  }
0x1e: {  	v9 =	vsel vm7, $0x480, v9;
	v10 =	vsel vm7, $0x400, v10;
	v11 =	vsel vm7, $0x380, v11  }
0x1f: {  	v12 =	vsel vm7, $0x300, v12;
	v13 =	vsel vm7, $0x280, v13;
	v14 =	vsel vm7, $0x200, v14  }
0x20: {  	v15 =	vsel vm7, $0x180, v15;
	v23 =	vunpack.c.0.s8.s32 v17;
	v17 =	vunpack.c.l.s4.s8 v18  }
0x21: {  	v18 =	vimm.s32 $0x10FEDCBA;
	v26 =	vunpack.c.0.s8.s32 v19;
	v27 =	vunpack.c.0.s8.s32 v20  }
0x22: {  	v33 =	vunpack.c.0.s8.s32 v33;
	v34 =	vunpack.c.0.s8.s32 v34;
	v35 =	vunpack.c.0.s8.s32 v35  }
0x23: {  	v0 =	vsel vm6, $0x100, v0;
	v2 =	vsel vm6, $0x80, v2;
	v3 =	vsel vm6, $0x0, v3  }
0x24: {  	v4 =	vsel vm6, $0x780, v4;
	v5 =	vsel vm6, $0x700, v5;
	v6 =	vsel vm6, $0x680, v6  }
0x25: {  	v7 =	vsel vm6, $0x600, v7;
	v8 =	vsel vm6, $0x580, v8;
	v9 =	vsel vm6, $0x500, v9  }
0x26: {  	v10 =	vsel vm6, $0x480, v10;
	v11 =	vsel vm6, $0x400, v11;
	v12 =	vsel vm6, $0x380, v12  }
0x27: {  	v13 =	vsel vm6, $0x300, v13;
	v14 =	vsel vm6, $0x280, v14;
	v15 =	vsel vm6, $0x200, v15  }
0x28: {  	v18 =	vunpack.c.l.s4.s8 v18;
	v0 =	vsel vm5, $0x180, v0;
	v2 =	vsel vm5, $0x100, v2  }
0x29: {  	v3 =	vsel vm5, $0x80, v3;
	v4 =	vsel vm5, $0x0, v4;
	v5 =	vsel vm5, $0x780, v5  }
0x2a: {  	v6 =	vsel vm5, $0x700, v6;
	v7 =	vsel vm5, $0x680, v7;
	v8 =	vsel vm5, $0x600, v8  }
0x2b: {  	v9 =	vsel vm5, $0x580, v9;
	v10 =	vsel vm5, $0x500, v10;
	v11 =	vsel vm5, $0x480, v11  }
0x2c: {  	v12 =	vsel vm5, $0x400, v12;
	v13 =	vsel vm5, $0x380, v13;
	v14 =	vsel vm5, $0x300, v14  }
0x2d: {  	v15 =	vsel vm5, $0x280, v15;
	v24 =	vunpack.c.0.s8.s32 v17;
	v17 =	vunpack.c.l.s4.s8 v21  }
0x2e: {  	v39 =	vcombine.low v34, v33;
	v35 =	vand.u32 $0xF, v35;
	v48 =	vcombine.low v33, v34  }
0x2f: {  	v1 =	vsel vm3, $0x200, v0;
	v2 =	vsel vm3, $0x180, v2;
	v3 =	vsel vm3, $0x100, v3  }
0x30: {  	v4 =	vsel vm3, $0x80, v4;
	v5 =	vsel vm3, $0x0, v5;
	v6 =	vsel vm3, $0x780, v6  }
0x31: {  	v7 =	vsel vm3, $0x700, v7;
	v8 =	vsel vm3, $0x680, v8;
	v9 =	vsel vm3, $0x600, v9  }
0x32: {  	v10 =	vsel vm3, $0x580, v10;
	v11 =	vsel vm3, $0x500, v11;
	v12 =	vsel vm3, $0x480, v12  }
0x33: {  	v13 =	vsel vm3, $0x400, v13;
	v14 =	vsel vm3, $0x380, v14;
	v15 =	vsel vm3, $0x300, v15  }
0x34: {  	v25 =	vunpack.c.0.s8.s32 v18;
	v18 =	vimm.s32 $0x3210FEDC;
	v1 =	vsel vm1, $0x280, v1  }
0x35: {  	v2 =	vsel vm1, $0x200, v2;
	v3 =	vsel vm1, $0x180, v3;
	v4 =	vsel vm1, $0x100, v4  }
0x36: {  	v5 =	vsel vm1, $0x80, v5;
	v6 =	vsel vm1, $0x0, v6;
	v7 =	vsel vm1, $0x780, v7  }
0x37: {  	v8 =	vsel vm1, $0x700, v8;
	v9 =	vsel vm1, $0x680, v9;
	v10 =	vsel vm1, $0x600, v10  }
0x38: {  	v11 =	vsel vm1, $0x580, v11;
	v12 =	vsel vm1, $0x500, v12;
	v13 =	vsel vm1, $0x480, v13  }
0x39: {  	v14 =	vsel vm1, $0x400, v14;
	v15 =	vsel vm1, $0x380, v15;
	v28 =	vunpack.c.0.s8.s32 v17  }
0x3a: {  	v17 =	vunpack.c.l.s4.s8 v18;
	v18 =	vimm.s32 $0xBA987654;
	v19 =	vcombine.low v24, v23  }
0x3b: {  	v23 =	vcombine.low v23, v24;
	v1 =	vsel vm2, $0x300, v1;
	v2 =	vsel vm2, $0x280, v2  }
0x3c: {  	v3 =	vsel vm2, $0x200, v3;
	v4 =	vsel vm2, $0x180, v4;
	v5 =	vsel vm2, $0x100, v5  }
0x3d: {  	v6 =	vsel vm2, $0x80, v6;
	v7 =	vsel vm2, $0x0, v7;
	v8 =	vsel vm2, $0x780, v8  }
0x3e: {  	v9 =	vsel vm2, $0x700, v9;
	v10 =	vsel vm2, $0x680, v10;
	v11 =	vsel vm2, $0x600, v11  }
0x3f: {  	v12 =	vsel vm2, $0x580, v12;
	v13 =	vsel vm2, $0x500, v13;
	v14 =	vsel vm2, $0x480, v14  }
0x40: {  	v15 =	vsel vm2, $0x400, v15;
	v20 =	vcombine.low v26, v25;
	v18 =	vunpack.c.l.s4.s8 v18  }
0x41: {  	v26 =	vcombine.low v25, v26;
	v1 =	vsel vm0, $0x380, v1;
	v2 =	vsel vm0, $0x300, v2  }
0x42: {  	v3 =	vsel vm0, $0x280, v3;
	v4 =	vsel vm0, $0x200, v4;
	v5 =	vsel vm0, $0x180, v5  }
0x43: {  	v6 =	vsel vm0, $0x100, v6;
	v7 =	vsel vm0, $0x80, v7;
	v8 =	vsel vm0, $0x0, v8  }
0x44: {  	v9 =	vsel vm0, $0x780, v9;
	v10 =	vsel vm0, $0x700, v10;
	v11 =	vsel vm0, $0x680, v11  }
0x45: {  	v12 =	vsel vm0, $0x600, v12;
	v13 =	vsel vm0, $0x580, v13;
	v14 =	vsel vm0, $0x500, v14  }
0x46: {  	v15 =	vsel vm0, $0x480, v15;
	v38 =	vcombine.low v28, v27;
	v29 =	vunpack.c.0.s8.s32 v17  }
0x47: {  	v17 =	vimm.s32 $0x43210FED;
	v27 =	vcombine.low v27, v28;
	v1 =	vsel vm4, $0x400, v1  }
0x48: {  	v2 =	vsel vm4, $0x380, v2;
	v3 =	vsel vm4, $0x300, v3;
	v4 =	vsel vm4, $0x280, v4  }
0x49: {  	v5 =	vsel vm4, $0x200, v5;
	v6 =	vsel vm4, $0x180, v6;
	v7 =	vsel vm4, $0x100, v7  }
0x4a: {  	v8 =	vsel vm4, $0x80, v8;
	v9 =	vsel vm4, $0x0, v9;
	v10 =	vsel vm4, $0x780, v10  }
0x4b: {  	v11 =	vsel vm4, $0x700, v11;
	v12 =	vsel vm4, $0x680, v12;
	v13 =	vsel vm4, $0x600, v13  }
0x4c: {  	v14 =	vsel vm4, $0x580, v14;
	v15 =	vsel vm4, $0x500, v15;
	v30 =	vunpack.c.0.s8.s32 v18  }
0x4d: {  	v22 =	vunpack.c.l.s4.s8 v17;
	v41 =	vand.u32 $0xF, v20;
	v20 =	vunpack.c.l.s4.s8 v31  }
0x4e: {  	v1 =	vsel vm8, $0x480, v1;
	v2 =	vsel vm8, $0x400, v2;
	v3 =	vsel vm8, $0x380, v3  }
0x4f: {  	v4 =	vsel vm8, $0x300, v4;
	v5 =	vsel vm8, $0x280, v5;
	v6 =	vsel vm8, $0x200, v6  }
0x50: {  	v7 =	vsel vm8, $0x180, v7;
	v8 =	vsel vm8, $0x100, v8;
	v9 =	vsel vm8, $0x80, v9  }
0x51: {  	v10 =	vsel vm8, $0x0, v10;
	v11 =	vsel vm8, $0x780, v11;
	v12 =	vsel vm8, $0x700, v12  }
0x52: {  	v13 =	vsel vm8, $0x680, v13;
	v14 =	vsel vm8, $0x600, v14;
	v15 =	vsel vm8, $0x580, v15  }
0x53: {  	v45 =	vand.u32 $0xF, v38;
	v1 =	vsel vm11, $0x500, v1;
	v2 =	vsel vm11, $0x480, v2  }
0x54: {  	v3 =	vsel vm11, $0x400, v3;
	v4 =	vsel vm11, $0x380, v4;
	v5 =	vsel vm11, $0x300, v5  }
0x55: {  	v6 =	vsel vm11, $0x280, v6;
	v7 =	vsel vm11, $0x200, v7;
	v8 =	vsel vm11, $0x180, v8  }
0x56: {  	v9 =	vsel vm11, $0x100, v9;
	v10 =	vsel vm11, $0x80, v10;
	v11 =	vsel vm11, $0x0, v11  }
0x57: {  	v12 =	vsel vm11, $0x780, v12;
	v13 =	vsel vm11, $0x700, v13;
	v14 =	vsel vm11, $0x680, v14  }
0x58: {  	v15 =	vsel vm11, $0x600, v15;
	v40 =	vcombine.low v30, v29;
	v42 =	vunpack.c.0.s8.s32 v22  }
0x59: {  	v32 =	vunpack.c.0.s8.s32 v20;
	v20 =	vimm.s32 $0x543210FE;
	v22 =	vunpack.c.l.s4.s8 v51  }
0x5a: {  	v51 =	vand.u32 $0xF, v23;
	v1 =	vsel vm12, $0x580, v1;
	v2 =	vsel vm12, $0x500, v2  }
0x5b: {  	v3 =	vsel vm12, $0x480, v3;
	v4 =	vsel vm12, $0x400, v4;
	v5 =	vsel vm12, $0x380, v5  }
0x5c: {  	v6 =	vsel vm12, $0x300, v6;
	v7 =	vsel vm12, $0x280, v7;
	v8 =	vsel vm12, $0x200, v8  }
0x5d: {  	v9 =	vsel vm12, $0x180, v9;
	v10 =	vsel vm12, $0x100, v10;
	v11 =	vsel vm12, $0x80, v11  }
0x5e: {  	v12 =	vsel vm12, $0x0, v12;
	v13 =	vsel vm12, $0x780, v13;
	v14 =	vsel vm12, $0x700, v14  }
0x5f: {  	s2 =	rddreg [dreg:$0x0];
	v15 =	vsel vm12, $0x680, v15;
	v20 =	vunpack.c.l.s4.s8 v20;
	v1 =	vsel vm13, $0x600, v1  }
0x60: {  	s0 =	rddreg [dreg:$0x1];
	s4 =	simm.s32 $0x0;
	v2 =	vsel vm13, $0x580, v2;
	v3 =	vsel vm13, $0x500, v3;
	v4 =	vsel vm13, $0x480, v4  }
0x61: {  	[smem:$0x7FF] =	sst s4;
	v5 =	vsel vm13, $0x400, v5;
	v6 =	vsel vm13, $0x380, v6;
	v12 =	vsel vm13, $0x80, v12  }
0x62: {  	s1 =	rddreg [dreg:$0x2];
	_ =	strace $0x8000004A;
	[tilespmem:$0x1FF10] =	vst v41;
	v7 =	vsel vm13, $0x300, v7;
	v9 =	vsel vm13, $0x200, v9;
	v53 =	vsel vm14, $0x100, v12  }
0x63: {  	v8 =	vsel vm13, $0x280, v8;
	v10 =	vsel vm13, $0x180, v10;
	v59 =	vsel vm14, $0x280, v9;
	[tilespmem:$0x1FF20] =	vst v53  }
0x64: {  	v11 =	vsel vm13, $0x100, v11;
	v13 =	vsel vm13, $0x0, v13;
	v63 =	vsel vm14, $0x580, v3;
	[tilespmem:$0x1FF40] =	vst v59  }
0x65: {  	v14 =	vsel vm13, $0x780, v14;
	v15 =	vsel vm13, $0x700, v15;
	v61 =	vsel vm14, $0x500, v4;
	[tilespmem:$0x1FF90] =	vst v63  }
0x66: {  	v38 =	vunpack.c.0.s8.s32 v22;
	v47 =	vand.u32 $0xF, v40;
	v58 =	vsel vm14, $0x480, v5;
	[tilespmem:$0x1FFA0] =	vst v61  }
0x67: {  	v56 =	vcombine.low v32, v42;
	v22 =	vunpack.c.0.s8.s32 v54;
	v46 =	vsel vm14, $0x680, v1;
	[tilespmem:$0x1FFB0] =	vst v58  }
0x68: {  	s5 =	srdreg.scid;
	s3 =	stileid.u32;
	s10 =	simm.s32 $0xAC00;
	v40 =	vcombine.low v42, v32;
	v0 =	vsel vm14, $0x600, v2;
	v6 =	vsel vm14, $0x400, v6;
	[tilespmem:$0x1FFC0] =	vst v46  }
0x69: {  	s11 =	simm.s32 $0x5;
	s12 =	simm.s32 $0x80;
	s13 =	simm.s32 $0x400;
	v7 =	vsel vm14, $0x380, v7;
	v60 =	vsel vm14, $0x300, v8;
	v55 =	vsel vm14, $0x200, v10;
	[tilespmem:$0x1FFE0] =	vst v6  }
0x6a: {  	s14 =	simm.s32 $0xC00;
	s15 =	simm.s32 $0x480;
	s16 =	simm.s32 $0x4C00;
	v37 =	vunpack.c.0.s8.s32 v20;
	v50 =	vand.u32 $0xF, v56;
	v17 =	vand.u32 $0xF, v40;
	[tilespmem:$0x1FFF0] =	vst v7  }
0x6b: {  	s17 =	simm.s32 $0x1;
	s18 =	simm.s32 $0x3;
	s19 =	simm.s32 $0x8000;
	v56 =	vand.u32 $0xF, v39;
	v39 =	vcombine.low v29, v30;
	v10 =	vmovc v0;
	v0 =	vand.u32 $0xF, v48;
	[tilespmem:$0x1FF70] =	vst v17  }
.Ltmp0:
0x6c: {  	s20 =	simm.s32 $0x2;
	s5 =	sand.u32 $0x1, s5;
	v52 =	vsel vm14, $0x180, v11;
	v11 =	vlaneseq.u32;
	v57 =	vcombine.low v38, v37;
	[tilespmem:$0x1FF50] =	vst v0;
	(pc) =	sbr.rel .LBB2_1-.Ltmp0, $4  }
0x6d: {  	s21 =	simm.s32 $0x4;
	s22 =	simm.s32 $0x0;
	s7 =	ssub.s32 $0x2, s5;
	v49 =	vsel vm14, $0x80, v13;
	v42 =	vcombine.low v37, v38;
	v5 =	vand.u32 $0xF, v39;
	[tilespmem:$0x1FFD0] =	vst v10  }
0x6e: {  	s25 =	simm.s32 $0x0;
	s9 =	sshll.u32 s3, $0xB;
	s8 =	sshrl.u32 s7, $0x1;
	v44 =	vsel vm14, $0x0, v14;
	v9 =	vsel vm14, $0x780, v15;
	v54 =	vand.u32 $0xF, v57;
	[tilespmem:$0x1FF60] =	vst v5  }
0x6f: {  	s6 =	sadd.s32 $0x800, s2;
	s5 =	sshll.u32 s5, $0xA;
	s31 =	ssub.s32 s7, s8;
	v8 =	vand.u32 $0xF, v19;
	v13 =	vand.u32 $0xF, v27;
	v18 =	vand.u32 $0xF, v42;
	[tilespmem:$0x1FF30] =	vst v54  }
0x70: {  	s7 =	sor.u32 s5, s9;
	s9 =	simm.s32 $0x8C00;
	s8 =	smax.u32 s31, $0x1;
	v43 =	vmul.u32 $0x80, v11;
	v62 =	vcombine.low v35, v22;
	v57 =	vand.u32 $0xF, v26;
	[tilespmem:$0x1FF80] =	vst v18  }
.LBB2_12:
0x71: {  	s22 =	sadd.s32 $0x1, s22  }
0x72: {  	_ =	swait.ge [sflag:s18], $0x2000;
	p0 =	sne.s32 s22, s8  }
.Ltmp1:
0x73: {  	[sflag:s18] =	ssyncset.done $0x0;
	(pc) =	sbr.rel @!p0 .LBB2_13-.Ltmp1, $4  }
0x74: {  	[sflag:s18] =	ssyncadd.s32 $0xFFFFE000  }
0x75: {  	_ =	swait.ge [sflag:s21], $0x2000  }
0x76: {  	[sflag:s21] =	ssyncset.done $0x0  }
0x77: {  	[sflag:s21] =	ssyncadd.s32 $0xFFFFE000  }
.LBB2_1:
.Ltmp2:
0x78: {  	(pc) =	sbr.rel .LBB2_2-.Ltmp2, $4  }
0x79: {  	s2 =	rddreg [dreg:$0x3]  }
0x7a: {  	[hbm4b:s2+s4] =	stream.linear.scatter [tilespmem:s9], [sflag:$0x3], $0x2000, $0x38;
	[tilespmem:$0xCC00] =	vst v63  }
0x7b: {  	s23 =	simm.s32 $0x0  }
0x7c: {  	[hbm4b:s2+s4] =	stream.linear.scatter [tilespmem:s10], [sflag:$0x4], $0x2000, $0x38;
	[tilespmem:$0xCC00] =	vst v63  }
.LBB2_11:
0x7d: {  	s23 =	sadd.s32 $0x1, s23  }
0x7e: {  	p0 =	sne.s32 s23, $0x19  }
.Ltmp3:
0x7f: {  	_ = 	snop;
	(pc) =	sbr.rel @!p0 .LBB2_12-.Ltmp3, $1  }
0x80: {  	_ =	sdelay $0x3  }
.LBB2_2:
0x81: {  	s2 =	sshll.u32 s23, $0xF  }
0x82: {  	s2 =	sor.u32 s7, s2  }
0x83: {  	s2 =	sshrl.u32 s2, $0x3  }
0x84: {  	s5 =	simm.s32 $0x0;
	s2 =	sadd.s32 s0, s2  }
0x85: {  	[tilespmem:s5], [sflag:$0x5] =	stream.linear.gather [hbm4b:s2+s5], $0x400, $0x38;
	[tilespmem:$0xCC00] =	vst v63  }
0x86: {  	_ =	swait.ge [sflag:s11], $0x400  }
0x87: {  	[sflag:s11] =	ssyncset.done $0x0  }
0x88: {  	s2 =	simm.s32 $0x0;
	[sflag:s11] =	ssyncadd.s32 $0xFFFFFC00  }
0x89: {  	v32 =	vld [tilespmem:s2+$0x0]  }
0x8a: {  	s24 =	simm.s32 $0x40  }
.LBB2_3:
0x8b: {  	p0 =	sne.s32 s24, $0xFC0  }
.Ltmp4:
0x8c: {  	_ = 	snop;
	(pc) =	sbr.rel @p0 .LBB2_3-.Ltmp4, $4  }
0x8d: {  	_ = 	snop  }
0x8e: {  	s5 =	sshra.s32 s24, $0x2;
	s24 =	sadd.s32 $0x40, s24;
	v33 =	vshrl.u32 v32, $0x1;
	v34 =	vshll.u32 v32, $0x6  }
0x8f: {  	v32 =	vld [tilespmem:s5+$0x0];
	[tilespmem:s2+$0x400] =	vst v33;
	v33 =	vand.u32 $0x40, v34  }
0x90: {  	[tilespmem:s2+$0x800] =	vst v33;
	s2 =	smov.u32 s5  }
0x91: {  	_ =	sdelay $0x2  }
0x92: {  	v33 =	vshrl.u32 v32, $0x1;
	v48 =	vshll.u32 v32, $0x6  }
0x93: {  	[tilespmem:s2+$0x400] =	vst v33;
	v32 =	vand.u32 $0x40, v48  }
0x94: {  	[tilespmem:s2+$0x800] =	vst v32  }
0x95: {  	[tilespmem:s14], [sflag:$0x1] =	stream.indirect.gather [hbm4b:s6+s12], $0x80, s13, s12, $0xb8;
	[tilespmem:$0xCC00] =	vst v63  }
0x96: {  	s24 =	sshll.u32 s23, $0x3;
	s26 =	simm.s32 $0x0  }
0x97: {  	[tilespmem:s16], [sflag:$0x2] =	stream.indirect.gather [hbm4b:s6+s12], $0x80, s15, s12, $0xb8;
	[tilespmem:$0xCC00] =	vst v63  }
.LBB2_5:
0x98: {  	s29 =	sshll.u32 s26, $0xA  }
0x99: {  	s28 =	sshrl.u32 s29, $0x2  }
0x9a: {  	_ =	swait.ge [sflag:s17], $0x4000;
	s2 =	sadd.s32 $0x800, s28  }
0x9b: {  	[sflag:s17] =	ssyncset.done $0x0;
	v1 =	vmov s2  }
0x9c: {  	[sflag:s17] =	ssyncadd.s32 $0xFFFFC000  }
0x9d: {  	_ =	swait.ge [sflag:s18], $0x2000  }
0x9e: {  	[sflag:s18] =	ssyncset.done $0x0  }
0x9f: {  	s3 =	sand.u32 $0x70, s25;
	[sflag:s18] =	ssyncadd.s32 $0xFFFFE000  }
0xa0: {  	v33 =	vld.idx.msk [tilespmem:v1+s3+$0x0 ss:$0x1], $0xffff;
	_ =	sdelay $0x3  }
0xa1: {  	s5 =	sand.u32 $0x30, s25  }
0xa2: {  	v36 =	vadd.s32 s5, v33  }
0xa3: {  	v33 =	vor.u32 s3, v11;
	v35 =	vadd.s32 v11, v36  }
0xa4: {  	v34 =	vshll.u32 v33, $0x7;
	v37 =	vand.u32 $0xFFFFFF80, v35  }
0xa5: {  	v35 =	vand.u32 $0x7F, v35;
	v37 =	vadd.s32 v34, v37  }
0xa6: {  	v37 =	vor.u32 v35, v37;
	_ =	sdelay $0x1  }
0xa7: {  	v28 =	vmov s5  }
0xa8: {  	v38 =	vadd.s32 v8, v36;
	v35 =	vshll.u32 v28, $0x7  }
0xa9: {  	v39 =	vand.u32 $0xFFFFFF80, v38;
	v40 =	vor.u32 v43, v35  }
0xaa: {  	v38 =	vand.u32 $0x7F, v38;
	v39 =	vadd.s32 v34, v39;
	v40 =	vor.u32 v33, v40;
	v37 =	vld.idx.msk [tilespmem:v37+s14+$0x0], $0xffff  }
0xab: {  	v38 =	vor.u32 v38, v39;
	_ =	sdelay $0x2  }
0xac: {  	v29 =	vadd.s32 v41, v36  }
0xad: {  	v30 =	vand.u32 $0xFFFFFF80, v29;
	v31 =	vor.u32 v9, v35;
	[tilespmem:v40+s9+$0x0] =	vst.idx.msk $0xffff, v37  }
0xae: {  	v39 =	vand.u32 $0x7F, v29;
	v37 =	vadd.s32 v34, v30;
	v40 =	vor.u32 v33, v31;
	v38 =	vld.idx.msk [tilespmem:v38+s14+$0x0], $0xffff  }
0xaf: {  	v37 =	vor.u32 v39, v37;
	_ =	sdelay $0x2  }
0xb0: {  	[tilespmem:$0x1FF00] =	vst v1;
	v32 =	vadd.s32 v45, v36  }
0xb1: {  	v1 =	vand.u32 $0xFFFFFF80, v32;
	v48 =	vor.u32 v44, v35;
	[tilespmem:v40+s9+$0x0] =	vst.idx.msk $0xffff, v38  }
0xb2: {  	v39 =	vand.u32 $0x7F, v32;
	v38 =	vor.u32 v33, v48;
	v40 =	vadd.s32 v34, v1;
	v37 =	vld.idx.msk [tilespmem:v37+s14+$0x0], $0xffff  }
0xb3: {  	v39 =	vor.u32 v39, v40;
	_ =	sdelay $0x2  }
0xb4: {  	v2 =	vadd.s32 v47, v36  }
0xb5: {  	v20 =	vand.u32 $0xFFFFFF80, v2;
	v21 =	vor.u32 v49, v35;
	[tilespmem:v38+s9+$0x0] =	vst.idx.msk $0xffff, v37  }
0xb6: {  	v40 =	vand.u32 $0x7F, v2;
	v37 =	vadd.s32 v34, v20;
	v38 =	vor.u32 v33, v21;
	v39 =	vld.idx.msk [tilespmem:v39+s14+$0x0], $0xffff  }
0xb7: {  	v37 =	vor.u32 v40, v37;
	_ =	sdelay $0x2  }
0xb8: {  	v22 =	vadd.s32 v50, v36  }
0xb9: {  	v23 =	vand.u32 $0xFFFFFF80, v22;
	v24 =	vor.u32 v53, v35;
	[tilespmem:v38+s9+$0x0] =	vst.idx.msk $0xffff, v39  }
0xba: {  	v40 =	vand.u32 $0x7F, v22;
	v38 =	vadd.s32 v34, v23;
	v39 =	vor.u32 v33, v24;
	v37 =	vld.idx.msk [tilespmem:v37+s14+$0x0], $0xffff  }
0xbb: {  	v38 =	vor.u32 v40, v38;
	_ =	sdelay $0x2  }
0xbc: {  	v25 =	vadd.s32 v54, v36  }
0xbd: {  	v27 =	vand.u32 $0xFFFFFF80, v25;
	v26 =	vor.u32 v52, v35;
	[tilespmem:v39+s9+$0x0] =	vst.idx.msk $0xffff, v37  }
0xbe: {  	v40 =	vand.u32 $0x7F, v25;
	v37 =	vor.u32 v33, v26;
	v39 =	vadd.s32 v34, v27;
	v38 =	vld.idx.msk [tilespmem:v38+s14+$0x0], $0xffff  }
0xbf: {  	v39 =	vor.u32 v40, v39;
	_ =	sdelay $0x2  }
0xc0: {  	v28 =	vadd.s32 v56, v36  }
0xc1: {  	v29 =	vor.u32 v55, v35;
	v30 =	vand.u32 $0xFFFFFF80, v28;
	[tilespmem:v37+s9+$0x0] =	vst.idx.msk $0xffff, v38  }
0xc2: {  	v40 =	vand.u32 $0x7F, v28;
	v37 =	vor.u32 v33, v29;
	v38 =	vadd.s32 v34, v30;
	v39 =	vld.idx.msk [tilespmem:v39+s14+$0x0], $0xffff  }
0xc3: {  	v38 =	vor.u32 v40, v38;
	_ =	sdelay $0x2  }
0xc4: {  	v31 =	vadd.s32 v62, v36  }
0xc5: {  	v32 =	vor.u32 v59, v35;
	v42 =	vand.u32 $0xFFFFFF80, v31;
	[tilespmem:v37+s9+$0x0] =	vst.idx.msk $0xffff, v39  }
0xc6: {  	v40 =	vand.u32 $0x7F, v31;
	v37 =	vor.u32 v33, v32;
	v39 =	vadd.s32 v34, v42;
	v38 =	vld.idx.msk [tilespmem:v38+s14+$0x0], $0xffff  }
0xc7: {  	v39 =	vor.u32 v40, v39;
	_ =	sdelay $0x2  }
0xc8: {  	v48 =	vadd.s32 v51, v36  }
0xc9: {  	v1 =	vor.u32 v60, v35;
	v2 =	vand.u32 $0xFFFFFF80, v48;
	[tilespmem:v37+s9+$0x0] =	vst.idx.msk $0xffff, v38  }
0xca: {  	v40 =	vand.u32 $0x7F, v48;
	v37 =	vor.u32 v33, v1;
	v38 =	vadd.s32 v34, v2;
	v39 =	vld.idx.msk [tilespmem:v39+s14+$0x0], $0xffff  }
0xcb: {  	v38 =	vor.u32 v40, v38;
	_ =	sdelay $0x2  }
0xcc: {  	v20 =	vadd.s32 v57, v36  }
0xcd: {  	v21 =	vor.u32 v7, v35;
	v22 =	vand.u32 $0xFFFFFF80, v20;
	[tilespmem:v37+s9+$0x0] =	vst.idx.msk $0xffff, v39  }
0xce: {  	v40 =	vand.u32 $0x7F, v20;
	v37 =	vor.u32 v33, v21;
	v39 =	vadd.s32 v34, v22;
	v38 =	vld.idx.msk [tilespmem:v38+s14+$0x0], $0xffff  }
0xcf: {  	v39 =	vor.u32 v40, v39;
	_ =	sdelay $0x2  }
0xd0: {  	v23 =	vadd.s32 v13, v36  }
0xd1: {  	v24 =	vor.u32 v6, v35;
	v25 =	vand.u32 $0xFFFFFF80, v23;
	[tilespmem:v37+s9+$0x0] =	vst.idx.msk $0xffff, v38  }
0xd2: {  	v40 =	vand.u32 $0x7F, v23;
	v37 =	vor.u32 v33, v24;
	v38 =	vadd.s32 v34, v25;
	v39 =	vld.idx.msk [tilespmem:v39+s14+$0x0], $0xffff  }
0xd3: {  	v38 =	vor.u32 v40, v38;
	_ =	sdelay $0x2  }
0xd4: {  	v26 =	vadd.s32 v5, v36  }
0xd5: {  	v27 =	vand.u32 $0xFFFFFF80, v26;
	v28 =	vor.u32 v58, v35;
	[tilespmem:v37+s9+$0x0] =	vst.idx.msk $0xffff, v39  }
0xd6: {  	v40 =	vand.u32 $0x7F, v26;
	v37 =	vadd.s32 v34, v27;
	v39 =	vor.u32 v33, v28;
	v38 =	vld.idx.msk [tilespmem:v38+s14+$0x0], $0xffff  }
0xd7: {  	v37 =	vor.u32 v40, v37;
	_ =	sdelay $0x2  }
0xd8: {  	v29 =	vadd.s32 v17, v36  }
0xd9: {  	v30 =	vor.u32 v61, v35;
	v31 =	vand.u32 $0xFFFFFF80, v29;
	[tilespmem:v39+s9+$0x0] =	vst.idx.msk $0xffff, v38  }
0xda: {  	v40 =	vand.u32 $0x7F, v29;
	v38 =	vor.u32 v33, v30;
	v39 =	vadd.s32 v34, v31;
	v37 =	vld.idx.msk [tilespmem:v37+s14+$0x0], $0xffff  }
0xdb: {  	v39 =	vor.u32 v40, v39;
	_ =	sdelay $0x2  }
0xdc: {  	v32 =	vadd.s32 v18, v36  }
0xdd: {  	v58 =	vor.u32 v63, v35;
	v48 =	vand.u32 $0xFFFFFF80, v32;
	[tilespmem:v38+s9+$0x0] =	vst.idx.msk $0xffff, v37  }
0xde: {  	v40 =	vand.u32 $0x7F, v32;
	v37 =	vadd.s32 v34, v48;
	v38 =	vor.u32 v33, v58;
	v39 =	vld.idx.msk [tilespmem:v39+s14+$0x0], $0xffff  }
0xdf: {  	v37 =	vor.u32 v40, v37;
	_ =	sdelay $0x2  }
0xe0: {  	v36 =	vadd.s32 v0, v36  }
0xe1: {  	v61 =	vor.u32 v10, v35;
	v63 =	vand.u32 $0xFFFFFF80, v36;
	[tilespmem:v38+s9+$0x0] =	vst.idx.msk $0xffff, v39  }
0xe2: {  	v36 =	vand.u32 $0x7F, v36;
	v34 =	vadd.s32 v34, v63;
	v38 =	vor.u32 v33, v61;
	v37 =	vld.idx.msk [tilespmem:v37+s14+$0x0], $0xffff  }
0xe3: {  	v34 =	vor.u32 v36, v34;
	_ =	sdelay $0x3  }
0xe4: {  	v35 =	vor.u32 v46, v35;
	[tilespmem:v38+s9+$0x0] =	vst.idx.msk $0xffff, v37  }
0xe5: {  	s31 =	simm.s32 $0x4;
	s30 =	simm.s32 $0x0;
	v16 =	vmov v51;
	v14 =	vmov v57;
	s2 =	simm.s32 $0x8;
	v33 =	vor.u32 v33, v35;
	v35 =	vld.idx.msk [tilespmem:v34+s14+$0x0], $0xffff  }
.LBB2_6:
0xe6: {  	v0 =	vld [tilespmem:$0x1FF00];
	_ =	sdelay $0x6  }
0xe7: {  	s3 =	sand.u32 $0x70, s31;
	[tilespmem:v33+s9+$0x0] =	vst.idx.msk $0xffff, v35  }
0xe8: {  	v33 =	vld.idx.msk [tilespmem:v0+s3+$0x0 ss:$0x1], $0xffff;
	_ =	sdelay $0x2  }
0xe9: {  	s30 =	sadd.s32 $0x10, s30;
	s31 =	smov.u32 s2  }
0xea: {  	s5 =	sadd.s32 $0x4, s2;
	p0 =	sne.s32 s2, $0x7C;
	s2 =	sand.u32 $0x30, s30  }
0xeb: {  	v63 =	vmov s2;
	v33 =	vadd.s32 s2, v33  }
0xec: {  	v34 =	vor.u32 s3, v11;
	v40 =	vshll.u32 v63, $0x7;
	v0 =	vadd.s32 v11, v33  }
0xed: {  	v27 =	vmovc v43;
	v39 =	vshll.u32 v34, $0x7;
	v2 =	vor.u32 v9, v40;
	v38 =	vand.u32 $0xFFFFFF80, v0  }
0xee: {  	v25 =	vmovc v44;
	v30 =	vmovc v45;
	v57 =	vor.u32 v43, v40;
	v35 =	vand.u32 $0x7F, v0;
	v38 =	vadd.s32 v39, v38  }
0xef: {  	v31 =	vmovc v47;
	v58 =	vor.u32 v44, v40;
	v63 =	vor.u32 v49, v40;
	v35 =	vor.u32 v35, v38  }
0xf0: {  	v24 =	vmovc v49;
	v44 =	vor.u32 v34, v58;
	v43 =	vor.u32 v34, v57;
	v49 =	vor.u32 v34, v63  }
0xf1: {  	v32 =	vmovc v50;
	v36 =	vadd.s32 v8, v33;
	v37 =	vadd.s32 v41, v33;
	v45 =	vadd.s32 v45, v33  }
0xf2: {  	v23 =	vmovc v56;
	v47 =	vadd.s32 v47, v33;
	v50 =	vadd.s32 v50, v33;
	v56 =	vadd.s32 v56, v33  }
0xf3: {  	v58 =	vadd.s32 v62, v33;
	v3 =	vadd.s32 v5, v33;
	v1 =	vand.u32 $0xFFFFFF80, v36  }
0xf4: {  	v42 =	vand.u32 $0xFFFFFF80, v37;
	v36 =	vand.u32 $0x7F, v36;
	v41 =	vadd.s32 v39, v1;
	v35 =	vld.idx.msk [tilespmem:v35+s14+$0x0], $0xffff  }
0xf5: {  	v61 =	vand.u32 $0xFFFFFF80, v45;
	v48 =	vand.u32 $0xFFFFFF80, v47;
	v36 =	vor.u32 v36, v41  }
0xf6: {  	v51 =	vand.u32 $0xFFFFFF80, v50;
	v0 =	vor.u32 v53, v40;
	v53 =	vadd.s32 v54, v33  }
0xf7: {  	v12 =	vmovc v46;
	v57 =	vand.u32 $0xFFFFFF80, v56;
	v37 =	vand.u32 $0x7F, v37;
	v42 =	vadd.s32 v39, v42  }
0xf8: {  	v15 =	vld [tilespmem:$0x1FFB0];
	v17 =	vmovc v6;
	v46 =	vadd.s32 v39, v61;
	v48 =	vadd.s32 v39, v48;
	v51 =	vadd.s32 v39, v51  }
0xf9: {  	v63 =	vand.u32 $0xFFFFFF80, v58;
	[tilespmem:v43+s9+$0x0] =	vst.idx.msk $0xffff, v35;
	v35 =	vor.u32 v37, v42;
	v37 =	vor.u32 v6, v40;
	v6 =	vld [tilespmem:$0x1FF70]  }
0xfa: {  	v1 =	vor.u32 v52, v40;
	v54 =	vand.u32 $0xFFFFFF80, v53;
	v38 =	vor.u32 v34, v2;
	v36 =	vld.idx.msk [tilespmem:v36+s14+$0x0], $0xffff  }
0xfb: {  	v22 =	vmovc v52;
	v18 =	vld [tilespmem:$0x1FFA0];
	v61 =	vor.u32 v59, v40;
	v41 =	vor.u32 v34, v0;
	v52 =	vor.u32 v34, v1  }
0xfc: {  	v54 =	vadd.s32 v39, v54;
	v2 =	vor.u32 v55, v40;
	v59 =	vor.u32 v34, v61  }
0xfd: {  	v21 =	vmovc v55;
	v20 =	vld [tilespmem:$0x1FF90];
	v0 =	vor.u32 v60, v40;
	v61 =	vadd.s32 v14, v33;
	v55 =	vor.u32 v34, v2  }
0xfe: {  	v19 =	vmovc v60;
	v60 =	vor.u32 v34, v0;
	v2 =	vor.u32 v7, v40;
	v4 =	vor.u32 v34, v37  }
0xff: {  	v37 =	vand.u32 $0x7F, v45;
	v6 =	vadd.s32 v6, v33;
	[tilespmem:v38+s9+$0x0] =	vst.idx.msk $0xffff, v36;
	v36 =	vand.u32 $0xFFFFFF80, v3  }
0x100: {  	v38 =	vor.u32 v15, v40;
	v45 =	vadd.s32 v39, v36;
	v36 =	vor.u32 v18, v40;
	v18 =	vld [tilespmem:$0x1FF80]  }
0x101: {  	v0 =	vor.u32 v34, v2;
	v15 =	vor.u32 v34, v38;
	v38 =	vand.u32 $0xFFFFFF80, v6  }
0x102: {  	v28 =	vmovc v8;
	v43 =	vadd.s32 v39, v57;
	v8 =	vadd.s32 v39, v38;
	v38 =	vor.u32 v20, v40;
	v20 =	vld [tilespmem:$0x1FF50]  }
0x103: {  	v57 =	vadd.s32 v39, v63;
	v42 =	vadd.s32 v16, v33;
	v63 =	vand.u32 $0xFFFFFF80, v61;
	v35 =	vld.idx.msk [tilespmem:v35+s14+$0x0], $0xffff  }
0x104: {  	v1 =	vand.u32 $0xFFFFFF80, v42;
	v63 =	vadd.s32 v39, v63;
	v46 =	vor.u32 v37, v46  }
0x105: {  	v29 =	vmovc v62;
	v62 =	vadd.s32 v39, v1;
	v1 =	vadd.s32 v13, v33;
	v37 =	vadd.s32 v18, v33  }
0x106: {  	v2 =	vand.u32 $0xFFFFFF80, v1;
	v18 =	vmovc v7;
	v7 =	vor.u32 v34, v36;
	v36 =	vand.u32 $0xFFFFFF80, v37  }
0x107: {  	v26 =	vmovc v9;
	v2 =	vadd.s32 v39, v2;
	v9 =	vadd.s32 v39, v36;
	v36 =	vadd.s32 v20, v33  }
0x108: {  	[tilespmem:v44+s9+$0x0] =	vst.idx.msk $0xffff, v35;
	v33 =	vor.u32 v10, v40;
	v20 =	vmovc v13;
	v13 =	vmov v10;
	v10 =	vand.u32 $0xFFFFFF80, v36  }
0x109: {  	v35 =	vor.u32 v34, v33;
	v33 =	vand.u32 $0x7F, v47;
	v10 =	vadd.s32 v39, v10;
	v39 =	vld.idx.msk [tilespmem:v46+s14+$0x0], $0xffff  }
0x10a: {  	v44 =	vor.u32 v33, v48;
	_ =	sdelay $0x3  }
0x10b: {  	v40 =	vor.u32 v12, v40;
	[tilespmem:v49+s9+$0x0] =	vst.idx.msk $0xffff, v39  }
0x10c: {  	v38 =	vor.u32 v34, v38;
	v33 =	vor.u32 v34, v40;
	v39 =	vand.u32 $0x7F, v50;
	v34 =	vld.idx.msk [tilespmem:v44+s14+$0x0], $0xffff  }
0x10d: {  	v39 =	vor.u32 v39, v51;
	_ =	sdelay $0x3  }
0x10e: {  	[tilespmem:v41+s9+$0x0] =	vst.idx.msk $0xffff, v34  }
0x10f: {  	v48 =	vand.u32 $0x7F, v53;
	v34 =	vld.idx.msk [tilespmem:v39+s14+$0x0], $0xffff  }
0x110: {  	v39 =	vor.u32 v48, v54;
	_ =	sdelay $0x3  }
0x111: {  	[tilespmem:v52+s9+$0x0] =	vst.idx.msk $0xffff, v34  }
0x112: {  	v51 =	vand.u32 $0x7F, v56;
	v34 =	vld.idx.msk [tilespmem:v39+s14+$0x0], $0xffff  }
0x113: {  	v39 =	vor.u32 v51, v43;
	_ =	sdelay $0x3  }
0x114: {  	[tilespmem:v55+s9+$0x0] =	vst.idx.msk $0xffff, v34  }
0x115: {  	v58 =	vand.u32 $0x7F, v58;
	v34 =	vld.idx.msk [tilespmem:v39+s14+$0x0], $0xffff  }
0x116: {  	v39 =	vor.u32 v58, v57;
	_ =	sdelay $0x3  }
0x117: {  	[tilespmem:v59+s9+$0x0] =	vst.idx.msk $0xffff, v34  }
0x118: {  	v48 =	vand.u32 $0x7F, v42;
	v34 =	vld.idx.msk [tilespmem:v39+s14+$0x0], $0xffff  }
0x119: {  	v39 =	vor.u32 v48, v62;
	_ =	sdelay $0x3  }
0x11a: {  	[tilespmem:v60+s9+$0x0] =	vst.idx.msk $0xffff, v34  }
0x11b: {  	v51 =	vand.u32 $0x7F, v61;
	v34 =	vld.idx.msk [tilespmem:v39+s14+$0x0], $0xffff  }
0x11c: {  	v39 =	vor.u32 v51, v63;
	_ =	sdelay $0x3  }
0x11d: {  	[tilespmem:v0+s9+$0x0] =	vst.idx.msk $0xffff, v34  }
0x11e: {  	v1 =	vand.u32 $0x7F, v1;
	v0 =	vld.idx.msk [tilespmem:v39+s14+$0x0], $0xffff  }
0x11f: {  	v1 =	vor.u32 v1, v2;
	_ =	sdelay $0x3  }
0x120: {  	[tilespmem:v4+s9+$0x0] =	vst.idx.msk $0xffff, v0  }
0x121: {  	v57 =	vand.u32 $0x7F, v3;
	v0 =	vld.idx.msk [tilespmem:v1+s14+$0x0], $0xffff  }
0x122: {  	v1 =	vor.u32 v57, v45;
	_ =	sdelay $0x3  }
0x123: {  	[tilespmem:v15+s9+$0x0] =	vst.idx.msk $0xffff, v0  }
0x124: {  	v58 =	vand.u32 $0x7F, v6;
	v0 =	vld.idx.msk [tilespmem:v1+s14+$0x0], $0xffff  }
0x125: {  	v1 =	vor.u32 v58, v8;
	_ =	sdelay $0x3  }
0x126: {  	[tilespmem:v7+s9+$0x0] =	vst.idx.msk $0xffff, v0  }
0x127: {  	v61 =	vand.u32 $0x7F, v37;
	v0 =	vld.idx.msk [tilespmem:v1+s14+$0x0], $0xffff  }
0x128: {  	v1 =	vor.u32 v61, v9;
	_ =	sdelay $0x3  }
0x129: {  	[tilespmem:v38+s9+$0x0] =	vst.idx.msk $0xffff, v0  }
0x12a: {  	v63 =	vand.u32 $0x7F, v36;
	v0 =	vld.idx.msk [tilespmem:v1+s14+$0x0], $0xffff  }
0x12b: {  	v1 =	vor.u32 v63, v10  }
.Ltmp5:
0x12c: {  	v53 =	vld [tilespmem:$0x1FF20];
	(pc) =	sbr.rel @p0 .LBB2_6-.Ltmp5, $4  }
0x12d: {  	v47 =	vmov v31;
	v46 =	vmov v12;
	v49 =	vmov v24;
	v41 =	vld [tilespmem:$0x1FF10]  }
0x12e: {  	v50 =	vmovc v32;
	v44 =	vmovc v25;
	v56 =	vmov v23;
	v54 =	vld [tilespmem:$0x1FF30];
	v52 =	vmov v22;
	v43 =	vmov v27  }
0x12f: {  	v55 =	vmovc v21;
	v6 =	vmovc v17;
	v59 =	vld [tilespmem:$0x1FF40];
	v62 =	vmov v29;
	v60 =	vmov v19;
	v45 =	vmov v30;
	[tilespmem:v35+s9+$0x0] =	vst.idx.msk $0xffff, v0  }
0x130: {  	s2 =	smov.u32 s5;
	v8 =	vmovc v28;
	v7 =	vmovc v18;
	v9 =	vmov v26;
	v10 =	vmov v13;
	v13 =	vmov v20;
	v35 =	vld.idx.msk [tilespmem:v1+s14+$0x0], $0xffff  }
0x131: {  	v0 =	vld [tilespmem:$0x1FF00];
	_ =	sdelay $0x6  }
0x132: {  	s2 =	sand.u32 $0x70, s31;
	[tilespmem:v33+s9+$0x0] =	vst.idx.msk $0xffff, v35  }
0x133: {  	v0 =	vld.idx.msk [tilespmem:v0+s2+$0x0 ss:$0x1], $0xffff;
	_ =	sdelay $0x2  }
0x134: {  	s3 =	sadd.s32 $0x10, s30  }
0x135: {  	s3 =	sand.u32 $0x30, s3  }
0x136: {  	v34 =	vadd.s32 s3, v0  }
0x137: {  	v12 =	vor.u32 s2, v11;
	v0 =	vadd.s32 v11, v34  }
0x138: {  	v33 =	vshll.u32 v12, $0x7;
	v1 =	vand.u32 $0xFFFFFF80, v0  }
0x139: {  	v0 =	vand.u32 $0x7F, v0;
	v1 =	vadd.s32 v33, v1  }
0x13a: {  	v0 =	vor.u32 v0, v1;
	_ =	sdelay $0x1  }
0x13b: {  	v51 =	vmov s3  }
0x13c: {  	v35 =	vshll.u32 v51, $0x7;
	v57 =	vadd.s32 v8, v34  }
0x13d: {  	v3 =	vor.u32 v43, v35;
	v2 =	vand.u32 $0xFFFFFF80, v57  }
0x13e: {  	v3 =	vor.u32 v12, v3;
	v2 =	vadd.s32 v33, v2;
	v1 =	vand.u32 $0x7F, v57;
	v0 =	vld.idx.msk [tilespmem:v0+s14+$0x0], $0xffff  }
0x13f: {  	v1 =	vor.u32 v1, v2;
	_ =	sdelay $0x2  }
0x140: {  	v58 =	vadd.s32 v41, v34  }
0x141: {  	v61 =	vor.u32 v9, v35;
	v4 =	vand.u32 $0xFFFFFF80, v58;
	[tilespmem:v3+s9+$0x0] =	vst.idx.msk $0xffff, v0  }
0x142: {  	v63 =	vadd.s32 v33, v4;
	v2 =	vand.u32 $0x7F, v58;
	v0 =	vor.u32 v12, v61;
	v1 =	vld.idx.msk [tilespmem:v1+s14+$0x0], $0xffff  }
0x143: {  	v2 =	vor.u32 v2, v63;
	_ =	sdelay $0x2  }
0x144: {  	v36 =	vadd.s32 v45, v34  }
0x145: {  	v37 =	vor.u32 v44, v35;
	v38 =	vand.u32 $0xFFFFFF80, v36;
	[tilespmem:v0+s9+$0x0] =	vst.idx.msk $0xffff, v1  }
0x146: {  	v39 =	vor.u32 v12, v37;
	v3 =	vand.u32 $0x7F, v36;
	v0 =	vadd.s32 v33, v38;
	v2 =	vld.idx.msk [tilespmem:v2+s14+$0x0], $0xffff  }
0x147: {  	v0 =	vor.u32 v3, v0;
	_ =	sdelay $0x2  }
0x148: {  	v40 =	vadd.s32 v47, v34  }
0x149: {  	v48 =	vor.u32 v49, v35;
	v42 =	vand.u32 $0xFFFFFF80, v40;
	[tilespmem:v39+s9+$0x0] =	vst.idx.msk $0xffff, v2  }
0x14a: {  	v51 =	vadd.s32 v33, v42;
	v1 =	vor.u32 v12, v48;
	v3 =	vand.u32 $0x7F, v40;
	v0 =	vld.idx.msk [tilespmem:v0+s14+$0x0], $0xffff  }
0x14b: {  	v2 =	vor.u32 v3, v51;
	_ =	sdelay $0x2  }
0x14c: {  	v57 =	vadd.s32 v50, v34  }
0x14d: {  	v58 =	vand.u32 $0xFFFFFF80, v57;
	v61 =	vor.u32 v53, v35;
	[tilespmem:v1+s9+$0x0] =	vst.idx.msk $0xffff, v0  }
0x14e: {  	v63 =	vadd.s32 v33, v58;
	v3 =	vand.u32 $0x7F, v57;
	v0 =	vor.u32 v12, v61;
	v2 =	vld.idx.msk [tilespmem:v2+s14+$0x0], $0xffff  }
0x14f: {  	v1 =	vor.u32 v3, v63;
	_ =	sdelay $0x2  }
0x150: {  	v36 =	vadd.s32 v54, v34  }
0x151: {  	v37 =	vor.u32 v52, v35;
	v38 =	vand.u32 $0xFFFFFF80, v36;
	[tilespmem:v0+s9+$0x0] =	vst.idx.msk $0xffff, v2  }
0x152: {  	v39 =	vor.u32 v12, v37;
	v3 =	vand.u32 $0x7F, v36;
	v0 =	vadd.s32 v33, v38;
	v1 =	vld.idx.msk [tilespmem:v1+s14+$0x0], $0xffff  }
0x153: {  	v0 =	vor.u32 v3, v0;
	_ =	sdelay $0x2  }
0x154: {  	v40 =	vadd.s32 v56, v34  }
0x155: {  	v42 =	vor.u32 v55, v35;
	v48 =	vand.u32 $0xFFFFFF80, v40;
	[tilespmem:v39+s9+$0x0] =	vst.idx.msk $0xffff, v1  }
0x156: {  	v51 =	vor.u32 v12, v42;
	v3 =	vand.u32 $0x7F, v40;
	v1 =	vadd.s32 v33, v48;
	v0 =	vld.idx.msk [tilespmem:v0+s14+$0x0], $0xffff  }
0x157: {  	v1 =	vor.u32 v3, v1;
	_ =	sdelay $0x2  }
0x158: {  	v57 =	vadd.s32 v62, v34  }
0x159: {  	v58 =	vor.u32 v59, v35;
	v61 =	vand.u32 $0xFFFFFF80, v57;
	[tilespmem:v51+s9+$0x0] =	vst.idx.msk $0xffff, v0  }
0x15a: {  	v63 =	vor.u32 v12, v58;
	v3 =	vand.u32 $0x7F, v57;
	v0 =	vadd.s32 v33, v61;
	v1 =	vld.idx.msk [tilespmem:v1+s14+$0x0], $0xffff  }
0x15b: {  	v0 =	vor.u32 v3, v0;
	_ =	sdelay $0x2  }
0x15c: {  	v36 =	vadd.s32 v16, v34  }
0x15d: {  	v37 =	vor.u32 v60, v35;
	v38 =	vand.u32 $0xFFFFFF80, v36;
	[tilespmem:v63+s9+$0x0] =	vst.idx.msk $0xffff, v1  }
0x15e: {  	v39 =	vor.u32 v12, v37;
	v3 =	vand.u32 $0x7F, v36;
	v1 =	vadd.s32 v33, v38;
	v0 =	vld.idx.msk [tilespmem:v0+s14+$0x0], $0xffff  }
0x15f: {  	v1 =	vor.u32 v3, v1;
	_ =	sdelay $0x2  }
0x160: {  	v40 =	vadd.s32 v14, v34  }
0x161: {  	v42 =	vor.u32 v7, v35;
	v48 =	vand.u32 $0xFFFFFF80, v40;
	[tilespmem:v39+s9+$0x0] =	vst.idx.msk $0xffff, v0  }
0x162: {  	v51 =	vor.u32 v12, v42;
	v3 =	vand.u32 $0x7F, v40;
	v0 =	vadd.s32 v33, v48;
	v1 =	vld.idx.msk [tilespmem:v1+s14+$0x0], $0xffff  }
0x163: {  	v0 =	vor.u32 v3, v0;
	_ =	sdelay $0x2  }
0x164: {  	v58 =	vadd.s32 v13, v34  }
0x165: {  	v61 =	vor.u32 v6, v35;
	v63 =	vand.u32 $0xFFFFFF80, v58;
	v3 =	vand.u32 $0x7F, v58;
	v58 =	vld [tilespmem:$0x1FFB0];
	[tilespmem:v51+s9+$0x0] =	vst.idx.msk $0xffff, v1  }
0x166: {  	v36 =	vor.u32 v12, v61;
	v1 =	vadd.s32 v33, v63;
	v0 =	vld.idx.msk [tilespmem:v0+s14+$0x0], $0xffff  }
0x167: {  	v1 =	vor.u32 v3, v1;
	_ =	sdelay $0x2  }
0x168: {  	v37 =	vadd.s32 v5, v34  }
0x169: {  	v61 =	vld [tilespmem:$0x1FFA0];
	v38 =	vand.u32 $0xFFFFFF80, v37;
	v39 =	vor.u32 v58, v35;
	[tilespmem:v36+s9+$0x0] =	vst.idx.msk $0xffff, v0  }
0x16a: {  	v40 =	vadd.s32 v33, v38;
	v3 =	vand.u32 $0x7F, v37;
	v0 =	vor.u32 v12, v39;
	v1 =	vld.idx.msk [tilespmem:v1+s14+$0x0], $0xffff  }
0x16b: {  	v2 =	vor.u32 v3, v40;
	_ =	sdelay $0x2  }
0x16c: {  	v17 =	vld [tilespmem:$0x1FF70]  }
0x16d: {  	v48 =	vor.u32 v61, v35;
	[tilespmem:v0+s9+$0x0] =	vst.idx.msk $0xffff, v1  }
0x16e: {  	v63 =	vor.u32 v12, v48;
	v2 =	vld.idx.msk [tilespmem:v2+s14+$0x0], $0xffff;
	_ =	sdelay $0x2  }
0x16f: {  	v42 =	vadd.s32 v17, v34  }
0x170: {  	v18 =	vld [tilespmem:$0x1FF80];
	v51 =	vand.u32 $0xFFFFFF80, v42  }
0x171: {  	v3 =	vand.u32 $0x7F, v42;
	v0 =	vadd.s32 v33, v51;
	[tilespmem:v63+s9+$0x0] =	vst.idx.msk $0xffff, v2;
	v63 =	vld [tilespmem:$0x1FF90]  }
0x172: {  	v0 =	vor.u32 v3, v0;
	_ =	sdelay $0x2  }
0x173: {  	v36 =	vadd.s32 v18, v34  }
0x174: {  	v57 =	vmov v14;
	v14 =	vld [tilespmem:$0x1FF50];
	v37 =	vand.u32 $0xFFFFFF80, v36;
	v38 =	vor.u32 v63, v35  }
0x175: {  	v39 =	vadd.s32 v33, v37;
	v3 =	vand.u32 $0x7F, v36;
	v0 =	vld.idx.msk [tilespmem:v0+s14+$0x0], $0xffff;
	v1 =	vor.u32 v12, v38  }
0x176: {  	v2 =	vor.u32 v3, v39;
	_ =	sdelay $0x2  }
0x177: {  	v40 =	vadd.s32 v14, v34  }
0x178: {  	v42 =	vor.u32 v10, v35;
	v48 =	vand.u32 $0xFFFFFF80, v40;
	[tilespmem:v1+s9+$0x0] =	vst.idx.msk $0xffff, v0  }
0x179: {  	v34 =	vadd.s32 v33, v48;
	v51 =	vor.u32 v12, v42;
	v3 =	vand.u32 $0x7F, v40;
	v2 =	vld.idx.msk [tilespmem:v2+s14+$0x0], $0xffff  }
0x17a: {  	v1 =	vor.u32 v3, v34;
	_ =	sdelay $0x3  }
0x17b: {  	v36 =	vor.u32 v46, v35;
	[tilespmem:v51+s9+$0x0] =	vst.idx.msk $0xffff, v2  }
0x17c: {  	s2 =	sshll.u32 s26, $0x1;
	v37 =	vor.u32 v12, v36;
	v1 =	vld.idx.msk [tilespmem:v1+s14+$0x0], $0xffff  }
0x17d: {  	s5 =	sadd.s32 s24, s2  }
0x17e: {  	s3 =	sshll.u32 s5, $0x12  }
0x17f: {  	s3 =	sor.u32 s7, s3  }
0x180: {  	s3 =	sshrl.u32 s3, $0x3  }
0x181: {  	p0 =	seq.s32 s26, $0x3;
	s3 =	sadd.s32 s1, s3;
	[tilespmem:v37+s9+$0x0] =	vst.idx.msk $0xffff, v1  }
0x182: {  	[hbm4b:s3+s13] =	stream.strided.scatter [tilespmem:s9], [sflag:$0x3], $0x2000, s19, s13, $0x38;
	[tilespmem:$0xCC00] =	vst v63  }
0x183: {  	s3 =	sshrl.u32 @!p0 s29, $0x2  }
0x184: {  	s5 =	simm.s32 @!p0 $0x80;
	s29 =	simm.s32 @!p0 $0xC00;
	s3 =	sadd.s32 @!p0 $0x500, s3  }
0x185: {  	[tilespmem:s29], [sflag:$0x1] =	stream.indirect.gather @!p0 [hbm4b:s6+s5], $0x80, s3, s5, $0xb8;
	[tilespmem:$0xCC00] =	vst v63  }
0x186: {  	s29 =	sor.u32 $0x1, s2  }
0x187: {  	s2 =	sshll.u32 s29, $0x7  }
0x188: {  	s2 =	sand.u32 $0x3FFFFF80, s2  }
0x189: {  	_ =	swait.ge [sflag:s20], $0x4000;
	s2 =	sadd.s32 $0x800, s2  }
0x18a: {  	[sflag:s20] =	ssyncset.done $0x0;
	v38 =	vmov s2  }
0x18b: {  	[sflag:s20] =	ssyncadd.s32 $0xFFFFC000  }
0x18c: {  	_ =	swait.ge [sflag:s21], $0x2000  }
0x18d: {  	s30 =	simm.s32 $0x0;
	[sflag:s21] =	ssyncset.done $0x0  }
0x18e: {  	s3 =	sand.u32 $0x70, s30;
	[sflag:s21] =	ssyncadd.s32 $0xFFFFE000  }
0x18f: {  	v0 =	vld.idx.msk [tilespmem:v38+s3+$0x0 ss:$0x1], $0xffff;
	_ =	sdelay $0x3  }
0x190: {  	s5 =	sand.u32 $0x30, s30  }
0x191: {  	v36 =	vadd.s32 s5, v0  }
0x192: {  	v33 =	vor.u32 s3, v11;
	v0 =	vadd.s32 v11, v36  }
0x193: {  	v34 =	vshll.u32 v33, $0x7;
	v39 =	vand.u32 $0xFFFFFF80, v0  }
0x194: {  	v0 =	vand.u32 $0x7F, v0;
	v1 =	vadd.s32 v34, v39  }
0x195: {  	v0 =	vor.u32 v0, v1;
	_ =	sdelay $0x1  }
0x196: {  	v40 =	vmov s5  }
0x197: {  	v35 =	vshll.u32 v40, $0x7;
	v42 =	vadd.s32 v8, v36  }
0x198: {  	v51 =	vor.u32 v43, v35;
	v48 =	vand.u32 $0xFFFFFF80, v42  }
0x199: {  	v3 =	vor.u32 v33, v51;
	v2 =	vadd.s32 v34, v48;
	v1 =	vand.u32 $0x7F, v42;
	v0 =	vld.idx.msk [tilespmem:v0+s16+$0x0], $0xffff  }
0x19a: {  	v1 =	vor.u32 v1, v2;
	_ =	sdelay $0x2  }
0x19b: {  	[tilespmem:$0x1FEF0] =	vst v38;
	v37 =	vadd.s32 v41, v36  }
0x19c: {  	v38 =	vand.u32 $0xFFFFFF80, v37;
	v39 =	vor.u32 v9, v35;
	[tilespmem:v3+s10+$0x0] =	vst.idx.msk $0xffff, v0  }
0x19d: {  	v2 =	vand.u32 $0x7F, v37;
	v0 =	vadd.s32 v34, v38;
	v3 =	vor.u32 v33, v39;
	v1 =	vld.idx.msk [tilespmem:v1+s16+$0x0], $0xffff  }
0x19e: {  	v0 =	vor.u32 v2, v0;
	_ =	sdelay $0x2  }
0x19f: {  	v40 =	vadd.s32 v45, v36  }
0x1a0: {  	v48 =	vand.u32 $0xFFFFFF80, v40;
	v42 =	vor.u32 v44, v35;
	[tilespmem:v3+s10+$0x0] =	vst.idx.msk $0xffff, v1  }
0x1a1: {  	v2 =	vand.u32 $0x7F, v40;
	v1 =	vor.u32 v33, v42;
	v3 =	vadd.s32 v34, v48;
	v0 =	vld.idx.msk [tilespmem:v0+s16+$0x0], $0xffff  }
0x1a2: {  	v2 =	vor.u32 v2, v3;
	_ =	sdelay $0x2  }
0x1a3: {  	v51 =	vadd.s32 v47, v36  }
0x1a4: {  	v15 =	vmov v5;
	v5 =	vor.u32 v49, v35;
	v4 =	vand.u32 $0xFFFFFF80, v51;
	[tilespmem:v1+s10+$0x0] =	vst.idx.msk $0xffff, v0  }
0x1a5: {  	v3 =	vand.u32 $0x7F, v51;
	v0 =	vadd.s32 v34, v4;
	v1 =	vor.u32 v33, v5;
	v2 =	vld.idx.msk [tilespmem:v2+s16+$0x0], $0xffff  }
0x1a6: {  	v0 =	vor.u32 v3, v0;
	_ =	sdelay $0x2  }
0x1a7: {  	v37 =	vadd.s32 v50, v36  }
0x1a8: {  	v38 =	vand.u32 $0xFFFFFF80, v37;
	v39 =	vor.u32 v53, v35;
	[tilespmem:v1+s10+$0x0] =	vst.idx.msk $0xffff, v2  }
0x1a9: {  	v3 =	vand.u32 $0x7F, v37;
	v1 =	vadd.s32 v34, v38;
	v2 =	vor.u32 v33, v39;
	v0 =	vld.idx.msk [tilespmem:v0+s16+$0x0], $0xffff  }
0x1aa: {  	v1 =	vor.u32 v3, v1;
	_ =	sdelay $0x2  }
0x1ab: {  	v40 =	vadd.s32 v54, v36  }
0x1ac: {  	v42 =	vor.u32 v52, v35;
	v48 =	vand.u32 $0xFFFFFF80, v40;
	[tilespmem:v2+s10+$0x0] =	vst.idx.msk $0xffff, v0  }
0x1ad: {  	v3 =	vand.u32 $0x7F, v40;
	v0 =	vor.u32 v33, v42;
	v2 =	vadd.s32 v34, v48;
	v1 =	vld.idx.msk [tilespmem:v1+s16+$0x0], $0xffff  }
0x1ae: {  	v2 =	vor.u32 v3, v2;
	_ =	sdelay $0x2  }
0x1af: {  	v51 =	vadd.s32 v56, v36  }
0x1b0: {  	v4 =	vor.u32 v55, v35;
	v5 =	vand.u32 $0xFFFFFF80, v51;
	[tilespmem:v0+s10+$0x0] =	vst.idx.msk $0xffff, v1  }
0x1b1: {  	v3 =	vand.u32 $0x7F, v51;
	v0 =	vor.u32 v33, v4;
	v1 =	vadd.s32 v34, v5;
	v2 =	vld.idx.msk [tilespmem:v2+s16+$0x0], $0xffff  }
0x1b2: {  	v1 =	vor.u32 v3, v1;
	_ =	sdelay $0x2  }
0x1b3: {  	v37 =	vadd.s32 v62, v36  }
0x1b4: {  	v38 =	vor.u32 v59, v35;
	v39 =	vand.u32 $0xFFFFFF80, v37;
	[tilespmem:v0+s10+$0x0] =	vst.idx.msk $0xffff, v2  }
0x1b5: {  	v3 =	vand.u32 $0x7F, v37;
	v0 =	vor.u32 v33, v38;
	v2 =	vadd.s32 v34, v39;
	v1 =	vld.idx.msk [tilespmem:v1+s16+$0x0], $0xffff  }
0x1b6: {  	v2 =	vor.u32 v3, v2;
	_ =	sdelay $0x2  }
0x1b7: {  	v40 =	vadd.s32 v16, v36  }
0x1b8: {  	v42 =	vor.u32 v60, v35;
	v48 =	vand.u32 $0xFFFFFF80, v40;
	[tilespmem:v0+s10+$0x0] =	vst.idx.msk $0xffff, v1  }
0x1b9: {  	v3 =	vand.u32 $0x7F, v40;
	v0 =	vor.u32 v33, v42;
	v1 =	vadd.s32 v34, v48;
	v2 =	vld.idx.msk [tilespmem:v2+s16+$0x0], $0xffff  }
0x1ba: {  	v1 =	vor.u32 v3, v1;
	_ =	sdelay $0x2  }
0x1bb: {  	v51 =	vadd.s32 v57, v36  }
0x1bc: {  	v4 =	vor.u32 v7, v35;
	v5 =	vand.u32 $0xFFFFFF80, v51;
	[tilespmem:v0+s10+$0x0] =	vst.idx.msk $0xffff, v2  }
0x1bd: {  	v3 =	vand.u32 $0x7F, v51;
	v0 =	vor.u32 v33, v4;
	v2 =	vadd.s32 v34, v5;
	v1 =	vld.idx.msk [tilespmem:v1+s16+$0x0], $0xffff  }
0x1be: {  	v2 =	vor.u32 v3, v2;
	_ =	sdelay $0x2  }
0x1bf: {  	v37 =	vadd.s32 v13, v36  }
0x1c0: {  	v38 =	vor.u32 v6, v35;
	v39 =	vand.u32 $0xFFFFFF80, v37;
	[tilespmem:v0+s10+$0x0] =	vst.idx.msk $0xffff, v1  }
0x1c1: {  	v3 =	vand.u32 $0x7F, v37;
	v0 =	vor.u32 v33, v38;
	v1 =	vadd.s32 v34, v39;
	v2 =	vld.idx.msk [tilespmem:v2+s16+$0x0], $0xffff  }
0x1c2: {  	v1 =	vor.u32 v3, v1;
	_ =	sdelay $0x2  }
0x1c3: {  	v40 =	vadd.s32 v15, v36  }
0x1c4: {  	v42 =	vand.u32 $0xFFFFFF80, v40;
	v48 =	vor.u32 v58, v35;
	[tilespmem:v0+s10+$0x0] =	vst.idx.msk $0xffff, v2  }
0x1c5: {  	v3 =	vand.u32 $0x7F, v40;
	v0 =	vadd.s32 v34, v42;
	v2 =	vor.u32 v33, v48;
	v1 =	vld.idx.msk [tilespmem:v1+s16+$0x0], $0xffff  }
0x1c6: {  	v0 =	vor.u32 v3, v0;
	_ =	sdelay $0x2  }
0x1c7: {  	v51 =	vadd.s32 v17, v36  }
0x1c8: {  	v4 =	vor.u32 v61, v35;
	v5 =	vand.u32 $0xFFFFFF80, v51;
	[tilespmem:v2+s10+$0x0] =	vst.idx.msk $0xffff, v1  }
0x1c9: {  	v3 =	vand.u32 $0x7F, v51;
	v1 =	vor.u32 v33, v4;
	v2 =	vadd.s32 v34, v5;
	v0 =	vld.idx.msk [tilespmem:v0+s16+$0x0], $0xffff  }
0x1ca: {  	v2 =	vor.u32 v3, v2;
	_ =	sdelay $0x2  }
0x1cb: {  	v37 =	vadd.s32 v18, v36  }
0x1cc: {  	v38 =	vand.u32 $0xFFFFFF80, v37;
	v39 =	vor.u32 v63, v35;
	[tilespmem:v1+s10+$0x0] =	vst.idx.msk $0xffff, v0  }
0x1cd: {  	v3 =	vand.u32 $0x7F, v37;
	v0 =	vadd.s32 v34, v38;
	v1 =	vor.u32 v33, v39;
	v2 =	vld.idx.msk [tilespmem:v2+s16+$0x0], $0xffff  }
0x1ce: {  	v0 =	vor.u32 v3, v0;
	_ =	sdelay $0x2  }
0x1cf: {  	v40 =	vadd.s32 v14, v36  }
0x1d0: {  	v42 =	vor.u32 v10, v35;
	v48 =	vand.u32 $0xFFFFFF80, v40;
	[tilespmem:v1+s10+$0x0] =	vst.idx.msk $0xffff, v2  }
0x1d1: {  	v3 =	vand.u32 $0x7F, v40;
	v2 =	vadd.s32 v34, v48;
	v1 =	vor.u32 v33, v42;
	v0 =	vld.idx.msk [tilespmem:v0+s16+$0x0], $0xffff  }
0x1d2: {  	v2 =	vor.u32 v3, v2;
	_ =	sdelay $0x1  }
0x1d3: {  	v51 =	vor.u32 v46, v35;
	_ =	sdelay $0x1  }
0x1d4: {  	[tilespmem:v1+s10+$0x0] =	vst.idx.msk $0xffff, v0  }
0x1d5: {  	s31 =	simm.s32 $0x4;
	s5 =	simm.s32 $0x8;
	v33 =	vor.u32 v33, v51;
	v51 =	vmov v16;
	v35 =	vld.idx.msk [tilespmem:v2+s16+$0x0], $0xffff  }
.LBB2_8:
0x1d6: {  	v0 =	vld [tilespmem:$0x1FEF0];
	_ =	sdelay $0x6  }
0x1d7: {  	s3 =	sand.u32 $0x70, s31;
	[tilespmem:v33+s10+$0x0] =	vst.idx.msk $0xffff, v35  }
0x1d8: {  	v0 =	vld.idx.msk [tilespmem:v0+s3+$0x0 ss:$0x1], $0xffff;
	_ =	sdelay $0x2  }
0x1d9: {  	s30 =	sadd.s32 $0x10, s30;
	s31 =	smov.u32 s5  }
0x1da: {  	s2 =	sadd.s32 $0x4, s5;
	p1 =	sne.s32 s5, $0x7C;
	s5 =	sand.u32 $0x30, s30  }
0x1db: {  	v0 =	vadd.s32 s5, v0  }
0x1dc: {  	v34 =	vor.u32 s3, v11;
	v3 =	vadd.s32 v11, v0  }
0x1dd: {  	v2 =	vshll.u32 v34, $0x7;
	v6 =	vand.u32 $0xFFFFFF80, v3  }
0x1de: {  	v1 =	vmov s5;
	v3 =	vand.u32 $0x7F, v3;
	v6 =	vadd.s32 v2, v6  }
0x1df: {  	v1 =	vshll.u32 v1, $0x7;
	v3 =	vor.u32 v3, v6  }
0x1e0: {  	v10 =	vor.u32 v44, v1;
	v37 =	vor.u32 v49, v1  }
0x1e1: {  	v55 =	vor.u32 v55, v1;
	v38 =	vor.u32 v63, v1;
	v10 =	vor.u32 v34, v10  }
0x1e2: {  	v42 =	vor.u32 v34, v37;
	v4 =	vadd.s32 v8, v0;
	v5 =	vadd.s32 v41, v0  }
0x1e3: {  	v33 =	vadd.s32 v45, v0;
	v11 =	vld [tilespmem:$0x1FFF0];
	v6 =	vor.u32 v9, v1;
	v9 =	vor.u32 v43, v1  }
0x1e4: {  	v39 =	vadd.s32 v47, v0;
	v41 =	vadd.s32 v50, v0;
	v9 =	vor.u32 v34, v9;
	v3 =	vld.idx.msk [tilespmem:v3+s16+$0x0], $0xffff  }
0x1e5: {  	v44 =	vadd.s32 v54, v0;
	v47 =	vadd.s32 v56, v0;
	v49 =	vadd.s32 v62, v0  }
0x1e6: {  	v12 =	vadd.s32 v51, v0;
	v37 =	vadd.s32 v18, v0;
	v7 =	vand.u32 $0xFFFFFF80, v4  }
0x1e7: {  	v8 =	vand.u32 $0xFFFFFF80, v5;
	v4 =	vand.u32 $0x7F, v4;
	v7 =	vadd.s32 v2, v7  }
0x1e8: {  	v48 =	vand.u32 $0xFFFFFF80, v33;
	v56 =	vand.u32 $0xFFFFFF80, v47;
	v4 =	vor.u32 v4, v7  }
0x1e9: {  	v36 =	vand.u32 $0xFFFFFF80, v39;
	[tilespmem:v9+s10+$0x0] =	vst.idx.msk $0xffff, v3;
	v3 =	vadd.s32 v2, v56;
	v56 =	vor.u32 v11, v1;
	v11 =	vld [tilespmem:$0x1FFE0]  }
0x1ea: {  	v50 =	vand.u32 $0xFFFFFF80, v41;
	v54 =	vand.u32 $0xFFFFFF80, v44;
	v5 =	vand.u32 $0x7F, v5  }
0x1eb: {  	v62 =	vand.u32 $0xFFFFFF80, v12;
	v33 =	vand.u32 $0x7F, v33;
	v8 =	vadd.s32 v2, v8  }
0x1ec: {  	v35 =	vadd.s32 v2, v48;
	v40 =	vadd.s32 v2, v36;
	v46 =	vadd.s32 v2, v54  }
0x1ed: {  	v48 =	vor.u32 v34, v55;
	v7 =	vor.u32 v53, v1;
	v5 =	vor.u32 v5, v8;
	v4 =	vld.idx.msk [tilespmem:v4+s16+$0x0], $0xffff  }
0x1ee: {  	v8 =	vor.u32 v60, v1;
	v6 =	vor.u32 v34, v6;
	v60 =	vor.u32 v11, v1;
	v11 =	vld [tilespmem:$0x1FF60]  }
0x1ef: {  	v43 =	vadd.s32 v2, v50;
	v53 =	vor.u32 v52, v1;
	v52 =	vadd.s32 v57, v0  }
0x1f0: {  	v33 =	vor.u32 v33, v35;
	v35 =	vand.u32 $0xFFFFFF80, v37;
	v45 =	vor.u32 v34, v53  }
0x1f1: {  	v14 =	vmovc v63;
	v63 =	vadd.s32 v2, v35;
	v9 =	vor.u32 v59, v1;
	v59 =	vand.u32 $0xFFFFFF80, v49  }
0x1f2: {  	v35 =	vld [tilespmem:$0x1FFD0];
	v50 =	vadd.s32 v2, v59;
	v59 =	vand.u32 $0xFFFFFF80, v52;
	v54 =	vor.u32 v34, v56  }
0x1f3: {  	v56 =	vadd.s32 v13, v0;
	v13 =	vmov v57;
	[tilespmem:v6+s10+$0x0] =	vst.idx.msk $0xffff, v4;
	v57 =	vadd.s32 v11, v0;
	v11 =	vld [tilespmem:$0x1FF50]  }
0x1f4: {  	v53 =	vadd.s32 v2, v62;
	v55 =	vadd.s32 v2, v59;
	v62 =	vand.u32 $0xFFFFFF80, v56;
	v5 =	vld.idx.msk [tilespmem:v5+s16+$0x0], $0xffff  }
0x1f5: {  	v4 =	vor.u32 v34, v60;
	v60 =	vor.u32 v58, v1;
	v59 =	vand.u32 $0xFFFFFF80, v57  }
0x1f6: {  	v16 =	vmovc v58;
	v58 =	vadd.s32 v2, v59;
	v59 =	vor.u32 v34, v60;
	v60 =	vadd.s32 v17, v0  }
0x1f7: {  	v6 =	vadd.s32 v2, v62;
	v62 =	vor.u32 v61, v1;
	v36 =	vand.u32 $0xFFFFFF80, v60  }
0x1f8: {  	v15 =	vmovc v61;
	v61 =	vor.u32 v34, v62;
	v62 =	vadd.s32 v2, v36;
	v36 =	vadd.s32 v11, v0  }
0x1f9: {  	[tilespmem:v10+s10+$0x0] =	vst.idx.msk $0xffff, v5;
	v10 =	vld [tilespmem:$0x1FFC0];
	v0 =	vor.u32 v35, v1;
	v11 =	vand.u32 $0xFFFFFF80, v36  }
0x1fa: {  	v39 =	vand.u32 $0x7F, v39;
	v35 =	vor.u32 v34, v0;
	v0 =	vadd.s32 v2, v11;
	v2 =	vld.idx.msk [tilespmem:v33+s16+$0x0], $0xffff  }
0x1fb: {  	v5 =	vor.u32 v39, v40;
	_ =	sdelay $0x2  }
0x1fc: {  	v38 =	vor.u32 v34, v38;
	v7 =	vor.u32 v34, v7  }
0x1fd: {  	v8 =	vor.u32 v34, v8;
	v1 =	vor.u32 v10, v1;
	[tilespmem:v42+s10+$0x0] =	vst.idx.msk $0xffff, v2  }
0x1fe: {  	v9 =	vor.u32 v34, v9;
	v33 =	vor.u32 v34, v1;
	v34 =	vand.u32 $0x7F, v41;
	v5 =	vld.idx.msk [tilespmem:v5+s16+$0x0], $0xffff  }
0x1ff: {  	v2 =	vor.u32 v34, v43;
	_ =	sdelay $0x3  }
0x200: {  	[tilespmem:v7+s10+$0x0] =	vst.idx.msk $0xffff, v5  }
0x201: {  	v40 =	vand.u32 $0x7F, v44;
	v1 =	vld.idx.msk [tilespmem:v2+s16+$0x0], $0xffff  }
0x202: {  	v2 =	vor.u32 v40, v46;
	_ =	sdelay $0x3  }
0x203: {  	[tilespmem:v45+s10+$0x0] =	vst.idx.msk $0xffff, v1  }
0x204: {  	v42 =	vand.u32 $0x7F, v47;
	v1 =	vld.idx.msk [tilespmem:v2+s16+$0x0], $0xffff  }
0x205: {  	v2 =	vor.u32 v42, v3;
	_ =	sdelay $0x3  }
0x206: {  	[tilespmem:v48+s10+$0x0] =	vst.idx.msk $0xffff, v1  }
0x207: {  	v46 =	vand.u32 $0x7F, v49;
	v1 =	vld.idx.msk [tilespmem:v2+s16+$0x0], $0xffff  }
0x208: {  	v2 =	vor.u32 v46, v50;
	_ =	sdelay $0x3  }
0x209: {  	[tilespmem:v9+s10+$0x0] =	vst.idx.msk $0xffff, v1  }
0x20a: {  	v5 =	vand.u32 $0x7F, v12;
	v1 =	vld.idx.msk [tilespmem:v2+s16+$0x0], $0xffff  }
0x20b: {  	v2 =	vor.u32 v5, v53;
	_ =	sdelay $0x3  }
0x20c: {  	[tilespmem:v8+s10+$0x0] =	vst.idx.msk $0xffff, v1  }
0x20d: {  	v34 =	vand.u32 $0x7F, v52;
	v1 =	vld.idx.msk [tilespmem:v2+s16+$0x0], $0xffff  }
0x20e: {  	v2 =	vor.u32 v34, v55;
	_ =	sdelay $0x3  }
0x20f: {  	[tilespmem:v54+s10+$0x0] =	vst.idx.msk $0xffff, v1  }
0x210: {  	v39 =	vand.u32 $0x7F, v56;
	v1 =	vld.idx.msk [tilespmem:v2+s16+$0x0], $0xffff  }
0x211: {  	v2 =	vor.u32 v39, v6;
	_ =	sdelay $0x3  }
0x212: {  	[tilespmem:v4+s10+$0x0] =	vst.idx.msk $0xffff, v1  }
0x213: {  	v40 =	vand.u32 $0x7F, v57;
	v1 =	vld.idx.msk [tilespmem:v2+s16+$0x0], $0xffff  }
0x214: {  	v2 =	vor.u32 v40, v58;
	_ =	sdelay $0x3  }
0x215: {  	[tilespmem:v59+s10+$0x0] =	vst.idx.msk $0xffff, v1  }
0x216: {  	v42 =	vand.u32 $0x7F, v60;
	v1 =	vld.idx.msk [tilespmem:v2+s16+$0x0], $0xffff  }
0x217: {  	v2 =	vor.u32 v42, v62;
	_ =	sdelay $0x3  }
0x218: {  	[tilespmem:v61+s10+$0x0] =	vst.idx.msk $0xffff, v1  }
0x219: {  	v46 =	vand.u32 $0x7F, v37;
	v1 =	vld.idx.msk [tilespmem:v2+s16+$0x0], $0xffff  }
0x21a: {  	v2 =	vor.u32 v46, v63;
	_ =	sdelay $0x3  }
0x21b: {  	[tilespmem:v38+s10+$0x0] =	vst.idx.msk $0xffff, v1  }
0x21c: {  	v48 =	vand.u32 $0x7F, v36;
	v1 =	vld.idx.msk [tilespmem:v2+s16+$0x0], $0xffff  }
0x21d: {  	v0 =	vor.u32 v48, v0  }
.Ltmp6:
0x21e: {  	v41 =	vld [tilespmem:$0x1FF10];
	(pc) =	sbr.rel @p1 .LBB2_8-.Ltmp6, $4  }
0x21f: {  	v44 =	vmovc v25;
	v56 =	vmov v23;
	v11 =	vlaneseq.u32;
	v43 =	vmov v27;
	v53 =	vld [tilespmem:$0x1FF20]  }
0x220: {  	v47 =	vmovc v31;
	v52 =	vmovc v22;
	v49 =	vmov v24;
	v57 =	vmov v13;
	v13 =	vmov v20;
	v54 =	vld [tilespmem:$0x1FF30]  }
0x221: {  	v45 =	vmovc v30;
	v60 =	vmovc v19;
	v50 =	vmov v32;
	v9 =	vmov v26;
	v8 =	vmov v28;
	v59 =	vld [tilespmem:$0x1FF40];
	[tilespmem:v35+s10+$0x0] =	vst.idx.msk $0xffff, v1  }
0x222: {  	s5 =	smov.u32 s2;
	v55 =	vmovc v21;
	v58 =	vmovc v16;
	v62 =	vmov v29;
	v61 =	vmov v15;
	v63 =	vmov v14;
	v35 =	vld.idx.msk [tilespmem:v0+s16+$0x0], $0xffff  }
0x223: {  	v0 =	vld [tilespmem:$0x1FEF0];
	_ =	sdelay $0x6  }
0x224: {  	s2 =	sand.u32 $0x70, s31;
	[tilespmem:v33+s10+$0x0] =	vst.idx.msk $0xffff, v35  }
0x225: {  	v0 =	vld.idx.msk [tilespmem:v0+s2+$0x0 ss:$0x1], $0xffff;
	_ =	sdelay $0x2  }
0x226: {  	s3 =	sadd.s32 $0x10, s30  }
0x227: {  	s3 =	sand.u32 $0x30, s3  }
0x228: {  	v46 =	vadd.s32 s3, v0  }
0x229: {  	v32 =	vor.u32 s2, v11;
	v0 =	vadd.s32 v11, v46  }
0x22a: {  	v48 =	vshll.u32 v32, $0x7;
	v1 =	vand.u32 $0xFFFFFF80, v0  }
0x22b: {  	v0 =	vand.u32 $0x7F, v0;
	v1 =	vadd.s32 v48, v1  }
0x22c: {  	v0 =	vor.u32 v0, v1;
	_ =	sdelay $0x1  }
0x22d: {  	v1 =	vmov s3  }
0x22e: {  	v34 =	vshll.u32 v1, $0x7;
	v1 =	vadd.s32 v8, v46  }
0x22f: {  	v2 =	vand.u32 $0xFFFFFF80, v1;
	v3 =	vor.u32 v43, v34  }
0x230: {  	v1 =	vand.u32 $0x7F, v1;
	v2 =	vadd.s32 v48, v2;
	v3 =	vor.u32 v32, v3;
	v0 =	vld.idx.msk [tilespmem:v0+s16+$0x0], $0xffff  }
0x231: {  	v1 =	vor.u32 v1, v2;
	_ =	sdelay $0x2  }
0x232: {  	v2 =	vadd.s32 v41, v46  }
0x233: {  	[tilespmem:v3+s10+$0x0] =	vst.idx.msk $0xffff, v0;
	v0 =	vand.u32 $0xFFFFFF80, v2;
	v3 =	vor.u32 v9, v34  }
0x234: {  	v2 =	vand.u32 $0x7F, v2;
	v0 =	vadd.s32 v48, v0;
	v3 =	vor.u32 v32, v3;
	v1 =	vld.idx.msk [tilespmem:v1+s16+$0x0], $0xffff  }
0x235: {  	v0 =	vor.u32 v2, v0;
	_ =	sdelay $0x2  }
0x236: {  	v2 =	vadd.s32 v45, v46  }
0x237: {  	[tilespmem:v3+s10+$0x0] =	vst.idx.msk $0xffff, v1;
	v1 =	vor.u32 v44, v34;
	v3 =	vand.u32 $0xFFFFFF80, v2  }
0x238: {  	v2 =	vand.u32 $0x7F, v2;
	v1 =	vor.u32 v32, v1;
	v3 =	vadd.s32 v48, v3;
	v0 =	vld.idx.msk [tilespmem:v0+s16+$0x0], $0xffff  }
0x239: {  	v2 =	vor.u32 v2, v3;
	_ =	sdelay $0x2  }
0x23a: {  	v3 =	vadd.s32 v47, v46  }
0x23b: {  	[tilespmem:v1+s10+$0x0] =	vst.idx.msk $0xffff, v0;
	v0 =	vand.u32 $0xFFFFFF80, v3;
	v1 =	vor.u32 v49, v34  }
0x23c: {  	v3 =	vand.u32 $0x7F, v3;
	v0 =	vadd.s32 v48, v0;
	v1 =	vor.u32 v32, v1;
	v2 =	vld.idx.msk [tilespmem:v2+s16+$0x0], $0xffff  }
0x23d: {  	v0 =	vor.u32 v3, v0;
	_ =	sdelay $0x2  }
0x23e: {  	v3 =	vadd.s32 v50, v46  }
0x23f: {  	[tilespmem:v1+s10+$0x0] =	vst.idx.msk $0xffff, v2;
	v1 =	vand.u32 $0xFFFFFF80, v3;
	v2 =	vor.u32 v53, v34  }
0x240: {  	v3 =	vand.u32 $0x7F, v3;
	v1 =	vadd.s32 v48, v1;
	v2 =	vor.u32 v32, v2;
	v0 =	vld.idx.msk [tilespmem:v0+s16+$0x0], $0xffff  }
0x241: {  	v1 =	vor.u32 v3, v1;
	_ =	sdelay $0x2  }
0x242: {  	v3 =	vadd.s32 v54, v46  }
0x243: {  	[tilespmem:v2+s10+$0x0] =	vst.idx.msk $0xffff, v0;
	v0 =	vor.u32 v52, v34;
	v2 =	vand.u32 $0xFFFFFF80, v3  }
0x244: {  	v3 =	vand.u32 $0x7F, v3;
	v0 =	vor.u32 v32, v0;
	v2 =	vadd.s32 v48, v2;
	v1 =	vld.idx.msk [tilespmem:v1+s16+$0x0], $0xffff  }
0x245: {  	v2 =	vor.u32 v3, v2;
	_ =	sdelay $0x2  }
0x246: {  	v3 =	vadd.s32 v56, v46  }
0x247: {  	[tilespmem:v0+s10+$0x0] =	vst.idx.msk $0xffff, v1;
	v0 =	vor.u32 v55, v34;
	v1 =	vand.u32 $0xFFFFFF80, v3  }
0x248: {  	v3 =	vand.u32 $0x7F, v3;
	v0 =	vor.u32 v32, v0;
	v1 =	vadd.s32 v48, v1;
	v2 =	vld.idx.msk [tilespmem:v2+s16+$0x0], $0xffff  }
0x249: {  	v1 =	vor.u32 v3, v1;
	_ =	sdelay $0x2  }
0x24a: {  	v3 =	vadd.s32 v62, v46  }
0x24b: {  	[tilespmem:v0+s10+$0x0] =	vst.idx.msk $0xffff, v2;
	v0 =	vor.u32 v59, v34;
	v2 =	vand.u32 $0xFFFFFF80, v3  }
0x24c: {  	v3 =	vand.u32 $0x7F, v3;
	v0 =	vor.u32 v32, v0;
	v2 =	vadd.s32 v48, v2;
	v1 =	vld.idx.msk [tilespmem:v1+s16+$0x0], $0xffff  }
0x24d: {  	v2 =	vor.u32 v3, v2;
	_ =	sdelay $0x2  }
0x24e: {  	v3 =	vadd.s32 v51, v46  }
0x24f: {  	v7 =	vld [tilespmem:$0x1FFF0];
	[tilespmem:v0+s10+$0x0] =	vst.idx.msk $0xffff, v1;
	v0 =	vor.u32 v60, v34;
	v1 =	vand.u32 $0xFFFFFF80, v3  }
0x250: {  	v3 =	vand.u32 $0x7F, v3;
	v0 =	vor.u32 v32, v0;
	v1 =	vadd.s32 v48, v1;
	v2 =	vld.idx.msk [tilespmem:v2+s16+$0x0], $0xffff  }
0x251: {  	v1 =	vor.u32 v3, v1;
	_ =	sdelay $0x2  }
0x252: {  	v3 =	vadd.s32 v57, v46  }
0x253: {  	v6 =	vld [tilespmem:$0x1FFE0];
	[tilespmem:v0+s10+$0x0] =	vst.idx.msk $0xffff, v2;
	v0 =	vor.u32 v7, v34;
	v2 =	vand.u32 $0xFFFFFF80, v3  }
0x254: {  	v3 =	vand.u32 $0x7F, v3;
	v0 =	vor.u32 v32, v0;
	v2 =	vadd.s32 v48, v2;
	v1 =	vld.idx.msk [tilespmem:v1+s16+$0x0], $0xffff  }
0x255: {  	v2 =	vor.u32 v3, v2;
	_ =	sdelay $0x2  }
0x256: {  	v3 =	vadd.s32 v13, v46  }
0x257: {  	v5 =	vld [tilespmem:$0x1FF60];
	[tilespmem:v0+s10+$0x0] =	vst.idx.msk $0xffff, v1;
	v0 =	vor.u32 v6, v34;
	v1 =	vand.u32 $0xFFFFFF80, v3  }
0x258: {  	v3 =	vand.u32 $0x7F, v3;
	v0 =	vor.u32 v32, v0;
	v1 =	vadd.s32 v48, v1;
	v2 =	vld.idx.msk [tilespmem:v2+s16+$0x0], $0xffff  }
0x259: {  	v1 =	vor.u32 v3, v1;
	_ =	sdelay $0x2  }
0x25a: {  	v3 =	vadd.s32 v5, v46  }
0x25b: {  	[tilespmem:v0+s10+$0x0] =	vst.idx.msk $0xffff, v2;
	v0 =	vand.u32 $0xFFFFFF80, v3;
	v2 =	vor.u32 v58, v34  }
0x25c: {  	v3 =	vand.u32 $0x7F, v3;
	v0 =	vadd.s32 v48, v0;
	v2 =	vor.u32 v32, v2;
	v1 =	vld.idx.msk [tilespmem:v1+s16+$0x0], $0xffff  }
0x25d: {  	v0 =	vor.u32 v3, v0;
	_ =	sdelay $0x2  }
0x25e: {  	v3 =	vadd.s32 v17, v46  }
0x25f: {  	[tilespmem:v2+s10+$0x0] =	vst.idx.msk $0xffff, v1;
	v1 =	vor.u32 v61, v34;
	v2 =	vand.u32 $0xFFFFFF80, v3  }
0x260: {  	v3 =	vand.u32 $0x7F, v3;
	v1 =	vor.u32 v32, v1;
	v2 =	vadd.s32 v48, v2;
	v0 =	vld.idx.msk [tilespmem:v0+s16+$0x0], $0xffff  }
0x261: {  	v2 =	vor.u32 v3, v2;
	_ =	sdelay $0x2  }
0x262: {  	v4 =	vld [tilespmem:$0x1FF50];
	v3 =	vadd.s32 v18, v46  }
0x263: {  	v10 =	vld [tilespmem:$0x1FFD0];
	[tilespmem:v1+s10+$0x0] =	vst.idx.msk $0xffff, v0;
	v0 =	vand.u32 $0xFFFFFF80, v3;
	v1 =	vor.u32 v63, v34  }
0x264: {  	v3 =	vand.u32 $0x7F, v3;
	v0 =	vadd.s32 v48, v0;
	v1 =	vor.u32 v32, v1;
	v2 =	vld.idx.msk [tilespmem:v2+s16+$0x0], $0xffff  }
0x265: {  	v0 =	vor.u32 v3, v0;
	_ =	sdelay $0x2  }
0x266: {  	v3 =	vadd.s32 v4, v46  }
0x267: {  	v46 =	vld [tilespmem:$0x1FFC0];
	[tilespmem:v1+s10+$0x0] =	vst.idx.msk $0xffff, v2;
	v1 =	vor.u32 v10, v34;
	v2 =	vand.u32 $0xFFFFFF80, v3  }
0x268: {  	v3 =	vand.u32 $0x7F, v3;
	v2 =	vadd.s32 v48, v2;
	v1 =	vor.u32 v32, v1;
	v0 =	vld.idx.msk [tilespmem:v0+s16+$0x0], $0xffff  }
0x269: {  	v2 =	vor.u32 v3, v2;
	_ =	sdelay $0x3  }
0x26a: {  	[tilespmem:v1+s10+$0x0] =	vst.idx.msk $0xffff, v0;
	v0 =	vor.u32 v46, v34  }
0x26b: {  	v0 =	vor.u32 v32, v0;
	v1 =	vld.idx.msk [tilespmem:v2+s16+$0x0], $0xffff  }
0x26c: {  	s31 =	sadd.s32 s24, s29  }
.Ltmp7:
0x26d: {  	s2 =	sshll.u32 s31, $0x12;
	(pc) =	sbr.rel @p0 .LBB2_11-.Ltmp7, $4  }
0x26e: {  	s2 =	sor.u32 s7, s2  }
0x26f: {  	s2 =	sshrl.u32 s2, $0x3  }
0x270: {  	s2 =	sadd.s32 s1, s2;
	[tilespmem:v0+s10+$0x0] =	vst.idx.msk $0xffff, v1  }
0x271: {  	v0 =	vmov v4;
	[hbm4b:s2+s13] =	stream.strided.scatter [tilespmem:s10], [sflag:$0x4], $0x2000, s19, s13, $0x38;
	[tilespmem:$0xCC00] =	vst v63  }
.Ltmp8:
0x272: {  	(pc) =	sbr.rel .LBB2_5-.Ltmp8, $3  }
0x273: {  	_ =	sdelay $0x1  }
0x274: {  	s2 =	sadd.s32 $0x580, s28;
	s26 =	sadd.s32 $0x1, s26  }
0x275: {  	[tilespmem:s16], [sflag:$0x2] =	stream.indirect.gather [hbm4b:s6+s12], $0x80, s2, s12, $0xb8;
	[tilespmem:$0xCC00] =	vst v63  }
.LBB2_13:
0x276: {  	_ =	sfence.sel $0x180000  }
0x277: {  	[bflag:$0x0] =	sbarrier.arrive $0xFFFF  }
0x278: {  	_ =	strace $0x9000004A  }
0x279: {  	s0 =	stileid.u32;
	[bflag:$0x2] =	sbarrier.arrive $0xFFFF  }
0x27a: {  	p0 =	sne.s32 s0, $0x0;
	s0 =	rddreg [dreg:$0x4]  }
0x27b: {  	s0 =	sadd.s32 @!p0 $0x100000, s0  }
0x27c: {  	[sflag:s0] =	ssyncadd.tile.s32 @!p0 $0x1;
	_ =	shalt  }
.Lfunc_end2:
_tile_overlayer_lowered:
.L_overlay_start_2:
0x27d: {  	(tag) =	ssettag $0x2  }
0x27e: {  	s0 =	rddreg [dreg:$0x0];
	s2 =	stileid.u32  }
0x27f: {  	s1 =	rddreg [dreg:$0x1];
	p0 =	sne.s32 s2, $0x0  }
0x280: {  	s3 =	rddreg [dreg:$0x2];
	[bflag:$0x3] =	sbarrier.arrive $0xFFFF;
	s2 =	simm.s32 @!p0 $0x1C05  }
0x281: {  	[timem:s3], [sflag:s2] =	dma.local @!p0 [hbm:s0], s1  }
0x282: {  	s0 =	simm.s32 @!p0 $0x5  }
0x283: {  	_ =	swait.ge @!p0 [sflag:s0], s1  }
0x284: {  	s1 =	ssub.s32 @!p0 $0x0, s1;
	[sflag:s0] =	ssyncset.done @!p0 $0x0  }
0x285: {  	[sflag:s0] =	ssyncadd.s32 @!p0 s1  }
0x286: {  	[bflag:$0x3] =	sbarrier.arrive $0xFFFF  }
0x287: {  	_ =	shalt  }

</sc_bundles>
